<compile_context>
chip_gen: v7x
topology: tpu7x:2x2x1
jax: 0.10.2.dev20260603
libtpu: 0.0.44.dev20260713+nightly
codegen_flags: <defaults>
</compile_context>

<pallas_src>
import functools

import jax
import jax.numpy as jnp
from jax import lax
from jax.experimental import pallas as pl
from jax.experimental.pallas import tpu as pltpu
from jax.experimental.pallas import tpu_sc as plsc

HEADS = 16
SEQ = 1025
NREL = 3972
ROW_LEN = 1040
NW = 32
UPW = 16
GROUPS = ROW_LEN // 16
IDX_ROWS = 1028


@functools.partial(
    pl.kernel,
    out_type=jax.ShapeDtypeStruct((SEQ, HEADS, SEQ), jnp.float32),
    mesh=plsc.VectorSubcoreMesh(core_axis_name="c", subcore_axis_name="s"),
    compiler_params=pltpu.CompilerParams(needs_layout_passes=False),
    scratch_types=[
        pltpu.VMEM((8 * NREL,), jnp.float32),
        pltpu.VMEM((4 * ROW_LEN,), jnp.int32),
        pltpu.VMEM((4 * ROW_LEN,), jnp.int32),
        pltpu.VMEM((4, 8, SEQ), jnp.float32),
        pltpu.VMEM((4, 8, SEQ), jnp.float32),
        pltpu.SemaphoreType.DMA,
        pltpu.SemaphoreType.DMA,
        pltpu.SemaphoreType.DMA,
        pltpu.SemaphoreType.DMA,
    ],
)
def _rpb_sc(
    table_hbm,
    idx_hbm,
    out_hbm,
    table_v,
    idx0,
    idx1,
    ob0,
    ob1,
    sem_i0,
    sem_i1,
    sem_o0,
    sem_o1,
):
    cid = lax.axis_index("c")
    sid = lax.axis_index("s")
    wid = sid * 2 + cid

    hg = wid % 2
    h0 = pl.multiple_of(hg * 8, 8)
    rq0 = wid // 2
    pltpu.sync_copy(table_hbm.at[pl.ds(hg * (8 * NREL), 8 * NREL)], table_v)

    lane = lax.iota(jnp.int32, 16)
    last_col = jnp.full((16,), SEQ - 1, jnp.int32)
    last_mask = lane < 1

    def idx_src(t):
        rq = rq0 + 16 * t
        return idx_hbm.at[pl.ds(rq * (4 * ROW_LEN), 4 * ROW_LEN)]

    def out_dst(t, nrows=4):
        rq = rq0 + 16 * t
        return out_hbm.at[pl.ds(rq * 4, nrows), pl.ds(h0, 8), :]

    def compute(idx_v, ob, nrows):
        for row in range(nrows):

            @plsc.parallel_loop(0, GROUPS - 1, unroll=8)
            def _g(c):
                iv = idx_v[pl.ds(row * ROW_LEN + c * 16, 16)]
                for h in range(8):
                    ob[row, h, pl.ds(c * 16, 16)] = plsc.load_gather(
                        table_v, [iv + h * NREL]
                    )

            ivl = idx_v[pl.ds(row * ROW_LEN + (SEQ - 1), 16)]
            row_idx = jnp.full((16,), row, jnp.int32)
            for h in range(8):
                vals = plsc.load_gather(table_v, [ivl + h * NREL])
                plsc.store_scatter(
                    ob,
                    [row_idx, jnp.full((16,), h, jnp.int32), last_col],
                    vals,
                    mask=last_mask,
                )

    def body(t, b, idx_b, idx_n, ob_b, sem_i_b, sem_i_n, sem_o_b):
        @pl.when(t + 1 < UPW)
        def _():
            pltpu.async_copy(idx_src(t + 1), idx_n, sem_i_n)

        pltpu.make_async_copy(idx_src(t), idx_b, sem_i_b).wait()

        @pl.when(t >= 2)
        def _():
            pltpu.make_async_copy(ob_b, out_dst(t - 2), sem_o_b).wait()

        compute(idx_b, ob_b, 4)
        pltpu.async_copy(ob_b, out_dst(t), sem_o_b)

    pltpu.async_copy(idx_src(0), idx0, sem_i0)

    def pair(k, carry):
        body(2 * k, 0, idx0, idx1, ob0, sem_i0, sem_i1, sem_o0)
        body(2 * k + 1, 1, idx1, idx0, ob1, sem_i1, sem_i0, sem_o1)
        return carry

    lax.fori_loop(0, UPW // 2, pair, 0, unroll=False)

    pltpu.make_async_copy(ob0, out_dst(UPW - 2), sem_o0).wait()
    pltpu.make_async_copy(ob1, out_dst(UPW - 1), sem_o1).wait()

    @pl.when(wid < 2)
    def _():
        pltpu.sync_copy(
            idx_hbm.at[pl.ds(1024 * ROW_LEN, ROW_LEN)],
            idx0.at[pl.ds(0, ROW_LEN)],
        )
        compute(idx0, ob0, 1)
        pltpu.sync_copy(
            ob0.at[pl.ds(0, 1), :, :],
            out_hbm.at[pl.ds(1024, 1), pl.ds(h0, 8), :],
        )


def kernel(relative_position_bias_table, relative_position_index):
    flat_t = relative_position_bias_table.T.reshape(-1)
    idx_p = (
        jnp.zeros((IDX_ROWS, ROW_LEN), jnp.int32)
        .at[:SEQ, :SEQ]
        .set(relative_position_index)
        .reshape(-1)
    )
    out = _rpb_sc(flat_t, idx_p)
    return jnp.transpose(out, (1, 0, 2))

# --- scband reference (transcript-rebuilt; emitter-appended) ---
"""Pipeline reference for scband-tfdata2-vec-vision-relative-position-bias-11355893530996 (READ-ONLY COPY).

The authoritative reference and input builder live on the scoring server;
editing this copy changes nothing except your own understanding.
"""

import jax, jax.numpy as jnp
import numpy as np

WINDOW = (32, 32)
NUM_HEADS = 16
NUM_REL_DIST = (2 * WINDOW[0] - 1) * (2 * WINDOW[1] - 1) + 3


def get_position_index(window_size):
    ws0, ws1 = window_size
    # TF meshgrid default indexing 'xy'
    xx, yy = np.meshgrid(np.arange(ws0), np.arange(ws1))
    coords = np.stack([yy, xx], axis=0)
    coords_flatten = coords.reshape(2, -1)
    relative_coords = coords_flatten[:, :, None] - coords_flatten[:, None, :]
    relative_coords = relative_coords.transpose(1, 2, 0)
    xx2 = (relative_coords[:, :, 0] + ws0 - 1) * (2 * ws1 - 1)
    yy2 = relative_coords[:, :, 1] + ws1 - 1
    rel = np.stack([xx2, yy2], axis=-1)
    rpi = rel.sum(-1)
    num_rel = (2 * ws0 - 1) * (2 * ws1 - 1) + 3
    top = np.ones((1, rpi.shape[1]), dtype=rpi.dtype) * (num_rel - 3)
    left = np.ones((rpi.shape[0], 1), dtype=rpi.dtype) * (num_rel - 2)
    corner = np.ones((1, 1), dtype=rpi.dtype) * (num_rel - 1)
    left_corner = np.concatenate([corner, left], axis=0)
    rpi = np.concatenate([top, rpi], axis=0)
    rpi = np.concatenate([left_corner, rpi], axis=1)
    return rpi.astype(np.int32)


def setup_inputs(seed: int = 0) -> dict:
    key = jax.random.key(seed)
    table = jax.random.normal(key, (NUM_REL_DIST, NUM_HEADS), dtype=jnp.float32) * 0.02
    index = jnp.asarray(get_position_index(WINDOW))
    return {"relative_position_bias_table": table, "relative_position_index": index}


def reference(relative_position_bias_table, relative_position_index):
    # gather: [seq, seq] indices into [num_rel_dist, heads] table -> [seq, seq, heads]
    relative_position_bias = jnp.take(relative_position_bias_table, relative_position_index, axis=0)
    return jnp.transpose(relative_position_bias, (2, 0, 1))

if __name__ == "__main__":
    import jax
    _d = setup_inputs()
    print(jax.jit(kernel)(*tuple(_d.values())))

</pallas_src>

<mosaic_0001>
#map = affine_map<(d0, d1) -> (0)>
#map1 = affine_map<(d0, d1) -> (0, 0, 0)>
module attributes {stable_mosaic.version = 14 : i64} {
  func.func @_rpb_sc(%arg0: i32, %arg1: i32, %arg2: memref<63552xf32, #tpu.memory_space<hbm>>, %arg3: memref<1069120xi32, #tpu.memory_space<hbm>>, %arg4: memref<1025x16x1025xf32, #tpu.memory_space<hbm>>, %arg5: memref<31776xf32, #tpu.memory_space<vmem>>, %arg6: memref<4160xi32, #tpu.memory_space<vmem>>, %arg7: memref<4160xi32, #tpu.memory_space<vmem>>, %arg8: memref<4x8x1025xf32, #tpu.memory_space<vmem>>, %arg9: memref<4x8x1025xf32, #tpu.memory_space<vmem>>, %arg10: memref<!tpu.dma_semaphore, #tpu.memory_space<semaphore_mem>>, %arg11: memref<!tpu.dma_semaphore, #tpu.memory_space<semaphore_mem>>, %arg12: memref<!tpu.dma_semaphore, #tpu.memory_space<semaphore_mem>>, %arg13: memref<!tpu.dma_semaphore, #tpu.memory_space<semaphore_mem>>) attributes {dimension_semantics = [#tpu.dimension_semantics<core_parallel>, #tpu.dimension_semantics<subcore_parallel>], iteration_bounds = array<i64: 2, 16>, scalar_prefetch = 0 : i64, scratch_operands = 9 : i64, tpu.core_type = #tpu.core_type<sc_vector_subcore>, window_params = [{transform_indices = #map}, {transform_indices = #map}, {transform_indices = #map1}]} {
    %mul3A = arith.constant 2 : i32
    %mul3A_0 = arith.muli %arg1, %mul3A : i32
    %add3A = arith.addi %mul3A_0, %arg0 : i32
    %jit3A = arith.constant 2 : i32
    %eq3A = arith.constant 0 : i32
    %eq3A_1 = arith.cmpi eq, %jit3A, %eq3A : i32
    %jit3A_2 = arith.constant 1 : i32
    %select_n3A = arith.select %eq3A_1, %jit3A_2, %jit3A : i32
    %rem3A = arith.remsi %add3A, %select_n3A : i32
    %ne3A = arith.constant 0 : i32
    %ne3A_3 = arith.cmpi ne, %rem3A, %ne3A : i32
    %lt3A = arith.constant 0 : i32
    %lt3A_4 = arith.cmpi slt, %rem3A, %lt3A : i32
    %lt3A_5 = arith.constant 0 : i32
    %lt3A_6 = arith.cmpi slt, %select_n3A, %lt3A_5 : i32
    %ne3A_7 = arith.xori %lt3A_4, %lt3A_6 : i1
    %and3A = arith.andi %ne3A_7, %ne3A_3 : i1
    %add3A_8 = arith.addi %rem3A, %select_n3A : i32
    %select_n3A_9 = arith.select %and3A, %add3A_8, %rem3A : i32
    %mul3A_10 = arith.constant 8 : i32
    %mul3A_11 = arith.muli %select_n3A_9, %mul3A_10 : i32
    %multiple_of3A = tpu.assume_multiple %mul3A_11, 8 : i32
    %jit3A_12 = arith.constant 2 : i32
    %div3A = arith.divsi %add3A, %jit3A_12 : i32
    %sign3A = arith.constant 0 : i32
    %sign3A_13 = arith.cmpi sgt, %add3A, %sign3A : i32
    %sign3A_14 = arith.extui %sign3A_13 : i1 to i32
    %sign3A_15 = arith.constant 0 : i32
    %sign3A_16 = arith.cmpi slt, %add3A, %sign3A_15 : i32
    %sign3A_17 = arith.extui %sign3A_16 : i1 to i32
    %sign3A_18 = arith.subi %sign3A_14, %sign3A_17 : i32
    %sign3A_19 = arith.constant 0 : i32
    %sign3A_20 = arith.cmpi sgt, %jit3A_12, %sign3A_19 : i32
    %sign3A_21 = arith.extui %sign3A_20 : i1 to i32
    %sign3A_22 = arith.constant 0 : i32
    %sign3A_23 = arith.cmpi slt, %jit3A_12, %sign3A_22 : i32
    %sign3A_24 = arith.extui %sign3A_23 : i1 to i32
    %sign3A_25 = arith.subi %sign3A_21, %sign3A_24 : i32
    %ne3A_26 = arith.cmpi ne, %sign3A_18, %sign3A_25 : i32
    %rem3A_27 = arith.remsi %add3A, %jit3A_12 : i32
    %ne3A_28 = arith.constant 0 : i32
    %ne3A_29 = arith.cmpi ne, %rem3A_27, %ne3A_28 : i32
    %and3A_30 = arith.andi %ne3A_26, %ne3A_29 : i1
    %sub3A = arith.constant 1 : i32
    %sub3A_31 = arith.subi %div3A, %sub3A : i32
    %select_n3A_32 = arith.select %and3A_30, %sub3A_31, %div3A : i32
    %mul3A_33 = arith.constant 31776 : i32
    %mul3A_34 = arith.muli %select_n3A_9, %mul3A_33 : i32
    "tpu.region"() ({
      %run_scoped3A = tpu.sem_alloc : memref<!tpu.dma_semaphore, #tpu.memory_space<semaphore_mem>>
      %dma_start3A_67 = tpu.memref_slice %arg2[%mul3A_34] : memref<63552xf32, #tpu.memory_space<hbm>> -> memref<31776xf32, #tpu.memory_space<hbm>>
      %dma_start3A_68 = tpu.memref_slice %arg2[%mul3A_34] : memref<63552xf32, #tpu.memory_space<hbm>> -> memref<31776xf32, #tpu.memory_space<hbm>>
      tpu.enqueue_dma source(%dma_start3A_68 : memref<31776xf32, #tpu.memory_space<hbm>>) target(%arg5 : memref<31776xf32, #tpu.memory_space<vmem>>) target_semaphore(%run_scoped3A : memref<!tpu.dma_semaphore, #tpu.memory_space<semaphore_mem>>)
      %dma_wait3A_69 = tpu.memref_slice %arg2[%mul3A_34] : memref<63552xf32, #tpu.memory_space<hbm>> -> memref<31776xf32, #tpu.memory_space<hbm>>
      %dma_wait3A_70 = tpu.memref_slice %arg2[%mul3A_34] : memref<63552xf32, #tpu.memory_space<hbm>> -> memref<31776xf32, #tpu.memory_space<hbm>>
      tpu.wait_dma2 semaphore(%run_scoped3A : memref<!tpu.dma_semaphore, #tpu.memory_space<semaphore_mem>>) src(%dma_wait3A_70 : memref<31776xf32, #tpu.memory_space<hbm>>) dst(%arg5 : memref<31776xf32, #tpu.memory_space<vmem>>)
      tpu.yield
    }) : () -> ()
    %iota3A = tpu.iota {dimensions = array<i32: 0>} : vector<16xi32>
    %broadcast_in_dim3A = arith.constant 1024 : i32
    %broadcast_in_dim3A_35 = vector.broadcast %broadcast_in_dim3A : i32 to vector<16xi32>
    %lt3A_36 = arith.constant 1 : i32
    %lt3A_37 = vector.broadcast %lt3A_36 : i32 to vector<16xi32>
    %lt3A_38 = arith.cmpi slt, %iota3A, %lt3A_37 : vector<16xi32>
    %add3A_39 = arith.constant 0 : i32
    %add3A_40 = arith.addi %select_n3A_32, %add3A_39 : i32
    %mul3A_41 = arith.constant 4160 : i32
    %mul3A_42 = arith.muli %add3A_40, %mul3A_41 : i32
    %dma_start3A = tpu.memref_slice %arg3[%mul3A_42] : memref<1069120xi32, #tpu.memory_space<hbm>> -> memref<4160xi32, #tpu.memory_space<hbm>>
    %dma_start3A_43 = tpu.memref_slice %arg3[%mul3A_42] : memref<1069120xi32, #tpu.memory_space<hbm>> -> memref<4160xi32, #tpu.memory_space<hbm>>
    tpu.enqueue_dma source(%dma_start3A_43 : memref<4160xi32, #tpu.memory_space<hbm>>) target(%arg6 : memref<4160xi32, #tpu.memory_space<vmem>>) target_semaphore(%arg10 : memref<!tpu.dma_semaphore, #tpu.memory_space<semaphore_mem>>)
    %scan3A = arith.constant 0 : i32
    %scan3A_44 = arith.constant 0 : i32
    %scan3A_45 = arith.constant 8 : i32
    %scan3A_46 = arith.addi %scan3A_44, %scan3A_45 : i32
    %scan3A_47 = arith.constant 1 : i32
    scf.for %scan3A_67 = %scan3A_44 to %scan3A_46 step %scan3A_47  : i32 {
      %mul3A_68 = arith.constant 2 : i32
      %mul3A_69 = arith.muli %mul3A_68, %scan3A_67 : i32
      %add3A_70 = arith.constant 1 : i32
      %add3A_71 = arith.addi %mul3A_69, %add3A_70 : i32
      %lt3A_72 = arith.constant 16 : i32
      %lt3A_73 = arith.cmpi slt, %add3A_71, %lt3A_72 : i32
      %convert_element_type3A_74 = arith.extui %lt3A_73 : i1 to i32
      %cond3A_75 = arith.constant 0 : i32
      %cond3A_76 = arith.cmpi ne, %convert_element_type3A_74, %cond3A_75 : i32
      scf.if %cond3A_76 {
        %add3A_566 = arith.constant 1 : i32
        %add3A_567 = arith.addi %mul3A_69, %add3A_566 : i32
        %mul3A_568 = arith.constant 16 : i32
        %mul3A_569 = arith.muli %mul3A_568, %add3A_567 : i32
        %add3A_570 = arith.addi %select_n3A_32, %mul3A_569 : i32
        %mul3A_571 = arith.constant 4160 : i32
        %mul3A_572 = arith.muli %add3A_570, %mul3A_571 : i32
        %dma_start3A_573 = tpu.memref_slice %arg3[%mul3A_572] : memref<1069120xi32, #tpu.memory_space<hbm>> -> memref<4160xi32, #tpu.memory_space<hbm>>
        %dma_start3A_574 = tpu.memref_slice %arg3[%mul3A_572] : memref<1069120xi32, #tpu.memory_space<hbm>> -> memref<4160xi32, #tpu.memory_space<hbm>>
        tpu.enqueue_dma source(%dma_start3A_574 : memref<4160xi32, #tpu.memory_space<hbm>>) target(%arg7 : memref<4160xi32, #tpu.memory_space<vmem>>) target_semaphore(%arg11 : memref<!tpu.dma_semaphore, #tpu.memory_space<semaphore_mem>>)
      } else {
      }
      %mul3A_77 = arith.constant 16 : i32
      %mul3A_78 = arith.muli %mul3A_77, %mul3A_69 : i32
      %add3A_79 = arith.addi %select_n3A_32, %mul3A_78 : i32
      %mul3A_80 = arith.constant 4160 : i32
      %mul3A_81 = arith.muli %add3A_79, %mul3A_80 : i32
      %dma_wait3A_82 = tpu.memref_slice %arg3[%mul3A_81] : memref<1069120xi32, #tpu.memory_space<hbm>> -> memref<4160xi32, #tpu.memory_space<hbm>>
      %dma_wait3A_83 = tpu.memref_slice %arg3[%mul3A_81] : memref<1069120xi32, #tpu.memory_space<hbm>> -> memref<4160xi32, #tpu.memory_space<hbm>>
      tpu.wait_dma2 semaphore(%arg10 : memref<!tpu.dma_semaphore, #tpu.memory_space<semaphore_mem>>) src(%dma_wait3A_83 : memref<4160xi32, #tpu.memory_space<hbm>>) dst(%arg6 : memref<4160xi32, #tpu.memory_space<vmem>>)
      %ge3A = arith.constant 2 : i32
      %ge3A_84 = arith.cmpi sge, %mul3A_69, %ge3A : i32
      %convert_element_type3A_85 = arith.extui %ge3A_84 : i1 to i32
      %cond3A_86 = arith.constant 0 : i32
      %cond3A_87 = arith.cmpi ne, %convert_element_type3A_85, %cond3A_86 : i32
      scf.if %cond3A_87 {
        %sub3A_566 = arith.constant 2 : i32
        %sub3A_567 = arith.subi %mul3A_69, %sub3A_566 : i32
        %mul3A_568 = arith.constant 16 : i32
        %mul3A_569 = arith.muli %mul3A_568, %sub3A_567 : i32
        %add3A_570 = arith.addi %select_n3A_32, %mul3A_569 : i32
        %mul3A_571 = arith.constant 4 : i32
        %mul3A_572 = arith.muli %add3A_570, %mul3A_571 : i32
        %dma_wait3A_573 = arith.constant 0 : i32
        %dma_wait3A_574 = tpu.memref_slice %arg4[%mul3A_572, %multiple_of3A, %dma_wait3A_573] : memref<1025x16x1025xf32, #tpu.memory_space<hbm>> -> memref<4x8x1025xf32, #tpu.memory_space<hbm>>
        %dma_wait3A_575 = arith.constant 0 : i32
        %dma_wait3A_576 = tpu.memref_slice %arg4[%mul3A_572, %multiple_of3A, %dma_wait3A_575] : memref<1025x16x1025xf32, #tpu.memory_space<hbm>> -> memref<4x8x1025xf32, #tpu.memory_space<hbm>>
        tpu.wait_dma2 semaphore(%arg12 : memref<!tpu.dma_semaphore, #tpu.memory_space<semaphore_mem>>) src(%arg8 : memref<4x8x1025xf32, #tpu.memory_space<vmem>>) dst(%dma_wait3A_576 : memref<4x8x1025xf32, #tpu.memory_space<hbm>>)
      } else {
      }
      %parallel_loop3A = arith.constant 0 : i32
      %parallel_loop3A_88 = arith.constant 64 : i32
      %parallel_loop3A_89 = arith.constant 1 : i32
      scf.for %parallel_loop3A_566 = %parallel_loop3A to %parallel_loop3A_88 step %parallel_loop3A_89  : i32 {
        %parallel_loop3A_567 = arith.constant 16 : i32
        %parallel_loop3A_568 = arith.muli %parallel_loop3A_566, %parallel_loop3A_567 : i32
        %parallel_loop3A_569 = arith.constant 0 : i32
        %parallel_loop3A_570 = arith.addi %parallel_loop3A_569, %parallel_loop3A_568 : i32
        %parallel_loop3A_571 = arith.index_cast %parallel_loop3A_570 : i32 to index
        %parallel_loop3A_572 = tpu.vector_load %arg6[%parallel_loop3A_571] {strides = array<i32>} : memref<4160xi32, #tpu.memory_space<vmem>>, vector<16xi32>,
        %parallel_loop3A_573 = arith.constant 0 : i32
        %parallel_loop3A_574 = vector.broadcast %parallel_loop3A_573 : i32 to vector<16xi32>
        %parallel_loop3A_575 = arith.addi %parallel_loop3A_572, %parallel_loop3A_574 : vector<16xi32>
        %parallel_loop3A_576 = tpu.vector_load_idx %arg5[%parallel_loop3A_575] : memref<31776xf32, #tpu.memory_space<vmem>>[vector<16xi32>], vector<16xf32>,
        %parallel_loop3A_577 = arith.constant 16 : i32
        %parallel_loop3A_578 = arith.muli %parallel_loop3A_566, %parallel_loop3A_577 : i32
        %parallel_loop3A_579 = arith.constant 0 : i32
        %parallel_loop3A_580 = arith.constant 0 : i32
        %parallel_loop3A_581 = arith.index_cast %parallel_loop3A_579 : i32 to index
        %parallel_loop3A_582 = arith.index_cast %parallel_loop3A_580 : i32 to index
        %parallel_loop3A_583 = arith.index_cast %parallel_loop3A_578 : i32 to index
        %parallel_loop3A_584 = tpu.vector_load %arg8[%parallel_loop3A_581, %parallel_loop3A_582, %parallel_loop3A_583] {strides = array<i32>} : memref<4x8x1025xf32, #tpu.memory_space<vmem>>, vector<16xf32>,
        tpu.vector_store %arg8[%parallel_loop3A_581, %parallel_loop3A_582, %parallel_loop3A_583], %parallel_loop3A_576 {strides = array<i32>} : memref<4x8x1025xf32, #tpu.memory_space<vmem>>, vector<16xf32>,
        %parallel_loop3A_585 = arith.constant 3972 : i32
        %parallel_loop3A_586 = vector.broadcast %parallel_loop3A_585 : i32 to vector<16xi32>
        %parallel_loop3A_587 = arith.addi %parallel_loop3A_572, %parallel_loop3A_586 : vector<16xi32>
        %parallel_loop3A_588 = tpu.vector_load_idx %arg5[%parallel_loop3A_587] : memref<31776xf32, #tpu.memory_space<vmem>>[vector<16xi32>], vector<16xf32>,
        %parallel_loop3A_589 = arith.constant 16 : i32
        %parallel_loop3A_590 = arith.muli %parallel_loop3A_566, %parallel_loop3A_589 : i32
        %parallel_loop3A_591 = arith.constant 0 : i32
        %parallel_loop3A_592 = arith.constant 1 : i32
        %parallel_loop3A_593 = arith.index_cast %parallel_loop3A_591 : i32 to index
        %parallel_loop3A_594 = arith.index_cast %parallel_loop3A_592 : i32 to index
        %parallel_loop3A_595 = arith.index_cast %parallel_loop3A_590 : i32 to index
        %parallel_loop3A_596 = tpu.vector_load %arg8[%parallel_loop3A_593, %parallel_loop3A_594, %parallel_loop3A_595] {strides = array<i32>} : memref<4x8x1025xf32, #tpu.memory_space<vmem>>, vector<16xf32>,
        tpu.vector_store %arg8[%parallel_loop3A_593, %parallel_loop3A_594, %parallel_loop3A_595], %parallel_loop3A_588 {strides = array<i32>} : memref<4x8x1025xf32, #tpu.memory_space<vmem>>, vector<16xf32>,
        %parallel_loop3A_597 = arith.constant 7944 : i32
        %parallel_loop3A_598 = vector.broadcast %parallel_loop3A_597 : i32 to vector<16xi32>
        %parallel_loop3A_599 = arith.addi %parallel_loop3A_572, %parallel_loop3A_598 : vector<16xi32>
        %parallel_loop3A_600 = tpu.vector_load_idx %arg5[%parallel_loop3A_599] : memref<31776xf32, #tpu.memory_space<vmem>>[vector<16xi32>], vector<16xf32>,
        %parallel_loop3A_601 = arith.constant 16 : i32
        %parallel_loop3A_602 = arith.muli %parallel_loop3A_566, %parallel_loop3A_601 : i32
        %parallel_loop3A_603 = arith.constant 0 : i32
        %parallel_loop3A_604 = arith.constant 2 : i32
        %parallel_loop3A_605 = arith.index_cast %parallel_loop3A_603 : i32 to index
        %parallel_loop3A_606 = arith.index_cast %parallel_loop3A_604 : i32 to index
        %parallel_loop3A_607 = arith.index_cast %parallel_loop3A_602 : i32 to index
        %parallel_loop3A_608 = tpu.vector_load %arg8[%parallel_loop3A_605, %parallel_loop3A_606, %parallel_loop3A_607] {strides = array<i32>} : memref<4x8x1025xf32, #tpu.memory_space<vmem>>, vector<16xf32>,
        tpu.vector_store %arg8[%parallel_loop3A_605, %parallel_loop3A_606, %parallel_loop3A_607], %parallel_loop3A_600 {strides = array<i32>} : memref<4x8x1025xf32, #tpu.memory_space<vmem>>, vector<16xf32>,
        %parallel_loop3A_609 = arith.constant 11916 : i32
        %parallel_loop3A_610 = vector.broadcast %parallel_loop3A_609 : i32 to vector<16xi32>
        %parallel_loop3A_611 = arith.addi %parallel_loop3A_572, %parallel_loop3A_610 : vector<16xi32>
        %parallel_loop3A_612 = tpu.vector_load_idx %arg5[%parallel_loop3A_611] : memref<31776xf32, #tpu.memory_space<vmem>>[vector<16xi32>], vector<16xf32>,
        %parallel_loop3A_613 = arith.constant 16 : i32
        %parallel_loop3A_614 = arith.muli %parallel_loop3A_566, %parallel_loop3A_613 : i32
        %parallel_loop3A_615 = arith.constant 0 : i32
        %parallel_loop3A_616 = arith.constant 3 : i32
        %parallel_loop3A_617 = arith.index_cast %parallel_loop3A_615 : i32 to index
        %parallel_loop3A_618 = arith.index_cast %parallel_loop3A_616 : i32 to index
        %parallel_loop3A_619 = arith.index_cast %parallel_loop3A_614 : i32 to index
        %parallel_loop3A_620 = tpu.vector_load %arg8[%parallel_loop3A_617, %parallel_loop3A_618, %parallel_loop3A_619] {strides = array<i32>} : memref<4x8x1025xf32, #tpu.memory_space<vmem>>, vector<16xf32>,
        tpu.vector_store %arg8[%parallel_loop3A_617, %parallel_loop3A_618, %parallel_loop3A_619], %parallel_loop3A_612 {strides = array<i32>} : memref<4x8x1025xf32, #tpu.memory_space<vmem>>, vector<16xf32>,
        %parallel_loop3A_621 = arith.constant 15888 : i32
        %parallel_loop3A_622 = vector.broadcast %parallel_loop3A_621 : i32 to vector<16xi32>
        %parallel_loop3A_623 = arith.addi %parallel_loop3A_572, %parallel_loop3A_622 : vector<16xi32>
        %parallel_loop3A_624 = tpu.vector_load_idx %arg5[%parallel_loop3A_623] : memref<31776xf32, #tpu.memory_space<vmem>>[vector<16xi32>], vector<16xf32>,
        %parallel_loop3A_625 = arith.constant 16 : i32
        %parallel_loop3A_626 = arith.muli %parallel_loop3A_566, %parallel_loop3A_625 : i32
        %parallel_loop3A_627 = arith.constant 0 : i32
        %parallel_loop3A_628 = arith.constant 4 : i32
        %parallel_loop3A_629 = arith.index_cast %parallel_loop3A_627 : i32 to index
        %parallel_loop3A_630 = arith.index_cast %parallel_loop3A_628 : i32 to index
        %parallel_loop3A_631 = arith.index_cast %parallel_loop3A_626 : i32 to index
        %parallel_loop3A_632 = tpu.vector_load %arg8[%parallel_loop3A_629, %parallel_loop3A_630, %parallel_loop3A_631] {strides = array<i32>} : memref<4x8x1025xf32, #tpu.memory_space<vmem>>, vector<16xf32>,
        tpu.vector_store %arg8[%parallel_loop3A_629, %parallel_loop3A_630, %parallel_loop3A_631], %parallel_loop3A_624 {strides = array<i32>} : memref<4x8x1025xf32, #tpu.memory_space<vmem>>, vector<16xf32>,
        %parallel_loop3A_633 = arith.constant 19860 : i32
        %parallel_loop3A_634 = vector.broadcast %parallel_loop3A_633 : i32 to vector<16xi32>
        %parallel_loop3A_635 = arith.addi %parallel_loop3A_572, %parallel_loop3A_634 : vector<16xi32>
        %parallel_loop3A_636 = tpu.vector_load_idx %arg5[%parallel_loop3A_635] : memref<31776xf32, #tpu.memory_space<vmem>>[vector<16xi32>], vector<16xf32>,
        %parallel_loop3A_637 = arith.constant 16 : i32
        %parallel_loop3A_638 = arith.muli %parallel_loop3A_566, %parallel_loop3A_637 : i32
        %parallel_loop3A_639 = arith.constant 0 : i32
        %parallel_loop3A_640 = arith.constant 5 : i32
        %parallel_loop3A_641 = arith.index_cast %parallel_loop3A_639 : i32 to index
        %parallel_loop3A_642 = arith.index_cast %parallel_loop3A_640 : i32 to index
        %parallel_loop3A_643 = arith.index_cast %parallel_loop3A_638 : i32 to index
        %parallel_loop3A_644 = tpu.vector_load %arg8[%parallel_loop3A_641, %parallel_loop3A_642, %parallel_loop3A_643] {strides = array<i32>} : memref<4x8x1025xf32, #tpu.memory_space<vmem>>, vector<16xf32>,
        tpu.vector_store %arg8[%parallel_loop3A_641, %parallel_loop3A_642, %parallel_loop3A_643], %parallel_loop3A_636 {strides = array<i32>} : memref<4x8x1025xf32, #tpu.memory_space<vmem>>, vector<16xf32>,
        %parallel_loop3A_645 = arith.constant 23832 : i32
        %parallel_loop3A_646 = vector.broadcast %parallel_loop3A_645 : i32 to vector<16xi32>
        %parallel_loop3A_647 = arith.addi %parallel_loop3A_572, %parallel_loop3A_646 : vector<16xi32>
        %parallel_loop3A_648 = tpu.vector_load_idx %arg5[%parallel_loop3A_647] : memref<31776xf32, #tpu.memory_space<vmem>>[vector<16xi32>], vector<16xf32>,
        %parallel_loop3A_649 = arith.constant 16 : i32
        %parallel_loop3A_650 = arith.muli %parallel_loop3A_566, %parallel_loop3A_649 : i32
        %parallel_loop3A_651 = arith.constant 0 : i32
        %parallel_loop3A_652 = arith.constant 6 : i32
        %parallel_loop3A_653 = arith.index_cast %parallel_loop3A_651 : i32 to index
        %parallel_loop3A_654 = arith.index_cast %parallel_loop3A_652 : i32 to index
        %parallel_loop3A_655 = arith.index_cast %parallel_loop3A_650 : i32 to index
        %parallel_loop3A_656 = tpu.vector_load %arg8[%parallel_loop3A_653, %parallel_loop3A_654, %parallel_loop3A_655] {strides = array<i32>} : memref<4x8x1025xf32, #tpu.memory_space<vmem>>, vector<16xf32>,
        tpu.vector_store %arg8[%parallel_loop3A_653, %parallel_loop3A_654, %parallel_loop3A_655], %parallel_loop3A_648 {strides = array<i32>} : memref<4x8x1025xf32, #tpu.memory_space<vmem>>, vector<16xf32>,
        %parallel_loop3A_657 = arith.constant 27804 : i32
        %parallel_loop3A_658 = vector.broadcast %parallel_loop3A_657 : i32 to vector<16xi32>
        %parallel_loop3A_659 = arith.addi %parallel_loop3A_572, %parallel_loop3A_658 : vector<16xi32>
        %parallel_loop3A_660 = tpu.vector_load_idx %arg5[%parallel_loop3A_659] : memref<31776xf32, #tpu.memory_space<vmem>>[vector<16xi32>], vector<16xf32>,
        %parallel_loop3A_661 = arith.constant 16 : i32
        %parallel_loop3A_662 = arith.muli %parallel_loop3A_566, %parallel_loop3A_661 : i32
        %parallel_loop3A_663 = arith.constant 0 : i32
        %parallel_loop3A_664 = arith.constant 7 : i32
        %parallel_loop3A_665 = arith.index_cast %parallel_loop3A_663 : i32 to index
        %parallel_loop3A_666 = arith.index_cast %parallel_loop3A_664 : i32 to index
        %parallel_loop3A_667 = arith.index_cast %parallel_loop3A_662 : i32 to index
        %parallel_loop3A_668 = tpu.vector_load %arg8[%parallel_loop3A_665, %parallel_loop3A_666, %parallel_loop3A_667] {strides = array<i32>} : memref<4x8x1025xf32, #tpu.memory_space<vmem>>, vector<16xf32>,
        tpu.vector_store %arg8[%parallel_loop3A_665, %parallel_loop3A_666, %parallel_loop3A_667], %parallel_loop3A_660 {strides = array<i32>} : memref<4x8x1025xf32, #tpu.memory_space<vmem>>, vector<16xf32>,
      } {sc.loop_unroll_factor = 8 : i64, sc.parallel_access}
      %get3A = arith.constant 1024 : index
      %get3A_90 = tpu.vector_load %arg6[%get3A] {strides = array<i32>} : memref<4160xi32, #tpu.memory_space<vmem>>, vector<16xi32>,
      %broadcast_in_dim3A_91 = arith.constant 0 : i32
      %broadcast_in_dim3A_92 = vector.broadcast %broadcast_in_dim3A_91 : i32 to vector<16xi32>
      %add3A_93 = arith.constant 0 : i32
      %add3A_94 = vector.broadcast %add3A_93 : i32 to vector<16xi32>
      %add3A_95 = arith.addi %get3A_90, %add3A_94 : vector<16xi32>
      %gather3A = tpu.vector_load_idx %arg5[%add3A_95] : memref<31776xf32, #tpu.memory_space<vmem>>[vector<16xi32>], vector<16xf32>,
      %broadcast_in_dim3A_96 = arith.constant 0 : i32
      %broadcast_in_dim3A_97 = vector.broadcast %broadcast_in_dim3A_96 : i32 to vector<16xi32>
      tpu.vector_store_idx %arg8[%broadcast_in_dim3A_92, %broadcast_in_dim3A_97, %broadcast_in_dim3A_35], %gather3A masked %lt3A_38 : memref<4x8x1025xf32, #tpu.memory_space<vmem>>[vector<16xi32>, vector<16xi32>, vector<16xi32>], vector<16xf32>, vector<16xi1>
      %add3A_98 = arith.constant 3972 : i32
      %add3A_99 = vector.broadcast %add3A_98 : i32 to vector<16xi32>
      %add3A_100 = arith.addi %get3A_90, %add3A_99 : vector<16xi32>
      %gather3A_101 = tpu.vector_load_idx %arg5[%add3A_100] : memref<31776xf32, #tpu.memory_space<vmem>>[vector<16xi32>], vector<16xf32>,
      %broadcast_in_dim3A_102 = arith.constant 1 : i32
      %broadcast_in_dim3A_103 = vector.broadcast %broadcast_in_dim3A_102 : i32 to vector<16xi32>
      tpu.vector_store_idx %arg8[%broadcast_in_dim3A_92, %broadcast_in_dim3A_103, %broadcast_in_dim3A_35], %gather3A_101 masked %lt3A_38 : memref<4x8x1025xf32, #tpu.memory_space<vmem>>[vector<16xi32>, vector<16xi32>, vector<16xi32>], vector<16xf32>, vector<16xi1>
      %add3A_104 = arith.constant 7944 : i32
      %add3A_105 = vector.broadcast %add3A_104 : i32 to vector<16xi32>
      %add3A_106 = arith.addi %get3A_90, %add3A_105 : vector<16xi32>
      %gather3A_107 = tpu.vector_load_idx %arg5[%add3A_106] : memref<31776xf32, #tpu.memory_space<vmem>>[vector<16xi32>], vector<16xf32>,
      %broadcast_in_dim3A_108 = arith.constant 2 : i32
      %broadcast_in_dim3A_109 = vector.broadcast %broadcast_in_dim3A_108 : i32 to vector<16xi32>
      tpu.vector_store_idx %arg8[%broadcast_in_dim3A_92, %broadcast_in_dim3A_109, %broadcast_in_dim3A_35], %gather3A_107 masked %lt3A_38 : memref<4x8x1025xf32, #tpu.memory_space<vmem>>[vector<16xi32>, vector<16xi32>, vector<16xi32>], vector<16xf32>, vector<16xi1>
      %add3A_110 = arith.constant 11916 : i32
      %add3A_111 = vector.broadcast %add3A_110 : i32 to vector<16xi32>
      %add3A_112 = arith.addi %get3A_90, %add3A_111 : vector<16xi32>
      %gather3A_113 = tpu.vector_load_idx %arg5[%add3A_112] : memref<31776xf32, #tpu.memory_space<vmem>>[vector<16xi32>], vector<16xf32>,
      %broadcast_in_dim3A_114 = arith.constant 3 : i32
      %broadcast_in_dim3A_115 = vector.broadcast %broadcast_in_dim3A_114 : i32 to vector<16xi32>
      tpu.vector_store_idx %arg8[%broadcast_in_dim3A_92, %broadcast_in_dim3A_115, %broadcast_in_dim3A_35], %gather3A_113 masked %lt3A_38 : memref<4x8x1025xf32, #tpu.memory_space<vmem>>[vector<16xi32>, vector<16xi32>, vector<16xi32>], vector<16xf32>, vector<16xi1>
      %add3A_116 = arith.constant 15888 : i32
      %add3A_117 = vector.broadcast %add3A_116 : i32 to vector<16xi32>
      %add3A_118 = arith.addi %get3A_90, %add3A_117 : vector<16xi32>
      %gather3A_119 = tpu.vector_load_idx %arg5[%add3A_118] : memref<31776xf32, #tpu.memory_space<vmem>>[vector<16xi32>], vector<16xf32>,
      %broadcast_in_dim3A_120 = arith.constant 4 : i32
      %broadcast_in_dim3A_121 = vector.broadcast %broadcast_in_dim3A_120 : i32 to vector<16xi32>
      tpu.vector_store_idx %arg8[%broadcast_in_dim3A_92, %broadcast_in_dim3A_121, %broadcast_in_dim3A_35], %gather3A_119 masked %lt3A_38 : memref<4x8x1025xf32, #tpu.memory_space<vmem>>[vector<16xi32>, vector<16xi32>, vector<16xi32>], vector<16xf32>, vector<16xi1>
      %add3A_122 = arith.constant 19860 : i32
      %add3A_123 = vector.broadcast %add3A_122 : i32 to vector<16xi32>
      %add3A_124 = arith.addi %get3A_90, %add3A_123 : vector<16xi32>
      %gather3A_125 = tpu.vector_load_idx %arg5[%add3A_124] : memref<31776xf32, #tpu.memory_space<vmem>>[vector<16xi32>], vector<16xf32>,
      %broadcast_in_dim3A_126 = arith.constant 5 : i32
      %broadcast_in_dim3A_127 = vector.broadcast %broadcast_in_dim3A_126 : i32 to vector<16xi32>
      tpu.vector_store_idx %arg8[%broadcast_in_dim3A_92, %broadcast_in_dim3A_127, %broadcast_in_dim3A_35], %gather3A_125 masked %lt3A_38 : memref<4x8x1025xf32, #tpu.memory_space<vmem>>[vector<16xi32>, vector<16xi32>, vector<16xi32>], vector<16xf32>, vector<16xi1>
      %add3A_128 = arith.constant 23832 : i32
      %add3A_129 = vector.broadcast %add3A_128 : i32 to vector<16xi32>
      %add3A_130 = arith.addi %get3A_90, %add3A_129 : vector<16xi32>
      %gather3A_131 = tpu.vector_load_idx %arg5[%add3A_130] : memref<31776xf32, #tpu.memory_space<vmem>>[vector<16xi32>], vector<16xf32>,
      %broadcast_in_dim3A_132 = arith.constant 6 : i32
      %broadcast_in_dim3A_133 = vector.broadcast %broadcast_in_dim3A_132 : i32 to vector<16xi32>
      tpu.vector_store_idx %arg8[%broadcast_in_dim3A_92, %broadcast_in_dim3A_133, %broadcast_in_dim3A_35], %gather3A_131 masked %lt3A_38 : memref<4x8x1025xf32, #tpu.memory_space<vmem>>[vector<16xi32>, vector<16xi32>, vector<16xi32>], vector<16xf32>, vector<16xi1>
      %add3A_134 = arith.constant 27804 : i32
      %add3A_135 = vector.broadcast %add3A_134 : i32 to vector<16xi32>
      %add3A_136 = arith.addi %get3A_90, %add3A_135 : vector<16xi32>
      %gather3A_137 = tpu.vector_load_idx %arg5[%add3A_136] : memref<31776xf32, #tpu.memory_space<vmem>>[vector<16xi32>], vector<16xf32>,
      %broadcast_in_dim3A_138 = arith.constant 7 : i32
      %broadcast_in_dim3A_139 = vector.broadcast %broadcast_in_dim3A_138 : i32 to vector<16xi32>
      tpu.vector_store_idx %arg8[%broadcast_in_dim3A_92, %broadcast_in_dim3A_139, %broadcast_in_dim3A_35], %gather3A_137 masked %lt3A_38 : memref<4x8x1025xf32, #tpu.memory_space<vmem>>[vector<16xi32>, vector<16xi32>, vector<16xi32>], vector<16xf32>, vector<16xi1>
      %parallel_loop3A_140 = arith.constant 0 : i32
      %parallel_loop3A_141 = arith.constant 64 : i32
      %parallel_loop3A_142 = arith.constant 1 : i32
      scf.for %parallel_loop3A_566 = %parallel_loop3A_140 to %parallel_loop3A_141 step %parallel_loop3A_142  : i32 {
        %parallel_loop3A_567 = arith.constant 16 : i32
        %parallel_loop3A_568 = arith.muli %parallel_loop3A_566, %parallel_loop3A_567 : i32
        %parallel_loop3A_569 = arith.constant 1040 : i32
        %parallel_loop3A_570 = arith.addi %parallel_loop3A_569, %parallel_loop3A_568 : i32
        %parallel_loop3A_571 = arith.index_cast %parallel_loop3A_570 : i32 to index
        %parallel_loop3A_572 = tpu.vector_load %arg6[%parallel_loop3A_571] {strides = array<i32>} : memref<4160xi32, #tpu.memory_space<vmem>>, vector<16xi32>,
        %parallel_loop3A_573 = arith.constant 0 : i32
        %parallel_loop3A_574 = vector.broadcast %parallel_loop3A_573 : i32 to vector<16xi32>
        %parallel_loop3A_575 = arith.addi %parallel_loop3A_572, %parallel_loop3A_574 : vector<16xi32>
        %parallel_loop3A_576 = tpu.vector_load_idx %arg5[%parallel_loop3A_575] : memref<31776xf32, #tpu.memory_space<vmem>>[vector<16xi32>], vector<16xf32>,
        %parallel_loop3A_577 = arith.constant 16 : i32
        %parallel_loop3A_578 = arith.muli %parallel_loop3A_566, %parallel_loop3A_577 : i32
        %parallel_loop3A_579 = arith.constant 1 : i32
        %parallel_loop3A_580 = arith.constant 0 : i32
        %parallel_loop3A_581 = arith.index_cast %parallel_loop3A_579 : i32 to index
        %parallel_loop3A_582 = arith.index_cast %parallel_loop3A_580 : i32 to index
        %parallel_loop3A_583 = arith.index_cast %parallel_loop3A_578 : i32 to index
        %parallel_loop3A_584 = tpu.vector_load %arg8[%parallel_loop3A_581, %parallel_loop3A_582, %parallel_loop3A_583] {strides = array<i32>} : memref<4x8x1025xf32, #tpu.memory_space<vmem>>, vector<16xf32>,
        tpu.vector_store %arg8[%parallel_loop3A_581, %parallel_loop3A_582, %parallel_loop3A_583], %parallel_loop3A_576 {strides = array<i32>} : memref<4x8x1025xf32, #tpu.memory_space<vmem>>, vector<16xf32>,
        %parallel_loop3A_585 = arith.constant 3972 : i32
        %parallel_loop3A_586 = vector.broadcast %parallel_loop3A_585 : i32 to vector<16xi32>
        %parallel_loop3A_587 = arith.addi %parallel_loop3A_572, %parallel_loop3A_586 : vector<16xi32>
        %parallel_loop3A_588 = tpu.vector_load_idx %arg5[%parallel_loop3A_587] : memref<31776xf32, #tpu.memory_space<vmem>>[vector<16xi32>], vector<16xf32>,
        %parallel_loop3A_589 = arith.constant 16 : i32
        %parallel_loop3A_590 = arith.muli %parallel_loop3A_566, %parallel_loop3A_589 : i32
        %parallel_loop3A_591 = arith.constant 1 : i32
        %parallel_loop3A_592 = arith.constant 1 : i32
        %parallel_loop3A_593 = arith.index_cast %parallel_loop3A_591 : i32 to index
        %parallel_loop3A_594 = arith.index_cast %parallel_loop3A_592 : i32 to index
        %parallel_loop3A_595 = arith.index_cast %parallel_loop3A_590 : i32 to index
        %parallel_loop3A_596 = tpu.vector_load %arg8[%parallel_loop3A_593, %parallel_loop3A_594, %parallel_loop3A_595] {strides = array<i32>} : memref<4x8x1025xf32, #tpu.memory_space<vmem>>, vector<16xf32>,
        tpu.vector_store %arg8[%parallel_loop3A_593, %parallel_loop3A_594, %parallel_loop3A_595], %parallel_loop3A_588 {strides = array<i32>} : memref<4x8x1025xf32, #tpu.memory_space<vmem>>, vector<16xf32>,
        %parallel_loop3A_597 = arith.constant 7944 : i32
        %parallel_loop3A_598 = vector.broadcast %parallel_loop3A_597 : i32 to vector<16xi32>
        %parallel_loop3A_599 = arith.addi %parallel_loop3A_572, %parallel_loop3A_598 : vector<16xi32>
        %parallel_loop3A_600 = tpu.vector_load_idx %arg5[%parallel_loop3A_599] : memref<31776xf32, #tpu.memory_space<vmem>>[vector<16xi32>], vector<16xf32>,
        %parallel_loop3A_601 = arith.constant 16 : i32
        %parallel_loop3A_602 = arith.muli %parallel_loop3A_566, %parallel_loop3A_601 : i32
        %parallel_loop3A_603 = arith.constant 1 : i32
        %parallel_loop3A_604 = arith.constant 2 : i32
        %parallel_loop3A_605 = arith.index_cast %parallel_loop3A_603 : i32 to index
        %parallel_loop3A_606 = arith.index_cast %parallel_loop3A_604 : i32 to index
        %parallel_loop3A_607 = arith.index_cast %parallel_loop3A_602 : i32 to index
        %parallel_loop3A_608 = tpu.vector_load %arg8[%parallel_loop3A_605, %parallel_loop3A_606, %parallel_loop3A_607] {strides = array<i32>} : memref<4x8x1025xf32, #tpu.memory_space<vmem>>, vector<16xf32>,
        tpu.vector_store %arg8[%parallel_loop3A_605, %parallel_loop3A_606, %parallel_loop3A_607], %parallel_loop3A_600 {strides = array<i32>} : memref<4x8x1025xf32, #tpu.memory_space<vmem>>, vector<16xf32>,
        %parallel_loop3A_609 = arith.constant 11916 : i32
        %parallel_loop3A_610 = vector.broadcast %parallel_loop3A_609 : i32 to vector<16xi32>
        %parallel_loop3A_611 = arith.addi %parallel_loop3A_572, %parallel_loop3A_610 : vector<16xi32>
        %parallel_loop3A_612 = tpu.vector_load_idx %arg5[%parallel_loop3A_611] : memref<31776xf32, #tpu.memory_space<vmem>>[vector<16xi32>], vector<16xf32>,
        %parallel_loop3A_613 = arith.constant 16 : i32
        %parallel_loop3A_614 = arith.muli %parallel_loop3A_566, %parallel_loop3A_613 : i32
        %parallel_loop3A_615 = arith.constant 1 : i32
        %parallel_loop3A_616 = arith.constant 3 : i32
        %parallel_loop3A_617 = arith.index_cast %parallel_loop3A_615 : i32 to index
        %parallel_loop3A_618 = arith.index_cast %parallel_loop3A_616 : i32 to index
        %parallel_loop3A_619 = arith.index_cast %parallel_loop3A_614 : i32 to index
        %parallel_loop3A_620 = tpu.vector_load %arg8[%parallel_loop3A_617, %parallel_loop3A_618, %parallel_loop3A_619] {strides = array<i32>} : memref<4x8x1025xf32, #tpu.memory_space<vmem>>, vector<16xf32>,
        tpu.vector_store %arg8[%parallel_loop3A_617, %parallel_loop3A_618, %parallel_loop3A_619], %parallel_loop3A_612 {strides = array<i32>} : memref<4x8x1025xf32, #tpu.memory_space<vmem>>, vector<16xf32>,
        %parallel_loop3A_621 = arith.constant 15888 : i32
        %parallel_loop3A_622 = vector.broadcast %parallel_loop3A_621 : i32 to vector<16xi32>
        %parallel_loop3A_623 = arith.addi %parallel_loop3A_572, %parallel_loop3A_622 : vector<16xi32>
        %parallel_loop3A_624 = tpu.vector_load_idx %arg5[%parallel_loop3A_623] : memref<31776xf32, #tpu.memory_space<vmem>>[vector<16xi32>], vector<16xf32>,
        %parallel_loop3A_625 = arith.constant 16 : i32
        %parallel_loop3A_626 = arith.muli %parallel_loop3A_566, %parallel_loop3A_625 : i32
        %parallel_loop3A_627 = arith.constant 1 : i32
        %parallel_loop3A_628 = arith.constant 4 : i32
        %parallel_loop3A_629 = arith.index_cast %parallel_loop3A_627 : i32 to index
        %parallel_loop3A_630 = arith.index_cast %parallel_loop3A_628 : i32 to index
        %parallel_loop3A_631 = arith.index_cast %parallel_loop3A_626 : i32 to index
        %parallel_loop3A_632 = tpu.vector_load %arg8[%parallel_loop3A_629, %parallel_loop3A_630, %parallel_loop3A_631] {strides = array<i32>} : memref<4x8x1025xf32, #tpu.memory_space<vmem>>, vector<16xf32>,
        tpu.vector_store %arg8[%parallel_loop3A_629, %parallel_loop3A_630, %parallel_loop3A_631], %parallel_loop3A_624 {strides = array<i32>} : memref<4x8x1025xf32, #tpu.memory_space<vmem>>, vector<16xf32>,
        %parallel_loop3A_633 = arith.constant 19860 : i32
        %parallel_loop3A_634 = vector.broadcast %parallel_loop3A_633 : i32 to vector<16xi32>
        %parallel_loop3A_635 = arith.addi %parallel_loop3A_572, %parallel_loop3A_634 : vector<16xi32>
        %parallel_loop3A_636 = tpu.vector_load_idx %arg5[%parallel_loop3A_635] : memref<31776xf32, #tpu.memory_space<vmem>>[vector<16xi32>], vector<16xf32>,
        %parallel_loop3A_637 = arith.constant 16 : i32
        %parallel_loop3A_638 = arith.muli %parallel_loop3A_566, %parallel_loop3A_637 : i32
        %parallel_loop3A_639 = arith.constant 1 : i32
        %parallel_loop3A_640 = arith.constant 5 : i32
        %parallel_loop3A_641 = arith.index_cast %parallel_loop3A_639 : i32 to index
        %parallel_loop3A_642 = arith.index_cast %parallel_loop3A_640 : i32 to index
        %parallel_loop3A_643 = arith.index_cast %parallel_loop3A_638 : i32 to index
        %parallel_loop3A_644 = tpu.vector_load %arg8[%parallel_loop3A_641, %parallel_loop3A_642, %parallel_loop3A_643] {strides = array<i32>} : memref<4x8x1025xf32, #tpu.memory_space<vmem>>, vector<16xf32>,
        tpu.vector_store %arg8[%parallel_loop3A_641, %parallel_loop3A_642, %parallel_loop3A_643], %parallel_loop3A_636 {strides = array<i32>} : memref<4x8x1025xf32, #tpu.memory_space<vmem>>, vector<16xf32>,
        %parallel_loop3A_645 = arith.constant 23832 : i32
        %parallel_loop3A_646 = vector.broadcast %parallel_loop3A_645 : i32 to vector<16xi32>
        %parallel_loop3A_647 = arith.addi %parallel_loop3A_572, %parallel_loop3A_646 : vector<16xi32>
        %parallel_loop3A_648 = tpu.vector_load_idx %arg5[%parallel_loop3A_647] : memref<31776xf32, #tpu.memory_space<vmem>>[vector<16xi32>], vector<16xf32>,
        %parallel_loop3A_649 = arith.constant 16 : i32
        %parallel_loop3A_650 = arith.muli %parallel_loop3A_566, %parallel_loop3A_649 : i32
        %parallel_loop3A_651 = arith.constant 1 : i32
        %parallel_loop3A_652 = arith.constant 6 : i32
        %parallel_loop3A_653 = arith.index_cast %parallel_loop3A_651 : i32 to index
        %parallel_loop3A_654 = arith.index_cast %parallel_loop3A_652 : i32 to index
        %parallel_loop3A_655 = arith.index_cast %parallel_loop3A_650 : i32 to index
        %parallel_loop3A_656 = tpu.vector_load %arg8[%parallel_loop3A_653, %parallel_loop3A_654, %parallel_loop3A_655] {strides = array<i32>} : memref<4x8x1025xf32, #tpu.memory_space<vmem>>, vector<16xf32>,
        tpu.vector_store %arg8[%parallel_loop3A_653, %parallel_loop3A_654, %parallel_loop3A_655], %parallel_loop3A_648 {strides = array<i32>} : memref<4x8x1025xf32, #tpu.memory_space<vmem>>, vector<16xf32>,
        %parallel_loop3A_657 = arith.constant 27804 : i32
        %parallel_loop3A_658 = vector.broadcast %parallel_loop3A_657 : i32 to vector<16xi32>
        %parallel_loop3A_659 = arith.addi %parallel_loop3A_572, %parallel_loop3A_658 : vector<16xi32>
        %parallel_loop3A_660 = tpu.vector_load_idx %arg5[%parallel_loop3A_659] : memref<31776xf32, #tpu.memory_space<vmem>>[vector<16xi32>], vector<16xf32>,
        %parallel_loop3A_661 = arith.constant 16 : i32
        %parallel_loop3A_662 = arith.muli %parallel_loop3A_566, %parallel_loop3A_661 : i32
        %parallel_loop3A_663 = arith.constant 1 : i32
        %parallel_loop3A_664 = arith.constant 7 : i32
        %parallel_loop3A_665 = arith.index_cast %parallel_loop3A_663 : i32 to index
        %parallel_loop3A_666 = arith.index_cast %parallel_loop3A_664 : i32 to index
        %parallel_loop3A_667 = arith.index_cast %parallel_loop3A_662 : i32 to index
        %parallel_loop3A_668 = tpu.vector_load %arg8[%parallel_loop3A_665, %parallel_loop3A_666, %parallel_loop3A_667] {strides = array<i32>} : memref<4x8x1025xf32, #tpu.memory_space<vmem>>, vector<16xf32>,
        tpu.vector_store %arg8[%parallel_loop3A_665, %parallel_loop3A_666, %parallel_loop3A_667], %parallel_loop3A_660 {strides = array<i32>} : memref<4x8x1025xf32, #tpu.memory_space<vmem>>, vector<16xf32>,
      } {sc.loop_unroll_factor = 8 : i64, sc.parallel_access}
      %get3A_143 = arith.constant 2064 : index
      %get3A_144 = tpu.vector_load %arg6[%get3A_143] {strides = array<i32>} : memref<4160xi32, #tpu.memory_space<vmem>>, vector<16xi32>,
      %broadcast_in_dim3A_145 = arith.constant 1 : i32
      %broadcast_in_dim3A_146 = vector.broadcast %broadcast_in_dim3A_145 : i32 to vector<16xi32>
      %add3A_147 = arith.constant 0 : i32
      %add3A_148 = vector.broadcast %add3A_147 : i32 to vector<16xi32>
      %add3A_149 = arith.addi %get3A_144, %add3A_148 : vector<16xi32>
      %gather3A_150 = tpu.vector_load_idx %arg5[%add3A_149] : memref<31776xf32, #tpu.memory_space<vmem>>[vector<16xi32>], vector<16xf32>,
      %broadcast_in_dim3A_151 = arith.constant 0 : i32
      %broadcast_in_dim3A_152 = vector.broadcast %broadcast_in_dim3A_151 : i32 to vector<16xi32>
      tpu.vector_store_idx %arg8[%broadcast_in_dim3A_146, %broadcast_in_dim3A_152, %broadcast_in_dim3A_35], %gather3A_150 masked %lt3A_38 : memref<4x8x1025xf32, #tpu.memory_space<vmem>>[vector<16xi32>, vector<16xi32>, vector<16xi32>], vector<16xf32>, vector<16xi1>
      %add3A_153 = arith.constant 3972 : i32
      %add3A_154 = vector.broadcast %add3A_153 : i32 to vector<16xi32>
      %add3A_155 = arith.addi %get3A_144, %add3A_154 : vector<16xi32>
      %gather3A_156 = tpu.vector_load_idx %arg5[%add3A_155] : memref<31776xf32, #tpu.memory_space<vmem>>[vector<16xi32>], vector<16xf32>,
      %broadcast_in_dim3A_157 = arith.constant 1 : i32
      %broadcast_in_dim3A_158 = vector.broadcast %broadcast_in_dim3A_157 : i32 to vector<16xi32>
      tpu.vector_store_idx %arg8[%broadcast_in_dim3A_146, %broadcast_in_dim3A_158, %broadcast_in_dim3A_35], %gather3A_156 masked %lt3A_38 : memref<4x8x1025xf32, #tpu.memory_space<vmem>>[vector<16xi32>, vector<16xi32>, vector<16xi32>], vector<16xf32>, vector<16xi1>
      %add3A_159 = arith.constant 7944 : i32
      %add3A_160 = vector.broadcast %add3A_159 : i32 to vector<16xi32>
      %add3A_161 = arith.addi %get3A_144, %add3A_160 : vector<16xi32>
      %gather3A_162 = tpu.vector_load_idx %arg5[%add3A_161] : memref<31776xf32, #tpu.memory_space<vmem>>[vector<16xi32>], vector<16xf32>,
      %broadcast_in_dim3A_163 = arith.constant 2 : i32
      %broadcast_in_dim3A_164 = vector.broadcast %broadcast_in_dim3A_163 : i32 to vector<16xi32>
      tpu.vector_store_idx %arg8[%broadcast_in_dim3A_146, %broadcast_in_dim3A_164, %broadcast_in_dim3A_35], %gather3A_162 masked %lt3A_38 : memref<4x8x1025xf32, #tpu.memory_space<vmem>>[vector<16xi32>, vector<16xi32>, vector<16xi32>], vector<16xf32>, vector<16xi1>
      %add3A_165 = arith.constant 11916 : i32
      %add3A_166 = vector.broadcast %add3A_165 : i32 to vector<16xi32>
      %add3A_167 = arith.addi %get3A_144, %add3A_166 : vector<16xi32>
      %gather3A_168 = tpu.vector_load_idx %arg5[%add3A_167] : memref<31776xf32, #tpu.memory_space<vmem>>[vector<16xi32>], vector<16xf32>,
      %broadcast_in_dim3A_169 = arith.constant 3 : i32
      %broadcast_in_dim3A_170 = vector.broadcast %broadcast_in_dim3A_169 : i32 to vector<16xi32>
      tpu.vector_store_idx %arg8[%broadcast_in_dim3A_146, %broadcast_in_dim3A_170, %broadcast_in_dim3A_35], %gather3A_168 masked %lt3A_38 : memref<4x8x1025xf32, #tpu.memory_space<vmem>>[vector<16xi32>, vector<16xi32>, vector<16xi32>], vector<16xf32>, vector<16xi1>
      %add3A_171 = arith.constant 15888 : i32
      %add3A_172 = vector.broadcast %add3A_171 : i32 to vector<16xi32>
      %add3A_173 = arith.addi %get3A_144, %add3A_172 : vector<16xi32>
      %gather3A_174 = tpu.vector_load_idx %arg5[%add3A_173] : memref<31776xf32, #tpu.memory_space<vmem>>[vector<16xi32>], vector<16xf32>,
      %broadcast_in_dim3A_175 = arith.constant 4 : i32
      %broadcast_in_dim3A_176 = vector.broadcast %broadcast_in_dim3A_175 : i32 to vector<16xi32>
      tpu.vector_store_idx %arg8[%broadcast_in_dim3A_146, %broadcast_in_dim3A_176, %broadcast_in_dim3A_35], %gather3A_174 masked %lt3A_38 : memref<4x8x1025xf32, #tpu.memory_space<vmem>>[vector<16xi32>, vector<16xi32>, vector<16xi32>], vector<16xf32>, vector<16xi1>
      %add3A_177 = arith.constant 19860 : i32
      %add3A_178 = vector.broadcast %add3A_177 : i32 to vector<16xi32>
      %add3A_179 = arith.addi %get3A_144, %add3A_178 : vector<16xi32>
      %gather3A_180 = tpu.vector_load_idx %arg5[%add3A_179] : memref<31776xf32, #tpu.memory_space<vmem>>[vector<16xi32>], vector<16xf32>,
      %broadcast_in_dim3A_181 = arith.constant 5 : i32
      %broadcast_in_dim3A_182 = vector.broadcast %broadcast_in_dim3A_181 : i32 to vector<16xi32>
      tpu.vector_store_idx %arg8[%broadcast_in_dim3A_146, %broadcast_in_dim3A_182, %broadcast_in_dim3A_35], %gather3A_180 masked %lt3A_38 : memref<4x8x1025xf32, #tpu.memory_space<vmem>>[vector<16xi32>, vector<16xi32>, vector<16xi32>], vector<16xf32>, vector<16xi1>
      %add3A_183 = arith.constant 23832 : i32
      %add3A_184 = vector.broadcast %add3A_183 : i32 to vector<16xi32>
      %add3A_185 = arith.addi %get3A_144, %add3A_184 : vector<16xi32>
      %gather3A_186 = tpu.vector_load_idx %arg5[%add3A_185] : memref<31776xf32, #tpu.memory_space<vmem>>[vector<16xi32>], vector<16xf32>,
      %broadcast_in_dim3A_187 = arith.constant 6 : i32
      %broadcast_in_dim3A_188 = vector.broadcast %broadcast_in_dim3A_187 : i32 to vector<16xi32>
      tpu.vector_store_idx %arg8[%broadcast_in_dim3A_146, %broadcast_in_dim3A_188, %broadcast_in_dim3A_35], %gather3A_186 masked %lt3A_38 : memref<4x8x1025xf32, #tpu.memory_space<vmem>>[vector<16xi32>, vector<16xi32>, vector<16xi32>], vector<16xf32>, vector<16xi1>
      %add3A_189 = arith.constant 27804 : i32
      %add3A_190 = vector.broadcast %add3A_189 : i32 to vector<16xi32>
      %add3A_191 = arith.addi %get3A_144, %add3A_190 : vector<16xi32>
      %gather3A_192 = tpu.vector_load_idx %arg5[%add3A_191] : memref<31776xf32, #tpu.memory_space<vmem>>[vector<16xi32>], vector<16xf32>,
      %broadcast_in_dim3A_193 = arith.constant 7 : i32
      %broadcast_in_dim3A_194 = vector.broadcast %broadcast_in_dim3A_193 : i32 to vector<16xi32>
      tpu.vector_store_idx %arg8[%broadcast_in_dim3A_146, %broadcast_in_dim3A_194, %broadcast_in_dim3A_35], %gather3A_192 masked %lt3A_38 : memref<4x8x1025xf32, #tpu.memory_space<vmem>>[vector<16xi32>, vector<16xi32>, vector<16xi32>], vector<16xf32>, vector<16xi1>
      %parallel_loop3A_195 = arith.constant 0 : i32
      %parallel_loop3A_196 = arith.constant 64 : i32
      %parallel_loop3A_197 = arith.constant 1 : i32
      scf.for %parallel_loop3A_566 = %parallel_loop3A_195 to %parallel_loop3A_196 step %parallel_loop3A_197  : i32 {
        %parallel_loop3A_567 = arith.constant 16 : i32
        %parallel_loop3A_568 = arith.muli %parallel_loop3A_566, %parallel_loop3A_567 : i32
        %parallel_loop3A_569 = arith.constant 2080 : i32
        %parallel_loop3A_570 = arith.addi %parallel_loop3A_569, %parallel_loop3A_568 : i32
        %parallel_loop3A_571 = arith.index_cast %parallel_loop3A_570 : i32 to index
        %parallel_loop3A_572 = tpu.vector_load %arg6[%parallel_loop3A_571] {strides = array<i32>} : memref<4160xi32, #tpu.memory_space<vmem>>, vector<16xi32>,
        %parallel_loop3A_573 = arith.constant 0 : i32
        %parallel_loop3A_574 = vector.broadcast %parallel_loop3A_573 : i32 to vector<16xi32>
        %parallel_loop3A_575 = arith.addi %parallel_loop3A_572, %parallel_loop3A_574 : vector<16xi32>
        %parallel_loop3A_576 = tpu.vector_load_idx %arg5[%parallel_loop3A_575] : memref<31776xf32, #tpu.memory_space<vmem>>[vector<16xi32>], vector<16xf32>,
        %parallel_loop3A_577 = arith.constant 16 : i32
        %parallel_loop3A_578 = arith.muli %parallel_loop3A_566, %parallel_loop3A_577 : i32
        %parallel_loop3A_579 = arith.constant 2 : i32
        %parallel_loop3A_580 = arith.constant 0 : i32
        %parallel_loop3A_581 = arith.index_cast %parallel_loop3A_579 : i32 to index
        %parallel_loop3A_582 = arith.index_cast %parallel_loop3A_580 : i32 to index
        %parallel_loop3A_583 = arith.index_cast %parallel_loop3A_578 : i32 to index
        %parallel_loop3A_584 = tpu.vector_load %arg8[%parallel_loop3A_581, %parallel_loop3A_582, %parallel_loop3A_583] {strides = array<i32>} : memref<4x8x1025xf32, #tpu.memory_space<vmem>>, vector<16xf32>,
        tpu.vector_store %arg8[%parallel_loop3A_581, %parallel_loop3A_582, %parallel_loop3A_583], %parallel_loop3A_576 {strides = array<i32>} : memref<4x8x1025xf32, #tpu.memory_space<vmem>>, vector<16xf32>,
        %parallel_loop3A_585 = arith.constant 3972 : i32
        %parallel_loop3A_586 = vector.broadcast %parallel_loop3A_585 : i32 to vector<16xi32>
        %parallel_loop3A_587 = arith.addi %parallel_loop3A_572, %parallel_loop3A_586 : vector<16xi32>
        %parallel_loop3A_588 = tpu.vector_load_idx %arg5[%parallel_loop3A_587] : memref<31776xf32, #tpu.memory_space<vmem>>[vector<16xi32>], vector<16xf32>,
        %parallel_loop3A_589 = arith.constant 16 : i32
        %parallel_loop3A_590 = arith.muli %parallel_loop3A_566, %parallel_loop3A_589 : i32
        %parallel_loop3A_591 = arith.constant 2 : i32
        %parallel_loop3A_592 = arith.constant 1 : i32
        %parallel_loop3A_593 = arith.index_cast %parallel_loop3A_591 : i32 to index
        %parallel_loop3A_594 = arith.index_cast %parallel_loop3A_592 : i32 to index
        %parallel_loop3A_595 = arith.index_cast %parallel_loop3A_590 : i32 to index
        %parallel_loop3A_596 = tpu.vector_load %arg8[%parallel_loop3A_593, %parallel_loop3A_594, %parallel_loop3A_595] {strides = array<i32>} : memref<4x8x1025xf32, #tpu.memory_space<vmem>>, vector<16xf32>,
        tpu.vector_store %arg8[%parallel_loop3A_593, %parallel_loop3A_594, %parallel_loop3A_595], %parallel_loop3A_588 {strides = array<i32>} : memref<4x8x1025xf32, #tpu.memory_space<vmem>>, vector<16xf32>,
        %parallel_loop3A_597 = arith.constant 7944 : i32
        %parallel_loop3A_598 = vector.broadcast %parallel_loop3A_597 : i32 to vector<16xi32>
        %parallel_loop3A_599 = arith.addi %parallel_loop3A_572, %parallel_loop3A_598 : vector<16xi32>
        %parallel_loop3A_600 = tpu.vector_load_idx %arg5[%parallel_loop3A_599] : memref<31776xf32, #tpu.memory_space<vmem>>[vector<16xi32>], vector<16xf32>,
        %parallel_loop3A_601 = arith.constant 16 : i32
        %parallel_loop3A_602 = arith.muli %parallel_loop3A_566, %parallel_loop3A_601 : i32
        %parallel_loop3A_603 = arith.constant 2 : i32
        %parallel_loop3A_604 = arith.constant 2 : i32
        %parallel_loop3A_605 = arith.index_cast %parallel_loop3A_603 : i32 to index
        %parallel_loop3A_606 = arith.index_cast %parallel_loop3A_604 : i32 to index
        %parallel_loop3A_607 = arith.index_cast %parallel_loop3A_602 : i32 to index
        %parallel_loop3A_608 = tpu.vector_load %arg8[%parallel_loop3A_605, %parallel_loop3A_606, %parallel_loop3A_607] {strides = array<i32>} : memref<4x8x1025xf32, #tpu.memory_space<vmem>>, vector<16xf32>,
        tpu.vector_store %arg8[%parallel_loop3A_605, %parallel_loop3A_606, %parallel_loop3A_607], %parallel_loop3A_600 {strides = array<i32>} : memref<4x8x1025xf32, #tpu.memory_space<vmem>>, vector<16xf32>,
        %parallel_loop3A_609 = arith.constant 11916 : i32
        %parallel_loop3A_610 = vector.broadcast %parallel_loop3A_609 : i32 to vector<16xi32>
        %parallel_loop3A_611 = arith.addi %parallel_loop3A_572, %parallel_loop3A_610 : vector<16xi32>
        %parallel_loop3A_612 = tpu.vector_load_idx %arg5[%parallel_loop3A_611] : memref<31776xf32, #tpu.memory_space<vmem>>[vector<16xi32>], vector<16xf32>,
        %parallel_loop3A_613 = arith.constant 16 : i32
        %parallel_loop3A_614 = arith.muli %parallel_loop3A_566, %parallel_loop3A_613 : i32
        %parallel_loop3A_615 = arith.constant 2 : i32
        %parallel_loop3A_616 = arith.constant 3 : i32
        %parallel_loop3A_617 = arith.index_cast %parallel_loop3A_615 : i32 to index
        %parallel_loop3A_618 = arith.index_cast %parallel_loop3A_616 : i32 to index
        %parallel_loop3A_619 = arith.index_cast %parallel_loop3A_614 : i32 to index
        %parallel_loop3A_620 = tpu.vector_load %arg8[%parallel_loop3A_617, %parallel_loop3A_618, %parallel_loop3A_619] {strides = array<i32>} : memref<4x8x1025xf32, #tpu.memory_space<vmem>>, vector<16xf32>,
        tpu.vector_store %arg8[%parallel_loop3A_617, %parallel_loop3A_618, %parallel_loop3A_619], %parallel_loop3A_612 {strides = array<i32>} : memref<4x8x1025xf32, #tpu.memory_space<vmem>>, vector<16xf32>,
        %parallel_loop3A_621 = arith.constant 15888 : i32
        %parallel_loop3A_622 = vector.broadcast %parallel_loop3A_621 : i32 to vector<16xi32>
        %parallel_loop3A_623 = arith.addi %parallel_loop3A_572, %parallel_loop3A_622 : vector<16xi32>
        %parallel_loop3A_624 = tpu.vector_load_idx %arg5[%parallel_loop3A_623] : memref<31776xf32, #tpu.memory_space<vmem>>[vector<16xi32>], vector<16xf32>,
        %parallel_loop3A_625 = arith.constant 16 : i32
        %parallel_loop3A_626 = arith.muli %parallel_loop3A_566, %parallel_loop3A_625 : i32
        %parallel_loop3A_627 = arith.constant 2 : i32
        %parallel_loop3A_628 = arith.constant 4 : i32
        %parallel_loop3A_629 = arith.index_cast %parallel_loop3A_627 : i32 to index
        %parallel_loop3A_630 = arith.index_cast %parallel_loop3A_628 : i32 to index
        %parallel_loop3A_631 = arith.index_cast %parallel_loop3A_626 : i32 to index
        %parallel_loop3A_632 = tpu.vector_load %arg8[%parallel_loop3A_629, %parallel_loop3A_630, %parallel_loop3A_631] {strides = array<i32>} : memref<4x8x1025xf32, #tpu.memory_space<vmem>>, vector<16xf32>,
        tpu.vector_store %arg8[%parallel_loop3A_629, %parallel_loop3A_630, %parallel_loop3A_631], %parallel_loop3A_624 {strides = array<i32>} : memref<4x8x1025xf32, #tpu.memory_space<vmem>>, vector<16xf32>,
        %parallel_loop3A_633 = arith.constant 19860 : i32
        %parallel_loop3A_634 = vector.broadcast %parallel_loop3A_633 : i32 to vector<16xi32>
        %parallel_loop3A_635 = arith.addi %parallel_loop3A_572, %parallel_loop3A_634 : vector<16xi32>
        %parallel_loop3A_636 = tpu.vector_load_idx %arg5[%parallel_loop3A_635] : memref<31776xf32, #tpu.memory_space<vmem>>[vector<16xi32>], vector<16xf32>,
        %parallel_loop3A_637 = arith.constant 16 : i32
        %parallel_loop3A_638 = arith.muli %parallel_loop3A_566, %parallel_loop3A_637 : i32
        %parallel_loop3A_639 = arith.constant 2 : i32
        %parallel_loop3A_640 = arith.constant 5 : i32
        %parallel_loop3A_641 = arith.index_cast %parallel_loop3A_639 : i32 to index
        %parallel_loop3A_642 = arith.index_cast %parallel_loop3A_640 : i32 to index
        %parallel_loop3A_643 = arith.index_cast %parallel_loop3A_638 : i32 to index
        %parallel_loop3A_644 = tpu.vector_load %arg8[%parallel_loop3A_641, %parallel_loop3A_642, %parallel_loop3A_643] {strides = array<i32>} : memref<4x8x1025xf32, #tpu.memory_space<vmem>>, vector<16xf32>,
        tpu.vector_store %arg8[%parallel_loop3A_641, %parallel_loop3A_642, %parallel_loop3A_643], %parallel_loop3A_636 {strides = array<i32>} : memref<4x8x1025xf32, #tpu.memory_space<vmem>>, vector<16xf32>,
        %parallel_loop3A_645 = arith.constant 23832 : i32
        %parallel_loop3A_646 = vector.broadcast %parallel_loop3A_645 : i32 to vector<16xi32>
        %parallel_loop3A_647 = arith.addi %parallel_loop3A_572, %parallel_loop3A_646 : vector<16xi32>
        %parallel_loop3A_648 = tpu.vector_load_idx %arg5[%parallel_loop3A_647] : memref<31776xf32, #tpu.memory_space<vmem>>[vector<16xi32>], vector<16xf32>,
        %parallel_loop3A_649 = arith.constant 16 : i32
        %parallel_loop3A_650 = arith.muli %parallel_loop3A_566, %parallel_loop3A_649 : i32
        %parallel_loop3A_651 = arith.constant 2 : i32
        %parallel_loop3A_652 = arith.constant 6 : i32
        %parallel_loop3A_653 = arith.index_cast %parallel_loop3A_651 : i32 to index
        %parallel_loop3A_654 = arith.index_cast %parallel_loop3A_652 : i32 to index
        %parallel_loop3A_655 = arith.index_cast %parallel_loop3A_650 : i32 to index
        %parallel_loop3A_656 = tpu.vector_load %arg8[%parallel_loop3A_653, %parallel_loop3A_654, %parallel_loop3A_655] {strides = array<i32>} : memref<4x8x1025xf32, #tpu.memory_space<vmem>>, vector<16xf32>,
        tpu.vector_store %arg8[%parallel_loop3A_653, %parallel_loop3A_654, %parallel_loop3A_655], %parallel_loop3A_648 {strides = array<i32>} : memref<4x8x1025xf32, #tpu.memory_space<vmem>>, vector<16xf32>,
        %parallel_loop3A_657 = arith.constant 27804 : i32
        %parallel_loop3A_658 = vector.broadcast %parallel_loop3A_657 : i32 to vector<16xi32>
        %parallel_loop3A_659 = arith.addi %parallel_loop3A_572, %parallel_loop3A_658 : vector<16xi32>
        %parallel_loop3A_660 = tpu.vector_load_idx %arg5[%parallel_loop3A_659] : memref<31776xf32, #tpu.memory_space<vmem>>[vector<16xi32>], vector<16xf32>,
        %parallel_loop3A_661 = arith.constant 16 : i32
        %parallel_loop3A_662 = arith.muli %parallel_loop3A_566, %parallel_loop3A_661 : i32
        %parallel_loop3A_663 = arith.constant 2 : i32
        %parallel_loop3A_664 = arith.constant 7 : i32
        %parallel_loop3A_665 = arith.index_cast %parallel_loop3A_663 : i32 to index
        %parallel_loop3A_666 = arith.index_cast %parallel_loop3A_664 : i32 to index
        %parallel_loop3A_667 = arith.index_cast %parallel_loop3A_662 : i32 to index
        %parallel_loop3A_668 = tpu.vector_load %arg8[%parallel_loop3A_665, %parallel_loop3A_666, %parallel_loop3A_667] {strides = array<i32>} : memref<4x8x1025xf32, #tpu.memory_space<vmem>>, vector<16xf32>,
        tpu.vector_store %arg8[%parallel_loop3A_665, %parallel_loop3A_666, %parallel_loop3A_667], %parallel_loop3A_660 {strides = array<i32>} : memref<4x8x1025xf32, #tpu.memory_space<vmem>>, vector<16xf32>,
      } {sc.loop_unroll_factor = 8 : i64, sc.parallel_access}
      %get3A_198 = arith.constant 3104 : index
      %get3A_199 = tpu.vector_load %arg6[%get3A_198] {strides = array<i32>} : memref<4160xi32, #tpu.memory_space<vmem>>, vector<16xi32>,
      %broadcast_in_dim3A_200 = arith.constant 2 : i32
      %broadcast_in_dim3A_201 = vector.broadcast %broadcast_in_dim3A_200 : i32 to vector<16xi32>
      %add3A_202 = arith.constant 0 : i32
      %add3A_203 = vector.broadcast %add3A_202 : i32 to vector<16xi32>
      %add3A_204 = arith.addi %get3A_199, %add3A_203 : vector<16xi32>
      %gather3A_205 = tpu.vector_load_idx %arg5[%add3A_204] : memref<31776xf32, #tpu.memory_space<vmem>>[vector<16xi32>], vector<16xf32>,
      %broadcast_in_dim3A_206 = arith.constant 0 : i32
      %broadcast_in_dim3A_207 = vector.broadcast %broadcast_in_dim3A_206 : i32 to vector<16xi32>
      tpu.vector_store_idx %arg8[%broadcast_in_dim3A_201, %broadcast_in_dim3A_207, %broadcast_in_dim3A_35], %gather3A_205 masked %lt3A_38 : memref<4x8x1025xf32, #tpu.memory_space<vmem>>[vector<16xi32>, vector<16xi32>, vector<16xi32>], vector<16xf32>, vector<16xi1>
      %add3A_208 = arith.constant 3972 : i32
      %add3A_209 = vector.broadcast %add3A_208 : i32 to vector<16xi32>
      %add3A_210 = arith.addi %get3A_199, %add3A_209 : vector<16xi32>
      %gather3A_211 = tpu.vector_load_idx %arg5[%add3A_210] : memref<31776xf32, #tpu.memory_space<vmem>>[vector<16xi32>], vector<16xf32>,
      %broadcast_in_dim3A_212 = arith.constant 1 : i32
      %broadcast_in_dim3A_213 = vector.broadcast %broadcast_in_dim3A_212 : i32 to vector<16xi32>
      tpu.vector_store_idx %arg8[%broadcast_in_dim3A_201, %broadcast_in_dim3A_213, %broadcast_in_dim3A_35], %gather3A_211 masked %lt3A_38 : memref<4x8x1025xf32, #tpu.memory_space<vmem>>[vector<16xi32>, vector<16xi32>, vector<16xi32>], vector<16xf32>, vector<16xi1>
      %add3A_214 = arith.constant 7944 : i32
      %add3A_215 = vector.broadcast %add3A_214 : i32 to vector<16xi32>
      %add3A_216 = arith.addi %get3A_199, %add3A_215 : vector<16xi32>
      %gather3A_217 = tpu.vector_load_idx %arg5[%add3A_216] : memref<31776xf32, #tpu.memory_space<vmem>>[vector<16xi32>], vector<16xf32>,
      %broadcast_in_dim3A_218 = arith.constant 2 : i32
      %broadcast_in_dim3A_219 = vector.broadcast %broadcast_in_dim3A_218 : i32 to vector<16xi32>
      tpu.vector_store_idx %arg8[%broadcast_in_dim3A_201, %broadcast_in_dim3A_219, %broadcast_in_dim3A_35], %gather3A_217 masked %lt3A_38 : memref<4x8x1025xf32, #tpu.memory_space<vmem>>[vector<16xi32>, vector<16xi32>, vector<16xi32>], vector<16xf32>, vector<16xi1>
      %add3A_220 = arith.constant 11916 : i32
      %add3A_221 = vector.broadcast %add3A_220 : i32 to vector<16xi32>
      %add3A_222 = arith.addi %get3A_199, %add3A_221 : vector<16xi32>
      %gather3A_223 = tpu.vector_load_idx %arg5[%add3A_222] : memref<31776xf32, #tpu.memory_space<vmem>>[vector<16xi32>], vector<16xf32>,
      %broadcast_in_dim3A_224 = arith.constant 3 : i32
      %broadcast_in_dim3A_225 = vector.broadcast %broadcast_in_dim3A_224 : i32 to vector<16xi32>
      tpu.vector_store_idx %arg8[%broadcast_in_dim3A_201, %broadcast_in_dim3A_225, %broadcast_in_dim3A_35], %gather3A_223 masked %lt3A_38 : memref<4x8x1025xf32, #tpu.memory_space<vmem>>[vector<16xi32>, vector<16xi32>, vector<16xi32>], vector<16xf32>, vector<16xi1>
      %add3A_226 = arith.constant 15888 : i32
      %add3A_227 = vector.broadcast %add3A_226 : i32 to vector<16xi32>
      %add3A_228 = arith.addi %get3A_199, %add3A_227 : vector<16xi32>
      %gather3A_229 = tpu.vector_load_idx %arg5[%add3A_228] : memref<31776xf32, #tpu.memory_space<vmem>>[vector<16xi32>], vector<16xf32>,
      %broadcast_in_dim3A_230 = arith.constant 4 : i32
      %broadcast_in_dim3A_231 = vector.broadcast %broadcast_in_dim3A_230 : i32 to vector<16xi32>
      tpu.vector_store_idx %arg8[%broadcast_in_dim3A_201, %broadcast_in_dim3A_231, %broadcast_in_dim3A_35], %gather3A_229 masked %lt3A_38 : memref<4x8x1025xf32, #tpu.memory_space<vmem>>[vector<16xi32>, vector<16xi32>, vector<16xi32>], vector<16xf32>, vector<16xi1>
      %add3A_232 = arith.constant 19860 : i32
      %add3A_233 = vector.broadcast %add3A_232 : i32 to vector<16xi32>
      %add3A_234 = arith.addi %get3A_199, %add3A_233 : vector<16xi32>
      %gather3A_235 = tpu.vector_load_idx %arg5[%add3A_234] : memref<31776xf32, #tpu.memory_space<vmem>>[vector<16xi32>], vector<16xf32>,
      %broadcast_in_dim3A_236 = arith.constant 5 : i32
      %broadcast_in_dim3A_237 = vector.broadcast %broadcast_in_dim3A_236 : i32 to vector<16xi32>
      tpu.vector_store_idx %arg8[%broadcast_in_dim3A_201, %broadcast_in_dim3A_237, %broadcast_in_dim3A_35], %gather3A_235 masked %lt3A_38 : memref<4x8x1025xf32, #tpu.memory_space<vmem>>[vector<16xi32>, vector<16xi32>, vector<16xi32>], vector<16xf32>, vector<16xi1>
      %add3A_238 = arith.constant 23832 : i32
      %add3A_239 = vector.broadcast %add3A_238 : i32 to vector<16xi32>
      %add3A_240 = arith.addi %get3A_199, %add3A_239 : vector<16xi32>
      %gather3A_241 = tpu.vector_load_idx %arg5[%add3A_240] : memref<31776xf32, #tpu.memory_space<vmem>>[vector<16xi32>], vector<16xf32>,
      %broadcast_in_dim3A_242 = arith.constant 6 : i32
      %broadcast_in_dim3A_243 = vector.broadcast %broadcast_in_dim3A_242 : i32 to vector<16xi32>
      tpu.vector_store_idx %arg8[%broadcast_in_dim3A_201, %broadcast_in_dim3A_243, %broadcast_in_dim3A_35], %gather3A_241 masked %lt3A_38 : memref<4x8x1025xf32, #tpu.memory_space<vmem>>[vector<16xi32>, vector<16xi32>, vector<16xi32>], vector<16xf32>, vector<16xi1>
      %add3A_244 = arith.constant 27804 : i32
      %add3A_245 = vector.broadcast %add3A_244 : i32 to vector<16xi32>
      %add3A_246 = arith.addi %get3A_199, %add3A_245 : vector<16xi32>
      %gather3A_247 = tpu.vector_load_idx %arg5[%add3A_246] : memref<31776xf32, #tpu.memory_space<vmem>>[vector<16xi32>], vector<16xf32>,
      %broadcast_in_dim3A_248 = arith.constant 7 : i32
      %broadcast_in_dim3A_249 = vector.broadcast %broadcast_in_dim3A_248 : i32 to vector<16xi32>
      tpu.vector_store_idx %arg8[%broadcast_in_dim3A_201, %broadcast_in_dim3A_249, %broadcast_in_dim3A_35], %gather3A_247 masked %lt3A_38 : memref<4x8x1025xf32, #tpu.memory_space<vmem>>[vector<16xi32>, vector<16xi32>, vector<16xi32>], vector<16xf32>, vector<16xi1>
      %parallel_loop3A_250 = arith.constant 0 : i32
      %parallel_loop3A_251 = arith.constant 64 : i32
      %parallel_loop3A_252 = arith.constant 1 : i32
      scf.for %parallel_loop3A_566 = %parallel_loop3A_250 to %parallel_loop3A_251 step %parallel_loop3A_252  : i32 {
        %parallel_loop3A_567 = arith.constant 16 : i32
        %parallel_loop3A_568 = arith.muli %parallel_loop3A_566, %parallel_loop3A_567 : i32
        %parallel_loop3A_569 = arith.constant 3120 : i32
        %parallel_loop3A_570 = arith.addi %parallel_loop3A_569, %parallel_loop3A_568 : i32
        %parallel_loop3A_571 = arith.index_cast %parallel_loop3A_570 : i32 to index
        %parallel_loop3A_572 = tpu.vector_load %arg6[%parallel_loop3A_571] {strides = array<i32>} : memref<4160xi32, #tpu.memory_space<vmem>>, vector<16xi32>,
        %parallel_loop3A_573 = arith.constant 0 : i32
        %parallel_loop3A_574 = vector.broadcast %parallel_loop3A_573 : i32 to vector<16xi32>
        %parallel_loop3A_575 = arith.addi %parallel_loop3A_572, %parallel_loop3A_574 : vector<16xi32>
        %parallel_loop3A_576 = tpu.vector_load_idx %arg5[%parallel_loop3A_575] : memref<31776xf32, #tpu.memory_space<vmem>>[vector<16xi32>], vector<16xf32>,
        %parallel_loop3A_577 = arith.constant 16 : i32
        %parallel_loop3A_578 = arith.muli %parallel_loop3A_566, %parallel_loop3A_577 : i32
        %parallel_loop3A_579 = arith.constant 3 : i32
        %parallel_loop3A_580 = arith.constant 0 : i32
        %parallel_loop3A_581 = arith.index_cast %parallel_loop3A_579 : i32 to index
        %parallel_loop3A_582 = arith.index_cast %parallel_loop3A_580 : i32 to index
        %parallel_loop3A_583 = arith.index_cast %parallel_loop3A_578 : i32 to index
        %parallel_loop3A_584 = tpu.vector_load %arg8[%parallel_loop3A_581, %parallel_loop3A_582, %parallel_loop3A_583] {strides = array<i32>} : memref<4x8x1025xf32, #tpu.memory_space<vmem>>, vector<16xf32>,
        tpu.vector_store %arg8[%parallel_loop3A_581, %parallel_loop3A_582, %parallel_loop3A_583], %parallel_loop3A_576 {strides = array<i32>} : memref<4x8x1025xf32, #tpu.memory_space<vmem>>, vector<16xf32>,
        %parallel_loop3A_585 = arith.constant 3972 : i32
        %parallel_loop3A_586 = vector.broadcast %parallel_loop3A_585 : i32 to vector<16xi32>
        %parallel_loop3A_587 = arith.addi %parallel_loop3A_572, %parallel_loop3A_586 : vector<16xi32>
        %parallel_loop3A_588 = tpu.vector_load_idx %arg5[%parallel_loop3A_587] : memref<31776xf32, #tpu.memory_space<vmem>>[vector<16xi32>], vector<16xf32>,
        %parallel_loop3A_589 = arith.constant 16 : i32
        %parallel_loop3A_590 = arith.muli %parallel_loop3A_566, %parallel_loop3A_589 : i32
        %parallel_loop3A_591 = arith.constant 3 : i32
        %parallel_loop3A_592 = arith.constant 1 : i32
        %parallel_loop3A_593 = arith.index_cast %parallel_loop3A_591 : i32 to index
        %parallel_loop3A_594 = arith.index_cast %parallel_loop3A_592 : i32 to index
        %parallel_loop3A_595 = arith.index_cast %parallel_loop3A_590 : i32 to index
        %parallel_loop3A_596 = tpu.vector_load %arg8[%parallel_loop3A_593, %parallel_loop3A_594, %parallel_loop3A_595] {strides = array<i32>} : memref<4x8x1025xf32, #tpu.memory_space<vmem>>, vector<16xf32>,
        tpu.vector_store %arg8[%parallel_loop3A_593, %parallel_loop3A_594, %parallel_loop3A_595], %parallel_loop3A_588 {strides = array<i32>} : memref<4x8x1025xf32, #tpu.memory_space<vmem>>, vector<16xf32>,
        %parallel_loop3A_597 = arith.constant 7944 : i32
        %parallel_loop3A_598 = vector.broadcast %parallel_loop3A_597 : i32 to vector<16xi32>
        %parallel_loop3A_599 = arith.addi %parallel_loop3A_572, %parallel_loop3A_598 : vector<16xi32>
        %parallel_loop3A_600 = tpu.vector_load_idx %arg5[%parallel_loop3A_599] : memref<31776xf32, #tpu.memory_space<vmem>>[vector<16xi32>], vector<16xf32>,
        %parallel_loop3A_601 = arith.constant 16 : i32
        %parallel_loop3A_602 = arith.muli %parallel_loop3A_566, %parallel_loop3A_601 : i32
        %parallel_loop3A_603 = arith.constant 3 : i32
        %parallel_loop3A_604 = arith.constant 2 : i32
        %parallel_loop3A_605 = arith.index_cast %parallel_loop3A_603 : i32 to index
        %parallel_loop3A_606 = arith.index_cast %parallel_loop3A_604 : i32 to index
        %parallel_loop3A_607 = arith.index_cast %parallel_loop3A_602 : i32 to index
        %parallel_loop3A_608 = tpu.vector_load %arg8[%parallel_loop3A_605, %parallel_loop3A_606, %parallel_loop3A_607] {strides = array<i32>} : memref<4x8x1025xf32, #tpu.memory_space<vmem>>, vector<16xf32>,
        tpu.vector_store %arg8[%parallel_loop3A_605, %parallel_loop3A_606, %parallel_loop3A_607], %parallel_loop3A_600 {strides = array<i32>} : memref<4x8x1025xf32, #tpu.memory_space<vmem>>, vector<16xf32>,
        %parallel_loop3A_609 = arith.constant 11916 : i32
        %parallel_loop3A_610 = vector.broadcast %parallel_loop3A_609 : i32 to vector<16xi32>
        %parallel_loop3A_611 = arith.addi %parallel_loop3A_572, %parallel_loop3A_610 : vector<16xi32>
        %parallel_loop3A_612 = tpu.vector_load_idx %arg5[%parallel_loop3A_611] : memref<31776xf32, #tpu.memory_space<vmem>>[vector<16xi32>], vector<16xf32>,
        %parallel_loop3A_613 = arith.constant 16 : i32
        %parallel_loop3A_614 = arith.muli %parallel_loop3A_566, %parallel_loop3A_613 : i32
        %parallel_loop3A_615 = arith.constant 3 : i32
        %parallel_loop3A_616 = arith.constant 3 : i32
        %parallel_loop3A_617 = arith.index_cast %parallel_loop3A_615 : i32 to index
        %parallel_loop3A_618 = arith.index_cast %parallel_loop3A_616 : i32 to index
        %parallel_loop3A_619 = arith.index_cast %parallel_loop3A_614 : i32 to index
        %parallel_loop3A_620 = tpu.vector_load %arg8[%parallel_loop3A_617, %parallel_loop3A_618, %parallel_loop3A_619] {strides = array<i32>} : memref<4x8x1025xf32, #tpu.memory_space<vmem>>, vector<16xf32>,
        tpu.vector_store %arg8[%parallel_loop3A_617, %parallel_loop3A_618, %parallel_loop3A_619], %parallel_loop3A_612 {strides = array<i32>} : memref<4x8x1025xf32, #tpu.memory_space<vmem>>, vector<16xf32>,
        %parallel_loop3A_621 = arith.constant 15888 : i32
        %parallel_loop3A_622 = vector.broadcast %parallel_loop3A_621 : i32 to vector<16xi32>
        %parallel_loop3A_623 = arith.addi %parallel_loop3A_572, %parallel_loop3A_622 : vector<16xi32>
        %parallel_loop3A_624 = tpu.vector_load_idx %arg5[%parallel_loop3A_623] : memref<31776xf32, #tpu.memory_space<vmem>>[vector<16xi32>], vector<16xf32>,
        %parallel_loop3A_625 = arith.constant 16 : i32
        %parallel_loop3A_626 = arith.muli %parallel_loop3A_566, %parallel_loop3A_625 : i32
        %parallel_loop3A_627 = arith.constant 3 : i32
        %parallel_loop3A_628 = arith.constant 4 : i32
        %parallel_loop3A_629 = arith.index_cast %parallel_loop3A_627 : i32 to index
        %parallel_loop3A_630 = arith.index_cast %parallel_loop3A_628 : i32 to index
        %parallel_loop3A_631 = arith.index_cast %parallel_loop3A_626 : i32 to index
        %parallel_loop3A_632 = tpu.vector_load %arg8[%parallel_loop3A_629, %parallel_loop3A_630, %parallel_loop3A_631] {strides = array<i32>} : memref<4x8x1025xf32, #tpu.memory_space<vmem>>, vector<16xf32>,
        tpu.vector_store %arg8[%parallel_loop3A_629, %parallel_loop3A_630, %parallel_loop3A_631], %parallel_loop3A_624 {strides = array<i32>} : memref<4x8x1025xf32, #tpu.memory_space<vmem>>, vector<16xf32>,
        %parallel_loop3A_633 = arith.constant 19860 : i32
        %parallel_loop3A_634 = vector.broadcast %parallel_loop3A_633 : i32 to vector<16xi32>
        %parallel_loop3A_635 = arith.addi %parallel_loop3A_572, %parallel_loop3A_634 : vector<16xi32>
        %parallel_loop3A_636 = tpu.vector_load_idx %arg5[%parallel_loop3A_635] : memref<31776xf32, #tpu.memory_space<vmem>>[vector<16xi32>], vector<16xf32>,
        %parallel_loop3A_637 = arith.constant 16 : i32
        %parallel_loop3A_638 = arith.muli %parallel_loop3A_566, %parallel_loop3A_637 : i32
        %parallel_loop3A_639 = arith.constant 3 : i32
        %parallel_loop3A_640 = arith.constant 5 : i32
        %parallel_loop3A_641 = arith.index_cast %parallel_loop3A_639 : i32 to index
        %parallel_loop3A_642 = arith.index_cast %parallel_loop3A_640 : i32 to index
        %parallel_loop3A_643 = arith.index_cast %parallel_loop3A_638 : i32 to index
        %parallel_loop3A_644 = tpu.vector_load %arg8[%parallel_loop3A_641, %parallel_loop3A_642, %parallel_loop3A_643] {strides = array<i32>} : memref<4x8x1025xf32, #tpu.memory_space<vmem>>, vector<16xf32>,
        tpu.vector_store %arg8[%parallel_loop3A_641, %parallel_loop3A_642, %parallel_loop3A_643], %parallel_loop3A_636 {strides = array<i32>} : memref<4x8x1025xf32, #tpu.memory_space<vmem>>, vector<16xf32>,
        %parallel_loop3A_645 = arith.constant 23832 : i32
        %parallel_loop3A_646 = vector.broadcast %parallel_loop3A_645 : i32 to vector<16xi32>
        %parallel_loop3A_647 = arith.addi %parallel_loop3A_572, %parallel_loop3A_646 : vector<16xi32>
        %parallel_loop3A_648 = tpu.vector_load_idx %arg5[%parallel_loop3A_647] : memref<31776xf32, #tpu.memory_space<vmem>>[vector<16xi32>], vector<16xf32>,
        %parallel_loop3A_649 = arith.constant 16 : i32
        %parallel_loop3A_650 = arith.muli %parallel_loop3A_566, %parallel_loop3A_649 : i32
        %parallel_loop3A_651 = arith.constant 3 : i32
        %parallel_loop3A_652 = arith.constant 6 : i32
        %parallel_loop3A_653 = arith.index_cast %parallel_loop3A_651 : i32 to index
        %parallel_loop3A_654 = arith.index_cast %parallel_loop3A_652 : i32 to index
        %parallel_loop3A_655 = arith.index_cast %parallel_loop3A_650 : i32 to index
        %parallel_loop3A_656 = tpu.vector_load %arg8[%parallel_loop3A_653, %parallel_loop3A_654, %parallel_loop3A_655] {strides = array<i32>} : memref<4x8x1025xf32, #tpu.memory_space<vmem>>, vector<16xf32>,
        tpu.vector_store %arg8[%parallel_loop3A_653, %parallel_loop3A_654, %parallel_loop3A_655], %parallel_loop3A_648 {strides = array<i32>} : memref<4x8x1025xf32, #tpu.memory_space<vmem>>, vector<16xf32>,
        %parallel_loop3A_657 = arith.constant 27804 : i32
        %parallel_loop3A_658 = vector.broadcast %parallel_loop3A_657 : i32 to vector<16xi32>
        %parallel_loop3A_659 = arith.addi %parallel_loop3A_572, %parallel_loop3A_658 : vector<16xi32>
        %parallel_loop3A_660 = tpu.vector_load_idx %arg5[%parallel_loop3A_659] : memref<31776xf32, #tpu.memory_space<vmem>>[vector<16xi32>], vector<16xf32>,
        %parallel_loop3A_661 = arith.constant 16 : i32
        %parallel_loop3A_662 = arith.muli %parallel_loop3A_566, %parallel_loop3A_661 : i32
        %parallel_loop3A_663 = arith.constant 3 : i32
        %parallel_loop3A_664 = arith.constant 7 : i32
        %parallel_loop3A_665 = arith.index_cast %parallel_loop3A_663 : i32 to index
        %parallel_loop3A_666 = arith.index_cast %parallel_loop3A_664 : i32 to index
        %parallel_loop3A_667 = arith.index_cast %parallel_loop3A_662 : i32 to index
        %parallel_loop3A_668 = tpu.vector_load %arg8[%parallel_loop3A_665, %parallel_loop3A_666, %parallel_loop3A_667] {strides = array<i32>} : memref<4x8x1025xf32, #tpu.memory_space<vmem>>, vector<16xf32>,
        tpu.vector_store %arg8[%parallel_loop3A_665, %parallel_loop3A_666, %parallel_loop3A_667], %parallel_loop3A_660 {strides = array<i32>} : memref<4x8x1025xf32, #tpu.memory_space<vmem>>, vector<16xf32>,
      } {sc.loop_unroll_factor = 8 : i64, sc.parallel_access}
      %get3A_253 = arith.constant 4144 : index
      %get3A_254 = tpu.vector_load %arg6[%get3A_253] {strides = array<i32>} : memref<4160xi32, #tpu.memory_space<vmem>>, vector<16xi32>,
      %broadcast_in_dim3A_255 = arith.constant 3 : i32
      %broadcast_in_dim3A_256 = vector.broadcast %broadcast_in_dim3A_255 : i32 to vector<16xi32>
      %add3A_257 = arith.constant 0 : i32
      %add3A_258 = vector.broadcast %add3A_257 : i32 to vector<16xi32>
      %add3A_259 = arith.addi %get3A_254, %add3A_258 : vector<16xi32>
      %gather3A_260 = tpu.vector_load_idx %arg5[%add3A_259] : memref<31776xf32, #tpu.memory_space<vmem>>[vector<16xi32>], vector<16xf32>,
      %broadcast_in_dim3A_261 = arith.constant 0 : i32
      %broadcast_in_dim3A_262 = vector.broadcast %broadcast_in_dim3A_261 : i32 to vector<16xi32>
      tpu.vector_store_idx %arg8[%broadcast_in_dim3A_256, %broadcast_in_dim3A_262, %broadcast_in_dim3A_35], %gather3A_260 masked %lt3A_38 : memref<4x8x1025xf32, #tpu.memory_space<vmem>>[vector<16xi32>, vector<16xi32>, vector<16xi32>], vector<16xf32>, vector<16xi1>
      %add3A_263 = arith.constant 3972 : i32
      %add3A_264 = vector.broadcast %add3A_263 : i32 to vector<16xi32>
      %add3A_265 = arith.addi %get3A_254, %add3A_264 : vector<16xi32>
      %gather3A_266 = tpu.vector_load_idx %arg5[%add3A_265] : memref<31776xf32, #tpu.memory_space<vmem>>[vector<16xi32>], vector<16xf32>,
      %broadcast_in_dim3A_267 = arith.constant 1 : i32
      %broadcast_in_dim3A_268 = vector.broadcast %broadcast_in_dim3A_267 : i32 to vector<16xi32>
      tpu.vector_store_idx %arg8[%broadcast_in_dim3A_256, %broadcast_in_dim3A_268, %broadcast_in_dim3A_35], %gather3A_266 masked %lt3A_38 : memref<4x8x1025xf32, #tpu.memory_space<vmem>>[vector<16xi32>, vector<16xi32>, vector<16xi32>], vector<16xf32>, vector<16xi1>
      %add3A_269 = arith.constant 7944 : i32
      %add3A_270 = vector.broadcast %add3A_269 : i32 to vector<16xi32>
      %add3A_271 = arith.addi %get3A_254, %add3A_270 : vector<16xi32>
      %gather3A_272 = tpu.vector_load_idx %arg5[%add3A_271] : memref<31776xf32, #tpu.memory_space<vmem>>[vector<16xi32>], vector<16xf32>,
      %broadcast_in_dim3A_273 = arith.constant 2 : i32
      %broadcast_in_dim3A_274 = vector.broadcast %broadcast_in_dim3A_273 : i32 to vector<16xi32>
      tpu.vector_store_idx %arg8[%broadcast_in_dim3A_256, %broadcast_in_dim3A_274, %broadcast_in_dim3A_35], %gather3A_272 masked %lt3A_38 : memref<4x8x1025xf32, #tpu.memory_space<vmem>>[vector<16xi32>, vector<16xi32>, vector<16xi32>], vector<16xf32>, vector<16xi1>
      %add3A_275 = arith.constant 11916 : i32
      %add3A_276 = vector.broadcast %add3A_275 : i32 to vector<16xi32>
      %add3A_277 = arith.addi %get3A_254, %add3A_276 : vector<16xi32>
      %gather3A_278 = tpu.vector_load_idx %arg5[%add3A_277] : memref<31776xf32, #tpu.memory_space<vmem>>[vector<16xi32>], vector<16xf32>,
      %broadcast_in_dim3A_279 = arith.constant 3 : i32
      %broadcast_in_dim3A_280 = vector.broadcast %broadcast_in_dim3A_279 : i32 to vector<16xi32>
      tpu.vector_store_idx %arg8[%broadcast_in_dim3A_256, %broadcast_in_dim3A_280, %broadcast_in_dim3A_35], %gather3A_278 masked %lt3A_38 : memref<4x8x1025xf32, #tpu.memory_space<vmem>>[vector<16xi32>, vector<16xi32>, vector<16xi32>], vector<16xf32>, vector<16xi1>
      %add3A_281 = arith.constant 15888 : i32
      %add3A_282 = vector.broadcast %add3A_281 : i32 to vector<16xi32>
      %add3A_283 = arith.addi %get3A_254, %add3A_282 : vector<16xi32>
      %gather3A_284 = tpu.vector_load_idx %arg5[%add3A_283] : memref<31776xf32, #tpu.memory_space<vmem>>[vector<16xi32>], vector<16xf32>,
      %broadcast_in_dim3A_285 = arith.constant 4 : i32
      %broadcast_in_dim3A_286 = vector.broadcast %broadcast_in_dim3A_285 : i32 to vector<16xi32>
      tpu.vector_store_idx %arg8[%broadcast_in_dim3A_256, %broadcast_in_dim3A_286, %broadcast_in_dim3A_35], %gather3A_284 masked %lt3A_38 : memref<4x8x1025xf32, #tpu.memory_space<vmem>>[vector<16xi32>, vector<16xi32>, vector<16xi32>], vector<16xf32>, vector<16xi1>
      %add3A_287 = arith.constant 19860 : i32
      %add3A_288 = vector.broadcast %add3A_287 : i32 to vector<16xi32>
      %add3A_289 = arith.addi %get3A_254, %add3A_288 : vector<16xi32>
      %gather3A_290 = tpu.vector_load_idx %arg5[%add3A_289] : memref<31776xf32, #tpu.memory_space<vmem>>[vector<16xi32>], vector<16xf32>,
      %broadcast_in_dim3A_291 = arith.constant 5 : i32
      %broadcast_in_dim3A_292 = vector.broadcast %broadcast_in_dim3A_291 : i32 to vector<16xi32>
      tpu.vector_store_idx %arg8[%broadcast_in_dim3A_256, %broadcast_in_dim3A_292, %broadcast_in_dim3A_35], %gather3A_290 masked %lt3A_38 : memref<4x8x1025xf32, #tpu.memory_space<vmem>>[vector<16xi32>, vector<16xi32>, vector<16xi32>], vector<16xf32>, vector<16xi1>
      %add3A_293 = arith.constant 23832 : i32
      %add3A_294 = vector.broadcast %add3A_293 : i32 to vector<16xi32>
      %add3A_295 = arith.addi %get3A_254, %add3A_294 : vector<16xi32>
      %gather3A_296 = tpu.vector_load_idx %arg5[%add3A_295] : memref<31776xf32, #tpu.memory_space<vmem>>[vector<16xi32>], vector<16xf32>,
      %broadcast_in_dim3A_297 = arith.constant 6 : i32
      %broadcast_in_dim3A_298 = vector.broadcast %broadcast_in_dim3A_297 : i32 to vector<16xi32>
      tpu.vector_store_idx %arg8[%broadcast_in_dim3A_256, %broadcast_in_dim3A_298, %broadcast_in_dim3A_35], %gather3A_296 masked %lt3A_38 : memref<4x8x1025xf32, #tpu.memory_space<vmem>>[vector<16xi32>, vector<16xi32>, vector<16xi32>], vector<16xf32>, vector<16xi1>
      %add3A_299 = arith.constant 27804 : i32
      %add3A_300 = vector.broadcast %add3A_299 : i32 to vector<16xi32>
      %add3A_301 = arith.addi %get3A_254, %add3A_300 : vector<16xi32>
      %gather3A_302 = tpu.vector_load_idx %arg5[%add3A_301] : memref<31776xf32, #tpu.memory_space<vmem>>[vector<16xi32>], vector<16xf32>,
      %broadcast_in_dim3A_303 = arith.constant 7 : i32
      %broadcast_in_dim3A_304 = vector.broadcast %broadcast_in_dim3A_303 : i32 to vector<16xi32>
      tpu.vector_store_idx %arg8[%broadcast_in_dim3A_256, %broadcast_in_dim3A_304, %broadcast_in_dim3A_35], %gather3A_302 masked %lt3A_38 : memref<4x8x1025xf32, #tpu.memory_space<vmem>>[vector<16xi32>, vector<16xi32>, vector<16xi32>], vector<16xf32>, vector<16xi1>
      %mul3A_305 = arith.constant 16 : i32
      %mul3A_306 = arith.muli %mul3A_305, %mul3A_69 : i32
      %add3A_307 = arith.addi %select_n3A_32, %mul3A_306 : i32
      %mul3A_308 = arith.constant 4 : i32
      %mul3A_309 = arith.muli %add3A_307, %mul3A_308 : i32
      %dma_start3A_310 = arith.constant 0 : i32
      %dma_start3A_311 = tpu.memref_slice %arg4[%mul3A_309, %multiple_of3A, %dma_start3A_310] : memref<1025x16x1025xf32, #tpu.memory_space<hbm>> -> memref<4x8x1025xf32, #tpu.memory_space<hbm>>
      %dma_start3A_312 = arith.constant 0 : i32
      %dma_start3A_313 = tpu.memref_slice %arg4[%mul3A_309, %multiple_of3A, %dma_start3A_312] : memref<1025x16x1025xf32, #tpu.memory_space<hbm>> -> memref<4x8x1025xf32, #tpu.memory_space<hbm>>
      tpu.enqueue_dma source(%arg8 : memref<4x8x1025xf32, #tpu.memory_space<vmem>>) target(%dma_start3A_313 : memref<4x8x1025xf32, #tpu.memory_space<hbm>>) target_semaphore(%arg12 : memref<!tpu.dma_semaphore, #tpu.memory_space<semaphore_mem>>)
      %mul3A_314 = arith.constant 2 : i32
      %mul3A_315 = arith.muli %mul3A_314, %scan3A_67 : i32
      %add3A_316 = arith.constant 1 : i32
      %add3A_317 = arith.addi %mul3A_315, %add3A_316 : i32
      %add3A_318 = arith.constant 1 : i32
      %add3A_319 = arith.addi %add3A_317, %add3A_318 : i32
      %lt3A_320 = arith.constant 16 : i32
      %lt3A_321 = arith.cmpi slt, %add3A_319, %lt3A_320 : i32
      %convert_element_type3A_322 = arith.extui %lt3A_321 : i1 to i32
      %cond3A_323 = arith.constant 0 : i32
      %cond3A_324 = arith.cmpi ne, %convert_element_type3A_322, %cond3A_323 : i32
      scf.if %cond3A_324 {
        %add3A_566 = arith.constant 1 : i32
        %add3A_567 = arith.addi %add3A_317, %add3A_566 : i32
        %mul3A_568 = arith.constant 16 : i32
        %mul3A_569 = arith.muli %mul3A_568, %add3A_567 : i32
        %add3A_570 = arith.addi %select_n3A_32, %mul3A_569 : i32
        %mul3A_571 = arith.constant 4160 : i32
        %mul3A_572 = arith.muli %add3A_570, %mul3A_571 : i32
        %dma_start3A_573 = tpu.memref_slice %arg3[%mul3A_572] : memref<1069120xi32, #tpu.memory_space<hbm>> -> memref<4160xi32, #tpu.memory_space<hbm>>
        %dma_start3A_574 = tpu.memref_slice %arg3[%mul3A_572] : memref<1069120xi32, #tpu.memory_space<hbm>> -> memref<4160xi32, #tpu.memory_space<hbm>>
        tpu.enqueue_dma source(%dma_start3A_574 : memref<4160xi32, #tpu.memory_space<hbm>>) target(%arg6 : memref<4160xi32, #tpu.memory_space<vmem>>) target_semaphore(%arg10 : memref<!tpu.dma_semaphore, #tpu.memory_space<semaphore_mem>>)
      } else {
      }
      %mul3A_325 = arith.constant 16 : i32
      %mul3A_326 = arith.muli %mul3A_325, %add3A_317 : i32
      %add3A_327 = arith.addi %select_n3A_32, %mul3A_326 : i32
      %mul3A_328 = arith.constant 4160 : i32
      %mul3A_329 = arith.muli %add3A_327, %mul3A_328 : i32
      %dma_wait3A_330 = tpu.memref_slice %arg3[%mul3A_329] : memref<1069120xi32, #tpu.memory_space<hbm>> -> memref<4160xi32, #tpu.memory_space<hbm>>
      %dma_wait3A_331 = tpu.memref_slice %arg3[%mul3A_329] : memref<1069120xi32, #tpu.memory_space<hbm>> -> memref<4160xi32, #tpu.memory_space<hbm>>
      tpu.wait_dma2 semaphore(%arg11 : memref<!tpu.dma_semaphore, #tpu.memory_space<semaphore_mem>>) src(%dma_wait3A_331 : memref<4160xi32, #tpu.memory_space<hbm>>) dst(%arg7 : memref<4160xi32, #tpu.memory_space<vmem>>)
      %ge3A_332 = arith.constant 2 : i32
      %ge3A_333 = arith.cmpi sge, %add3A_317, %ge3A_332 : i32
      %convert_element_type3A_334 = arith.extui %ge3A_333 : i1 to i32
      %cond3A_335 = arith.constant 0 : i32
      %cond3A_336 = arith.cmpi ne, %convert_element_type3A_334, %cond3A_335 : i32
      scf.if %cond3A_336 {
        %sub3A_566 = arith.constant 2 : i32
        %sub3A_567 = arith.subi %add3A_317, %sub3A_566 : i32
        %mul3A_568 = arith.constant 16 : i32
        %mul3A_569 = arith.muli %mul3A_568, %sub3A_567 : i32
        %add3A_570 = arith.addi %select_n3A_32, %mul3A_569 : i32
        %mul3A_571 = arith.constant 4 : i32
        %mul3A_572 = arith.muli %add3A_570, %mul3A_571 : i32
        %dma_wait3A_573 = arith.constant 0 : i32
        %dma_wait3A_574 = tpu.memref_slice %arg4[%mul3A_572, %multiple_of3A, %dma_wait3A_573] : memref<1025x16x1025xf32, #tpu.memory_space<hbm>> -> memref<4x8x1025xf32, #tpu.memory_space<hbm>>
        %dma_wait3A_575 = arith.constant 0 : i32
        %dma_wait3A_576 = tpu.memref_slice %arg4[%mul3A_572, %multiple_of3A, %dma_wait3A_575] : memref<1025x16x1025xf32, #tpu.memory_space<hbm>> -> memref<4x8x1025xf32, #tpu.memory_space<hbm>>
        tpu.wait_dma2 semaphore(%arg13 : memref<!tpu.dma_semaphore, #tpu.memory_space<semaphore_mem>>) src(%arg9 : memref<4x8x1025xf32, #tpu.memory_space<vmem>>) dst(%dma_wait3A_576 : memref<4x8x1025xf32, #tpu.memory_space<hbm>>)
      } else {
      }
      %parallel_loop3A_337 = arith.constant 0 : i32
      %parallel_loop3A_338 = arith.constant 64 : i32
      %parallel_loop3A_339 = arith.constant 1 : i32
      scf.for %parallel_loop3A_566 = %parallel_loop3A_337 to %parallel_loop3A_338 step %parallel_loop3A_339  : i32 {
        %parallel_loop3A_567 = arith.constant 16 : i32
        %parallel_loop3A_568 = arith.muli %parallel_loop3A_566, %parallel_loop3A_567 : i32
        %parallel_loop3A_569 = arith.constant 0 : i32
        %parallel_loop3A_570 = arith.addi %parallel_loop3A_569, %parallel_loop3A_568 : i32
        %parallel_loop3A_571 = arith.index_cast %parallel_loop3A_570 : i32 to index
        %parallel_loop3A_572 = tpu.vector_load %arg7[%parallel_loop3A_571] {strides = array<i32>} : memref<4160xi32, #tpu.memory_space<vmem>>, vector<16xi32>,
        %parallel_loop3A_573 = arith.constant 0 : i32
        %parallel_loop3A_574 = vector.broadcast %parallel_loop3A_573 : i32 to vector<16xi32>
        %parallel_loop3A_575 = arith.addi %parallel_loop3A_572, %parallel_loop3A_574 : vector<16xi32>
        %parallel_loop3A_576 = tpu.vector_load_idx %arg5[%parallel_loop3A_575] : memref<31776xf32, #tpu.memory_space<vmem>>[vector<16xi32>], vector<16xf32>,
        %parallel_loop3A_577 = arith.constant 16 : i32
        %parallel_loop3A_578 = arith.muli %parallel_loop3A_566, %parallel_loop3A_577 : i32
        %parallel_loop3A_579 = arith.constant 0 : i32
        %parallel_loop3A_580 = arith.constant 0 : i32
        %parallel_loop3A_581 = arith.index_cast %parallel_loop3A_579 : i32 to index
        %parallel_loop3A_582 = arith.index_cast %parallel_loop3A_580 : i32 to index
        %parallel_loop3A_583 = arith.index_cast %parallel_loop3A_578 : i32 to index
        %parallel_loop3A_584 = tpu.vector_load %arg9[%parallel_loop3A_581, %parallel_loop3A_582, %parallel_loop3A_583] {strides = array<i32>} : memref<4x8x1025xf32, #tpu.memory_space<vmem>>, vector<16xf32>,
        tpu.vector_store %arg9[%parallel_loop3A_581, %parallel_loop3A_582, %parallel_loop3A_583], %parallel_loop3A_576 {strides = array<i32>} : memref<4x8x1025xf32, #tpu.memory_space<vmem>>, vector<16xf32>,
        %parallel_loop3A_585 = arith.constant 3972 : i32
        %parallel_loop3A_586 = vector.broadcast %parallel_loop3A_585 : i32 to vector<16xi32>
        %parallel_loop3A_587 = arith.addi %parallel_loop3A_572, %parallel_loop3A_586 : vector<16xi32>
        %parallel_loop3A_588 = tpu.vector_load_idx %arg5[%parallel_loop3A_587] : memref<31776xf32, #tpu.memory_space<vmem>>[vector<16xi32>], vector<16xf32>,
        %parallel_loop3A_589 = arith.constant 16 : i32
        %parallel_loop3A_590 = arith.muli %parallel_loop3A_566, %parallel_loop3A_589 : i32
        %parallel_loop3A_591 = arith.constant 0 : i32
        %parallel_loop3A_592 = arith.constant 1 : i32
        %parallel_loop3A_593 = arith.index_cast %parallel_loop3A_591 : i32 to index
        %parallel_loop3A_594 = arith.index_cast %parallel_loop3A_592 : i32 to index
        %parallel_loop3A_595 = arith.index_cast %parallel_loop3A_590 : i32 to index
        %parallel_loop3A_596 = tpu.vector_load %arg9[%parallel_loop3A_593, %parallel_loop3A_594, %parallel_loop3A_595] {strides = array<i32>} : memref<4x8x1025xf32, #tpu.memory_space<vmem>>, vector<16xf32>,
        tpu.vector_store %arg9[%parallel_loop3A_593, %parallel_loop3A_594, %parallel_loop3A_595], %parallel_loop3A_588 {strides = array<i32>} : memref<4x8x1025xf32, #tpu.memory_space<vmem>>, vector<16xf32>,
        %parallel_loop3A_597 = arith.constant 7944 : i32
        %parallel_loop3A_598 = vector.broadcast %parallel_loop3A_597 : i32 to vector<16xi32>
        %parallel_loop3A_599 = arith.addi %parallel_loop3A_572, %parallel_loop3A_598 : vector<16xi32>
        %parallel_loop3A_600 = tpu.vector_load_idx %arg5[%parallel_loop3A_599] : memref<31776xf32, #tpu.memory_space<vmem>>[vector<16xi32>], vector<16xf32>,
        %parallel_loop3A_601 = arith.constant 16 : i32
        %parallel_loop3A_602 = arith.muli %parallel_loop3A_566, %parallel_loop3A_601 : i32
        %parallel_loop3A_603 = arith.constant 0 : i32
        %parallel_loop3A_604 = arith.constant 2 : i32
        %parallel_loop3A_605 = arith.index_cast %parallel_loop3A_603 : i32 to index
        %parallel_loop3A_606 = arith.index_cast %parallel_loop3A_604 : i32 to index
        %parallel_loop3A_607 = arith.index_cast %parallel_loop3A_602 : i32 to index
        %parallel_loop3A_608 = tpu.vector_load %arg9[%parallel_loop3A_605, %parallel_loop3A_606, %parallel_loop3A_607] {strides = array<i32>} : memref<4x8x1025xf32, #tpu.memory_space<vmem>>, vector<16xf32>,
        tpu.vector_store %arg9[%parallel_loop3A_605, %parallel_loop3A_606, %parallel_loop3A_607], %parallel_loop3A_600 {strides = array<i32>} : memref<4x8x1025xf32, #tpu.memory_space<vmem>>, vector<16xf32>,
        %parallel_loop3A_609 = arith.constant 11916 : i32
        %parallel_loop3A_610 = vector.broadcast %parallel_loop3A_609 : i32 to vector<16xi32>
        %parallel_loop3A_611 = arith.addi %parallel_loop3A_572, %parallel_loop3A_610 : vector<16xi32>
        %parallel_loop3A_612 = tpu.vector_load_idx %arg5[%parallel_loop3A_611] : memref<31776xf32, #tpu.memory_space<vmem>>[vector<16xi32>], vector<16xf32>,
        %parallel_loop3A_613 = arith.constant 16 : i32
        %parallel_loop3A_614 = arith.muli %parallel_loop3A_566, %parallel_loop3A_613 : i32
        %parallel_loop3A_615 = arith.constant 0 : i32
        %parallel_loop3A_616 = arith.constant 3 : i32
        %parallel_loop3A_617 = arith.index_cast %parallel_loop3A_615 : i32 to index
        %parallel_loop3A_618 = arith.index_cast %parallel_loop3A_616 : i32 to index
        %parallel_loop3A_619 = arith.index_cast %parallel_loop3A_614 : i32 to index
        %parallel_loop3A_620 = tpu.vector_load %arg9[%parallel_loop3A_617, %parallel_loop3A_618, %parallel_loop3A_619] {strides = array<i32>} : memref<4x8x1025xf32, #tpu.memory_space<vmem>>, vector<16xf32>,
        tpu.vector_store %arg9[%parallel_loop3A_617, %parallel_loop3A_618, %parallel_loop3A_619], %parallel_loop3A_612 {strides = array<i32>} : memref<4x8x1025xf32, #tpu.memory_space<vmem>>, vector<16xf32>,
        %parallel_loop3A_621 = arith.constant 15888 : i32
        %parallel_loop3A_622 = vector.broadcast %parallel_loop3A_621 : i32 to vector<16xi32>
        %parallel_loop3A_623 = arith.addi %parallel_loop3A_572, %parallel_loop3A_622 : vector<16xi32>
        %parallel_loop3A_624 = tpu.vector_load_idx %arg5[%parallel_loop3A_623] : memref<31776xf32, #tpu.memory_space<vmem>>[vector<16xi32>], vector<16xf32>,
        %parallel_loop3A_625 = arith.constant 16 : i32
        %parallel_loop3A_626 = arith.muli %parallel_loop3A_566, %parallel_loop3A_625 : i32
        %parallel_loop3A_627 = arith.constant 0 : i32
        %parallel_loop3A_628 = arith.constant 4 : i32
        %parallel_loop3A_629 = arith.index_cast %parallel_loop3A_627 : i32 to index
        %parallel_loop3A_630 = arith.index_cast %parallel_loop3A_628 : i32 to index
        %parallel_loop3A_631 = arith.index_cast %parallel_loop3A_626 : i32 to index
        %parallel_loop3A_632 = tpu.vector_load %arg9[%parallel_loop3A_629, %parallel_loop3A_630, %parallel_loop3A_631] {strides = array<i32>} : memref<4x8x1025xf32, #tpu.memory_space<vmem>>, vector<16xf32>,
        tpu.vector_store %arg9[%parallel_loop3A_629, %parallel_loop3A_630, %parallel_loop3A_631], %parallel_loop3A_624 {strides = array<i32>} : memref<4x8x1025xf32, #tpu.memory_space<vmem>>, vector<16xf32>,
        %parallel_loop3A_633 = arith.constant 19860 : i32
        %parallel_loop3A_634 = vector.broadcast %parallel_loop3A_633 : i32 to vector<16xi32>
        %parallel_loop3A_635 = arith.addi %parallel_loop3A_572, %parallel_loop3A_634 : vector<16xi32>
        %parallel_loop3A_636 = tpu.vector_load_idx %arg5[%parallel_loop3A_635] : memref<31776xf32, #tpu.memory_space<vmem>>[vector<16xi32>], vector<16xf32>,
        %parallel_loop3A_637 = arith.constant 16 : i32
        %parallel_loop3A_638 = arith.muli %parallel_loop3A_566, %parallel_loop3A_637 : i32
        %parallel_loop3A_639 = arith.constant 0 : i32
        %parallel_loop3A_640 = arith.constant 5 : i32
        %parallel_loop3A_641 = arith.index_cast %parallel_loop3A_639 : i32 to index
        %parallel_loop3A_642 = arith.index_cast %parallel_loop3A_640 : i32 to index
        %parallel_loop3A_643 = arith.index_cast %parallel_loop3A_638 : i32 to index
        %parallel_loop3A_644 = tpu.vector_load %arg9[%parallel_loop3A_641, %parallel_loop3A_642, %parallel_loop3A_643] {strides = array<i32>} : memref<4x8x1025xf32, #tpu.memory_space<vmem>>, vector<16xf32>,
        tpu.vector_store %arg9[%parallel_loop3A_641, %parallel_loop3A_642, %parallel_loop3A_643], %parallel_loop3A_636 {strides = array<i32>} : memref<4x8x1025xf32, #tpu.memory_space<vmem>>, vector<16xf32>,
        %parallel_loop3A_645 = arith.constant 23832 : i32
        %parallel_loop3A_646 = vector.broadcast %parallel_loop3A_645 : i32 to vector<16xi32>
        %parallel_loop3A_647 = arith.addi %parallel_loop3A_572, %parallel_loop3A_646 : vector<16xi32>
        %parallel_loop3A_648 = tpu.vector_load_idx %arg5[%parallel_loop3A_647] : memref<31776xf32, #tpu.memory_space<vmem>>[vector<16xi32>], vector<16xf32>,
        %parallel_loop3A_649 = arith.constant 16 : i32
        %parallel_loop3A_650 = arith.muli %parallel_loop3A_566, %parallel_loop3A_649 : i32
        %parallel_loop3A_651 = arith.constant 0 : i32
        %parallel_loop3A_652 = arith.constant 6 : i32
        %parallel_loop3A_653 = arith.index_cast %parallel_loop3A_651 : i32 to index
        %parallel_loop3A_654 = arith.index_cast %parallel_loop3A_652 : i32 to index
        %parallel_loop3A_655 = arith.index_cast %parallel_loop3A_650 : i32 to index
        %parallel_loop3A_656 = tpu.vector_load %arg9[%parallel_loop3A_653, %parallel_loop3A_654, %parallel_loop3A_655] {strides = array<i32>} : memref<4x8x1025xf32, #tpu.memory_space<vmem>>, vector<16xf32>,
        tpu.vector_store %arg9[%parallel_loop3A_653, %parallel_loop3A_654, %parallel_loop3A_655], %parallel_loop3A_648 {strides = array<i32>} : memref<4x8x1025xf32, #tpu.memory_space<vmem>>, vector<16xf32>,
        %parallel_loop3A_657 = arith.constant 27804 : i32
        %parallel_loop3A_658 = vector.broadcast %parallel_loop3A_657 : i32 to vector<16xi32>
        %parallel_loop3A_659 = arith.addi %parallel_loop3A_572, %parallel_loop3A_658 : vector<16xi32>
        %parallel_loop3A_660 = tpu.vector_load_idx %arg5[%parallel_loop3A_659] : memref<31776xf32, #tpu.memory_space<vmem>>[vector<16xi32>], vector<16xf32>,
        %parallel_loop3A_661 = arith.constant 16 : i32
        %parallel_loop3A_662 = arith.muli %parallel_loop3A_566, %parallel_loop3A_661 : i32
        %parallel_loop3A_663 = arith.constant 0 : i32
        %parallel_loop3A_664 = arith.constant 7 : i32
        %parallel_loop3A_665 = arith.index_cast %parallel_loop3A_663 : i32 to index
        %parallel_loop3A_666 = arith.index_cast %parallel_loop3A_664 : i32 to index
        %parallel_loop3A_667 = arith.index_cast %parallel_loop3A_662 : i32 to index
        %parallel_loop3A_668 = tpu.vector_load %arg9[%parallel_loop3A_665, %parallel_loop3A_666, %parallel_loop3A_667] {strides = array<i32>} : memref<4x8x1025xf32, #tpu.memory_space<vmem>>, vector<16xf32>,
        tpu.vector_store %arg9[%parallel_loop3A_665, %parallel_loop3A_666, %parallel_loop3A_667], %parallel_loop3A_660 {strides = array<i32>} : memref<4x8x1025xf32, #tpu.memory_space<vmem>>, vector<16xf32>,
      } {sc.loop_unroll_factor = 8 : i64, sc.parallel_access}
      %get3A_340 = arith.constant 1024 : index
      %get3A_341 = tpu.vector_load %arg7[%get3A_340] {strides = array<i32>} : memref<4160xi32, #tpu.memory_space<vmem>>, vector<16xi32>,
      %broadcast_in_dim3A_342 = arith.constant 0 : i32
      %broadcast_in_dim3A_343 = vector.broadcast %broadcast_in_dim3A_342 : i32 to vector<16xi32>
      %add3A_344 = arith.constant 0 : i32
      %add3A_345 = vector.broadcast %add3A_344 : i32 to vector<16xi32>
      %add3A_346 = arith.addi %get3A_341, %add3A_345 : vector<16xi32>
      %gather3A_347 = tpu.vector_load_idx %arg5[%add3A_346] : memref<31776xf32, #tpu.memory_space<vmem>>[vector<16xi32>], vector<16xf32>,
      %broadcast_in_dim3A_348 = arith.constant 0 : i32
      %broadcast_in_dim3A_349 = vector.broadcast %broadcast_in_dim3A_348 : i32 to vector<16xi32>
      tpu.vector_store_idx %arg9[%broadcast_in_dim3A_343, %broadcast_in_dim3A_349, %broadcast_in_dim3A_35], %gather3A_347 masked %lt3A_38 : memref<4x8x1025xf32, #tpu.memory_space<vmem>>[vector<16xi32>, vector<16xi32>, vector<16xi32>], vector<16xf32>, vector<16xi1>
      %add3A_350 = arith.constant 3972 : i32
      %add3A_351 = vector.broadcast %add3A_350 : i32 to vector<16xi32>
      %add3A_352 = arith.addi %get3A_341, %add3A_351 : vector<16xi32>
      %gather3A_353 = tpu.vector_load_idx %arg5[%add3A_352] : memref<31776xf32, #tpu.memory_space<vmem>>[vector<16xi32>], vector<16xf32>,
      %broadcast_in_dim3A_354 = arith.constant 1 : i32
      %broadcast_in_dim3A_355 = vector.broadcast %broadcast_in_dim3A_354 : i32 to vector<16xi32>
      tpu.vector_store_idx %arg9[%broadcast_in_dim3A_343, %broadcast_in_dim3A_355, %broadcast_in_dim3A_35], %gather3A_353 masked %lt3A_38 : memref<4x8x1025xf32, #tpu.memory_space<vmem>>[vector<16xi32>, vector<16xi32>, vector<16xi32>], vector<16xf32>, vector<16xi1>
      %add3A_356 = arith.constant 7944 : i32
      %add3A_357 = vector.broadcast %add3A_356 : i32 to vector<16xi32>
      %add3A_358 = arith.addi %get3A_341, %add3A_357 : vector<16xi32>
      %gather3A_359 = tpu.vector_load_idx %arg5[%add3A_358] : memref<31776xf32, #tpu.memory_space<vmem>>[vector<16xi32>], vector<16xf32>,
      %broadcast_in_dim3A_360 = arith.constant 2 : i32
      %broadcast_in_dim3A_361 = vector.broadcast %broadcast_in_dim3A_360 : i32 to vector<16xi32>
      tpu.vector_store_idx %arg9[%broadcast_in_dim3A_343, %broadcast_in_dim3A_361, %broadcast_in_dim3A_35], %gather3A_359 masked %lt3A_38 : memref<4x8x1025xf32, #tpu.memory_space<vmem>>[vector<16xi32>, vector<16xi32>, vector<16xi32>], vector<16xf32>, vector<16xi1>
      %add3A_362 = arith.constant 11916 : i32
      %add3A_363 = vector.broadcast %add3A_362 : i32 to vector<16xi32>
      %add3A_364 = arith.addi %get3A_341, %add3A_363 : vector<16xi32>
      %gather3A_365 = tpu.vector_load_idx %arg5[%add3A_364] : memref<31776xf32, #tpu.memory_space<vmem>>[vector<16xi32>], vector<16xf32>,
      %broadcast_in_dim3A_366 = arith.constant 3 : i32
      %broadcast_in_dim3A_367 = vector.broadcast %broadcast_in_dim3A_366 : i32 to vector<16xi32>
      tpu.vector_store_idx %arg9[%broadcast_in_dim3A_343, %broadcast_in_dim3A_367, %broadcast_in_dim3A_35], %gather3A_365 masked %lt3A_38 : memref<4x8x1025xf32, #tpu.memory_space<vmem>>[vector<16xi32>, vector<16xi32>, vector<16xi32>], vector<16xf32>, vector<16xi1>
      %add3A_368 = arith.constant 15888 : i32
      %add3A_369 = vector.broadcast %add3A_368 : i32 to vector<16xi32>
      %add3A_370 = arith.addi %get3A_341, %add3A_369 : vector<16xi32>
      %gather3A_371 = tpu.vector_load_idx %arg5[%add3A_370] : memref<31776xf32, #tpu.memory_space<vmem>>[vector<16xi32>], vector<16xf32>,
      %broadcast_in_dim3A_372 = arith.constant 4 : i32
      %broadcast_in_dim3A_373 = vector.broadcast %broadcast_in_dim3A_372 : i32 to vector<16xi32>
      tpu.vector_store_idx %arg9[%broadcast_in_dim3A_343, %broadcast_in_dim3A_373, %broadcast_in_dim3A_35], %gather3A_371 masked %lt3A_38 : memref<4x8x1025xf32, #tpu.memory_space<vmem>>[vector<16xi32>, vector<16xi32>, vector<16xi32>], vector<16xf32>, vector<16xi1>
      %add3A_374 = arith.constant 19860 : i32
      %add3A_375 = vector.broadcast %add3A_374 : i32 to vector<16xi32>
      %add3A_376 = arith.addi %get3A_341, %add3A_375 : vector<16xi32>
      %gather3A_377 = tpu.vector_load_idx %arg5[%add3A_376] : memref<31776xf32, #tpu.memory_space<vmem>>[vector<16xi32>], vector<16xf32>,
      %broadcast_in_dim3A_378 = arith.constant 5 : i32
      %broadcast_in_dim3A_379 = vector.broadcast %broadcast_in_dim3A_378 : i32 to vector<16xi32>
      tpu.vector_store_idx %arg9[%broadcast_in_dim3A_343, %broadcast_in_dim3A_379, %broadcast_in_dim3A_35], %gather3A_377 masked %lt3A_38 : memref<4x8x1025xf32, #tpu.memory_space<vmem>>[vector<16xi32>, vector<16xi32>, vector<16xi32>], vector<16xf32>, vector<16xi1>
      %add3A_380 = arith.constant 23832 : i32
      %add3A_381 = vector.broadcast %add3A_380 : i32 to vector<16xi32>
      %add3A_382 = arith.addi %get3A_341, %add3A_381 : vector<16xi32>
      %gather3A_383 = tpu.vector_load_idx %arg5[%add3A_382] : memref<31776xf32, #tpu.memory_space<vmem>>[vector<16xi32>], vector<16xf32>,
      %broadcast_in_dim3A_384 = arith.constant 6 : i32
      %broadcast_in_dim3A_385 = vector.broadcast %broadcast_in_dim3A_384 : i32 to vector<16xi32>
      tpu.vector_store_idx %arg9[%broadcast_in_dim3A_343, %broadcast_in_dim3A_385, %broadcast_in_dim3A_35], %gather3A_383 masked %lt3A_38 : memref<4x8x1025xf32, #tpu.memory_space<vmem>>[vector<16xi32>, vector<16xi32>, vector<16xi32>], vector<16xf32>, vector<16xi1>
      %add3A_386 = arith.constant 27804 : i32
      %add3A_387 = vector.broadcast %add3A_386 : i32 to vector<16xi32>
      %add3A_388 = arith.addi %get3A_341, %add3A_387 : vector<16xi32>
      %gather3A_389 = tpu.vector_load_idx %arg5[%add3A_388] : memref<31776xf32, #tpu.memory_space<vmem>>[vector<16xi32>], vector<16xf32>,
      %broadcast_in_dim3A_390 = arith.constant 7 : i32
      %broadcast_in_dim3A_391 = vector.broadcast %broadcast_in_dim3A_390 : i32 to vector<16xi32>
      tpu.vector_store_idx %arg9[%broadcast_in_dim3A_343, %broadcast_in_dim3A_391, %broadcast_in_dim3A_35], %gather3A_389 masked %lt3A_38 : memref<4x8x1025xf32, #tpu.memory_space<vmem>>[vector<16xi32>, vector<16xi32>, vector<16xi32>], vector<16xf32>, vector<16xi1>
      %parallel_loop3A_392 = arith.constant 0 : i32
      %parallel_loop3A_393 = arith.constant 64 : i32
      %parallel_loop3A_394 = arith.constant 1 : i32
      scf.for %parallel_loop3A_566 = %parallel_loop3A_392 to %parallel_loop3A_393 step %parallel_loop3A_394  : i32 {
        %parallel_loop3A_567 = arith.constant 16 : i32
        %parallel_loop3A_568 = arith.muli %parallel_loop3A_566, %parallel_loop3A_567 : i32
        %parallel_loop3A_569 = arith.constant 1040 : i32
        %parallel_loop3A_570 = arith.addi %parallel_loop3A_569, %parallel_loop3A_568 : i32
        %parallel_loop3A_571 = arith.index_cast %parallel_loop3A_570 : i32 to index
        %parallel_loop3A_572 = tpu.vector_load %arg7[%parallel_loop3A_571] {strides = array<i32>} : memref<4160xi32, #tpu.memory_space<vmem>>, vector<16xi32>,
        %parallel_loop3A_573 = arith.constant 0 : i32
        %parallel_loop3A_574 = vector.broadcast %parallel_loop3A_573 : i32 to vector<16xi32>
        %parallel_loop3A_575 = arith.addi %parallel_loop3A_572, %parallel_loop3A_574 : vector<16xi32>
        %parallel_loop3A_576 = tpu.vector_load_idx %arg5[%parallel_loop3A_575] : memref<31776xf32, #tpu.memory_space<vmem>>[vector<16xi32>], vector<16xf32>,
        %parallel_loop3A_577 = arith.constant 16 : i32
        %parallel_loop3A_578 = arith.muli %parallel_loop3A_566, %parallel_loop3A_577 : i32
        %parallel_loop3A_579 = arith.constant 1 : i32
        %parallel_loop3A_580 = arith.constant 0 : i32
        %parallel_loop3A_581 = arith.index_cast %parallel_loop3A_579 : i32 to index
        %parallel_loop3A_582 = arith.index_cast %parallel_loop3A_580 : i32 to index
        %parallel_loop3A_583 = arith.index_cast %parallel_loop3A_578 : i32 to index
        %parallel_loop3A_584 = tpu.vector_load %arg9[%parallel_loop3A_581, %parallel_loop3A_582, %parallel_loop3A_583] {strides = array<i32>} : memref<4x8x1025xf32, #tpu.memory_space<vmem>>, vector<16xf32>,
        tpu.vector_store %arg9[%parallel_loop3A_581, %parallel_loop3A_582, %parallel_loop3A_583], %parallel_loop3A_576 {strides = array<i32>} : memref<4x8x1025xf32, #tpu.memory_space<vmem>>, vector<16xf32>,
        %parallel_loop3A_585 = arith.constant 3972 : i32
        %parallel_loop3A_586 = vector.broadcast %parallel_loop3A_585 : i32 to vector<16xi32>
        %parallel_loop3A_587 = arith.addi %parallel_loop3A_572, %parallel_loop3A_586 : vector<16xi32>
        %parallel_loop3A_588 = tpu.vector_load_idx %arg5[%parallel_loop3A_587] : memref<31776xf32, #tpu.memory_space<vmem>>[vector<16xi32>], vector<16xf32>,
        %parallel_loop3A_589 = arith.constant 16 : i32
        %parallel_loop3A_590 = arith.muli %parallel_loop3A_566, %parallel_loop3A_589 : i32
        %parallel_loop3A_591 = arith.constant 1 : i32
        %parallel_loop3A_592 = arith.constant 1 : i32
        %parallel_loop3A_593 = arith.index_cast %parallel_loop3A_591 : i32 to index
        %parallel_loop3A_594 = arith.index_cast %parallel_loop3A_592 : i32 to index
        %parallel_loop3A_595 = arith.index_cast %parallel_loop3A_590 : i32 to index
        %parallel_loop3A_596 = tpu.vector_load %arg9[%parallel_loop3A_593, %parallel_loop3A_594, %parallel_loop3A_595] {strides = array<i32>} : memref<4x8x1025xf32, #tpu.memory_space<vmem>>, vector<16xf32>,
        tpu.vector_store %arg9[%parallel_loop3A_593, %parallel_loop3A_594, %parallel_loop3A_595], %parallel_loop3A_588 {strides = array<i32>} : memref<4x8x1025xf32, #tpu.memory_space<vmem>>, vector<16xf32>,
        %parallel_loop3A_597 = arith.constant 7944 : i32
        %parallel_loop3A_598 = vector.broadcast %parallel_loop3A_597 : i32 to vector<16xi32>
        %parallel_loop3A_599 = arith.addi %parallel_loop3A_572, %parallel_loop3A_598 : vector<16xi32>
        %parallel_loop3A_600 = tpu.vector_load_idx %arg5[%parallel_loop3A_599] : memref<31776xf32, #tpu.memory_space<vmem>>[vector<16xi32>], vector<16xf32>,
        %parallel_loop3A_601 = arith.constant 16 : i32
        %parallel_loop3A_602 = arith.muli %parallel_loop3A_566, %parallel_loop3A_601 : i32
        %parallel_loop3A_603 = arith.constant 1 : i32
        %parallel_loop3A_604 = arith.constant 2 : i32
        %parallel_loop3A_605 = arith.index_cast %parallel_loop3A_603 : i32 to index
        %parallel_loop3A_606 = arith.index_cast %parallel_loop3A_604 : i32 to index
        %parallel_loop3A_607 = arith.index_cast %parallel_loop3A_602 : i32 to index
        %parallel_loop3A_608 = tpu.vector_load %arg9[%parallel_loop3A_605, %parallel_loop3A_606, %parallel_loop3A_607] {strides = array<i32>} : memref<4x8x1025xf32, #tpu.memory_space<vmem>>, vector<16xf32>,
        tpu.vector_store %arg9[%parallel_loop3A_605, %parallel_loop3A_606, %parallel_loop3A_607], %parallel_loop3A_600 {strides = array<i32>} : memref<4x8x1025xf32, #tpu.memory_space<vmem>>, vector<16xf32>,
        %parallel_loop3A_609 = arith.constant 11916 : i32
        %parallel_loop3A_610 = vector.broadcast %parallel_loop3A_609 : i32 to vector<16xi32>
        %parallel_loop3A_611 = arith.addi %parallel_loop3A_572, %parallel_loop3A_610 : vector<16xi32>
        %parallel_loop3A_612 = tpu.vector_load_idx %arg5[%parallel_loop3A_611] : memref<31776xf32, #tpu.memory_space<vmem>>[vector<16xi32>], vector<16xf32>,
        %parallel_loop3A_613 = arith.constant 16 : i32
        %parallel_loop3A_614 = arith.muli %parallel_loop3A_566, %parallel_loop3A_613 : i32
        %parallel_loop3A_615 = arith.constant 1 : i32
        %parallel_loop3A_616 = arith.constant 3 : i32
        %parallel_loop3A_617 = arith.index_cast %parallel_loop3A_615 : i32 to index
        %parallel_loop3A_618 = arith.index_cast %parallel_loop3A_616 : i32 to index
        %parallel_loop3A_619 = arith.index_cast %parallel_loop3A_614 : i32 to index
        %parallel_loop3A_620 = tpu.vector_load %arg9[%parallel_loop3A_617, %parallel_loop3A_618, %parallel_loop3A_619] {strides = array<i32>} : memref<4x8x1025xf32, #tpu.memory_space<vmem>>, vector<16xf32>,
        tpu.vector_store %arg9[%parallel_loop3A_617, %parallel_loop3A_618, %parallel_loop3A_619], %parallel_loop3A_612 {strides = array<i32>} : memref<4x8x1025xf32, #tpu.memory_space<vmem>>, vector<16xf32>,
        %parallel_loop3A_621 = arith.constant 15888 : i32
        %parallel_loop3A_622 = vector.broadcast %parallel_loop3A_621 : i32 to vector<16xi32>
        %parallel_loop3A_623 = arith.addi %parallel_loop3A_572, %parallel_loop3A_622 : vector<16xi32>
        %parallel_loop3A_624 = tpu.vector_load_idx %arg5[%parallel_loop3A_623] : memref<31776xf32, #tpu.memory_space<vmem>>[vector<16xi32>], vector<16xf32>,
        %parallel_loop3A_625 = arith.constant 16 : i32
        %parallel_loop3A_626 = arith.muli %parallel_loop3A_566, %parallel_loop3A_625 : i32
        %parallel_loop3A_627 = arith.constant 1 : i32
        %parallel_loop3A_628 = arith.constant 4 : i32
        %parallel_loop3A_629 = arith.index_cast %parallel_loop3A_627 : i32 to index
        %parallel_loop3A_630 = arith.index_cast %parallel_loop3A_628 : i32 to index
        %parallel_loop3A_631 = arith.index_cast %parallel_loop3A_626 : i32 to index
        %parallel_loop3A_632 = tpu.vector_load %arg9[%parallel_loop3A_629, %parallel_loop3A_630, %parallel_loop3A_631] {strides = array<i32>} : memref<4x8x1025xf32, #tpu.memory_space<vmem>>, vector<16xf32>,
        tpu.vector_store %arg9[%parallel_loop3A_629, %parallel_loop3A_630, %parallel_loop3A_631], %parallel_loop3A_624 {strides = array<i32>} : memref<4x8x1025xf32, #tpu.memory_space<vmem>>, vector<16xf32>,
        %parallel_loop3A_633 = arith.constant 19860 : i32
        %parallel_loop3A_634 = vector.broadcast %parallel_loop3A_633 : i32 to vector<16xi32>
        %parallel_loop3A_635 = arith.addi %parallel_loop3A_572, %parallel_loop3A_634 : vector<16xi32>
        %parallel_loop3A_636 = tpu.vector_load_idx %arg5[%parallel_loop3A_635] : memref<31776xf32, #tpu.memory_space<vmem>>[vector<16xi32>], vector<16xf32>,
        %parallel_loop3A_637 = arith.constant 16 : i32
        %parallel_loop3A_638 = arith.muli %parallel_loop3A_566, %parallel_loop3A_637 : i32
        %parallel_loop3A_639 = arith.constant 1 : i32
        %parallel_loop3A_640 = arith.constant 5 : i32
        %parallel_loop3A_641 = arith.index_cast %parallel_loop3A_639 : i32 to index
        %parallel_loop3A_642 = arith.index_cast %parallel_loop3A_640 : i32 to index
        %parallel_loop3A_643 = arith.index_cast %parallel_loop3A_638 : i32 to index
        %parallel_loop3A_644 = tpu.vector_load %arg9[%parallel_loop3A_641, %parallel_loop3A_642, %parallel_loop3A_643] {strides = array<i32>} : memref<4x8x1025xf32, #tpu.memory_space<vmem>>, vector<16xf32>,
        tpu.vector_store %arg9[%parallel_loop3A_641, %parallel_loop3A_642, %parallel_loop3A_643], %parallel_loop3A_636 {strides = array<i32>} : memref<4x8x1025xf32, #tpu.memory_space<vmem>>, vector<16xf32>,
        %parallel_loop3A_645 = arith.constant 23832 : i32
        %parallel_loop3A_646 = vector.broadcast %parallel_loop3A_645 : i32 to vector<16xi32>
        %parallel_loop3A_647 = arith.addi %parallel_loop3A_572, %parallel_loop3A_646 : vector<16xi32>
        %parallel_loop3A_648 = tpu.vector_load_idx %arg5[%parallel_loop3A_647] : memref<31776xf32, #tpu.memory_space<vmem>>[vector<16xi32>], vector<16xf32>,
        %parallel_loop3A_649 = arith.constant 16 : i32
        %parallel_loop3A_650 = arith.muli %parallel_loop3A_566, %parallel_loop3A_649 : i32
        %parallel_loop3A_651 = arith.constant 1 : i32
        %parallel_loop3A_652 = arith.constant 6 : i32
        %parallel_loop3A_653 = arith.index_cast %parallel_loop3A_651 : i32 to index
        %parallel_loop3A_654 = arith.index_cast %parallel_loop3A_652 : i32 to index
        %parallel_loop3A_655 = arith.index_cast %parallel_loop3A_650 : i32 to index
        %parallel_loop3A_656 = tpu.vector_load %arg9[%parallel_loop3A_653, %parallel_loop3A_654, %parallel_loop3A_655] {strides = array<i32>} : memref<4x8x1025xf32, #tpu.memory_space<vmem>>, vector<16xf32>,
        tpu.vector_store %arg9[%parallel_loop3A_653, %parallel_loop3A_654, %parallel_loop3A_655], %parallel_loop3A_648 {strides = array<i32>} : memref<4x8x1025xf32, #tpu.memory_space<vmem>>, vector<16xf32>,
        %parallel_loop3A_657 = arith.constant 27804 : i32
        %parallel_loop3A_658 = vector.broadcast %parallel_loop3A_657 : i32 to vector<16xi32>
        %parallel_loop3A_659 = arith.addi %parallel_loop3A_572, %parallel_loop3A_658 : vector<16xi32>
        %parallel_loop3A_660 = tpu.vector_load_idx %arg5[%parallel_loop3A_659] : memref<31776xf32, #tpu.memory_space<vmem>>[vector<16xi32>], vector<16xf32>,
        %parallel_loop3A_661 = arith.constant 16 : i32
        %parallel_loop3A_662 = arith.muli %parallel_loop3A_566, %parallel_loop3A_661 : i32
        %parallel_loop3A_663 = arith.constant 1 : i32
        %parallel_loop3A_664 = arith.constant 7 : i32
        %parallel_loop3A_665 = arith.index_cast %parallel_loop3A_663 : i32 to index
        %parallel_loop3A_666 = arith.index_cast %parallel_loop3A_664 : i32 to index
        %parallel_loop3A_667 = arith.index_cast %parallel_loop3A_662 : i32 to index
        %parallel_loop3A_668 = tpu.vector_load %arg9[%parallel_loop3A_665, %parallel_loop3A_666, %parallel_loop3A_667] {strides = array<i32>} : memref<4x8x1025xf32, #tpu.memory_space<vmem>>, vector<16xf32>,
        tpu.vector_store %arg9[%parallel_loop3A_665, %parallel_loop3A_666, %parallel_loop3A_667], %parallel_loop3A_660 {strides = array<i32>} : memref<4x8x1025xf32, #tpu.memory_space<vmem>>, vector<16xf32>,
      } {sc.loop_unroll_factor = 8 : i64, sc.parallel_access}
      %get3A_395 = arith.constant 2064 : index
      %get3A_396 = tpu.vector_load %arg7[%get3A_395] {strides = array<i32>} : memref<4160xi32, #tpu.memory_space<vmem>>, vector<16xi32>,
      %broadcast_in_dim3A_397 = arith.constant 1 : i32
      %broadcast_in_dim3A_398 = vector.broadcast %broadcast_in_dim3A_397 : i32 to vector<16xi32>
      %add3A_399 = arith.constant 0 : i32
      %add3A_400 = vector.broadcast %add3A_399 : i32 to vector<16xi32>
      %add3A_401 = arith.addi %get3A_396, %add3A_400 : vector<16xi32>
      %gather3A_402 = tpu.vector_load_idx %arg5[%add3A_401] : memref<31776xf32, #tpu.memory_space<vmem>>[vector<16xi32>], vector<16xf32>,
      %broadcast_in_dim3A_403 = arith.constant 0 : i32
      %broadcast_in_dim3A_404 = vector.broadcast %broadcast_in_dim3A_403 : i32 to vector<16xi32>
      tpu.vector_store_idx %arg9[%broadcast_in_dim3A_398, %broadcast_in_dim3A_404, %broadcast_in_dim3A_35], %gather3A_402 masked %lt3A_38 : memref<4x8x1025xf32, #tpu.memory_space<vmem>>[vector<16xi32>, vector<16xi32>, vector<16xi32>], vector<16xf32>, vector<16xi1>
      %add3A_405 = arith.constant 3972 : i32
      %add3A_406 = vector.broadcast %add3A_405 : i32 to vector<16xi32>
      %add3A_407 = arith.addi %get3A_396, %add3A_406 : vector<16xi32>
      %gather3A_408 = tpu.vector_load_idx %arg5[%add3A_407] : memref<31776xf32, #tpu.memory_space<vmem>>[vector<16xi32>], vector<16xf32>,
      %broadcast_in_dim3A_409 = arith.constant 1 : i32
      %broadcast_in_dim3A_410 = vector.broadcast %broadcast_in_dim3A_409 : i32 to vector<16xi32>
      tpu.vector_store_idx %arg9[%broadcast_in_dim3A_398, %broadcast_in_dim3A_410, %broadcast_in_dim3A_35], %gather3A_408 masked %lt3A_38 : memref<4x8x1025xf32, #tpu.memory_space<vmem>>[vector<16xi32>, vector<16xi32>, vector<16xi32>], vector<16xf32>, vector<16xi1>
      %add3A_411 = arith.constant 7944 : i32
      %add3A_412 = vector.broadcast %add3A_411 : i32 to vector<16xi32>
      %add3A_413 = arith.addi %get3A_396, %add3A_412 : vector<16xi32>
      %gather3A_414 = tpu.vector_load_idx %arg5[%add3A_413] : memref<31776xf32, #tpu.memory_space<vmem>>[vector<16xi32>], vector<16xf32>,
      %broadcast_in_dim3A_415 = arith.constant 2 : i32
      %broadcast_in_dim3A_416 = vector.broadcast %broadcast_in_dim3A_415 : i32 to vector<16xi32>
      tpu.vector_store_idx %arg9[%broadcast_in_dim3A_398, %broadcast_in_dim3A_416, %broadcast_in_dim3A_35], %gather3A_414 masked %lt3A_38 : memref<4x8x1025xf32, #tpu.memory_space<vmem>>[vector<16xi32>, vector<16xi32>, vector<16xi32>], vector<16xf32>, vector<16xi1>
      %add3A_417 = arith.constant 11916 : i32
      %add3A_418 = vector.broadcast %add3A_417 : i32 to vector<16xi32>
      %add3A_419 = arith.addi %get3A_396, %add3A_418 : vector<16xi32>
      %gather3A_420 = tpu.vector_load_idx %arg5[%add3A_419] : memref<31776xf32, #tpu.memory_space<vmem>>[vector<16xi32>], vector<16xf32>,
      %broadcast_in_dim3A_421 = arith.constant 3 : i32
      %broadcast_in_dim3A_422 = vector.broadcast %broadcast_in_dim3A_421 : i32 to vector<16xi32>
      tpu.vector_store_idx %arg9[%broadcast_in_dim3A_398, %broadcast_in_dim3A_422, %broadcast_in_dim3A_35], %gather3A_420 masked %lt3A_38 : memref<4x8x1025xf32, #tpu.memory_space<vmem>>[vector<16xi32>, vector<16xi32>, vector<16xi32>], vector<16xf32>, vector<16xi1>
      %add3A_423 = arith.constant 15888 : i32
      %add3A_424 = vector.broadcast %add3A_423 : i32 to vector<16xi32>
      %add3A_425 = arith.addi %get3A_396, %add3A_424 : vector<16xi32>
      %gather3A_426 = tpu.vector_load_idx %arg5[%add3A_425] : memref<31776xf32, #tpu.memory_space<vmem>>[vector<16xi32>], vector<16xf32>,
      %broadcast_in_dim3A_427 = arith.constant 4 : i32
      %broadcast_in_dim3A_428 = vector.broadcast %broadcast_in_dim3A_427 : i32 to vector<16xi32>
      tpu.vector_store_idx %arg9[%broadcast_in_dim3A_398, %broadcast_in_dim3A_428, %broadcast_in_dim3A_35], %gather3A_426 masked %lt3A_38 : memref<4x8x1025xf32, #tpu.memory_space<vmem>>[vector<16xi32>, vector<16xi32>, vector<16xi32>], vector<16xf32>, vector<16xi1>
      %add3A_429 = arith.constant 19860 : i32
      %add3A_430 = vector.broadcast %add3A_429 : i32 to vector<16xi32>
      %add3A_431 = arith.addi %get3A_396, %add3A_430 : vector<16xi32>
      %gather3A_432 = tpu.vector_load_idx %arg5[%add3A_431] : memref<31776xf32, #tpu.memory_space<vmem>>[vector<16xi32>], vector<16xf32>,
      %broadcast_in_dim3A_433 = arith.constant 5 : i32
      %broadcast_in_dim3A_434 = vector.broadcast %broadcast_in_dim3A_433 : i32 to vector<16xi32>
      tpu.vector_store_idx %arg9[%broadcast_in_dim3A_398, %broadcast_in_dim3A_434, %broadcast_in_dim3A_35], %gather3A_432 masked %lt3A_38 : memref<4x8x1025xf32, #tpu.memory_space<vmem>>[vector<16xi32>, vector<16xi32>, vector<16xi32>], vector<16xf32>, vector<16xi1>
      %add3A_435 = arith.constant 23832 : i32
      %add3A_436 = vector.broadcast %add3A_435 : i32 to vector<16xi32>
      %add3A_437 = arith.addi %get3A_396, %add3A_436 : vector<16xi32>
      %gather3A_438 = tpu.vector_load_idx %arg5[%add3A_437] : memref<31776xf32, #tpu.memory_space<vmem>>[vector<16xi32>], vector<16xf32>,
      %broadcast_in_dim3A_439 = arith.constant 6 : i32
      %broadcast_in_dim3A_440 = vector.broadcast %broadcast_in_dim3A_439 : i32 to vector<16xi32>
      tpu.vector_store_idx %arg9[%broadcast_in_dim3A_398, %broadcast_in_dim3A_440, %broadcast_in_dim3A_35], %gather3A_438 masked %lt3A_38 : memref<4x8x1025xf32, #tpu.memory_space<vmem>>[vector<16xi32>, vector<16xi32>, vector<16xi32>], vector<16xf32>, vector<16xi1>
      %add3A_441 = arith.constant 27804 : i32
      %add3A_442 = vector.broadcast %add3A_441 : i32 to vector<16xi32>
      %add3A_443 = arith.addi %get3A_396, %add3A_442 : vector<16xi32>
      %gather3A_444 = tpu.vector_load_idx %arg5[%add3A_443] : memref<31776xf32, #tpu.memory_space<vmem>>[vector<16xi32>], vector<16xf32>,
      %broadcast_in_dim3A_445 = arith.constant 7 : i32
      %broadcast_in_dim3A_446 = vector.broadcast %broadcast_in_dim3A_445 : i32 to vector<16xi32>
      tpu.vector_store_idx %arg9[%broadcast_in_dim3A_398, %broadcast_in_dim3A_446, %broadcast_in_dim3A_35], %gather3A_444 masked %lt3A_38 : memref<4x8x1025xf32, #tpu.memory_space<vmem>>[vector<16xi32>, vector<16xi32>, vector<16xi32>], vector<16xf32>, vector<16xi1>
      %parallel_loop3A_447 = arith.constant 0 : i32
      %parallel_loop3A_448 = arith.constant 64 : i32
      %parallel_loop3A_449 = arith.constant 1 : i32
      scf.for %parallel_loop3A_566 = %parallel_loop3A_447 to %parallel_loop3A_448 step %parallel_loop3A_449  : i32 {
        %parallel_loop3A_567 = arith.constant 16 : i32
        %parallel_loop3A_568 = arith.muli %parallel_loop3A_566, %parallel_loop3A_567 : i32
        %parallel_loop3A_569 = arith.constant 2080 : i32
        %parallel_loop3A_570 = arith.addi %parallel_loop3A_569, %parallel_loop3A_568 : i32
        %parallel_loop3A_571 = arith.index_cast %parallel_loop3A_570 : i32 to index
        %parallel_loop3A_572 = tpu.vector_load %arg7[%parallel_loop3A_571] {strides = array<i32>} : memref<4160xi32, #tpu.memory_space<vmem>>, vector<16xi32>,
        %parallel_loop3A_573 = arith.constant 0 : i32
        %parallel_loop3A_574 = vector.broadcast %parallel_loop3A_573 : i32 to vector<16xi32>
        %parallel_loop3A_575 = arith.addi %parallel_loop3A_572, %parallel_loop3A_574 : vector<16xi32>
        %parallel_loop3A_576 = tpu.vector_load_idx %arg5[%parallel_loop3A_575] : memref<31776xf32, #tpu.memory_space<vmem>>[vector<16xi32>], vector<16xf32>,
        %parallel_loop3A_577 = arith.constant 16 : i32
        %parallel_loop3A_578 = arith.muli %parallel_loop3A_566, %parallel_loop3A_577 : i32
        %parallel_loop3A_579 = arith.constant 2 : i32
        %parallel_loop3A_580 = arith.constant 0 : i32
        %parallel_loop3A_581 = arith.index_cast %parallel_loop3A_579 : i32 to index
        %parallel_loop3A_582 = arith.index_cast %parallel_loop3A_580 : i32 to index
        %parallel_loop3A_583 = arith.index_cast %parallel_loop3A_578 : i32 to index
        %parallel_loop3A_584 = tpu.vector_load %arg9[%parallel_loop3A_581, %parallel_loop3A_582, %parallel_loop3A_583] {strides = array<i32>} : memref<4x8x1025xf32, #tpu.memory_space<vmem>>, vector<16xf32>,
        tpu.vector_store %arg9[%parallel_loop3A_581, %parallel_loop3A_582, %parallel_loop3A_583], %parallel_loop3A_576 {strides = array<i32>} : memref<4x8x1025xf32, #tpu.memory_space<vmem>>, vector<16xf32>,
        %parallel_loop3A_585 = arith.constant 3972 : i32
        %parallel_loop3A_586 = vector.broadcast %parallel_loop3A_585 : i32 to vector<16xi32>
        %parallel_loop3A_587 = arith.addi %parallel_loop3A_572, %parallel_loop3A_586 : vector<16xi32>
        %parallel_loop3A_588 = tpu.vector_load_idx %arg5[%parallel_loop3A_587] : memref<31776xf32, #tpu.memory_space<vmem>>[vector<16xi32>], vector<16xf32>,
        %parallel_loop3A_589 = arith.constant 16 : i32
        %parallel_loop3A_590 = arith.muli %parallel_loop3A_566, %parallel_loop3A_589 : i32
        %parallel_loop3A_591 = arith.constant 2 : i32
        %parallel_loop3A_592 = arith.constant 1 : i32
        %parallel_loop3A_593 = arith.index_cast %parallel_loop3A_591 : i32 to index
        %parallel_loop3A_594 = arith.index_cast %parallel_loop3A_592 : i32 to index
        %parallel_loop3A_595 = arith.index_cast %parallel_loop3A_590 : i32 to index
        %parallel_loop3A_596 = tpu.vector_load %arg9[%parallel_loop3A_593, %parallel_loop3A_594, %parallel_loop3A_595] {strides = array<i32>} : memref<4x8x1025xf32, #tpu.memory_space<vmem>>, vector<16xf32>,
        tpu.vector_store %arg9[%parallel_loop3A_593, %parallel_loop3A_594, %parallel_loop3A_595], %parallel_loop3A_588 {strides = array<i32>} : memref<4x8x1025xf32, #tpu.memory_space<vmem>>, vector<16xf32>,
        %parallel_loop3A_597 = arith.constant 7944 : i32
        %parallel_loop3A_598 = vector.broadcast %parallel_loop3A_597 : i32 to vector<16xi32>
        %parallel_loop3A_599 = arith.addi %parallel_loop3A_572, %parallel_loop3A_598 : vector<16xi32>
        %parallel_loop3A_600 = tpu.vector_load_idx %arg5[%parallel_loop3A_599] : memref<31776xf32, #tpu.memory_space<vmem>>[vector<16xi32>], vector<16xf32>,
        %parallel_loop3A_601 = arith.constant 16 : i32
        %parallel_loop3A_602 = arith.muli %parallel_loop3A_566, %parallel_loop3A_601 : i32
        %parallel_loop3A_603 = arith.constant 2 : i32
        %parallel_loop3A_604 = arith.constant 2 : i32
        %parallel_loop3A_605 = arith.index_cast %parallel_loop3A_603 : i32 to index
        %parallel_loop3A_606 = arith.index_cast %parallel_loop3A_604 : i32 to index
        %parallel_loop3A_607 = arith.index_cast %parallel_loop3A_602 : i32 to index
        %parallel_loop3A_608 = tpu.vector_load %arg9[%parallel_loop3A_605, %parallel_loop3A_606, %parallel_loop3A_607] {strides = array<i32>} : memref<4x8x1025xf32, #tpu.memory_space<vmem>>, vector<16xf32>,
        tpu.vector_store %arg9[%parallel_loop3A_605, %parallel_loop3A_606, %parallel_loop3A_607], %parallel_loop3A_600 {strides = array<i32>} : memref<4x8x1025xf32, #tpu.memory_space<vmem>>, vector<16xf32>,
        %parallel_loop3A_609 = arith.constant 11916 : i32
        %parallel_loop3A_610 = vector.broadcast %parallel_loop3A_609 : i32 to vector<16xi32>
        %parallel_loop3A_611 = arith.addi %parallel_loop3A_572, %parallel_loop3A_610 : vector<16xi32>
        %parallel_loop3A_612 = tpu.vector_load_idx %arg5[%parallel_loop3A_611] : memref<31776xf32, #tpu.memory_space<vmem>>[vector<16xi32>], vector<16xf32>,
        %parallel_loop3A_613 = arith.constant 16 : i32
        %parallel_loop3A_614 = arith.muli %parallel_loop3A_566, %parallel_loop3A_613 : i32
        %parallel_loop3A_615 = arith.constant 2 : i32
        %parallel_loop3A_616 = arith.constant 3 : i32
        %parallel_loop3A_617 = arith.index_cast %parallel_loop3A_615 : i32 to index
        %parallel_loop3A_618 = arith.index_cast %parallel_loop3A_616 : i32 to index
        %parallel_loop3A_619 = arith.index_cast %parallel_loop3A_614 : i32 to index
        %parallel_loop3A_620 = tpu.vector_load %arg9[%parallel_loop3A_617, %parallel_loop3A_618, %parallel_loop3A_619] {strides = array<i32>} : memref<4x8x1025xf32, #tpu.memory_space<vmem>>, vector<16xf32>,
        tpu.vector_store %arg9[%parallel_loop3A_617, %parallel_loop3A_618, %parallel_loop3A_619], %parallel_loop3A_612 {strides = array<i32>} : memref<4x8x1025xf32, #tpu.memory_space<vmem>>, vector<16xf32>,
        %parallel_loop3A_621 = arith.constant 15888 : i32
        %parallel_loop3A_622 = vector.broadcast %parallel_loop3A_621 : i32 to vector<16xi32>
        %parallel_loop3A_623 = arith.addi %parallel_loop3A_572, %parallel_loop3A_622 : vector<16xi32>
        %parallel_loop3A_624 = tpu.vector_load_idx %arg5[%parallel_loop3A_623] : memref<31776xf32, #tpu.memory_space<vmem>>[vector<16xi32>], vector<16xf32>,
        %parallel_loop3A_625 = arith.constant 16 : i32
        %parallel_loop3A_626 = arith.muli %parallel_loop3A_566, %parallel_loop3A_625 : i32
        %parallel_loop3A_627 = arith.constant 2 : i32
        %parallel_loop3A_628 = arith.constant 4 : i32
        %parallel_loop3A_629 = arith.index_cast %parallel_loop3A_627 : i32 to index
        %parallel_loop3A_630 = arith.index_cast %parallel_loop3A_628 : i32 to index
        %parallel_loop3A_631 = arith.index_cast %parallel_loop3A_626 : i32 to index
        %parallel_loop3A_632 = tpu.vector_load %arg9[%parallel_loop3A_629, %parallel_loop3A_630, %parallel_loop3A_631] {strides = array<i32>} : memref<4x8x1025xf32, #tpu.memory_space<vmem>>, vector<16xf32>,
        tpu.vector_store %arg9[%parallel_loop3A_629, %parallel_loop3A_630, %parallel_loop3A_631], %parallel_loop3A_624 {strides = array<i32>} : memref<4x8x1025xf32, #tpu.memory_space<vmem>>, vector<16xf32>,
        %parallel_loop3A_633 = arith.constant 19860 : i32
        %parallel_loop3A_634 = vector.broadcast %parallel_loop3A_633 : i32 to vector<16xi32>
        %parallel_loop3A_635 = arith.addi %parallel_loop3A_572, %parallel_loop3A_634 : vector<16xi32>
        %parallel_loop3A_636 = tpu.vector_load_idx %arg5[%parallel_loop3A_635] : memref<31776xf32, #tpu.memory_space<vmem>>[vector<16xi32>], vector<16xf32>,
        %parallel_loop3A_637 = arith.constant 16 : i32
        %parallel_loop3A_638 = arith.muli %parallel_loop3A_566, %parallel_loop3A_637 : i32
        %parallel_loop3A_639 = arith.constant 2 : i32
        %parallel_loop3A_640 = arith.constant 5 : i32
        %parallel_loop3A_641 = arith.index_cast %parallel_loop3A_639 : i32 to index
        %parallel_loop3A_642 = arith.index_cast %parallel_loop3A_640 : i32 to index
        %parallel_loop3A_643 = arith.index_cast %parallel_loop3A_638 : i32 to index
        %parallel_loop3A_644 = tpu.vector_load %arg9[%parallel_loop3A_641, %parallel_loop3A_642, %parallel_loop3A_643] {strides = array<i32>} : memref<4x8x1025xf32, #tpu.memory_space<vmem>>, vector<16xf32>,
        tpu.vector_store %arg9[%parallel_loop3A_641, %parallel_loop3A_642, %parallel_loop3A_643], %parallel_loop3A_636 {strides = array<i32>} : memref<4x8x1025xf32, #tpu.memory_space<vmem>>, vector<16xf32>,
        %parallel_loop3A_645 = arith.constant 23832 : i32
        %parallel_loop3A_646 = vector.broadcast %parallel_loop3A_645 : i32 to vector<16xi32>
        %parallel_loop3A_647 = arith.addi %parallel_loop3A_572, %parallel_loop3A_646 : vector<16xi32>
        %parallel_loop3A_648 = tpu.vector_load_idx %arg5[%parallel_loop3A_647] : memref<31776xf32, #tpu.memory_space<vmem>>[vector<16xi32>], vector<16xf32>,
        %parallel_loop3A_649 = arith.constant 16 : i32
        %parallel_loop3A_650 = arith.muli %parallel_loop3A_566, %parallel_loop3A_649 : i32
        %parallel_loop3A_651 = arith.constant 2 : i32
        %parallel_loop3A_652 = arith.constant 6 : i32
        %parallel_loop3A_653 = arith.index_cast %parallel_loop3A_651 : i32 to index
        %parallel_loop3A_654 = arith.index_cast %parallel_loop3A_652 : i32 to index
        %parallel_loop3A_655 = arith.index_cast %parallel_loop3A_650 : i32 to index
        %parallel_loop3A_656 = tpu.vector_load %arg9[%parallel_loop3A_653, %parallel_loop3A_654, %parallel_loop3A_655] {strides = array<i32>} : memref<4x8x1025xf32, #tpu.memory_space<vmem>>, vector<16xf32>,
        tpu.vector_store %arg9[%parallel_loop3A_653, %parallel_loop3A_654, %parallel_loop3A_655], %parallel_loop3A_648 {strides = array<i32>} : memref<4x8x1025xf32, #tpu.memory_space<vmem>>, vector<16xf32>,
        %parallel_loop3A_657 = arith.constant 27804 : i32
        %parallel_loop3A_658 = vector.broadcast %parallel_loop3A_657 : i32 to vector<16xi32>
        %parallel_loop3A_659 = arith.addi %parallel_loop3A_572, %parallel_loop3A_658 : vector<16xi32>
        %parallel_loop3A_660 = tpu.vector_load_idx %arg5[%parallel_loop3A_659] : memref<31776xf32, #tpu.memory_space<vmem>>[vector<16xi32>], vector<16xf32>,
        %parallel_loop3A_661 = arith.constant 16 : i32
        %parallel_loop3A_662 = arith.muli %parallel_loop3A_566, %parallel_loop3A_661 : i32
        %parallel_loop3A_663 = arith.constant 2 : i32
        %parallel_loop3A_664 = arith.constant 7 : i32
        %parallel_loop3A_665 = arith.index_cast %parallel_loop3A_663 : i32 to index
        %parallel_loop3A_666 = arith.index_cast %parallel_loop3A_664 : i32 to index
        %parallel_loop3A_667 = arith.index_cast %parallel_loop3A_662 : i32 to index
        %parallel_loop3A_668 = tpu.vector_load %arg9[%parallel_loop3A_665, %parallel_loop3A_666, %parallel_loop3A_667] {strides = array<i32>} : memref<4x8x1025xf32, #tpu.memory_space<vmem>>, vector<16xf32>,
        tpu.vector_store %arg9[%parallel_loop3A_665, %parallel_loop3A_666, %parallel_loop3A_667], %parallel_loop3A_660 {strides = array<i32>} : memref<4x8x1025xf32, #tpu.memory_space<vmem>>, vector<16xf32>,
      } {sc.loop_unroll_factor = 8 : i64, sc.parallel_access}
      %get3A_450 = arith.constant 3104 : index
      %get3A_451 = tpu.vector_load %arg7[%get3A_450] {strides = array<i32>} : memref<4160xi32, #tpu.memory_space<vmem>>, vector<16xi32>,
      %broadcast_in_dim3A_452 = arith.constant 2 : i32
      %broadcast_in_dim3A_453 = vector.broadcast %broadcast_in_dim3A_452 : i32 to vector<16xi32>
      %add3A_454 = arith.constant 0 : i32
      %add3A_455 = vector.broadcast %add3A_454 : i32 to vector<16xi32>
      %add3A_456 = arith.addi %get3A_451, %add3A_455 : vector<16xi32>
      %gather3A_457 = tpu.vector_load_idx %arg5[%add3A_456] : memref<31776xf32, #tpu.memory_space<vmem>>[vector<16xi32>], vector<16xf32>,
      %broadcast_in_dim3A_458 = arith.constant 0 : i32
      %broadcast_in_dim3A_459 = vector.broadcast %broadcast_in_dim3A_458 : i32 to vector<16xi32>
      tpu.vector_store_idx %arg9[%broadcast_in_dim3A_453, %broadcast_in_dim3A_459, %broadcast_in_dim3A_35], %gather3A_457 masked %lt3A_38 : memref<4x8x1025xf32, #tpu.memory_space<vmem>>[vector<16xi32>, vector<16xi32>, vector<16xi32>], vector<16xf32>, vector<16xi1>
      %add3A_460 = arith.constant 3972 : i32
      %add3A_461 = vector.broadcast %add3A_460 : i32 to vector<16xi32>
      %add3A_462 = arith.addi %get3A_451, %add3A_461 : vector<16xi32>
      %gather3A_463 = tpu.vector_load_idx %arg5[%add3A_462] : memref<31776xf32, #tpu.memory_space<vmem>>[vector<16xi32>], vector<16xf32>,
      %broadcast_in_dim3A_464 = arith.constant 1 : i32
      %broadcast_in_dim3A_465 = vector.broadcast %broadcast_in_dim3A_464 : i32 to vector<16xi32>
      tpu.vector_store_idx %arg9[%broadcast_in_dim3A_453, %broadcast_in_dim3A_465, %broadcast_in_dim3A_35], %gather3A_463 masked %lt3A_38 : memref<4x8x1025xf32, #tpu.memory_space<vmem>>[vector<16xi32>, vector<16xi32>, vector<16xi32>], vector<16xf32>, vector<16xi1>
      %add3A_466 = arith.constant 7944 : i32
      %add3A_467 = vector.broadcast %add3A_466 : i32 to vector<16xi32>
      %add3A_468 = arith.addi %get3A_451, %add3A_467 : vector<16xi32>
      %gather3A_469 = tpu.vector_load_idx %arg5[%add3A_468] : memref<31776xf32, #tpu.memory_space<vmem>>[vector<16xi32>], vector<16xf32>,
      %broadcast_in_dim3A_470 = arith.constant 2 : i32
      %broadcast_in_dim3A_471 = vector.broadcast %broadcast_in_dim3A_470 : i32 to vector<16xi32>
      tpu.vector_store_idx %arg9[%broadcast_in_dim3A_453, %broadcast_in_dim3A_471, %broadcast_in_dim3A_35], %gather3A_469 masked %lt3A_38 : memref<4x8x1025xf32, #tpu.memory_space<vmem>>[vector<16xi32>, vector<16xi32>, vector<16xi32>], vector<16xf32>, vector<16xi1>
      %add3A_472 = arith.constant 11916 : i32
      %add3A_473 = vector.broadcast %add3A_472 : i32 to vector<16xi32>
      %add3A_474 = arith.addi %get3A_451, %add3A_473 : vector<16xi32>
      %gather3A_475 = tpu.vector_load_idx %arg5[%add3A_474] : memref<31776xf32, #tpu.memory_space<vmem>>[vector<16xi32>], vector<16xf32>,
      %broadcast_in_dim3A_476 = arith.constant 3 : i32
      %broadcast_in_dim3A_477 = vector.broadcast %broadcast_in_dim3A_476 : i32 to vector<16xi32>
      tpu.vector_store_idx %arg9[%broadcast_in_dim3A_453, %broadcast_in_dim3A_477, %broadcast_in_dim3A_35], %gather3A_475 masked %lt3A_38 : memref<4x8x1025xf32, #tpu.memory_space<vmem>>[vector<16xi32>, vector<16xi32>, vector<16xi32>], vector<16xf32>, vector<16xi1>
      %add3A_478 = arith.constant 15888 : i32
      %add3A_479 = vector.broadcast %add3A_478 : i32 to vector<16xi32>
      %add3A_480 = arith.addi %get3A_451, %add3A_479 : vector<16xi32>
      %gather3A_481 = tpu.vector_load_idx %arg5[%add3A_480] : memref<31776xf32, #tpu.memory_space<vmem>>[vector<16xi32>], vector<16xf32>,
      %broadcast_in_dim3A_482 = arith.constant 4 : i32
      %broadcast_in_dim3A_483 = vector.broadcast %broadcast_in_dim3A_482 : i32 to vector<16xi32>
      tpu.vector_store_idx %arg9[%broadcast_in_dim3A_453, %broadcast_in_dim3A_483, %broadcast_in_dim3A_35], %gather3A_481 masked %lt3A_38 : memref<4x8x1025xf32, #tpu.memory_space<vmem>>[vector<16xi32>, vector<16xi32>, vector<16xi32>], vector<16xf32>, vector<16xi1>
      %add3A_484 = arith.constant 19860 : i32
      %add3A_485 = vector.broadcast %add3A_484 : i32 to vector<16xi32>
      %add3A_486 = arith.addi %get3A_451, %add3A_485 : vector<16xi32>
      %gather3A_487 = tpu.vector_load_idx %arg5[%add3A_486] : memref<31776xf32, #tpu.memory_space<vmem>>[vector<16xi32>], vector<16xf32>,
      %broadcast_in_dim3A_488 = arith.constant 5 : i32
      %broadcast_in_dim3A_489 = vector.broadcast %broadcast_in_dim3A_488 : i32 to vector<16xi32>
      tpu.vector_store_idx %arg9[%broadcast_in_dim3A_453, %broadcast_in_dim3A_489, %broadcast_in_dim3A_35], %gather3A_487 masked %lt3A_38 : memref<4x8x1025xf32, #tpu.memory_space<vmem>>[vector<16xi32>, vector<16xi32>, vector<16xi32>], vector<16xf32>, vector<16xi1>
      %add3A_490 = arith.constant 23832 : i32
      %add3A_491 = vector.broadcast %add3A_490 : i32 to vector<16xi32>
      %add3A_492 = arith.addi %get3A_451, %add3A_491 : vector<16xi32>
      %gather3A_493 = tpu.vector_load_idx %arg5[%add3A_492] : memref<31776xf32, #tpu.memory_space<vmem>>[vector<16xi32>], vector<16xf32>,
      %broadcast_in_dim3A_494 = arith.constant 6 : i32
      %broadcast_in_dim3A_495 = vector.broadcast %broadcast_in_dim3A_494 : i32 to vector<16xi32>
      tpu.vector_store_idx %arg9[%broadcast_in_dim3A_453, %broadcast_in_dim3A_495, %broadcast_in_dim3A_35], %gather3A_493 masked %lt3A_38 : memref<4x8x1025xf32, #tpu.memory_space<vmem>>[vector<16xi32>, vector<16xi32>, vector<16xi32>], vector<16xf32>, vector<16xi1>
      %add3A_496 = arith.constant 27804 : i32
      %add3A_497 = vector.broadcast %add3A_496 : i32 to vector<16xi32>
      %add3A_498 = arith.addi %get3A_451, %add3A_497 : vector<16xi32>
      %gather3A_499 = tpu.vector_load_idx %arg5[%add3A_498] : memref<31776xf32, #tpu.memory_space<vmem>>[vector<16xi32>], vector<16xf32>,
      %broadcast_in_dim3A_500 = arith.constant 7 : i32
      %broadcast_in_dim3A_501 = vector.broadcast %broadcast_in_dim3A_500 : i32 to vector<16xi32>
      tpu.vector_store_idx %arg9[%broadcast_in_dim3A_453, %broadcast_in_dim3A_501, %broadcast_in_dim3A_35], %gather3A_499 masked %lt3A_38 : memref<4x8x1025xf32, #tpu.memory_space<vmem>>[vector<16xi32>, vector<16xi32>, vector<16xi32>], vector<16xf32>, vector<16xi1>
      %parallel_loop3A_502 = arith.constant 0 : i32
      %parallel_loop3A_503 = arith.constant 64 : i32
      %parallel_loop3A_504 = arith.constant 1 : i32
      scf.for %parallel_loop3A_566 = %parallel_loop3A_502 to %parallel_loop3A_503 step %parallel_loop3A_504  : i32 {
        %parallel_loop3A_567 = arith.constant 16 : i32
        %parallel_loop3A_568 = arith.muli %parallel_loop3A_566, %parallel_loop3A_567 : i32
        %parallel_loop3A_569 = arith.constant 3120 : i32
        %parallel_loop3A_570 = arith.addi %parallel_loop3A_569, %parallel_loop3A_568 : i32
        %parallel_loop3A_571 = arith.index_cast %parallel_loop3A_570 : i32 to index
        %parallel_loop3A_572 = tpu.vector_load %arg7[%parallel_loop3A_571] {strides = array<i32>} : memref<4160xi32, #tpu.memory_space<vmem>>, vector<16xi32>,
        %parallel_loop3A_573 = arith.constant 0 : i32
        %parallel_loop3A_574 = vector.broadcast %parallel_loop3A_573 : i32 to vector<16xi32>
        %parallel_loop3A_575 = arith.addi %parallel_loop3A_572, %parallel_loop3A_574 : vector<16xi32>
        %parallel_loop3A_576 = tpu.vector_load_idx %arg5[%parallel_loop3A_575] : memref<31776xf32, #tpu.memory_space<vmem>>[vector<16xi32>], vector<16xf32>,
        %parallel_loop3A_577 = arith.constant 16 : i32
        %parallel_loop3A_578 = arith.muli %parallel_loop3A_566, %parallel_loop3A_577 : i32
        %parallel_loop3A_579 = arith.constant 3 : i32
        %parallel_loop3A_580 = arith.constant 0 : i32
        %parallel_loop3A_581 = arith.index_cast %parallel_loop3A_579 : i32 to index
        %parallel_loop3A_582 = arith.index_cast %parallel_loop3A_580 : i32 to index
        %parallel_loop3A_583 = arith.index_cast %parallel_loop3A_578 : i32 to index
        %parallel_loop3A_584 = tpu.vector_load %arg9[%parallel_loop3A_581, %parallel_loop3A_582, %parallel_loop3A_583] {strides = array<i32>} : memref<4x8x1025xf32, #tpu.memory_space<vmem>>, vector<16xf32>,
        tpu.vector_store %arg9[%parallel_loop3A_581, %parallel_loop3A_582, %parallel_loop3A_583], %parallel_loop3A_576 {strides = array<i32>} : memref<4x8x1025xf32, #tpu.memory_space<vmem>>, vector<16xf32>,
        %parallel_loop3A_585 = arith.constant 3972 : i32
        %parallel_loop3A_586 = vector.broadcast %parallel_loop3A_585 : i32 to vector<16xi32>
        %parallel_loop3A_587 = arith.addi %parallel_loop3A_572, %parallel_loop3A_586 : vector<16xi32>
        %parallel_loop3A_588 = tpu.vector_load_idx %arg5[%parallel_loop3A_587] : memref<31776xf32, #tpu.memory_space<vmem>>[vector<16xi32>], vector<16xf32>,
        %parallel_loop3A_589 = arith.constant 16 : i32
        %parallel_loop3A_590 = arith.muli %parallel_loop3A_566, %parallel_loop3A_589 : i32
        %parallel_loop3A_591 = arith.constant 3 : i32
        %parallel_loop3A_592 = arith.constant 1 : i32
        %parallel_loop3A_593 = arith.index_cast %parallel_loop3A_591 : i32 to index
        %parallel_loop3A_594 = arith.index_cast %parallel_loop3A_592 : i32 to index
        %parallel_loop3A_595 = arith.index_cast %parallel_loop3A_590 : i32 to index
        %parallel_loop3A_596 = tpu.vector_load %arg9[%parallel_loop3A_593, %parallel_loop3A_594, %parallel_loop3A_595] {strides = array<i32>} : memref<4x8x1025xf32, #tpu.memory_space<vmem>>, vector<16xf32>,
        tpu.vector_store %arg9[%parallel_loop3A_593, %parallel_loop3A_594, %parallel_loop3A_595], %parallel_loop3A_588 {strides = array<i32>} : memref<4x8x1025xf32, #tpu.memory_space<vmem>>, vector<16xf32>,
        %parallel_loop3A_597 = arith.constant 7944 : i32
        %parallel_loop3A_598 = vector.broadcast %parallel_loop3A_597 : i32 to vector<16xi32>
        %parallel_loop3A_599 = arith.addi %parallel_loop3A_572, %parallel_loop3A_598 : vector<16xi32>
        %parallel_loop3A_600 = tpu.vector_load_idx %arg5[%parallel_loop3A_599] : memref<31776xf32, #tpu.memory_space<vmem>>[vector<16xi32>], vector<16xf32>,
        %parallel_loop3A_601 = arith.constant 16 : i32
        %parallel_loop3A_602 = arith.muli %parallel_loop3A_566, %parallel_loop3A_601 : i32
        %parallel_loop3A_603 = arith.constant 3 : i32
        %parallel_loop3A_604 = arith.constant 2 : i32
        %parallel_loop3A_605 = arith.index_cast %parallel_loop3A_603 : i32 to index
        %parallel_loop3A_606 = arith.index_cast %parallel_loop3A_604 : i32 to index
        %parallel_loop3A_607 = arith.index_cast %parallel_loop3A_602 : i32 to index
        %parallel_loop3A_608 = tpu.vector_load %arg9[%parallel_loop3A_605, %parallel_loop3A_606, %parallel_loop3A_607] {strides = array<i32>} : memref<4x8x1025xf32, #tpu.memory_space<vmem>>, vector<16xf32>,
        tpu.vector_store %arg9[%parallel_loop3A_605, %parallel_loop3A_606, %parallel_loop3A_607], %parallel_loop3A_600 {strides = array<i32>} : memref<4x8x1025xf32, #tpu.memory_space<vmem>>, vector<16xf32>,
        %parallel_loop3A_609 = arith.constant 11916 : i32
        %parallel_loop3A_610 = vector.broadcast %parallel_loop3A_609 : i32 to vector<16xi32>
        %parallel_loop3A_611 = arith.addi %parallel_loop3A_572, %parallel_loop3A_610 : vector<16xi32>
        %parallel_loop3A_612 = tpu.vector_load_idx %arg5[%parallel_loop3A_611] : memref<31776xf32, #tpu.memory_space<vmem>>[vector<16xi32>], vector<16xf32>,
        %parallel_loop3A_613 = arith.constant 16 : i32
        %parallel_loop3A_614 = arith.muli %parallel_loop3A_566, %parallel_loop3A_613 : i32
        %parallel_loop3A_615 = arith.constant 3 : i32
        %parallel_loop3A_616 = arith.constant 3 : i32
        %parallel_loop3A_617 = arith.index_cast %parallel_loop3A_615 : i32 to index
        %parallel_loop3A_618 = arith.index_cast %parallel_loop3A_616 : i32 to index
        %parallel_loop3A_619 = arith.index_cast %parallel_loop3A_614 : i32 to index
        %parallel_loop3A_620 = tpu.vector_load %arg9[%parallel_loop3A_617, %parallel_loop3A_618, %parallel_loop3A_619] {strides = array<i32>} : memref<4x8x1025xf32, #tpu.memory_space<vmem>>, vector<16xf32>,
        tpu.vector_store %arg9[%parallel_loop3A_617, %parallel_loop3A_618, %parallel_loop3A_619], %parallel_loop3A_612 {strides = array<i32>} : memref<4x8x1025xf32, #tpu.memory_space<vmem>>, vector<16xf32>,
        %parallel_loop3A_621 = arith.constant 15888 : i32
        %parallel_loop3A_622 = vector.broadcast %parallel_loop3A_621 : i32 to vector<16xi32>
        %parallel_loop3A_623 = arith.addi %parallel_loop3A_572, %parallel_loop3A_622 : vector<16xi32>
        %parallel_loop3A_624 = tpu.vector_load_idx %arg5[%parallel_loop3A_623] : memref<31776xf32, #tpu.memory_space<vmem>>[vector<16xi32>], vector<16xf32>,
        %parallel_loop3A_625 = arith.constant 16 : i32
        %parallel_loop3A_626 = arith.muli %parallel_loop3A_566, %parallel_loop3A_625 : i32
        %parallel_loop3A_627 = arith.constant 3 : i32
        %parallel_loop3A_628 = arith.constant 4 : i32
        %parallel_loop3A_629 = arith.index_cast %parallel_loop3A_627 : i32 to index
        %parallel_loop3A_630 = arith.index_cast %parallel_loop3A_628 : i32 to index
        %parallel_loop3A_631 = arith.index_cast %parallel_loop3A_626 : i32 to index
        %parallel_loop3A_632 = tpu.vector_load %arg9[%parallel_loop3A_629, %parallel_loop3A_630, %parallel_loop3A_631] {strides = array<i32>} : memref<4x8x1025xf32, #tpu.memory_space<vmem>>, vector<16xf32>,
        tpu.vector_store %arg9[%parallel_loop3A_629, %parallel_loop3A_630, %parallel_loop3A_631], %parallel_loop3A_624 {strides = array<i32>} : memref<4x8x1025xf32, #tpu.memory_space<vmem>>, vector<16xf32>,
        %parallel_loop3A_633 = arith.constant 19860 : i32
        %parallel_loop3A_634 = vector.broadcast %parallel_loop3A_633 : i32 to vector<16xi32>
        %parallel_loop3A_635 = arith.addi %parallel_loop3A_572, %parallel_loop3A_634 : vector<16xi32>
        %parallel_loop3A_636 = tpu.vector_load_idx %arg5[%parallel_loop3A_635] : memref<31776xf32, #tpu.memory_space<vmem>>[vector<16xi32>], vector<16xf32>,
        %parallel_loop3A_637 = arith.constant 16 : i32
        %parallel_loop3A_638 = arith.muli %parallel_loop3A_566, %parallel_loop3A_637 : i32
        %parallel_loop3A_639 = arith.constant 3 : i32
        %parallel_loop3A_640 = arith.constant 5 : i32
        %parallel_loop3A_641 = arith.index_cast %parallel_loop3A_639 : i32 to index
        %parallel_loop3A_642 = arith.index_cast %parallel_loop3A_640 : i32 to index
        %parallel_loop3A_643 = arith.index_cast %parallel_loop3A_638 : i32 to index
        %parallel_loop3A_644 = tpu.vector_load %arg9[%parallel_loop3A_641, %parallel_loop3A_642, %parallel_loop3A_643] {strides = array<i32>} : memref<4x8x1025xf32, #tpu.memory_space<vmem>>, vector<16xf32>,
        tpu.vector_store %arg9[%parallel_loop3A_641, %parallel_loop3A_642, %parallel_loop3A_643], %parallel_loop3A_636 {strides = array<i32>} : memref<4x8x1025xf32, #tpu.memory_space<vmem>>, vector<16xf32>,
        %parallel_loop3A_645 = arith.constant 23832 : i32
        %parallel_loop3A_646 = vector.broadcast %parallel_loop3A_645 : i32 to vector<16xi32>
        %parallel_loop3A_647 = arith.addi %parallel_loop3A_572, %parallel_loop3A_646 : vector<16xi32>
        %parallel_loop3A_648 = tpu.vector_load_idx %arg5[%parallel_loop3A_647] : memref<31776xf32, #tpu.memory_space<vmem>>[vector<16xi32>], vector<16xf32>,
        %parallel_loop3A_649 = arith.constant 16 : i32
        %parallel_loop3A_650 = arith.muli %parallel_loop3A_566, %parallel_loop3A_649 : i32
        %parallel_loop3A_651 = arith.constant 3 : i32
        %parallel_loop3A_652 = arith.constant 6 : i32
        %parallel_loop3A_653 = arith.index_cast %parallel_loop3A_651 : i32 to index
        %parallel_loop3A_654 = arith.index_cast %parallel_loop3A_652 : i32 to index
        %parallel_loop3A_655 = arith.index_cast %parallel_loop3A_650 : i32 to index
        %parallel_loop3A_656 = tpu.vector_load %arg9[%parallel_loop3A_653, %parallel_loop3A_654, %parallel_loop3A_655] {strides = array<i32>} : memref<4x8x1025xf32, #tpu.memory_space<vmem>>, vector<16xf32>,
        tpu.vector_store %arg9[%parallel_loop3A_653, %parallel_loop3A_654, %parallel_loop3A_655], %parallel_loop3A_648 {strides = array<i32>} : memref<4x8x1025xf32, #tpu.memory_space<vmem>>, vector<16xf32>,
        %parallel_loop3A_657 = arith.constant 27804 : i32
        %parallel_loop3A_658 = vector.broadcast %parallel_loop3A_657 : i32 to vector<16xi32>
        %parallel_loop3A_659 = arith.addi %parallel_loop3A_572, %parallel_loop3A_658 : vector<16xi32>
        %parallel_loop3A_660 = tpu.vector_load_idx %arg5[%parallel_loop3A_659] : memref<31776xf32, #tpu.memory_space<vmem>>[vector<16xi32>], vector<16xf32>,
        %parallel_loop3A_661 = arith.constant 16 : i32
        %parallel_loop3A_662 = arith.muli %parallel_loop3A_566, %parallel_loop3A_661 : i32
        %parallel_loop3A_663 = arith.constant 3 : i32
        %parallel_loop3A_664 = arith.constant 7 : i32
        %parallel_loop3A_665 = arith.index_cast %parallel_loop3A_663 : i32 to index
        %parallel_loop3A_666 = arith.index_cast %parallel_loop3A_664 : i32 to index
        %parallel_loop3A_667 = arith.index_cast %parallel_loop3A_662 : i32 to index
        %parallel_loop3A_668 = tpu.vector_load %arg9[%parallel_loop3A_665, %parallel_loop3A_666, %parallel_loop3A_667] {strides = array<i32>} : memref<4x8x1025xf32, #tpu.memory_space<vmem>>, vector<16xf32>,
        tpu.vector_store %arg9[%parallel_loop3A_665, %parallel_loop3A_666, %parallel_loop3A_667], %parallel_loop3A_660 {strides = array<i32>} : memref<4x8x1025xf32, #tpu.memory_space<vmem>>, vector<16xf32>,
      } {sc.loop_unroll_factor = 8 : i64, sc.parallel_access}
      %get3A_505 = arith.constant 4144 : index
      %get3A_506 = tpu.vector_load %arg7[%get3A_505] {strides = array<i32>} : memref<4160xi32, #tpu.memory_space<vmem>>, vector<16xi32>,
      %broadcast_in_dim3A_507 = arith.constant 3 : i32
      %broadcast_in_dim3A_508 = vector.broadcast %broadcast_in_dim3A_507 : i32 to vector<16xi32>
      %add3A_509 = arith.constant 0 : i32
      %add3A_510 = vector.broadcast %add3A_509 : i32 to vector<16xi32>
      %add3A_511 = arith.addi %get3A_506, %add3A_510 : vector<16xi32>
      %gather3A_512 = tpu.vector_load_idx %arg5[%add3A_511] : memref<31776xf32, #tpu.memory_space<vmem>>[vector<16xi32>], vector<16xf32>,
      %broadcast_in_dim3A_513 = arith.constant 0 : i32
      %broadcast_in_dim3A_514 = vector.broadcast %broadcast_in_dim3A_513 : i32 to vector<16xi32>
      tpu.vector_store_idx %arg9[%broadcast_in_dim3A_508, %broadcast_in_dim3A_514, %broadcast_in_dim3A_35], %gather3A_512 masked %lt3A_38 : memref<4x8x1025xf32, #tpu.memory_space<vmem>>[vector<16xi32>, vector<16xi32>, vector<16xi32>], vector<16xf32>, vector<16xi1>
      %add3A_515 = arith.constant 3972 : i32
      %add3A_516 = vector.broadcast %add3A_515 : i32 to vector<16xi32>
      %add3A_517 = arith.addi %get3A_506, %add3A_516 : vector<16xi32>
      %gather3A_518 = tpu.vector_load_idx %arg5[%add3A_517] : memref<31776xf32, #tpu.memory_space<vmem>>[vector<16xi32>], vector<16xf32>,
      %broadcast_in_dim3A_519 = arith.constant 1 : i32
      %broadcast_in_dim3A_520 = vector.broadcast %broadcast_in_dim3A_519 : i32 to vector<16xi32>
      tpu.vector_store_idx %arg9[%broadcast_in_dim3A_508, %broadcast_in_dim3A_520, %broadcast_in_dim3A_35], %gather3A_518 masked %lt3A_38 : memref<4x8x1025xf32, #tpu.memory_space<vmem>>[vector<16xi32>, vector<16xi32>, vector<16xi32>], vector<16xf32>, vector<16xi1>
      %add3A_521 = arith.constant 7944 : i32
      %add3A_522 = vector.broadcast %add3A_521 : i32 to vector<16xi32>
      %add3A_523 = arith.addi %get3A_506, %add3A_522 : vector<16xi32>
      %gather3A_524 = tpu.vector_load_idx %arg5[%add3A_523] : memref<31776xf32, #tpu.memory_space<vmem>>[vector<16xi32>], vector<16xf32>,
      %broadcast_in_dim3A_525 = arith.constant 2 : i32
      %broadcast_in_dim3A_526 = vector.broadcast %broadcast_in_dim3A_525 : i32 to vector<16xi32>
      tpu.vector_store_idx %arg9[%broadcast_in_dim3A_508, %broadcast_in_dim3A_526, %broadcast_in_dim3A_35], %gather3A_524 masked %lt3A_38 : memref<4x8x1025xf32, #tpu.memory_space<vmem>>[vector<16xi32>, vector<16xi32>, vector<16xi32>], vector<16xf32>, vector<16xi1>
      %add3A_527 = arith.constant 11916 : i32
      %add3A_528 = vector.broadcast %add3A_527 : i32 to vector<16xi32>
      %add3A_529 = arith.addi %get3A_506, %add3A_528 : vector<16xi32>
      %gather3A_530 = tpu.vector_load_idx %arg5[%add3A_529] : memref<31776xf32, #tpu.memory_space<vmem>>[vector<16xi32>], vector<16xf32>,
      %broadcast_in_dim3A_531 = arith.constant 3 : i32
      %broadcast_in_dim3A_532 = vector.broadcast %broadcast_in_dim3A_531 : i32 to vector<16xi32>
      tpu.vector_store_idx %arg9[%broadcast_in_dim3A_508, %broadcast_in_dim3A_532, %broadcast_in_dim3A_35], %gather3A_530 masked %lt3A_38 : memref<4x8x1025xf32, #tpu.memory_space<vmem>>[vector<16xi32>, vector<16xi32>, vector<16xi32>], vector<16xf32>, vector<16xi1>
      %add3A_533 = arith.constant 15888 : i32
      %add3A_534 = vector.broadcast %add3A_533 : i32 to vector<16xi32>
      %add3A_535 = arith.addi %get3A_506, %add3A_534 : vector<16xi32>
      %gather3A_536 = tpu.vector_load_idx %arg5[%add3A_535] : memref<31776xf32, #tpu.memory_space<vmem>>[vector<16xi32>], vector<16xf32>,
      %broadcast_in_dim3A_537 = arith.constant 4 : i32
      %broadcast_in_dim3A_538 = vector.broadcast %broadcast_in_dim3A_537 : i32 to vector<16xi32>
      tpu.vector_store_idx %arg9[%broadcast_in_dim3A_508, %broadcast_in_dim3A_538, %broadcast_in_dim3A_35], %gather3A_536 masked %lt3A_38 : memref<4x8x1025xf32, #tpu.memory_space<vmem>>[vector<16xi32>, vector<16xi32>, vector<16xi32>], vector<16xf32>, vector<16xi1>
      %add3A_539 = arith.constant 19860 : i32
      %add3A_540 = vector.broadcast %add3A_539 : i32 to vector<16xi32>
      %add3A_541 = arith.addi %get3A_506, %add3A_540 : vector<16xi32>
      %gather3A_542 = tpu.vector_load_idx %arg5[%add3A_541] : memref<31776xf32, #tpu.memory_space<vmem>>[vector<16xi32>], vector<16xf32>,
      %broadcast_in_dim3A_543 = arith.constant 5 : i32
      %broadcast_in_dim3A_544 = vector.broadcast %broadcast_in_dim3A_543 : i32 to vector<16xi32>
      tpu.vector_store_idx %arg9[%broadcast_in_dim3A_508, %broadcast_in_dim3A_544, %broadcast_in_dim3A_35], %gather3A_542 masked %lt3A_38 : memref<4x8x1025xf32, #tpu.memory_space<vmem>>[vector<16xi32>, vector<16xi32>, vector<16xi32>], vector<16xf32>, vector<16xi1>
      %add3A_545 = arith.constant 23832 : i32
      %add3A_546 = vector.broadcast %add3A_545 : i32 to vector<16xi32>
      %add3A_547 = arith.addi %get3A_506, %add3A_546 : vector<16xi32>
      %gather3A_548 = tpu.vector_load_idx %arg5[%add3A_547] : memref<31776xf32, #tpu.memory_space<vmem>>[vector<16xi32>], vector<16xf32>,
      %broadcast_in_dim3A_549 = arith.constant 6 : i32
      %broadcast_in_dim3A_550 = vector.broadcast %broadcast_in_dim3A_549 : i32 to vector<16xi32>
      tpu.vector_store_idx %arg9[%broadcast_in_dim3A_508, %broadcast_in_dim3A_550, %broadcast_in_dim3A_35], %gather3A_548 masked %lt3A_38 : memref<4x8x1025xf32, #tpu.memory_space<vmem>>[vector<16xi32>, vector<16xi32>, vector<16xi32>], vector<16xf32>, vector<16xi1>
      %add3A_551 = arith.constant 27804 : i32
      %add3A_552 = vector.broadcast %add3A_551 : i32 to vector<16xi32>
      %add3A_553 = arith.addi %get3A_506, %add3A_552 : vector<16xi32>
      %gather3A_554 = tpu.vector_load_idx %arg5[%add3A_553] : memref<31776xf32, #tpu.memory_space<vmem>>[vector<16xi32>], vector<16xf32>,
      %broadcast_in_dim3A_555 = arith.constant 7 : i32
      %broadcast_in_dim3A_556 = vector.broadcast %broadcast_in_dim3A_555 : i32 to vector<16xi32>
      tpu.vector_store_idx %arg9[%broadcast_in_dim3A_508, %broadcast_in_dim3A_556, %broadcast_in_dim3A_35], %gather3A_554 masked %lt3A_38 : memref<4x8x1025xf32, #tpu.memory_space<vmem>>[vector<16xi32>, vector<16xi32>, vector<16xi32>], vector<16xf32>, vector<16xi1>
      %mul3A_557 = arith.constant 16 : i32
      %mul3A_558 = arith.muli %mul3A_557, %add3A_317 : i32
      %add3A_559 = arith.addi %select_n3A_32, %mul3A_558 : i32
      %mul3A_560 = arith.constant 4 : i32
      %mul3A_561 = arith.muli %add3A_559, %mul3A_560 : i32
      %dma_start3A_562 = arith.constant 0 : i32
      %dma_start3A_563 = tpu.memref_slice %arg4[%mul3A_561, %multiple_of3A, %dma_start3A_562] : memref<1025x16x1025xf32, #tpu.memory_space<hbm>> -> memref<4x8x1025xf32, #tpu.memory_space<hbm>>
      %dma_start3A_564 = arith.constant 0 : i32
      %dma_start3A_565 = tpu.memref_slice %arg4[%mul3A_561, %multiple_of3A, %dma_start3A_564] : memref<1025x16x1025xf32, #tpu.memory_space<hbm>> -> memref<4x8x1025xf32, #tpu.memory_space<hbm>>
      tpu.enqueue_dma source(%arg9 : memref<4x8x1025xf32, #tpu.memory_space<vmem>>) target(%dma_start3A_565 : memref<4x8x1025xf32, #tpu.memory_space<hbm>>) target_semaphore(%arg13 : memref<!tpu.dma_semaphore, #tpu.memory_space<semaphore_mem>>)
    }
    %scan3A_48 = arith.constant 8 : i32
    %add3A_49 = arith.constant 224 : i32
    %add3A_50 = arith.addi %select_n3A_32, %add3A_49 : i32
    %mul3A_51 = arith.constant 4 : i32
    %mul3A_52 = arith.muli %add3A_50, %mul3A_51 : i32
    %dma_wait3A = arith.constant 0 : i32
    %dma_wait3A_53 = tpu.memref_slice %arg4[%mul3A_52, %multiple_of3A, %dma_wait3A] : memref<1025x16x1025xf32, #tpu.memory_space<hbm>> -> memref<4x8x1025xf32, #tpu.memory_space<hbm>>
    %dma_wait3A_54 = arith.constant 0 : i32
    %dma_wait3A_55 = tpu.memref_slice %arg4[%mul3A_52, %multiple_of3A, %dma_wait3A_54] : memref<1025x16x1025xf32, #tpu.memory_space<hbm>> -> memref<4x8x1025xf32, #tpu.memory_space<hbm>>
    tpu.wait_dma2 semaphore(%arg12 : memref<!tpu.dma_semaphore, #tpu.memory_space<semaphore_mem>>) src(%arg8 : memref<4x8x1025xf32, #tpu.memory_space<vmem>>) dst(%dma_wait3A_55 : memref<4x8x1025xf32, #tpu.memory_space<hbm>>)
    %add3A_56 = arith.constant 240 : i32
    %add3A_57 = arith.addi %select_n3A_32, %add3A_56 : i32
    %mul3A_58 = arith.constant 4 : i32
    %mul3A_59 = arith.muli %add3A_57, %mul3A_58 : i32
    %dma_wait3A_60 = arith.constant 0 : i32
    %dma_wait3A_61 = tpu.memref_slice %arg4[%mul3A_59, %multiple_of3A, %dma_wait3A_60] : memref<1025x16x1025xf32, #tpu.memory_space<hbm>> -> memref<4x8x1025xf32, #tpu.memory_space<hbm>>
    %dma_wait3A_62 = arith.constant 0 : i32
    %dma_wait3A_63 = tpu.memref_slice %arg4[%mul3A_59, %multiple_of3A, %dma_wait3A_62] : memref<1025x16x1025xf32, #tpu.memory_space<hbm>> -> memref<4x8x1025xf32, #tpu.memory_space<hbm>>
    tpu.wait_dma2 semaphore(%arg13 : memref<!tpu.dma_semaphore, #tpu.memory_space<semaphore_mem>>) src(%arg9 : memref<4x8x1025xf32, #tpu.memory_space<vmem>>) dst(%dma_wait3A_63 : memref<4x8x1025xf32, #tpu.memory_space<hbm>>)
    %lt3A_64 = arith.constant 2 : i32
    %lt3A_65 = arith.cmpi slt, %add3A, %lt3A_64 : i32
    %convert_element_type3A = arith.extui %lt3A_65 : i1 to i32
    %cond3A = arith.constant 0 : i32
    %cond3A_66 = arith.cmpi ne, %convert_element_type3A, %cond3A : i32
    scf.if %cond3A_66 {
      "tpu.region"() ({
        %run_scoped3A = tpu.sem_alloc : memref<!tpu.dma_semaphore, #tpu.memory_space<semaphore_mem>>
        %dma_start3A_119 = arith.constant 0 : i32
        %dma_start3A_120 = tpu.memref_slice %arg6[%dma_start3A_119] : memref<4160xi32, #tpu.memory_space<vmem>> -> memref<1040xi32, #tpu.memory_space<vmem>>
        %dma_start3A_121 = arith.constant 1064960 : i32
        %dma_start3A_122 = tpu.memref_slice %arg3[%dma_start3A_121] : memref<1069120xi32, #tpu.memory_space<hbm>> -> memref<1040xi32, #tpu.memory_space<hbm>>
        %dma_start3A_123 = arith.constant 0 : i32
        %dma_start3A_124 = tpu.memref_slice %arg6[%dma_start3A_123] : memref<4160xi32, #tpu.memory_space<vmem>> -> memref<1040xi32, #tpu.memory_space<vmem>>
        %dma_start3A_125 = arith.constant 1064960 : i32
        %dma_start3A_126 = tpu.memref_slice %arg3[%dma_start3A_125] : memref<1069120xi32, #tpu.memory_space<hbm>> -> memref<1040xi32, #tpu.memory_space<hbm>>
        tpu.enqueue_dma source(%dma_start3A_126 : memref<1040xi32, #tpu.memory_space<hbm>>) target(%dma_start3A_124 : memref<1040xi32, #tpu.memory_space<vmem>>) target_semaphore(%run_scoped3A : memref<!tpu.dma_semaphore, #tpu.memory_space<semaphore_mem>>)
        %dma_wait3A_127 = arith.constant 0 : i32
        %dma_wait3A_128 = tpu.memref_slice %arg6[%dma_wait3A_127] : memref<4160xi32, #tpu.memory_space<vmem>> -> memref<1040xi32, #tpu.memory_space<vmem>>
        %dma_wait3A_129 = arith.constant 1064960 : i32
        %dma_wait3A_130 = tpu.memref_slice %arg3[%dma_wait3A_129] : memref<1069120xi32, #tpu.memory_space<hbm>> -> memref<1040xi32, #tpu.memory_space<hbm>>
        %dma_wait3A_131 = arith.constant 0 : i32
        %dma_wait3A_132 = tpu.memref_slice %arg6[%dma_wait3A_131] : memref<4160xi32, #tpu.memory_space<vmem>> -> memref<1040xi32, #tpu.memory_space<vmem>>
        %dma_wait3A_133 = arith.constant 1064960 : i32
        %dma_wait3A_134 = tpu.memref_slice %arg3[%dma_wait3A_133] : memref<1069120xi32, #tpu.memory_space<hbm>> -> memref<1040xi32, #tpu.memory_space<hbm>>
        tpu.wait_dma2 semaphore(%run_scoped3A : memref<!tpu.dma_semaphore, #tpu.memory_space<semaphore_mem>>) src(%dma_wait3A_134 : memref<1040xi32, #tpu.memory_space<hbm>>) dst(%dma_wait3A_132 : memref<1040xi32, #tpu.memory_space<vmem>>)
        tpu.yield
      }) : () -> ()
      %parallel_loop3A = arith.constant 0 : i32
      %parallel_loop3A_67 = arith.constant 64 : i32
      %parallel_loop3A_68 = arith.constant 1 : i32
      scf.for %parallel_loop3A_119 = %parallel_loop3A to %parallel_loop3A_67 step %parallel_loop3A_68  : i32 {
        %parallel_loop3A_120 = arith.constant 16 : i32
        %parallel_loop3A_121 = arith.muli %parallel_loop3A_119, %parallel_loop3A_120 : i32
        %parallel_loop3A_122 = arith.constant 0 : i32
        %parallel_loop3A_123 = arith.addi %parallel_loop3A_122, %parallel_loop3A_121 : i32
        %parallel_loop3A_124 = arith.index_cast %parallel_loop3A_123 : i32 to index
        %parallel_loop3A_125 = tpu.vector_load %arg6[%parallel_loop3A_124] {strides = array<i32>} : memref<4160xi32, #tpu.memory_space<vmem>>, vector<16xi32>,
        %parallel_loop3A_126 = arith.constant 0 : i32
        %parallel_loop3A_127 = vector.broadcast %parallel_loop3A_126 : i32 to vector<16xi32>
        %parallel_loop3A_128 = arith.addi %parallel_loop3A_125, %parallel_loop3A_127 : vector<16xi32>
        %parallel_loop3A_129 = tpu.vector_load_idx %arg5[%parallel_loop3A_128] : memref<31776xf32, #tpu.memory_space<vmem>>[vector<16xi32>], vector<16xf32>,
        %parallel_loop3A_130 = arith.constant 16 : i32
        %parallel_loop3A_131 = arith.muli %parallel_loop3A_119, %parallel_loop3A_130 : i32
        %parallel_loop3A_132 = arith.constant 0 : i32
        %parallel_loop3A_133 = arith.constant 0 : i32
        %parallel_loop3A_134 = arith.index_cast %parallel_loop3A_132 : i32 to index
        %parallel_loop3A_135 = arith.index_cast %parallel_loop3A_133 : i32 to index
        %parallel_loop3A_136 = arith.index_cast %parallel_loop3A_131 : i32 to index
        %parallel_loop3A_137 = tpu.vector_load %arg8[%parallel_loop3A_134, %parallel_loop3A_135, %parallel_loop3A_136] {strides = array<i32>} : memref<4x8x1025xf32, #tpu.memory_space<vmem>>, vector<16xf32>,
        tpu.vector_store %arg8[%parallel_loop3A_134, %parallel_loop3A_135, %parallel_loop3A_136], %parallel_loop3A_129 {strides = array<i32>} : memref<4x8x1025xf32, #tpu.memory_space<vmem>>, vector<16xf32>,
        %parallel_loop3A_138 = arith.constant 3972 : i32
        %parallel_loop3A_139 = vector.broadcast %parallel_loop3A_138 : i32 to vector<16xi32>
        %parallel_loop3A_140 = arith.addi %parallel_loop3A_125, %parallel_loop3A_139 : vector<16xi32>
        %parallel_loop3A_141 = tpu.vector_load_idx %arg5[%parallel_loop3A_140] : memref<31776xf32, #tpu.memory_space<vmem>>[vector<16xi32>], vector<16xf32>,
        %parallel_loop3A_142 = arith.constant 16 : i32
        %parallel_loop3A_143 = arith.muli %parallel_loop3A_119, %parallel_loop3A_142 : i32
        %parallel_loop3A_144 = arith.constant 0 : i32
        %parallel_loop3A_145 = arith.constant 1 : i32
        %parallel_loop3A_146 = arith.index_cast %parallel_loop3A_144 : i32 to index
        %parallel_loop3A_147 = arith.index_cast %parallel_loop3A_145 : i32 to index
        %parallel_loop3A_148 = arith.index_cast %parallel_loop3A_143 : i32 to index
        %parallel_loop3A_149 = tpu.vector_load %arg8[%parallel_loop3A_146, %parallel_loop3A_147, %parallel_loop3A_148] {strides = array<i32>} : memref<4x8x1025xf32, #tpu.memory_space<vmem>>, vector<16xf32>,
        tpu.vector_store %arg8[%parallel_loop3A_146, %parallel_loop3A_147, %parallel_loop3A_148], %parallel_loop3A_141 {strides = array<i32>} : memref<4x8x1025xf32, #tpu.memory_space<vmem>>, vector<16xf32>,
        %parallel_loop3A_150 = arith.constant 7944 : i32
        %parallel_loop3A_151 = vector.broadcast %parallel_loop3A_150 : i32 to vector<16xi32>
        %parallel_loop3A_152 = arith.addi %parallel_loop3A_125, %parallel_loop3A_151 : vector<16xi32>
        %parallel_loop3A_153 = tpu.vector_load_idx %arg5[%parallel_loop3A_152] : memref<31776xf32, #tpu.memory_space<vmem>>[vector<16xi32>], vector<16xf32>,
        %parallel_loop3A_154 = arith.constant 16 : i32
        %parallel_loop3A_155 = arith.muli %parallel_loop3A_119, %parallel_loop3A_154 : i32
        %parallel_loop3A_156 = arith.constant 0 : i32
        %parallel_loop3A_157 = arith.constant 2 : i32
        %parallel_loop3A_158 = arith.index_cast %parallel_loop3A_156 : i32 to index
        %parallel_loop3A_159 = arith.index_cast %parallel_loop3A_157 : i32 to index
        %parallel_loop3A_160 = arith.index_cast %parallel_loop3A_155 : i32 to index
        %parallel_loop3A_161 = tpu.vector_load %arg8[%parallel_loop3A_158, %parallel_loop3A_159, %parallel_loop3A_160] {strides = array<i32>} : memref<4x8x1025xf32, #tpu.memory_space<vmem>>, vector<16xf32>,
        tpu.vector_store %arg8[%parallel_loop3A_158, %parallel_loop3A_159, %parallel_loop3A_160], %parallel_loop3A_153 {strides = array<i32>} : memref<4x8x1025xf32, #tpu.memory_space<vmem>>, vector<16xf32>,
        %parallel_loop3A_162 = arith.constant 11916 : i32
        %parallel_loop3A_163 = vector.broadcast %parallel_loop3A_162 : i32 to vector<16xi32>
        %parallel_loop3A_164 = arith.addi %parallel_loop3A_125, %parallel_loop3A_163 : vector<16xi32>
        %parallel_loop3A_165 = tpu.vector_load_idx %arg5[%parallel_loop3A_164] : memref<31776xf32, #tpu.memory_space<vmem>>[vector<16xi32>], vector<16xf32>,
        %parallel_loop3A_166 = arith.constant 16 : i32
        %parallel_loop3A_167 = arith.muli %parallel_loop3A_119, %parallel_loop3A_166 : i32
        %parallel_loop3A_168 = arith.constant 0 : i32
        %parallel_loop3A_169 = arith.constant 3 : i32
        %parallel_loop3A_170 = arith.index_cast %parallel_loop3A_168 : i32 to index
        %parallel_loop3A_171 = arith.index_cast %parallel_loop3A_169 : i32 to index
        %parallel_loop3A_172 = arith.index_cast %parallel_loop3A_167 : i32 to index
        %parallel_loop3A_173 = tpu.vector_load %arg8[%parallel_loop3A_170, %parallel_loop3A_171, %parallel_loop3A_172] {strides = array<i32>} : memref<4x8x1025xf32, #tpu.memory_space<vmem>>, vector<16xf32>,
        tpu.vector_store %arg8[%parallel_loop3A_170, %parallel_loop3A_171, %parallel_loop3A_172], %parallel_loop3A_165 {strides = array<i32>} : memref<4x8x1025xf32, #tpu.memory_space<vmem>>, vector<16xf32>,
        %parallel_loop3A_174 = arith.constant 15888 : i32
        %parallel_loop3A_175 = vector.broadcast %parallel_loop3A_174 : i32 to vector<16xi32>
        %parallel_loop3A_176 = arith.addi %parallel_loop3A_125, %parallel_loop3A_175 : vector<16xi32>
        %parallel_loop3A_177 = tpu.vector_load_idx %arg5[%parallel_loop3A_176] : memref<31776xf32, #tpu.memory_space<vmem>>[vector<16xi32>], vector<16xf32>,
        %parallel_loop3A_178 = arith.constant 16 : i32
        %parallel_loop3A_179 = arith.muli %parallel_loop3A_119, %parallel_loop3A_178 : i32
        %parallel_loop3A_180 = arith.constant 0 : i32
        %parallel_loop3A_181 = arith.constant 4 : i32
        %parallel_loop3A_182 = arith.index_cast %parallel_loop3A_180 : i32 to index
        %parallel_loop3A_183 = arith.index_cast %parallel_loop3A_181 : i32 to index
        %parallel_loop3A_184 = arith.index_cast %parallel_loop3A_179 : i32 to index
        %parallel_loop3A_185 = tpu.vector_load %arg8[%parallel_loop3A_182, %parallel_loop3A_183, %parallel_loop3A_184] {strides = array<i32>} : memref<4x8x1025xf32, #tpu.memory_space<vmem>>, vector<16xf32>,
        tpu.vector_store %arg8[%parallel_loop3A_182, %parallel_loop3A_183, %parallel_loop3A_184], %parallel_loop3A_177 {strides = array<i32>} : memref<4x8x1025xf32, #tpu.memory_space<vmem>>, vector<16xf32>,
        %parallel_loop3A_186 = arith.constant 19860 : i32
        %parallel_loop3A_187 = vector.broadcast %parallel_loop3A_186 : i32 to vector<16xi32>
        %parallel_loop3A_188 = arith.addi %parallel_loop3A_125, %parallel_loop3A_187 : vector<16xi32>
        %parallel_loop3A_189 = tpu.vector_load_idx %arg5[%parallel_loop3A_188] : memref<31776xf32, #tpu.memory_space<vmem>>[vector<16xi32>], vector<16xf32>,
        %parallel_loop3A_190 = arith.constant 16 : i32
        %parallel_loop3A_191 = arith.muli %parallel_loop3A_119, %parallel_loop3A_190 : i32
        %parallel_loop3A_192 = arith.constant 0 : i32
        %parallel_loop3A_193 = arith.constant 5 : i32
        %parallel_loop3A_194 = arith.index_cast %parallel_loop3A_192 : i32 to index
        %parallel_loop3A_195 = arith.index_cast %parallel_loop3A_193 : i32 to index
        %parallel_loop3A_196 = arith.index_cast %parallel_loop3A_191 : i32 to index
        %parallel_loop3A_197 = tpu.vector_load %arg8[%parallel_loop3A_194, %parallel_loop3A_195, %parallel_loop3A_196] {strides = array<i32>} : memref<4x8x1025xf32, #tpu.memory_space<vmem>>, vector<16xf32>,
        tpu.vector_store %arg8[%parallel_loop3A_194, %parallel_loop3A_195, %parallel_loop3A_196], %parallel_loop3A_189 {strides = array<i32>} : memref<4x8x1025xf32, #tpu.memory_space<vmem>>, vector<16xf32>,
        %parallel_loop3A_198 = arith.constant 23832 : i32
        %parallel_loop3A_199 = vector.broadcast %parallel_loop3A_198 : i32 to vector<16xi32>
        %parallel_loop3A_200 = arith.addi %parallel_loop3A_125, %parallel_loop3A_199 : vector<16xi32>
        %parallel_loop3A_201 = tpu.vector_load_idx %arg5[%parallel_loop3A_200] : memref<31776xf32, #tpu.memory_space<vmem>>[vector<16xi32>], vector<16xf32>,
        %parallel_loop3A_202 = arith.constant 16 : i32
        %parallel_loop3A_203 = arith.muli %parallel_loop3A_119, %parallel_loop3A_202 : i32
        %parallel_loop3A_204 = arith.constant 0 : i32
        %parallel_loop3A_205 = arith.constant 6 : i32
        %parallel_loop3A_206 = arith.index_cast %parallel_loop3A_204 : i32 to index
        %parallel_loop3A_207 = arith.index_cast %parallel_loop3A_205 : i32 to index
        %parallel_loop3A_208 = arith.index_cast %parallel_loop3A_203 : i32 to index
        %parallel_loop3A_209 = tpu.vector_load %arg8[%parallel_loop3A_206, %parallel_loop3A_207, %parallel_loop3A_208] {strides = array<i32>} : memref<4x8x1025xf32, #tpu.memory_space<vmem>>, vector<16xf32>,
        tpu.vector_store %arg8[%parallel_loop3A_206, %parallel_loop3A_207, %parallel_loop3A_208], %parallel_loop3A_201 {strides = array<i32>} : memref<4x8x1025xf32, #tpu.memory_space<vmem>>, vector<16xf32>,
        %parallel_loop3A_210 = arith.constant 27804 : i32
        %parallel_loop3A_211 = vector.broadcast %parallel_loop3A_210 : i32 to vector<16xi32>
        %parallel_loop3A_212 = arith.addi %parallel_loop3A_125, %parallel_loop3A_211 : vector<16xi32>
        %parallel_loop3A_213 = tpu.vector_load_idx %arg5[%parallel_loop3A_212] : memref<31776xf32, #tpu.memory_space<vmem>>[vector<16xi32>], vector<16xf32>,
        %parallel_loop3A_214 = arith.constant 16 : i32
        %parallel_loop3A_215 = arith.muli %parallel_loop3A_119, %parallel_loop3A_214 : i32
        %parallel_loop3A_216 = arith.constant 0 : i32
        %parallel_loop3A_217 = arith.constant 7 : i32
        %parallel_loop3A_218 = arith.index_cast %parallel_loop3A_216 : i32 to index
        %parallel_loop3A_219 = arith.index_cast %parallel_loop3A_217 : i32 to index
        %parallel_loop3A_220 = arith.index_cast %parallel_loop3A_215 : i32 to index
        %parallel_loop3A_221 = tpu.vector_load %arg8[%parallel_loop3A_218, %parallel_loop3A_219, %parallel_loop3A_220] {strides = array<i32>} : memref<4x8x1025xf32, #tpu.memory_space<vmem>>, vector<16xf32>,
        tpu.vector_store %arg8[%parallel_loop3A_218, %parallel_loop3A_219, %parallel_loop3A_220], %parallel_loop3A_213 {strides = array<i32>} : memref<4x8x1025xf32, #tpu.memory_space<vmem>>, vector<16xf32>,
      } {sc.loop_unroll_factor = 8 : i64, sc.parallel_access}
      %get3A = arith.constant 1024 : index
      %get3A_69 = tpu.vector_load %arg6[%get3A] {strides = array<i32>} : memref<4160xi32, #tpu.memory_space<vmem>>, vector<16xi32>,
      %broadcast_in_dim3A_70 = arith.constant 0 : i32
      %broadcast_in_dim3A_71 = vector.broadcast %broadcast_in_dim3A_70 : i32 to vector<16xi32>
      %add3A_72 = arith.constant 0 : i32
      %add3A_73 = vector.broadcast %add3A_72 : i32 to vector<16xi32>
      %add3A_74 = arith.addi %get3A_69, %add3A_73 : vector<16xi32>
      %gather3A = tpu.vector_load_idx %arg5[%add3A_74] : memref<31776xf32, #tpu.memory_space<vmem>>[vector<16xi32>], vector<16xf32>,
      %broadcast_in_dim3A_75 = arith.constant 0 : i32
      %broadcast_in_dim3A_76 = vector.broadcast %broadcast_in_dim3A_75 : i32 to vector<16xi32>
      tpu.vector_store_idx %arg8[%broadcast_in_dim3A_71, %broadcast_in_dim3A_76, %broadcast_in_dim3A_35], %gather3A masked %lt3A_38 : memref<4x8x1025xf32, #tpu.memory_space<vmem>>[vector<16xi32>, vector<16xi32>, vector<16xi32>], vector<16xf32>, vector<16xi1>
      %add3A_77 = arith.constant 3972 : i32
      %add3A_78 = vector.broadcast %add3A_77 : i32 to vector<16xi32>
      %add3A_79 = arith.addi %get3A_69, %add3A_78 : vector<16xi32>
      %gather3A_80 = tpu.vector_load_idx %arg5[%add3A_79] : memref<31776xf32, #tpu.memory_space<vmem>>[vector<16xi32>], vector<16xf32>,
      %broadcast_in_dim3A_81 = arith.constant 1 : i32
      %broadcast_in_dim3A_82 = vector.broadcast %broadcast_in_dim3A_81 : i32 to vector<16xi32>
      tpu.vector_store_idx %arg8[%broadcast_in_dim3A_71, %broadcast_in_dim3A_82, %broadcast_in_dim3A_35], %gather3A_80 masked %lt3A_38 : memref<4x8x1025xf32, #tpu.memory_space<vmem>>[vector<16xi32>, vector<16xi32>, vector<16xi32>], vector<16xf32>, vector<16xi1>
      %add3A_83 = arith.constant 7944 : i32
      %add3A_84 = vector.broadcast %add3A_83 : i32 to vector<16xi32>
      %add3A_85 = arith.addi %get3A_69, %add3A_84 : vector<16xi32>
      %gather3A_86 = tpu.vector_load_idx %arg5[%add3A_85] : memref<31776xf32, #tpu.memory_space<vmem>>[vector<16xi32>], vector<16xf32>,
      %broadcast_in_dim3A_87 = arith.constant 2 : i32
      %broadcast_in_dim3A_88 = vector.broadcast %broadcast_in_dim3A_87 : i32 to vector<16xi32>
      tpu.vector_store_idx %arg8[%broadcast_in_dim3A_71, %broadcast_in_dim3A_88, %broadcast_in_dim3A_35], %gather3A_86 masked %lt3A_38 : memref<4x8x1025xf32, #tpu.memory_space<vmem>>[vector<16xi32>, vector<16xi32>, vector<16xi32>], vector<16xf32>, vector<16xi1>
      %add3A_89 = arith.constant 11916 : i32
      %add3A_90 = vector.broadcast %add3A_89 : i32 to vector<16xi32>
      %add3A_91 = arith.addi %get3A_69, %add3A_90 : vector<16xi32>
      %gather3A_92 = tpu.vector_load_idx %arg5[%add3A_91] : memref<31776xf32, #tpu.memory_space<vmem>>[vector<16xi32>], vector<16xf32>,
      %broadcast_in_dim3A_93 = arith.constant 3 : i32
      %broadcast_in_dim3A_94 = vector.broadcast %broadcast_in_dim3A_93 : i32 to vector<16xi32>
      tpu.vector_store_idx %arg8[%broadcast_in_dim3A_71, %broadcast_in_dim3A_94, %broadcast_in_dim3A_35], %gather3A_92 masked %lt3A_38 : memref<4x8x1025xf32, #tpu.memory_space<vmem>>[vector<16xi32>, vector<16xi32>, vector<16xi32>], vector<16xf32>, vector<16xi1>
      %add3A_95 = arith.constant 15888 : i32
      %add3A_96 = vector.broadcast %add3A_95 : i32 to vector<16xi32>
      %add3A_97 = arith.addi %get3A_69, %add3A_96 : vector<16xi32>
      %gather3A_98 = tpu.vector_load_idx %arg5[%add3A_97] : memref<31776xf32, #tpu.memory_space<vmem>>[vector<16xi32>], vector<16xf32>,
      %broadcast_in_dim3A_99 = arith.constant 4 : i32
      %broadcast_in_dim3A_100 = vector.broadcast %broadcast_in_dim3A_99 : i32 to vector<16xi32>
      tpu.vector_store_idx %arg8[%broadcast_in_dim3A_71, %broadcast_in_dim3A_100, %broadcast_in_dim3A_35], %gather3A_98 masked %lt3A_38 : memref<4x8x1025xf32, #tpu.memory_space<vmem>>[vector<16xi32>, vector<16xi32>, vector<16xi32>], vector<16xf32>, vector<16xi1>
      %add3A_101 = arith.constant 19860 : i32
      %add3A_102 = vector.broadcast %add3A_101 : i32 to vector<16xi32>
      %add3A_103 = arith.addi %get3A_69, %add3A_102 : vector<16xi32>
      %gather3A_104 = tpu.vector_load_idx %arg5[%add3A_103] : memref<31776xf32, #tpu.memory_space<vmem>>[vector<16xi32>], vector<16xf32>,
      %broadcast_in_dim3A_105 = arith.constant 5 : i32
      %broadcast_in_dim3A_106 = vector.broadcast %broadcast_in_dim3A_105 : i32 to vector<16xi32>
      tpu.vector_store_idx %arg8[%broadcast_in_dim3A_71, %broadcast_in_dim3A_106, %broadcast_in_dim3A_35], %gather3A_104 masked %lt3A_38 : memref<4x8x1025xf32, #tpu.memory_space<vmem>>[vector<16xi32>, vector<16xi32>, vector<16xi32>], vector<16xf32>, vector<16xi1>
      %add3A_107 = arith.constant 23832 : i32
      %add3A_108 = vector.broadcast %add3A_107 : i32 to vector<16xi32>
      %add3A_109 = arith.addi %get3A_69, %add3A_108 : vector<16xi32>
      %gather3A_110 = tpu.vector_load_idx %arg5[%add3A_109] : memref<31776xf32, #tpu.memory_space<vmem>>[vector<16xi32>], vector<16xf32>,
      %broadcast_in_dim3A_111 = arith.constant 6 : i32
      %broadcast_in_dim3A_112 = vector.broadcast %broadcast_in_dim3A_111 : i32 to vector<16xi32>
      tpu.vector_store_idx %arg8[%broadcast_in_dim3A_71, %broadcast_in_dim3A_112, %broadcast_in_dim3A_35], %gather3A_110 masked %lt3A_38 : memref<4x8x1025xf32, #tpu.memory_space<vmem>>[vector<16xi32>, vector<16xi32>, vector<16xi32>], vector<16xf32>, vector<16xi1>
      %add3A_113 = arith.constant 27804 : i32
      %add3A_114 = vector.broadcast %add3A_113 : i32 to vector<16xi32>
      %add3A_115 = arith.addi %get3A_69, %add3A_114 : vector<16xi32>
      %gather3A_116 = tpu.vector_load_idx %arg5[%add3A_115] : memref<31776xf32, #tpu.memory_space<vmem>>[vector<16xi32>], vector<16xf32>,
      %broadcast_in_dim3A_117 = arith.constant 7 : i32
      %broadcast_in_dim3A_118 = vector.broadcast %broadcast_in_dim3A_117 : i32 to vector<16xi32>
      tpu.vector_store_idx %arg8[%broadcast_in_dim3A_71, %broadcast_in_dim3A_118, %broadcast_in_dim3A_35], %gather3A_116 masked %lt3A_38 : memref<4x8x1025xf32, #tpu.memory_space<vmem>>[vector<16xi32>, vector<16xi32>, vector<16xi32>], vector<16xf32>, vector<16xi1>
      "tpu.region"() ({
        %run_scoped3A = tpu.sem_alloc : memref<!tpu.dma_semaphore, #tpu.memory_space<semaphore_mem>>
        %dma_start3A_119 = arith.constant 0 : i32
        %dma_start3A_120 = arith.constant 0 : i32
        %dma_start3A_121 = arith.constant 0 : i32
        %dma_start3A_122 = tpu.memref_slice %arg8[%dma_start3A_119, %dma_start3A_120, %dma_start3A_121] : memref<4x8x1025xf32, #tpu.memory_space<vmem>> -> memref<1x8x1025xf32, #tpu.memory_space<vmem>>
        %dma_start3A_123 = arith.constant 1024 : i32
        %dma_start3A_124 = arith.constant 0 : i32
        %dma_start3A_125 = tpu.memref_slice %arg4[%dma_start3A_123, %multiple_of3A, %dma_start3A_124] : memref<1025x16x1025xf32, #tpu.memory_space<hbm>> -> memref<1x8x1025xf32, #tpu.memory_space<hbm>>
        %dma_start3A_126 = arith.constant 1024 : i32
        %dma_start3A_127 = arith.constant 0 : i32
        %dma_start3A_128 = tpu.memref_slice %arg4[%dma_start3A_126, %multiple_of3A, %dma_start3A_127] : memref<1025x16x1025xf32, #tpu.memory_space<hbm>> -> memref<1x8x1025xf32, #tpu.memory_space<hbm>>
        %dma_start3A_129 = arith.constant 0 : i32
        %dma_start3A_130 = arith.constant 0 : i32
        %dma_start3A_131 = arith.constant 0 : i32
        %dma_start3A_132 = tpu.memref_slice %arg8[%dma_start3A_129, %dma_start3A_130, %dma_start3A_131] : memref<4x8x1025xf32, #tpu.memory_space<vmem>> -> memref<1x8x1025xf32, #tpu.memory_space<vmem>>
        tpu.enqueue_dma source(%dma_start3A_132 : memref<1x8x1025xf32, #tpu.memory_space<vmem>>) target(%dma_start3A_128 : memref<1x8x1025xf32, #tpu.memory_space<hbm>>) target_semaphore(%run_scoped3A : memref<!tpu.dma_semaphore, #tpu.memory_space<semaphore_mem>>)
        %dma_wait3A_133 = arith.constant 0 : i32
        %dma_wait3A_134 = arith.constant 0 : i32
        %dma_wait3A_135 = arith.constant 0 : i32
        %dma_wait3A_136 = tpu.memref_slice %arg8[%dma_wait3A_133, %dma_wait3A_134, %dma_wait3A_135] : memref<4x8x1025xf32, #tpu.memory_space<vmem>> -> memref<1x8x1025xf32, #tpu.memory_space<vmem>>
        %dma_wait3A_137 = arith.constant 1024 : i32
        %dma_wait3A_138 = arith.constant 0 : i32
        %dma_wait3A_139 = tpu.memref_slice %arg4[%dma_wait3A_137, %multiple_of3A, %dma_wait3A_138] : memref<1025x16x1025xf32, #tpu.memory_space<hbm>> -> memref<1x8x1025xf32, #tpu.memory_space<hbm>>
        %dma_wait3A_140 = arith.constant 1024 : i32
        %dma_wait3A_141 = arith.constant 0 : i32
        %dma_wait3A_142 = tpu.memref_slice %arg4[%dma_wait3A_140, %multiple_of3A, %dma_wait3A_141] : memref<1025x16x1025xf32, #tpu.memory_space<hbm>> -> memref<1x8x1025xf32, #tpu.memory_space<hbm>>
        %dma_wait3A_143 = arith.constant 0 : i32
        %dma_wait3A_144 = arith.constant 0 : i32
        %dma_wait3A_145 = arith.constant 0 : i32
        %dma_wait3A_146 = tpu.memref_slice %arg8[%dma_wait3A_143, %dma_wait3A_144, %dma_wait3A_145] : memref<4x8x1025xf32, #tpu.memory_space<vmem>> -> memref<1x8x1025xf32, #tpu.memory_space<vmem>>
        tpu.wait_dma2 semaphore(%run_scoped3A : memref<!tpu.dma_semaphore, #tpu.memory_space<semaphore_mem>>) src(%dma_wait3A_146 : memref<1x8x1025xf32, #tpu.memory_space<vmem>>) dst(%dma_wait3A_142 : memref<1x8x1025xf32, #tpu.memory_space<hbm>>)
        tpu.yield
      }) : () -> ()
    } else {
    }
    return
  }
}

</mosaic_0001>

<sc_bundles>
// kernel: kernel.3.cloned.1.call-start
scs
__scs_entry_jumppad:
0x0: {  	(pc) =	sbr.rel $0x88, $3  }
0x1: {  	(tag) =	ssettag $0x0;
	lr =	simm.s32 $0x1  }
0x2: {  	[smem:$0x3F9F] =	sst lr;
	_ =	strace $0xD0000000  }
0x3: {  	_ = 	snop  }
0x4: {  	_ = 	snop  }
0x5: {  	_ = 	snop  }
0x6: {  	_ = 	snop  }
0x7: {  	_ = 	snop  }
__scs_overlays_trampoline_lowered:
0x8: {  	[smem:$0x3FAE] =	sst s0  }
0x9: {  	[smem:$0x3FAF] =	sst s1  }
0xa: {  	[smem:$0x3FB0] =	sst s2  }
0xb: {  	[smem:$0x3FB1] =	sst s3  }
0xc: {  	[smem:$0x3FB2] =	sst s4  }
0xd: {  	[smem:$0x3FB3] =	sst s5  }
0xe: {  	[smem:$0x3FB4] =	sst s6  }
0xf: {  	[smem:$0x3FB5] =	sst s7  }
0x10: {  	[smem:$0x3FB6] =	sst s8  }
0x11: {  	[smem:$0x3FB7] =	sst s9;
	s0 =	simm.s32 @!p0 $0x0  }
0x12: {  	s1 =	sld [smem:$0x3F9D];
	s0 =	simm.s32 @p0 $0x1  }
0x13: {  	[smem:$0x3FB8] =	sst s0;
	s0 =	simm.s32 @!p1 $0x0  }
0x14: {  	s2 =	sld [smem:$0x3F9C];
	s0 =	simm.s32 @p1 $0x1  }
0x15: {  	[smem:$0x3FB9] =	sst s0;
	s0 =	simm.s32 @!p2 $0x0  }
0x16: {  	s3 =	sld [smem:$0x3FDB];
	s0 =	simm.s32 @p2 $0x1  }
0x17: {  	s4 =	simm.s32 $0x1BF5;
	[smem:$0x3FBB] =	sst s0  }
0x18: {  	s0 =	sld [smem:$0x3F9E];
	_ =	swait.ge [sflag:s4], $0x0  }
0x19: {  	s7 =	sld [smem:$0x3F9F]  }
0x1a: {  	s8 =	sadd.s32 $0xFFFFE003, lr  }
0x1b: {  	s9 =	sadd.s32 $0xFFFFFEF7, lr;
	s5 =	simm.s32 $0xFFFFFFFF;
	p2 =	slt.u32 s8, $0xFFFFF086  }
0x1c: {  	p1 =	slt.u32 s9, $0xF7A;
	s5 =	simm.s32 @!p2 $0x0  }
0x1d: {  	s5 =	simm.s32 @p1 $0x1;
	p0 =	seq.s32 s7, s2  }
0x1e: {  	s7 =	smul.u32 @!p0 $0xF7A, s2;
	p2 =	seq.s32 @!p0 s5, $0x0  }
0x1f: {  	s9 =	smul.u32 $0xF7A, s1;
	s8 =	simm.s32 @!p0 $0x1BF5;
	p2 =	por !p2, p0  }
0x20: {  	[sflag:s8] =	ssyncset.s32 @!p0 $0xFFFFF086;
	s6 =	sadd.s32 @!p0 s3, s7;
	s7 =	simm.s32 @!p0 $0x108  }
0x21: {  	s3 =	sadd.s32 s3, s9;
	s6 =	sadd.s32 @!p0 $0x88, s6;
	s7 =	simm.s32 @p2 $0x1082  }
0x22: {  	[simem:s7], [sflag:s8] =	dma.local @!p0 [hbm:s6], $0xF7A  }
0x23: {  	s9 =	sor.u32 $0xD0000000, s2;
	s6 =	simm.s32 $0x108;
	_ =	swait.ge @!p0 [sflag:s8], $0x0  }
0x24: {  	s3 =	sadd.s32 $0x88, s3;
	s6 =	simm.s32 @!p1 $0x1082;
	[sflag:s4] =	ssyncset.s32 $0xFFFFF086  }
0x25: {  	[simem:s6], [sflag:s4] =	dma.local [hbm:s3], $0xF7A  }
0x26: {  	[smem:$0x3F9F] =	sst s1;
	(tag) =	ssettag s2;
	_ =	strace s9  }
0x27: {  	s1 =	sld [smem:$0x3FAF]  }
0x28: {  	s2 =	sld [smem:$0x3FB0]  }
0x29: {  	s4 =	sld [smem:$0x3FB2]  }
0x2a: {  	p0 =	seq.s32 s5, $0x0;
	s5 =	sld [smem:$0x3FB3]  }
0x2b: {  	s6 =	sld [smem:$0x3FB4]  }
0x2c: {  	s7 =	sld [smem:$0x3FB5]  }
0x2d: {  	s3 =	simm.s32 $0x108;
	s8 =	sld [smem:$0x3FB6]  }
0x2e: {  	s3 =	simm.s32 @!p0 $0x1082;
	s9 =	sld [smem:$0x3FB7]  }
0x2f: {  	lr =	sadd.s32 s0, s3;
	s0 =	sld [smem:$0x3FAE]  }
0x30: {  	s3 =	sld [smem:$0x3FB1]  }
0x31: {  	[smem:$0x3FBA] =	sst s10  }
0x32: {  	s10 =	sld [smem:$0x3FB8];
	_ =	sdelay $0x3  }
0x33: {  	p0 =	seq.s32 s10, $0x1;
	s10 =	sld [smem:$0x3FBA];
	_ =	sdelay $0x3  }
0x34: {  	[smem:$0x3FBA] =	sst s10  }
0x35: {  	s10 =	sld [smem:$0x3FB9];
	_ =	sdelay $0x3  }
0x36: {  	p1 =	seq.s32 s10, $0x1;
	s10 =	sld [smem:$0x3FBA];
	_ =	sdelay $0x3  }
0x37: {  	[smem:$0x3FBA] =	sst s10  }
0x38: {  	s10 =	sld [smem:$0x3FBB]  }
0x39: {  	_ = 	snop;
	(pc) =	sbr.ind lr, $3  }
0x3a: {  	_ = 	snop  }
0x3b: {  	_ = 	snop  }
0x3c: {  	p2 =	seq.s32 s10, $0x1;
	s10 =	sld [smem:$0x3FBA]  }
0x3d: {  	_ =	shalt  }
0x3e: {  	_ =	shalt  }
0x3f: {  	_ =	shalt  }
0x40: {  	_ =	shalt  }
0x41: {  	_ =	shalt  }
0x42: {  	_ =	shalt  }
0x43: {  	_ =	shalt  }
0x44: {  	_ =	shalt  }
0x45: {  	_ =	shalt  }
0x46: {  	_ =	shalt  }
0x47: {  	_ =	shalt  }
0x48: {  	_ =	shalt  }
0x49: {  	_ =	shalt  }
0x4a: {  	_ =	shalt  }
0x4b: {  	_ =	shalt  }
0x4c: {  	_ =	shalt  }
0x4d: {  	_ =	shalt  }
0x4e: {  	_ =	shalt  }
0x4f: {  	_ =	shalt  }
0x50: {  	_ =	shalt  }
0x51: {  	_ =	shalt  }
0x52: {  	_ =	shalt  }
0x53: {  	_ =	shalt  }
0x54: {  	_ =	shalt  }
0x55: {  	_ =	shalt  }
0x56: {  	_ =	shalt  }
0x57: {  	_ =	shalt  }
0x58: {  	_ =	shalt  }
0x59: {  	_ =	shalt  }
0x5a: {  	_ =	shalt  }
0x5b: {  	_ =	shalt  }
0x5c: {  	_ =	shalt  }
0x5d: {  	_ =	shalt  }
0x5e: {  	_ =	shalt  }
0x5f: {  	_ =	shalt  }
0x60: {  	_ =	shalt  }
0x61: {  	_ =	shalt  }
0x62: {  	_ =	shalt  }
0x63: {  	_ =	shalt  }
0x64: {  	_ =	shalt  }
0x65: {  	_ =	shalt  }
0x66: {  	_ =	shalt  }
0x67: {  	_ =	shalt  }
0x68: {  	_ =	shalt  }
0x69: {  	_ =	shalt  }
0x6a: {  	_ =	shalt  }
0x6b: {  	_ =	shalt  }
0x6c: {  	_ =	shalt  }
0x6d: {  	_ =	shalt  }
0x6e: {  	_ =	shalt  }
0x6f: {  	_ =	shalt  }
0x70: {  	_ =	shalt  }
0x71: {  	_ =	shalt  }
0x72: {  	_ =	shalt  }
0x73: {  	_ =	shalt  }
0x74: {  	_ =	shalt  }
0x75: {  	_ =	shalt  }
0x76: {  	_ =	shalt  }
0x77: {  	_ =	shalt  }
0x78: {  	_ =	shalt  }
0x79: {  	_ =	shalt  }
0x7a: {  	_ =	shalt  }
0x7b: {  	_ =	shalt  }
0x7c: {  	_ =	shalt  }
0x7d: {  	_ =	shalt  }
0x7e: {  	_ =	shalt  }
0x7f: {  	_ =	shalt  }
0x80: {  	_ =	shalt  }
0x81: {  	_ =	shalt  }
0x82: {  	_ =	shalt  }
0x83: {  	_ =	shalt  }
0x84: {  	_ =	shalt  }
0x85: {  	_ =	shalt  }
0x86: {  	_ =	shalt  }
0x87: {  	_ =	shalt  }
.Lfunc_end0:
.L_simem_size_0:
called_computation_lowered:
.L_overlay_start_0:
0x88: {  	s2 =	sld [smem:$0x3FD9]  }
0x89: {  	s3 =	sld [smem:$0x3FFE];
	_ =	sdelay $0x1  }
0x8a: {  	s1 =	srdreg.scid  }
0x8b: {  	s0 =	sand.u32 $0x1, s1  }
0x8c: {  	s17 =	sshll.u32 s0, $0xA;
	s2 =	sadd.s32 s3, s2  }
0x8d: {  	s2 =	sadd.s32 s2, s17  }
0x8e: {  	[smem:$0x3FC6] =	sst s2  }
0x8f: {  	_ = 	snop  }
0x90: {  	s2 =	sld [smem:$0x3FD0];
	(tm) =	ssettm $0x1  }
0x91: {  	s18 =	sld [smem:$0x3FFB];
	_ =	sdelay $0x3  }
0x92: {  	_ =	strace s18  }
0x93: {  	s3 =	sld [smem:$0x3FFC];
	_ =	sdelay $0x3  }
0x94: {  	_ =	strace s3  }
0x95: {  	s3 =	sld [smem:$0x3FFD];
	_ =	sdelay $0x3  }
0x96: {  	_ =	strace s3  }
0x97: {  	_ =	strace $0x8FFFFFFF  }
0x98: {  	s19 =	sld [smem:$0x3FDB];
	_ =	sdelay $0x1  }
0x99: {  	s4 =	simm.s32 $_scs_section_size  }
0x9a: {  	s5 =	simm.s32 $_size__tile_overlayer_lowered;
	s6 =	simm.s32 $_tile_overlayer_lowered  }
0x9b: {  	s22 =	simm.s32 $0x1BFF;
	s21 =	sshll.u32 s6, $0x1;
	s3 =	sadd.s32 s4, s19  }
0x9c: {  	s7 =	simm.s32 $0x0;
	s20 =	sshll.u32 s5, $0x1;
	s5 =	sadd.s32 s21, s3  }
0x9d: {  	[timem:s7], [sflag:s22] =	dma.local [hbm:s5], s20  }
0x9e: {  	_ =	swait.ge [sflag:s22], s20  }
0x9f: {  	s4 =	ssub.s32 $0x0, s20;
	[sflag:s22] =	ssyncset.done $0x0  }
0xa0: {  	[sflag:s22] =	ssyncadd.s32 s4;
	_ =	sdelay $0x1  }
0xa1: {  	s23 =	simm.s32 $0x1B8B  }
0xa2: {  	_ =	swait.ge [sflag:s23], $0x1  }
0xa3: {  	[sflag:s23] =	ssyncset.done $0x0  }
0xa4: {  	s25 =	simm.s32 $0x1B8E;
	s24 =	sld [smem:$0x3FFE];
	[sflag:s23] =	ssyncadd.s32 $0xFFFFFFFF  }
0xa5: {  	s26 =	simm.s32 $execute0_lowered;
	[smem:$0x3FD2] =	sst s25  }
0xa6: {  	s5 =	sshll.u32 s26, $0x1;
	_ =	strace $0x80000046;
	[dreg:$0x1] =	wrdreg $0xFFFFFFFF  }
0xa7: {  	s28 =	simm.s32 $_size_execute0_lowered;
	s3 =	sadd.s32 s3, s5;
	[dreg:$0x0] =	wrdreg $0x0  }
0xa8: {  	s5 =	sshll.u32 s28, $0x1;
	[dreg:$0x2] =	wrdreg s3  }
0xa9: {  	[dreg:$0x3] =	wrdreg s5  }
0xaa: {  	[dreg:$0x4] =	wrdreg $0xC0  }
0xab: {  	_ =	task [dreg:s7], $0x5FFFF  }
0xac: {  	[dreg:$0x1] =	wrdreg $0xFFFFFFFF  }
0xad: {  	[dreg:$0x0] =	wrdreg $0x60  }
0xae: {  	[dreg:$0x2] =	wrdreg s24  }
0xaf: {  	[dreg:$0x3] =	wrdreg s2  }
0xb0: {  	[dreg:$0x4] =	wrdreg $0x9  }
0xb1: {  	_ =	task.clear_ibuf [dreg:s7], $0x5FFFF;
	_ =	strace $0x90000046  }
0xb2: {  	s29 =	simm.s32 $0x9;
	_ =	strace $0x80000048  }
0xb3: {  	_ =	swait.ge [sflag:s29], $0x1  }
0xb4: {  	[sflag:s29] =	ssyncadd.s32 $0xFFFFFFFF  }
0xb5: {  	_ =	strace $0x90000048  }
0xb6: {  	_ =	sfence  }
0xb7: {  	s30 =	sld [smem:$0x0];
	_ =	sdelay $0x2  }
0xb8: {  	s31 =	sshll.u32 s1, $0xD;
	s1 =	sshrl.u32 s1, $0x2  }
0xb9: {  	s3 =	sand.u32 $0x4000, s31;
	s1 =	sadd.s32 s1, s30  }
0xba: {  	s0 =	sor.u32 s3, s0;
	s1 =	sshll.u32 s1, $0x11  }
0xbb: {  	s0 =	sor.u32 s1, s0  }
0xbc: {  	s0 =	sadd.s32 $0x8F2B, s0  }
0xbd: {  	[sflag:s0] =	ssyncadd.remote.s32 $0x1  }
0xbe: {  	_ =	sfence.sel $0xFFFF  }
0xbf: {  	[dreg:$0x0] =	wrdreg $0xFFFFFFFF;
	(pc) =	sbr.abs _section_cstart, $3  }
0xc0: {  	[dreg:$0x1] =	wrdreg $0xFFFFFFFF  }
0xc1: {  	_ =	task.clear_ibuf [dreg:s7], $0x2FFFF;
	_ =	strace $0x9FFFFFFF  }
0xc2: {  	(tm) =	ssettm $0x7FFFFFFF  }
0xc3: {  	_ =	shalt  }
tec
execute0_lowered:
.L_overlay_start_1:
0x0: {  	(tag) =	ssettag $0x1  }
0x1: {  	s0 =	srdreg.scid;
	s11 =	rddreg [dreg:$0x0]  }
0x2: {  	s23 =	stileid.u32;
	s1 =	rddreg [dreg:$0x1]  }
0x3: {  	s2 =	simm.s32 $0x0;
	s3 =	simm.s32 $0x1;
	s14 =	simm.s32 $0x5  }
0x4: {  	s15 =	simm.s32 $0x7C80;
	s16 =	simm.s32 $0x8D00;
	s17 =	simm.s32 $0x9D80  }
0x5: {  	s18 =	simm.s32 $0x2400;
	s19 =	simm.s32 $0x4800;
	s20 =	simm.s32 $0x2  }
0x6: {  	s21 =	simm.s32 $0x4;
	s22 =	simm.s32 $0x12D80;
	s8 =	sand.u32 $0x1, s0  }
0x7: {  	s24 =	simm.s32 $0x0;
	[smem:$0x7FF] =	sst s2;
	s4 =	smul.u32 $0xF84, s8  }
0x8: {  	s0 =	sor.u32 s8, s23;
	p0 =	seq.s32 s8, $0x1;
	s12 =	smul.u32 $0x480, s8  }
0x9: {  	s5 =	ssub.s32 $0x2, s8;
	s8 =	smul.u32 $0x2400, s8;
	p1 =	seq.s32 s0, $0x0  }
0xa: {  	s0 =	rddreg [dreg:$0x2];
	_ =	strace $0x80000047;
	p0 =	por !p1, !p0  }
0xb: {  	s6 =	sshrl.u32 s5, $0x1;
	s9 =	sadd.s32 s4, s11;
	p0 =	por !p0, !p0  }
0xc: {  	s4 =	sadd.s32 $0x2400, s11;
	s13 =	ssub.s32 s5, s6;
	s3 =	simm.s32 @!p0 $0x0  }
.Ltmp0:
0xd: {  	s5 =	simm.s32 $0x1;
	s3 =	ssub.s32 s23, s3;
	(pc) =	sbr.rel .LBB2_1-.Ltmp0, $4  }
0xe: {  	s12 =	sadd.s32 s12, s1;
	s11 =	sadd.s32 $0x22C00, s11;
	s7 =	smul.u32 $0x1040, s3  }
0xf: {  	s6 =	sadd.s32 $0x400, s9;
	s12 =	sadd.s32 $0x240000, s12;
	s13 =	smax.u32 s13, $0x1  }
0x10: {  	v28 =	vimm.s32 $0x8E00;
	p0 =	sne.s32 s23, $0x0;
	s23 =	simm.s32 $0x3;
	s7 =	sshrl.u32 s7, $0x3  }
0x11: {  	v29 =	vimm.s32 $0x8E80;
	v30 =	vimm.s32 $0x8F00;
	v31 =	vimm.s32 $0x8F80;
	s9 =	sshll.u32 s3, $0x2;
	s10 =	sadd.s32 $0x20, s3;
	s7 =	sadd.s32 s4, s7  }
.LBB2_27:
0x12: {  	s24 =	sadd.s32 $0x1, s24  }
0x13: {  	p1 =	sne.s32 s24, s13  }
.Ltmp1:
0x14: {  	_ = 	snop;
	(pc) =	sbr.rel @!p1 .LBB2_28-.Ltmp1, $1  }
0x15: {  	_ =	sdelay $0x3  }
.LBB2_1:
0x16: {  	[tilespmem:s2], [sflag:$0x5] =	stream.linear.gather [hbm4b:s6+s2], $0x7C20, $0x38;
	[tilespmem:$0x1BD80] =	vst v63  }
0x17: {  	_ =	swait.ge [sflag:s14], $0x7C20  }
0x18: {  	[sflag:s14] =	ssyncset.done $0x0  }
0x19: {  	s25 =	simm.s32 $0x0;
	[sflag:s14] =	ssyncadd.s32 $0xFFFF83E0  }
0x1a: {  	[tilespmem:s15], [sflag:$0x1] =	stream.linear.gather [hbm4b:s7+s2], $0x1040, $0x38;
	[tilespmem:$0x1BD80] =	vst v63  }
.LBB2_2:
0x1b: {  	s26 =	sshllo.u32 s25, $0x1  }
0x1c: {  	s28 =	sshll.u32 s26, $0x4  }
0x1d: {  	s28 =	sadd.s32 s3, s28  }
0x1e: {  	s28 =	smul.u32 $0x208, s28;
	_ =	sdelay $0x1  }
0x1f: {  	s28 =	sadd.s32 s4, s28  }
0x20: {  	[tilespmem:s16], [sflag:$0x2] =	stream.linear.gather [hbm4b:s28+s2], $0x1040, $0x38;
	[tilespmem:$0x1BD80] =	vst v63  }
0x21: {  	_ =	swait.ge [sflag:s5], $0x1040  }
0x22: {  	p1 =	seq.s32 s25, $0x0;
	[sflag:s5] =	ssyncset.done $0x0  }
0x23: {  	s28 =	simm.s32 @!p1 $0x3;
	[sflag:s5] =	ssyncadd.s32 $0xFFFFEFC0  }
0x24: {  	_ =	swait.ge @!p1 [sflag:s28], $0x9000  }
0x25: {  	[sflag:s28] =	ssyncset.done @!p1 $0x0  }
0x26: {  	[sflag:s28] =	ssyncadd.s32 @!p1 $0xFFFF7000;
	s28 =	simm.s32 $0x7CC0  }
0x27: {  	v39 =	vld [tilespmem:s28+$0x30]  }
0x28: {  	v37 =	vld [tilespmem:s28+$0xFFFFFFD0]  }
0x29: {  	v36 =	vld [tilespmem:s28+$0xFFFFFFE0]  }
0x2a: {  	v35 =	vld [tilespmem:s28+$0xFFFFFFF0]  }
0x2b: {  	v34 =	vld [tilespmem:s28+$0x0]  }
0x2c: {  	v33 =	vld [tilespmem:s28+$0x10]  }
0x2d: {  	v32 =	vld [tilespmem:s28+$0x20]  }
0x2e: {  	v38 =	vld [tilespmem:s28+$0xFFFFFFC0]  }
0x2f: {  	v40 =	vld.idx.msk [tilespmem:v39+s2+$0x0], $0xffff  }
0x30: {  	v41 =	vld.idx.msk [tilespmem:v37+s2+$0x0], $0xffff  }
0x31: {  	v42 =	vld.idx.msk [tilespmem:v36+s2+$0x0], $0xffff  }
0x32: {  	v43 =	vadd.s32 $0xF84, v39;
	v44 =	vld.idx.msk [tilespmem:v35+s2+$0x0], $0xffff  }
0x33: {  	v45 =	vadd.s32 $0xF84, v37;
	v46 =	vld.idx.msk [tilespmem:v34+s2+$0x0], $0xffff  }
0x34: {  	s28 =	simm.s32 $0x9F80;
	v47 =	vadd.s32 $0xF84, v36;
	v48 =	vld.idx.msk [tilespmem:v33+s2+$0x0], $0xffff  }
0x35: {  	v49 =	vadd.s32 $0xF84, v35;
	v50 =	vld.idx.msk [tilespmem:v32+s2+$0x0], $0xffff;
	[tilespmem:s28+$0xFFFFFE70] =	vst v40  }
0x36: {  	v17 =	vadd.s32 $0xF84, v34;
	v51 =	vld.idx.msk [tilespmem:v38+s2+$0x0], $0xffff;
	[tilespmem:s28+$0xFFFFFE10] =	vst v41  }
0x37: {  	v19 =	vadd.s32 $0xF84, v33;
	[tilespmem:s28+$0xFFFFFE20] =	vst v42;
	v18 =	vld.idx.msk [tilespmem:v43+s2+$0x0], $0xffff  }
0x38: {  	v22 =	vadd.s32 $0xF84, v38;
	[tilespmem:s28+$0xFFFFFE30] =	vst v44;
	v20 =	vld.idx.msk [tilespmem:v45+s2+$0x0], $0xffff  }
0x39: {  	v23 =	vadd.s32 $0xF84, v32;
	[tilespmem:s28+$0xFFFFFE40] =	vst v46;
	v47 =	vld.idx.msk [tilespmem:v47+s2+$0x0], $0xffff  }
0x3a: {  	v21 =	vadd.s32 $0x1F08, v39;
	[tilespmem:s28+$0xFFFFFE50] =	vst v48;
	v49 =	vld.idx.msk [tilespmem:v49+s2+$0x0], $0xffff  }
0x3b: {  	v24 =	vadd.s32 $0x1F08, v37;
	[tilespmem:s28+$0xFFFFFE60] =	vst v50;
	v40 =	vld.idx.msk [tilespmem:v17+s2+$0x0], $0xffff  }
0x3c: {  	v25 =	vadd.s32 $0x1F08, v36;
	[tilespmem:s28+$0xFFFFFE00] =	vst v51;
	v43 =	vld.idx.msk [tilespmem:v19+s2+$0x0], $0xffff  }
0x3d: {  	v26 =	vadd.s32 $0x1F08, v35;
	v45 =	vld.idx.msk [tilespmem:v22+s2+$0x0], $0xffff;
	[tilespmem:s28+$0xFFFFFEF0] =	vst v18  }
0x3e: {  	v54 =	vadd.s32 $0x1F08, v34;
	v55 =	vld.idx.msk [tilespmem:v23+s2+$0x0], $0xffff;
	[tilespmem:s28+$0xFFFFFE90] =	vst v20  }
0x3f: {  	v57 =	vadd.s32 $0x1F08, v38;
	[tilespmem:s28+$0xFFFFFEA0] =	vst v47;
	v44 =	vld.idx.msk [tilespmem:v21+s2+$0x0], $0xffff  }
0x40: {  	v58 =	vadd.s32 $0x1F08, v33;
	[tilespmem:s28+$0xFFFFFEB0] =	vst v49;
	v48 =	vld.idx.msk [tilespmem:v24+s2+$0x0], $0xffff  }
0x41: {  	v59 =	vadd.s32 $0x1F08, v32;
	[tilespmem:s28+$0xFFFFFEC0] =	vst v40;
	v50 =	vld.idx.msk [tilespmem:v25+s2+$0x0], $0xffff  }
0x42: {  	v56 =	vadd.s32 $0x2E8C, v39;
	[tilespmem:s28+$0xFFFFFED0] =	vst v43;
	v41 =	vld.idx.msk [tilespmem:v26+s2+$0x0], $0xffff  }
0x43: {  	v60 =	vadd.s32 $0x2E8C, v37;
	[tilespmem:s28+$0xFFFFFE80] =	vst v45;
	v51 =	vld.idx.msk [tilespmem:v54+s2+$0x0], $0xffff  }
0x44: {  	v61 =	vadd.s32 $0x2E8C, v36;
	[tilespmem:s28+$0xFFFFFEE0] =	vst v55;
	v47 =	vld.idx.msk [tilespmem:v57+s2+$0x0], $0xffff  }
0x45: {  	v63 =	vadd.s32 $0x2E8C, v35;
	v0 =	vld.idx.msk [tilespmem:v58+s2+$0x0], $0xffff;
	[tilespmem:s28+$0xFFFFFF70] =	vst v44  }
0x46: {  	v2 =	vadd.s32 $0x2E8C, v38;
	v40 =	vld.idx.msk [tilespmem:v59+s2+$0x0], $0xffff;
	[tilespmem:s28+$0xFFFFFF10] =	vst v48  }
0x47: {  	v3 =	vadd.s32 $0x2E8C, v34;
	[tilespmem:s28+$0xFFFFFF20] =	vst v50;
	v62 =	vld.idx.msk [tilespmem:v56+s2+$0x0], $0xffff  }
0x48: {  	v4 =	vadd.s32 $0x2E8C, v33;
	[tilespmem:s28+$0xFFFFFF30] =	vst v41;
	v43 =	vld.idx.msk [tilespmem:v60+s2+$0x0], $0xffff  }
0x49: {  	v5 =	vadd.s32 $0x2E8C, v32;
	[tilespmem:s28+$0xFFFFFF40] =	vst v51;
	v44 =	vld.idx.msk [tilespmem:v61+s2+$0x0], $0xffff  }
0x4a: {  	v1 =	vadd.s32 $0x3E10, v39;
	[tilespmem:s28+$0xFFFFFF00] =	vst v47;
	v46 =	vld.idx.msk [tilespmem:v63+s2+$0x0], $0xffff  }
0x4b: {  	v6 =	vadd.s32 $0x3E10, v37;
	[tilespmem:s28+$0xFFFFFF50] =	vst v0;
	v49 =	vld.idx.msk [tilespmem:v2+s2+$0x0], $0xffff  }
0x4c: {  	v8 =	vadd.s32 $0x3E10, v36;
	[tilespmem:s28+$0xFFFFFF60] =	vst v40;
	v9 =	vld.idx.msk [tilespmem:v3+s2+$0x0], $0xffff  }
0x4d: {  	v11 =	vadd.s32 $0x3E10, v38;
	v41 =	vld.idx.msk [tilespmem:v4+s2+$0x0], $0xffff;
	[tilespmem:s28+$0xFFFFFFF0] =	vst v62  }
0x4e: {  	v12 =	vadd.s32 $0x3E10, v35;
	v13 =	vld.idx.msk [tilespmem:v5+s2+$0x0], $0xffff;
	[tilespmem:s28+$0xFFFFFF90] =	vst v43  }
0x4f: {  	v14 =	vadd.s32 $0x3E10, v34;
	[tilespmem:s28+$0xFFFFFFA0] =	vst v44;
	v7 =	vld.idx.msk [tilespmem:v1+s2+$0x0], $0xffff  }
0x50: {  	v15 =	vadd.s32 $0x3E10, v33;
	[tilespmem:s28+$0xFFFFFFB0] =	vst v46;
	v45 =	vld.idx.msk [tilespmem:v6+s2+$0x0], $0xffff  }
0x51: {  	v16 =	vadd.s32 $0x3E10, v32;
	[tilespmem:s28+$0xFFFFFF80] =	vst v49;
	v48 =	vld.idx.msk [tilespmem:v8+s2+$0x0], $0xffff  }
0x52: {  	v10 =	vadd.s32 $0x4D94, v39;
	[tilespmem:s28+$0xFFFFFFC0] =	vst v9;
	v50 =	vld.idx.msk [tilespmem:v11+s2+$0x0], $0xffff  }
0x53: {  	v17 =	vadd.s32 $0x4D94, v37;
	[tilespmem:s28+$0xFFFFFFD0] =	vst v41;
	v18 =	vld.idx.msk [tilespmem:v12+s2+$0x0], $0xffff  }
0x54: {  	v20 =	vadd.s32 $0x4D94, v38;
	[tilespmem:s28+$0xFFFFFFE0] =	vst v13;
	v51 =	vld.idx.msk [tilespmem:v14+s2+$0x0], $0xffff  }
0x55: {  	v21 =	vadd.s32 $0x4D94, v36;
	v22 =	vld.idx.msk [tilespmem:v15+s2+$0x0], $0xffff;
	[tilespmem:s28+$0x70] =	vst v7  }
0x56: {  	v23 =	vadd.s32 $0x4D94, v35;
	v47 =	vld.idx.msk [tilespmem:v16+s2+$0x0], $0xffff;
	[tilespmem:s28+$0x10] =	vst v45  }
0x57: {  	v24 =	vadd.s32 $0x4D94, v34;
	[tilespmem:s28+$0x20] =	vst v48;
	v40 =	vld.idx.msk [tilespmem:v10+s2+$0x0], $0xffff  }
0x58: {  	v26 =	vadd.s32 $0x4D94, v32;
	[tilespmem:s28+$0x0] =	vst v50;
	v49 =	vld.idx.msk [tilespmem:v17+s2+$0x0], $0xffff  }
0x59: {  	v25 =	vadd.s32 $0x4D94, v33;
	[tilespmem:s28+$0x30] =	vst v18;
	v43 =	vld.idx.msk [tilespmem:v20+s2+$0x0], $0xffff  }
0x5a: {  	v19 =	vadd.s32 $0x5D18, v39;
	[tilespmem:s28+$0x40] =	vst v51;
	v52 =	vld.idx.msk [tilespmem:v21+s2+$0x0], $0xffff  }
0x5b: {  	v53 =	vadd.s32 $0x5D18, v38;
	[tilespmem:s28+$0x50] =	vst v22;
	v46 =	vld.idx.msk [tilespmem:v23+s2+$0x0], $0xffff  }
0x5c: {  	v54 =	vadd.s32 $0x5D18, v37;
	[tilespmem:s28+$0x60] =	vst v47;
	v48 =	vld.idx.msk [tilespmem:v24+s2+$0x0], $0xffff  }
0x5d: {  	v55 =	vadd.s32 $0x5D18, v36;
	v50 =	vld.idx.msk [tilespmem:v26+s2+$0x0], $0xffff;
	[tilespmem:s28+$0xF0] =	vst v40  }
0x5e: {  	v56 =	vadd.s32 $0x5D18, v35;
	[tilespmem:s28+$0x90] =	vst v49;
	v40 =	vld.idx.msk [tilespmem:v25+s2+$0x0], $0xffff  }
0x5f: {  	v59 =	vadd.s32 $0x5D18, v32;
	[tilespmem:s28+$0x80] =	vst v43;
	v41 =	vld.idx.msk [tilespmem:v19+s2+$0x0], $0xffff  }
0x60: {  	v57 =	vadd.s32 $0x5D18, v34;
	[tilespmem:s28+$0xA0] =	vst v52;
	v44 =	vld.idx.msk [tilespmem:v53+s2+$0x0], $0xffff  }
0x61: {  	v58 =	vadd.s32 $0x5D18, v33;
	[tilespmem:s28+$0xB0] =	vst v46;
	v45 =	vld.idx.msk [tilespmem:v54+s2+$0x0], $0xffff  }
0x62: {  	v39 =	vadd.s32 $0x6C9C, v39;
	[tilespmem:s28+$0xC0] =	vst v48;
	v60 =	vld.idx.msk [tilespmem:v55+s2+$0x0], $0xffff  }
0x63: {  	v38 =	vadd.s32 $0x6C9C, v38;
	[tilespmem:s28+$0xE0] =	vst v50;
	v61 =	vld.idx.msk [tilespmem:v56+s2+$0x0], $0xffff  }
0x64: {  	v37 =	vadd.s32 $0x6C9C, v37;
	v42 =	vld.idx.msk [tilespmem:v59+s2+$0x0], $0xffff;
	[tilespmem:s28+$0xD0] =	vst v40  }
0x65: {  	v62 =	vadd.s32 $0x6C9C, v36;
	[tilespmem:s28+$0x170] =	vst v41;
	v41 =	vld.idx.msk [tilespmem:v57+s2+$0x0], $0xffff  }
0x66: {  	v35 =	vadd.s32 $0x6C9C, v35;
	v43 =	vld.idx.msk [tilespmem:v58+s2+$0x0], $0xffff;
	[tilespmem:s28+$0x100] =	vst v44  }
0x67: {  	v63 =	vadd.s32 $0x6C9C, v34;
	[tilespmem:s28+$0x110] =	vst v45;
	v39 =	vld.idx.msk [tilespmem:v39+s2+$0x0], $0xffff  }
0x68: {  	v33 =	vadd.s32 $0x6C9C, v33;
	[tilespmem:s28+$0x120] =	vst v60;
	v44 =	vld.idx.msk [tilespmem:v38+s2+$0x0], $0xffff  }
0x69: {  	v32 =	vadd.s32 $0x6C9C, v32;
	[tilespmem:s28+$0x130] =	vst v61;
	v36 =	vld.idx.msk [tilespmem:v37+s2+$0x0], $0xffff  }
0x6a: {  	[tilespmem:s28+$0x160] =	vst v42;
	v37 =	vld.idx.msk [tilespmem:v62+s2+$0x0], $0xffff  }
0x6b: {  	v34 =	vld.idx.msk [tilespmem:v35+s2+$0x0], $0xffff;
	[tilespmem:s28+$0x140] =	vst v41  }
0x6c: {  	[tilespmem:s28+$0x150] =	vst v43;
	v38 =	vld.idx.msk [tilespmem:v63+s2+$0x0], $0xffff  }
0x6d: {  	[tilespmem:s28+$0x1F0] =	vst v39;
	v35 =	vld.idx.msk [tilespmem:v33+s2+$0x0], $0xffff  }
0x6e: {  	s29 =	simm.s32 $0x0;
	s30 =	simm.s32 $0x7D40;
	[tilespmem:s28+$0x180] =	vst v44;
	v33 =	vld.idx.msk [tilespmem:v32+s2+$0x0], $0xffff  }
.LBB2_3:
0x6f: {  	v32 =	vld [tilespmem:s30+$0x30];
	s29 =	sadd.s32 $0x8, s29;
	[tilespmem:s28+$0x190] =	vst v36  }
0x70: {  	v39 =	vld [tilespmem:s30+$0xFFFFFFD0];
	p2 =	slt.u32 s29, $0x38;
	[tilespmem:s28+$0x1A0] =	vst v37  }
0x71: {  	v37 =	vld [tilespmem:s30+$0xFFFFFFE0];
	[tilespmem:s28+$0x1B0] =	vst v34  }
0x72: {  	v34 =	vld [tilespmem:s30+$0xFFFFFFF0];
	[tilespmem:s28+$0x1C0] =	vst v38  }
0x73: {  	v38 =	vld [tilespmem:s30+$0x0];
	[tilespmem:s28+$0x1D0] =	vst v35  }
0x74: {  	v35 =	vld [tilespmem:s30+$0x10];
	[tilespmem:s28+$0x1E0] =	vst v33  }
0x75: {  	v33 =	vadd.s32 $0xF84, v39;
	v53 =	vadd.s32 $0x1F08, v39;
	v54 =	vadd.s32 $0x2E8C, v39;
	v55 =	vld [tilespmem:s30+$0x20]  }
0x76: {  	v36 =	vld [tilespmem:s30+$0xFFFFFFC0];
	v40 =	vadd.s32 $0xF84, v37;
	v56 =	vadd.s32 $0x1F08, v37;
	v57 =	vadd.s32 $0x2E8C, v37  }
0x77: {  	v41 =	vadd.s32 $0xF84, v34;
	v58 =	vadd.s32 $0x1F08, v34;
	v59 =	vadd.s32 $0x2E8C, v34;
	v42 =	vld.idx.msk [tilespmem:v32+s2+$0x0], $0xffff  }
0x78: {  	v43 =	vld.idx.msk [tilespmem:v39+s2+$0x0], $0xffff;
	v44 =	vadd.s32 $0xF84, v38;
	v60 =	vadd.s32 $0x1F08, v38;
	v61 =	vadd.s32 $0x2E8C, v38  }
0x79: {  	v46 =	vadd.s32 $0xF84, v32;
	v45 =	vld.idx.msk [tilespmem:v37+s2+$0x0], $0xffff;
	v62 =	vadd.s32 $0xF84, v35;
	v63 =	vadd.s32 $0x1F08, v35  }
0x7a: {  	v8 =	vadd.s32 $0x2E8C, v35;
	v48 =	vld.idx.msk [tilespmem:v34+s2+$0x0], $0xffff;
	v9 =	vadd.s32 $0xF84, v55;
	v10 =	vadd.s32 $0x1F08, v55  }
0x7b: {  	v11 =	vadd.s32 $0xF84, v36;
	v12 =	vadd.s32 $0x1F08, v36;
	v13 =	vadd.s32 $0x2E8C, v36;
	v52 =	vld.idx.msk [tilespmem:v38+s2+$0x0], $0xffff  }
0x7c: {  	s28 =	sadd.s32 $0x400, s28;
	v1 =	vadd.s32 $0x3E10, v39;
	v15 =	vadd.s32 $0x2E8C, v55;
	v0 =	vadd.s32 $0x3E10, v36;
	v14 =	vld.idx.msk [tilespmem:v35+s2+$0x0], $0xffff  }
0x7d: {  	v16 =	vadd.s32 $0x3E10, v37;
	v2 =	vadd.s32 $0x3E10, v34;
	v3 =	vadd.s32 $0x3E10, v38;
	v4 =	vld.idx.msk [tilespmem:v55+s2+$0x0], $0xffff;
	[tilespmem:s28+$0xFFFFFE70] =	vst v42  }
0x7e: {  	v17 =	vadd.s32 $0x3E10, v35;
	v18 =	vadd.s32 $0x3E10, v55;
	v47 =	vadd.s32 $0x4D94, v36;
	[tilespmem:s28+$0xFFFFFE10] =	vst v43;
	v19 =	vld.idx.msk [tilespmem:v46+s2+$0x0], $0xffff  }
0x7f: {  	v6 =	vadd.s32 $0x4D94, v39;
	v51 =	vadd.s32 $0x4D94, v37;
	v49 =	vadd.s32 $0x4D94, v34;
	v5 =	vld.idx.msk [tilespmem:v36+s2+$0x0], $0xffff;
	[tilespmem:s28+$0xFFFFFE20] =	vst v45  }
0x80: {  	v20 =	vadd.s32 $0x1F08, v32;
	v50 =	vadd.s32 $0x4D94, v38;
	v7 =	vld.idx.msk [tilespmem:v33+s2+$0x0], $0xffff;
	[tilespmem:s28+$0xFFFFFE30] =	vst v48;
	v48 =	vadd.s32 $0x4D94, v35  }
0x81: {  	v42 =	vadd.s32 $0x5D18, v39;
	v45 =	vadd.s32 $0x5D18, v36;
	v21 =	vld.idx.msk [tilespmem:v40+s2+$0x0], $0xffff;
	[tilespmem:s28+$0xFFFFFE40] =	vst v52;
	v52 =	vadd.s32 $0x4D94, v55  }
0x82: {  	v46 =	vadd.s32 $0x5D18, v37;
	v43 =	vadd.s32 $0x5D18, v34;
	v40 =	vadd.s32 $0x5D18, v38;
	v22 =	vld.idx.msk [tilespmem:v41+s2+$0x0], $0xffff;
	[tilespmem:s28+$0xFFFFFE50] =	vst v14  }
0x83: {  	v36 =	vadd.s32 $0x6C9C, v36;
	v41 =	vadd.s32 $0x5D18, v55;
	v14 =	vld.idx.msk [tilespmem:v44+s2+$0x0], $0xffff;
	v44 =	vadd.s32 $0x5D18, v35;
	[tilespmem:s28+$0xFFFFFE60] =	vst v4  }
0x84: {  	v39 =	vadd.s32 $0x6C9C, v39;
	v37 =	vadd.s32 $0x6C9C, v37;
	v34 =	vadd.s32 $0x6C9C, v34;
	v4 =	vld.idx.msk [tilespmem:v62+s2+$0x0], $0xffff;
	[tilespmem:s28+$0xFFFFFEF0] =	vst v19  }
0x85: {  	v33 =	vadd.s32 $0x6C9C, v55;
	v38 =	vadd.s32 $0x6C9C, v38;
	v35 =	vadd.s32 $0x6C9C, v35;
	[tilespmem:s28+$0xFFFFFE00] =	vst v5;
	v5 =	vld.idx.msk [tilespmem:v20+s2+$0x0], $0xffff  }
0x86: {  	v11 =	vld.idx.msk [tilespmem:v11+s2+$0x0], $0xffff;
	[tilespmem:s28+$0xFFFFFE90] =	vst v7  }
0x87: {  	[tilespmem:s28+$0xFFFFFEA0] =	vst v21;
	v7 =	vld.idx.msk [tilespmem:v9+s2+$0x0], $0xffff;
	v9 =	vadd.s32 $0x2E8C, v32  }
0x88: {  	v19 =	vld.idx.msk [tilespmem:v53+s2+$0x0], $0xffff;
	[tilespmem:s28+$0xFFFFFEB0] =	vst v22  }
0x89: {  	v20 =	vld.idx.msk [tilespmem:v56+s2+$0x0], $0xffff;
	[tilespmem:s28+$0xFFFFFEC0] =	vst v14  }
0x8a: {  	v14 =	vld.idx.msk [tilespmem:v58+s2+$0x0], $0xffff;
	[tilespmem:s28+$0xFFFFFED0] =	vst v4  }
0x8b: {  	v4 =	vld.idx.msk [tilespmem:v60+s2+$0x0], $0xffff;
	[tilespmem:s28+$0xFFFFFF70] =	vst v5  }
0x8c: {  	[tilespmem:s28+$0xFFFFFE80] =	vst v11;
	v5 =	vld.idx.msk [tilespmem:v9+s2+$0x0], $0xffff  }
0x8d: {  	v9 =	vld.idx.msk [tilespmem:v12+s2+$0x0], $0xffff;
	[tilespmem:s28+$0xFFFFFEE0] =	vst v7  }
0x8e: {  	v11 =	vadd.s32 $0x3E10, v32;
	[tilespmem:s28+$0xFFFFFF10] =	vst v19;
	v7 =	vld.idx.msk [tilespmem:v63+s2+$0x0], $0xffff  }
0x8f: {  	[tilespmem:s28+$0xFFFFFF20] =	vst v20;
	v10 =	vld.idx.msk [tilespmem:v10+s2+$0x0], $0xffff  }
0x90: {  	v12 =	vld.idx.msk [tilespmem:v54+s2+$0x0], $0xffff;
	[tilespmem:s28+$0xFFFFFF30] =	vst v14  }
0x91: {  	v14 =	vld.idx.msk [tilespmem:v57+s2+$0x0], $0xffff;
	[tilespmem:s28+$0xFFFFFF40] =	vst v4  }
0x92: {  	v4 =	vld.idx.msk [tilespmem:v59+s2+$0x0], $0xffff;
	[tilespmem:s28+$0xFFFFFFF0] =	vst v5  }
0x93: {  	[tilespmem:s28+$0xFFFFFF00] =	vst v9;
	v5 =	vld.idx.msk [tilespmem:v11+s2+$0x0], $0xffff  }
0x94: {  	v9 =	vld.idx.msk [tilespmem:v13+s2+$0x0], $0xffff;
	[tilespmem:s28+$0xFFFFFF50] =	vst v7  }
0x95: {  	v7 =	vld.idx.msk [tilespmem:v61+s2+$0x0], $0xffff;
	[tilespmem:s28+$0xFFFFFF60] =	vst v10;
	v10 =	vadd.s32 $0x4D94, v32  }
0x96: {  	[tilespmem:s28+$0xFFFFFF90] =	vst v12;
	v8 =	vld.idx.msk [tilespmem:v8+s2+$0x0], $0xffff  }
0x97: {  	[tilespmem:s28+$0xFFFFFFA0] =	vst v14;
	v11 =	vld.idx.msk [tilespmem:v15+s2+$0x0], $0xffff  }
0x98: {  	v1 =	vld.idx.msk [tilespmem:v1+s2+$0x0], $0xffff;
	[tilespmem:s28+$0xFFFFFFB0] =	vst v4  }
0x99: {  	v4 =	vld.idx.msk [tilespmem:v16+s2+$0x0], $0xffff;
	[tilespmem:s28+$0x70] =	vst v5  }
0x9a: {  	[tilespmem:s28+$0xFFFFFF80] =	vst v9;
	v5 =	vld.idx.msk [tilespmem:v10+s2+$0x0], $0xffff  }
0x9b: {  	v0 =	vld.idx.msk [tilespmem:v0+s2+$0x0], $0xffff;
	[tilespmem:s28+$0xFFFFFFC0] =	vst v7  }
0x9c: {  	v7 =	vadd.s32 $0x5D18, v32;
	v2 =	vld.idx.msk [tilespmem:v2+s2+$0x0], $0xffff;
	[tilespmem:s28+$0xFFFFFFD0] =	vst v8  }
0x9d: {  	v3 =	vld.idx.msk [tilespmem:v3+s2+$0x0], $0xffff;
	[tilespmem:s28+$0xFFFFFFE0] =	vst v11  }
0x9e: {  	[tilespmem:s28+$0x10] =	vst v1;
	v1 =	vld.idx.msk [tilespmem:v17+s2+$0x0], $0xffff  }
0x9f: {  	[tilespmem:s28+$0x20] =	vst v4;
	v4 =	vld.idx.msk [tilespmem:v18+s2+$0x0], $0xffff  }
0xa0: {  	v6 =	vld.idx.msk [tilespmem:v6+s2+$0x0], $0xffff;
	[tilespmem:s28+$0xF0] =	vst v5  }
0xa1: {  	[tilespmem:s28+$0x0] =	vst v0;
	v0 =	vld.idx.msk [tilespmem:v7+s2+$0x0], $0xffff  }
0xa2: {  	v5 =	vld.idx.msk [tilespmem:v47+s2+$0x0], $0xffff;
	[tilespmem:s28+$0x30] =	vst v2  }
0xa3: {  	v2 =	vld.idx.msk [tilespmem:v51+s2+$0x0], $0xffff;
	[tilespmem:s28+$0x40] =	vst v3;
	v3 =	vadd.s32 $0x6C9C, v32  }
0xa4: {  	v7 =	vld.idx.msk [tilespmem:v49+s2+$0x0], $0xffff;
	[tilespmem:s28+$0x50] =	vst v1  }
0xa5: {  	v1 =	vld.idx.msk [tilespmem:v50+s2+$0x0], $0xffff;
	[tilespmem:s28+$0x60] =	vst v4  }
0xa6: {  	[tilespmem:s28+$0x90] =	vst v6;
	v4 =	vld.idx.msk [tilespmem:v48+s2+$0x0], $0xffff  }
0xa7: {  	v6 =	vld.idx.msk [tilespmem:v52+s2+$0x0], $0xffff;
	[tilespmem:s28+$0x170] =	vst v0  }
0xa8: {  	[tilespmem:s28+$0x80] =	vst v5;
	v0 =	vld.idx.msk [tilespmem:v3+s2+$0x0], $0xffff  }
0xa9: {  	v3 =	vld.idx.msk [tilespmem:v45+s2+$0x0], $0xffff;
	[tilespmem:s28+$0xA0] =	vst v2  }
0xaa: {  	v2 =	vld.idx.msk [tilespmem:v42+s2+$0x0], $0xffff;
	[tilespmem:s28+$0xB0] =	vst v7  }
0xab: {  	v5 =	vld.idx.msk [tilespmem:v46+s2+$0x0], $0xffff;
	[tilespmem:s28+$0xC0] =	vst v1  }
0xac: {  	v1 =	vld.idx.msk [tilespmem:v43+s2+$0x0], $0xffff;
	[tilespmem:s28+$0xD0] =	vst v4  }
0xad: {  	v4 =	vld.idx.msk [tilespmem:v40+s2+$0x0], $0xffff;
	[tilespmem:s28+$0xE0] =	vst v6  }
0xae: {  	v6 =	vld.idx.msk [tilespmem:v44+s2+$0x0], $0xffff;
	[tilespmem:s28+$0x1F0] =	vst v0  }
0xaf: {  	[tilespmem:s28+$0x100] =	vst v3;
	v0 =	vld.idx.msk [tilespmem:v41+s2+$0x0], $0xffff  }
0xb0: {  	v3 =	vld.idx.msk [tilespmem:v36+s2+$0x0], $0xffff;
	[tilespmem:s28+$0x110] =	vst v2  }
0xb1: {  	v36 =	vld.idx.msk [tilespmem:v39+s2+$0x0], $0xffff;
	[tilespmem:s28+$0x120] =	vst v5  }
.Ltmp2:
0xb2: {  	v37 =	vld.idx.msk [tilespmem:v37+s2+$0x0], $0xffff;
	[tilespmem:s28+$0x130] =	vst v1;
	(pc) =	sbr.rel @p2 .LBB2_3-.Ltmp2, $4  }
0xb3: {  	v34 =	vld.idx.msk [tilespmem:v34+s2+$0x0], $0xffff;
	[tilespmem:s28+$0x140] =	vst v4  }
0xb4: {  	v38 =	vld.idx.msk [tilespmem:v38+s2+$0x0], $0xffff;
	[tilespmem:s28+$0x150] =	vst v6  }
0xb5: {  	v35 =	vld.idx.msk [tilespmem:v35+s2+$0x0], $0xffff;
	[tilespmem:s28+$0x160] =	vst v0  }
0xb6: {  	s30 =	sadd.s32 $0x80, s30;
	[tilespmem:s28+$0x180] =	vst v3;
	v33 =	vld.idx.msk [tilespmem:v33+s2+$0x0], $0xffff  }
0xb7: {  	[tilespmem:s28+$0x190] =	vst v36  }
0xb8: {  	[tilespmem:s28+$0x1A0] =	vst v37  }
0xb9: {  	[tilespmem:s28+$0x1B0] =	vst v34  }
0xba: {  	[tilespmem:s28+$0x1C0] =	vst v38  }
0xbb: {  	[tilespmem:s28+$0x1D0] =	vst v35  }
0xbc: {  	[tilespmem:s28+$0x1E0] =	vst v33  }
0xbd: {  	v0 =	vld [tilespmem:$0x8080];
	_ =	sdelay $0x7  }
0xbe: {  	v3 =	vimm.s32 $0x2000;
	v1 =	vld.idx.msk [tilespmem:v0+s2+$0x0], $0xffff  }
0xbf: {  	v2 =	vadd.s32 $0xF84, v0;
	_ =	sdelay $0x3  }
0xc0: {  	[tilespmem:v3+s17+$0x0] =	vst.idx.msk $0x1, v1  }
0xc1: {  	v14 =	vimm.s32 $0x2080;
	v1 =	vld.idx.msk [tilespmem:v2+s2+$0x0], $0xffff  }
0xc2: {  	v13 =	vadd.s32 $0x1F08, v0;
	_ =	sdelay $0x3  }
0xc3: {  	[tilespmem:v14+s17+$0x0] =	vst.idx.msk $0x1, v1  }
0xc4: {  	v16 =	vimm.s32 $0x2100;
	v1 =	vld.idx.msk [tilespmem:v13+s2+$0x0], $0xffff  }
0xc5: {  	v15 =	vadd.s32 $0x2E8C, v0;
	_ =	sdelay $0x3  }
0xc6: {  	[tilespmem:v16+s17+$0x0] =	vst.idx.msk $0x1, v1  }
0xc7: {  	v18 =	vimm.s32 $0x2180;
	v1 =	vld.idx.msk [tilespmem:v15+s2+$0x0], $0xffff  }
0xc8: {  	v17 =	vadd.s32 $0x3E10, v0;
	_ =	sdelay $0x3  }
0xc9: {  	[tilespmem:v18+s17+$0x0] =	vst.idx.msk $0x1, v1  }
0xca: {  	v20 =	vimm.s32 $0x2200;
	v1 =	vld.idx.msk [tilespmem:v17+s2+$0x0], $0xffff  }
0xcb: {  	v19 =	vadd.s32 $0x4D94, v0;
	_ =	sdelay $0x3  }
0xcc: {  	[tilespmem:v20+s17+$0x0] =	vst.idx.msk $0x1, v1  }
0xcd: {  	v22 =	vimm.s32 $0x2280;
	v1 =	vld.idx.msk [tilespmem:v19+s2+$0x0], $0xffff  }
0xce: {  	v21 =	vadd.s32 $0x5D18, v0;
	_ =	sdelay $0x3  }
0xcf: {  	[tilespmem:v22+s17+$0x0] =	vst.idx.msk $0x1, v1  }
0xd0: {  	v23 =	vimm.s32 $0x2300;
	v1 =	vld.idx.msk [tilespmem:v21+s2+$0x0], $0xffff  }
0xd1: {  	v0 =	vadd.s32 $0x6C9C, v0;
	_ =	sdelay $0x3  }
0xd2: {  	[tilespmem:v23+s17+$0x0] =	vst.idx.msk $0x1, v1  }
0xd3: {  	v24 =	vimm.s32 $0x2380;
	v0 =	vld.idx.msk [tilespmem:v0+s2+$0x0], $0xffff;
	_ =	sdelay $0x4  }
0xd4: {  	s28 =	simm.s32 $0x8100;
	[tilespmem:v24+s17+$0x0] =	vst.idx.msk $0x1, v0  }
0xd5: {  	v39 =	vld [tilespmem:s28+$0x0]  }
0xd6: {  	v37 =	vld [tilespmem:s28+$0xFFFFFFA0]  }
0xd7: {  	v36 =	vld [tilespmem:s28+$0xFFFFFFB0]  }
0xd8: {  	v35 =	vld [tilespmem:s28+$0xFFFFFFC0]  }
0xd9: {  	v34 =	vld [tilespmem:s28+$0xFFFFFFD0]  }
0xda: {  	v33 =	vld [tilespmem:s28+$0xFFFFFFE0]  }
0xdb: {  	v32 =	vld [tilespmem:s28+$0xFFFFFFF0]  }
0xdc: {  	v38 =	vld [tilespmem:s28+$0xFFFFFF90]  }
0xdd: {  	v0 =	vld.idx.msk [tilespmem:v39+s2+$0x0], $0xffff  }
0xde: {  	v1 =	vld.idx.msk [tilespmem:v37+s2+$0x0], $0xffff  }
0xdf: {  	v2 =	vld.idx.msk [tilespmem:v36+s2+$0x0], $0xffff  }
0xe0: {  	v25 =	vadd.s32 $0xF84, v39;
	v4 =	vld.idx.msk [tilespmem:v35+s2+$0x0], $0xffff  }
0xe1: {  	v5 =	vadd.s32 $0xF84, v37;
	v6 =	vld.idx.msk [tilespmem:v34+s2+$0x0], $0xffff  }
0xe2: {  	s28 =	simm.s32 $0xC570;
	v7 =	vadd.s32 $0xF84, v36;
	v8 =	vld.idx.msk [tilespmem:v33+s2+$0x0], $0xffff  }
0xe3: {  	v9 =	vadd.s32 $0xF84, v35;
	v10 =	vld.idx.msk [tilespmem:v32+s2+$0x0], $0xffff;
	[tilespmem:s28+$0xFFFFFC80] =	vst v0  }
0xe4: {  	v26 =	vadd.s32 $0xF84, v34;
	v11 =	vld.idx.msk [tilespmem:v38+s2+$0x0], $0xffff;
	[tilespmem:s28+$0xFFFFFC20] =	vst v1  }
0xe5: {  	v41 =	vadd.s32 $0xF84, v33;
	[tilespmem:s28+$0xFFFFFC30] =	vst v2;
	v40 =	vld.idx.msk [tilespmem:v25+s2+$0x0], $0xffff  }
0xe6: {  	v44 =	vadd.s32 $0xF84, v38;
	[tilespmem:s28+$0xFFFFFC40] =	vst v4;
	v42 =	vld.idx.msk [tilespmem:v5+s2+$0x0], $0xffff  }
0xe7: {  	v45 =	vadd.s32 $0xF84, v32;
	[tilespmem:s28+$0xFFFFFC50] =	vst v6;
	v7 =	vld.idx.msk [tilespmem:v7+s2+$0x0], $0xffff  }
0xe8: {  	v43 =	vadd.s32 $0x1F08, v39;
	[tilespmem:s28+$0xFFFFFC60] =	vst v8;
	v9 =	vld.idx.msk [tilespmem:v9+s2+$0x0], $0xffff  }
0xe9: {  	v46 =	vadd.s32 $0x1F08, v37;
	[tilespmem:s28+$0xFFFFFC70] =	vst v10;
	v0 =	vld.idx.msk [tilespmem:v26+s2+$0x0], $0xffff  }
0xea: {  	v47 =	vadd.s32 $0x1F08, v36;
	[tilespmem:s28+$0xFFFFFC10] =	vst v11;
	v3 =	vld.idx.msk [tilespmem:v41+s2+$0x0], $0xffff  }
0xeb: {  	v48 =	vadd.s32 $0x1F08, v35;
	v5 =	vld.idx.msk [tilespmem:v44+s2+$0x0], $0xffff;
	[tilespmem:s28+$0xFFFFFD00] =	vst v40  }
0xec: {  	v49 =	vadd.s32 $0x1F08, v34;
	v50 =	vld.idx.msk [tilespmem:v45+s2+$0x0], $0xffff;
	[tilespmem:s28+$0xFFFFFCA0] =	vst v42  }
0xed: {  	v52 =	vadd.s32 $0x1F08, v38;
	[tilespmem:s28+$0xFFFFFCB0] =	vst v7;
	v4 =	vld.idx.msk [tilespmem:v43+s2+$0x0], $0xffff  }
0xee: {  	v53 =	vadd.s32 $0x1F08, v33;
	[tilespmem:s28+$0xFFFFFCC0] =	vst v9;
	v8 =	vld.idx.msk [tilespmem:v46+s2+$0x0], $0xffff  }
0xef: {  	v54 =	vadd.s32 $0x1F08, v32;
	[tilespmem:s28+$0xFFFFFCD0] =	vst v0;
	v10 =	vld.idx.msk [tilespmem:v47+s2+$0x0], $0xffff  }
0xf0: {  	v51 =	vadd.s32 $0x2E8C, v39;
	[tilespmem:s28+$0xFFFFFCE0] =	vst v3;
	v1 =	vld.idx.msk [tilespmem:v48+s2+$0x0], $0xffff  }
0xf1: {  	v55 =	vadd.s32 $0x2E8C, v37;
	[tilespmem:s28+$0xFFFFFC90] =	vst v5;
	v11 =	vld.idx.msk [tilespmem:v49+s2+$0x0], $0xffff  }
0xf2: {  	v56 =	vadd.s32 $0x2E8C, v36;
	[tilespmem:s28+$0xFFFFFCF0] =	vst v50;
	v7 =	vld.idx.msk [tilespmem:v52+s2+$0x0], $0xffff  }
0xf3: {  	v58 =	vadd.s32 $0x2E8C, v35;
	v59 =	vld.idx.msk [tilespmem:v53+s2+$0x0], $0xffff;
	[tilespmem:s28+$0xFFFFFD80] =	vst v4  }
0xf4: {  	v61 =	vadd.s32 $0x2E8C, v38;
	v0 =	vld.idx.msk [tilespmem:v54+s2+$0x0], $0xffff;
	[tilespmem:s28+$0xFFFFFD20] =	vst v8  }
0xf5: {  	v62 =	vadd.s32 $0x2E8C, v34;
	[tilespmem:s28+$0xFFFFFD30] =	vst v10;
	v57 =	vld.idx.msk [tilespmem:v51+s2+$0x0], $0xffff  }
0xf6: {  	v63 =	vadd.s32 $0x2E8C, v33;
	[tilespmem:s28+$0xFFFFFD40] =	vst v1;
	v3 =	vld.idx.msk [tilespmem:v55+s2+$0x0], $0xffff  }
0xf7: {  	v12 =	vadd.s32 $0x2E8C, v32;
	[tilespmem:s28+$0xFFFFFD50] =	vst v11;
	v4 =	vld.idx.msk [tilespmem:v56+s2+$0x0], $0xffff  }
0xf8: {  	v60 =	vadd.s32 $0x3E10, v39;
	[tilespmem:s28+$0xFFFFFD10] =	vst v7;
	v6 =	vld.idx.msk [tilespmem:v58+s2+$0x0], $0xffff  }
0xf9: {  	v13 =	vadd.s32 $0x3E10, v37;
	[tilespmem:s28+$0xFFFFFD60] =	vst v59;
	v9 =	vld.idx.msk [tilespmem:v61+s2+$0x0], $0xffff  }
0xfa: {  	v15 =	vadd.s32 $0x3E10, v36;
	[tilespmem:s28+$0xFFFFFD70] =	vst v0;
	v16 =	vld.idx.msk [tilespmem:v62+s2+$0x0], $0xffff  }
0xfb: {  	v18 =	vadd.s32 $0x3E10, v38;
	v1 =	vld.idx.msk [tilespmem:v63+s2+$0x0], $0xffff;
	[tilespmem:s28+$0xFFFFFE00] =	vst v57  }
0xfc: {  	v19 =	vadd.s32 $0x3E10, v35;
	v20 =	vld.idx.msk [tilespmem:v12+s2+$0x0], $0xffff;
	[tilespmem:s28+$0xFFFFFDA0] =	vst v3  }
0xfd: {  	v21 =	vadd.s32 $0x3E10, v34;
	[tilespmem:s28+$0xFFFFFDB0] =	vst v4;
	v14 =	vld.idx.msk [tilespmem:v60+s2+$0x0], $0xffff  }
0xfe: {  	v22 =	vadd.s32 $0x3E10, v33;
	[tilespmem:s28+$0xFFFFFDC0] =	vst v6;
	v5 =	vld.idx.msk [tilespmem:v13+s2+$0x0], $0xffff  }
0xff: {  	v23 =	vadd.s32 $0x3E10, v32;
	[tilespmem:s28+$0xFFFFFD90] =	vst v9;
	v8 =	vld.idx.msk [tilespmem:v15+s2+$0x0], $0xffff  }
0x100: {  	v17 =	vadd.s32 $0x4D94, v39;
	[tilespmem:s28+$0xFFFFFDD0] =	vst v16;
	v10 =	vld.idx.msk [tilespmem:v18+s2+$0x0], $0xffff  }
0x101: {  	v24 =	vadd.s32 $0x4D94, v37;
	[tilespmem:s28+$0xFFFFFDE0] =	vst v1;
	v25 =	vld.idx.msk [tilespmem:v19+s2+$0x0], $0xffff  }
0x102: {  	v40 =	vadd.s32 $0x4D94, v38;
	[tilespmem:s28+$0xFFFFFDF0] =	vst v20;
	v11 =	vld.idx.msk [tilespmem:v21+s2+$0x0], $0xffff  }
0x103: {  	v41 =	vadd.s32 $0x4D94, v36;
	v42 =	vld.idx.msk [tilespmem:v22+s2+$0x0], $0xffff;
	[tilespmem:s28+$0xFFFFFE80] =	vst v14  }
0x104: {  	v43 =	vadd.s32 $0x4D94, v35;
	v7 =	vld.idx.msk [tilespmem:v23+s2+$0x0], $0xffff;
	[tilespmem:s28+$0xFFFFFE20] =	vst v5  }
0x105: {  	v44 =	vadd.s32 $0x4D94, v34;
	[tilespmem:s28+$0xFFFFFE30] =	vst v8;
	v0 =	vld.idx.msk [tilespmem:v17+s2+$0x0], $0xffff  }
0x106: {  	v46 =	vadd.s32 $0x4D94, v32;
	[tilespmem:s28+$0xFFFFFE10] =	vst v10;
	v9 =	vld.idx.msk [tilespmem:v24+s2+$0x0], $0xffff  }
0x107: {  	v45 =	vadd.s32 $0x4D94, v33;
	[tilespmem:s28+$0xFFFFFE40] =	vst v25;
	v3 =	vld.idx.msk [tilespmem:v40+s2+$0x0], $0xffff  }
0x108: {  	v26 =	vadd.s32 $0x5D18, v39;
	[tilespmem:s28+$0xFFFFFE50] =	vst v11;
	v47 =	vld.idx.msk [tilespmem:v41+s2+$0x0], $0xffff  }
0x109: {  	v49 =	vadd.s32 $0x5D18, v38;
	[tilespmem:s28+$0xFFFFFE60] =	vst v42;
	v6 =	vld.idx.msk [tilespmem:v43+s2+$0x0], $0xffff  }
0x10a: {  	v50 =	vadd.s32 $0x5D18, v37;
	[tilespmem:s28+$0xFFFFFE70] =	vst v7;
	v8 =	vld.idx.msk [tilespmem:v44+s2+$0x0], $0xffff  }
0x10b: {  	v51 =	vadd.s32 $0x5D18, v36;
	v10 =	vld.idx.msk [tilespmem:v46+s2+$0x0], $0xffff;
	[tilespmem:s28+$0xFFFFFF00] =	vst v0  }
0x10c: {  	v52 =	vadd.s32 $0x5D18, v35;
	[tilespmem:s28+$0xFFFFFEA0] =	vst v9;
	v0 =	vld.idx.msk [tilespmem:v45+s2+$0x0], $0xffff  }
0x10d: {  	v56 =	vadd.s32 $0x5D18, v32;
	[tilespmem:s28+$0xFFFFFE90] =	vst v3;
	v1 =	vld.idx.msk [tilespmem:v26+s2+$0x0], $0xffff  }
0x10e: {  	v53 =	vadd.s32 $0x5D18, v34;
	[tilespmem:s28+$0xFFFFFEB0] =	vst v47;
	v11 =	vld.idx.msk [tilespmem:v49+s2+$0x0], $0xffff  }
0x10f: {  	v55 =	vadd.s32 $0x5D18, v33;
	[tilespmem:s28+$0xFFFFFEC0] =	vst v6;
	v5 =	vld.idx.msk [tilespmem:v50+s2+$0x0], $0xffff  }
0x110: {  	v48 =	vadd.s32 $0x6C9C, v39;
	[tilespmem:s28+$0xFFFFFED0] =	vst v8;
	v7 =	vld.idx.msk [tilespmem:v51+s2+$0x0], $0xffff  }
0x111: {  	v57 =	vadd.s32 $0x6C9C, v38;
	[tilespmem:s28+$0xFFFFFEF0] =	vst v10;
	v9 =	vld.idx.msk [tilespmem:v52+s2+$0x0], $0xffff  }
0x112: {  	v58 =	vadd.s32 $0x6C9C, v37;
	v2 =	vld.idx.msk [tilespmem:v56+s2+$0x0], $0xffff;
	[tilespmem:s28+$0xFFFFFEE0] =	vst v0  }
0x113: {  	v59 =	vadd.s32 $0x6C9C, v36;
	[tilespmem:s28+$0xFFFFFF80] =	vst v1;
	v1 =	vld.idx.msk [tilespmem:v53+s2+$0x0], $0xffff  }
0x114: {  	v60 =	vadd.s32 $0x6C9C, v35;
	v4 =	vld.idx.msk [tilespmem:v55+s2+$0x0], $0xffff;
	[tilespmem:s28+$0xFFFFFF10] =	vst v11  }
0x115: {  	v63 =	vadd.s32 $0x6C9C, v32;
	[tilespmem:s28+$0xFFFFFF20] =	vst v5;
	v54 =	vld.idx.msk [tilespmem:v48+s2+$0x0], $0xffff  }
0x116: {  	v61 =	vadd.s32 $0x6C9C, v34;
	[tilespmem:s28+$0xFFFFFF30] =	vst v7;
	v6 =	vld.idx.msk [tilespmem:v57+s2+$0x0], $0xffff  }
0x117: {  	v62 =	vadd.s32 $0x6C9C, v33;
	[tilespmem:s28+$0xFFFFFF40] =	vst v9;
	v36 =	vld.idx.msk [tilespmem:v58+s2+$0x0], $0xffff  }
0x118: {  	[tilespmem:s28+$0xFFFFFF70] =	vst v2;
	v37 =	vld.idx.msk [tilespmem:v59+s2+$0x0], $0xffff  }
0x119: {  	v34 =	vld.idx.msk [tilespmem:v60+s2+$0x0], $0xffff;
	[tilespmem:s28+$0xFFFFFF50] =	vst v1  }
0x11a: {  	v33 =	vld.idx.msk [tilespmem:v63+s2+$0x0], $0xffff;
	[tilespmem:s28+$0xFFFFFF60] =	vst v4  }
0x11b: {  	[tilespmem:s28+$0x0] =	vst v54;
	v38 =	vld.idx.msk [tilespmem:v61+s2+$0x0], $0xffff  }
0x11c: {  	s29 =	simm.s32 $0x0;
	s30 =	simm.s32 $0x8180;
	v35 =	vld.idx.msk [tilespmem:v62+s2+$0x0], $0xffff;
	[tilespmem:s28+$0xFFFFFF90] =	vst v6  }
.LBB2_5:
0x11d: {  	v32 =	vld [tilespmem:s30+$0x0];
	s29 =	sadd.s32 $0x8, s29;
	[tilespmem:s28+$0xFFFFFFA0] =	vst v36  }
0x11e: {  	v0 =	vld [tilespmem:s30+$0xFFFFFFA0];
	p2 =	slt.u32 s29, $0x38;
	[tilespmem:s28+$0xFFFFFFB0] =	vst v37  }
0x11f: {  	v1 =	vld [tilespmem:s30+$0xFFFFFFB0];
	[tilespmem:s28+$0xFFFFFFC0] =	vst v34  }
0x120: {  	v2 =	vld [tilespmem:s30+$0xFFFFFFC0];
	[tilespmem:s28+$0xFFFFFFD0] =	vst v38  }
0x121: {  	v3 =	vld [tilespmem:s30+$0xFFFFFFD0];
	[tilespmem:s28+$0xFFFFFFE0] =	vst v35  }
0x122: {  	v4 =	vld [tilespmem:s30+$0xFFFFFFE0];
	[tilespmem:s28+$0xFFFFFFF0] =	vst v33  }
0x123: {  	v5 =	vadd.s32 $0xF84, v0;
	v6 =	vadd.s32 $0x1F08, v0;
	v7 =	vadd.s32 $0x2E8C, v0;
	v8 =	vld [tilespmem:s30+$0xFFFFFFF0]  }
0x124: {  	v9 =	vld [tilespmem:s30+$0xFFFFFF90];
	v10 =	vadd.s32 $0xF84, v1;
	v11 =	vadd.s32 $0x1F08, v1;
	v12 =	vadd.s32 $0x2E8C, v1  }
0x125: {  	v13 =	vadd.s32 $0xF84, v2;
	v14 =	vadd.s32 $0x1F08, v2;
	v15 =	vadd.s32 $0x2E8C, v2;
	v16 =	vld.idx.msk [tilespmem:v32+s2+$0x0], $0xffff  }
0x126: {  	v17 =	vld.idx.msk [tilespmem:v0+s2+$0x0], $0xffff;
	v18 =	vadd.s32 $0xF84, v3;
	v19 =	vadd.s32 $0x1F08, v3;
	v20 =	vadd.s32 $0x2E8C, v3  }
0x127: {  	v33 =	vadd.s32 $0xF84, v32;
	v21 =	vld.idx.msk [tilespmem:v1+s2+$0x0], $0xffff;
	v22 =	vadd.s32 $0xF84, v4;
	v53 =	vadd.s32 $0x1F08, v4  }
0x128: {  	v54 =	vadd.s32 $0x2E8C, v4;
	v34 =	vld.idx.msk [tilespmem:v2+s2+$0x0], $0xffff;
	v55 =	vadd.s32 $0xF84, v8;
	v56 =	vadd.s32 $0x1F08, v8  }
0x129: {  	v57 =	vadd.s32 $0xF84, v9;
	v58 =	vadd.s32 $0x1F08, v9;
	v59 =	vadd.s32 $0x2E8C, v9;
	v35 =	vld.idx.msk [tilespmem:v3+s2+$0x0], $0xffff  }
0x12a: {  	s28 =	sadd.s32 $0x400, s28;
	v61 =	vadd.s32 $0x3E10, v0;
	v62 =	vadd.s32 $0x2E8C, v8;
	v60 =	vadd.s32 $0x3E10, v9;
	v36 =	vld.idx.msk [tilespmem:v4+s2+$0x0], $0xffff  }
0x12b: {  	v63 =	vadd.s32 $0x3E10, v1;
	v23 =	vadd.s32 $0x3E10, v2;
	v24 =	vadd.s32 $0x3E10, v3;
	v37 =	vld.idx.msk [tilespmem:v8+s2+$0x0], $0xffff;
	[tilespmem:s28+$0xFFFFFC80] =	vst v16  }
0x12c: {  	v47 =	vadd.s32 $0x4D94, v9;
	v16 =	vadd.s32 $0x3E10, v4;
	[tilespmem:s28+$0xFFFFFC20] =	vst v17;
	v17 =	vadd.s32 $0x3E10, v8;
	v33 =	vld.idx.msk [tilespmem:v33+s2+$0x0], $0xffff  }
0x12d: {  	v25 =	vadd.s32 $0x4D94, v0;
	v51 =	vadd.s32 $0x4D94, v1;
	v49 =	vadd.s32 $0x4D94, v2;
	v38 =	vld.idx.msk [tilespmem:v9+s2+$0x0], $0xffff;
	[tilespmem:s28+$0xFFFFFC30] =	vst v21  }
0x12e: {  	v50 =	vadd.s32 $0x4D94, v3;
	v48 =	vadd.s32 $0x4D94, v4;
	v21 =	vadd.s32 $0x1F08, v32;
	v5 =	vld.idx.msk [tilespmem:v5+s2+$0x0], $0xffff;
	[tilespmem:s28+$0xFFFFFC40] =	vst v34  }
0x12f: {  	v42 =	vadd.s32 $0x5D18, v0;
	v52 =	vadd.s32 $0x4D94, v8;
	v45 =	vadd.s32 $0x5D18, v9;
	v10 =	vld.idx.msk [tilespmem:v10+s2+$0x0], $0xffff;
	[tilespmem:s28+$0xFFFFFC50] =	vst v35  }
0x130: {  	v46 =	vadd.s32 $0x5D18, v1;
	v43 =	vadd.s32 $0x5D18, v2;
	v40 =	vadd.s32 $0x5D18, v3;
	v13 =	vld.idx.msk [tilespmem:v13+s2+$0x0], $0xffff;
	[tilespmem:s28+$0xFFFFFC60] =	vst v36  }
0x131: {  	v44 =	vadd.s32 $0x5D18, v4;
	v41 =	vadd.s32 $0x5D18, v8;
	v36 =	vadd.s32 $0x6C9C, v9;
	v9 =	vld.idx.msk [tilespmem:v18+s2+$0x0], $0xffff;
	[tilespmem:s28+$0xFFFFFC70] =	vst v37  }
0x132: {  	v39 =	vadd.s32 $0x6C9C, v0;
	v34 =	vadd.s32 $0x6C9C, v2;
	v37 =	vadd.s32 $0x6C9C, v1;
	v0 =	vld.idx.msk [tilespmem:v22+s2+$0x0], $0xffff;
	[tilespmem:s28+$0xFFFFFD00] =	vst v33  }
0x133: {  	v35 =	vadd.s32 $0x6C9C, v4;
	v33 =	vadd.s32 $0x6C9C, v8;
	[tilespmem:s28+$0xFFFFFC10] =	vst v38;
	v38 =	vadd.s32 $0x6C9C, v3;
	v1 =	vld.idx.msk [tilespmem:v21+s2+$0x0], $0xffff  }
0x134: {  	v2 =	vld.idx.msk [tilespmem:v57+s2+$0x0], $0xffff;
	[tilespmem:s28+$0xFFFFFCA0] =	vst v5  }
0x135: {  	v4 =	vadd.s32 $0x2E8C, v32;
	[tilespmem:s28+$0xFFFFFCB0] =	vst v10;
	v3 =	vld.idx.msk [tilespmem:v55+s2+$0x0], $0xffff  }
0x136: {  	v5 =	vld.idx.msk [tilespmem:v6+s2+$0x0], $0xffff;
	[tilespmem:s28+$0xFFFFFCC0] =	vst v13  }
0x137: {  	v6 =	vld.idx.msk [tilespmem:v11+s2+$0x0], $0xffff;
	[tilespmem:s28+$0xFFFFFCD0] =	vst v9  }
0x138: {  	v8 =	vld.idx.msk [tilespmem:v14+s2+$0x0], $0xffff;
	[tilespmem:s28+$0xFFFFFCE0] =	vst v0  }
0x139: {  	v0 =	vld.idx.msk [tilespmem:v19+s2+$0x0], $0xffff;
	[tilespmem:s28+$0xFFFFFD80] =	vst v1  }
0x13a: {  	[tilespmem:s28+$0xFFFFFC90] =	vst v2;
	v1 =	vld.idx.msk [tilespmem:v4+s2+$0x0], $0xffff  }
0x13b: {  	v2 =	vld.idx.msk [tilespmem:v58+s2+$0x0], $0xffff;
	[tilespmem:s28+$0xFFFFFCF0] =	vst v3  }
0x13c: {  	v4 =	vadd.s32 $0x3E10, v32;
	[tilespmem:s28+$0xFFFFFD20] =	vst v5;
	v3 =	vld.idx.msk [tilespmem:v53+s2+$0x0], $0xffff  }
0x13d: {  	[tilespmem:s28+$0xFFFFFD30] =	vst v6;
	v5 =	vld.idx.msk [tilespmem:v56+s2+$0x0], $0xffff  }
0x13e: {  	v6 =	vld.idx.msk [tilespmem:v7+s2+$0x0], $0xffff;
	[tilespmem:s28+$0xFFFFFD40] =	vst v8  }
0x13f: {  	v7 =	vld.idx.msk [tilespmem:v12+s2+$0x0], $0xffff;
	[tilespmem:s28+$0xFFFFFD50] =	vst v0  }
0x140: {  	v0 =	vld.idx.msk [tilespmem:v15+s2+$0x0], $0xffff;
	[tilespmem:s28+$0xFFFFFE00] =	vst v1  }
0x141: {  	[tilespmem:s28+$0xFFFFFD10] =	vst v2;
	v1 =	vld.idx.msk [tilespmem:v4+s2+$0x0], $0xffff  }
0x142: {  	v2 =	vld.idx.msk [tilespmem:v59+s2+$0x0], $0xffff;
	[tilespmem:s28+$0xFFFFFD60] =	vst v3  }
0x143: {  	v4 =	vadd.s32 $0x4D94, v32;
	v3 =	vld.idx.msk [tilespmem:v20+s2+$0x0], $0xffff;
	[tilespmem:s28+$0xFFFFFD70] =	vst v5  }
0x144: {  	[tilespmem:s28+$0xFFFFFDA0] =	vst v6;
	v5 =	vld.idx.msk [tilespmem:v54+s2+$0x0], $0xffff  }
0x145: {  	[tilespmem:s28+$0xFFFFFDB0] =	vst v7;
	v6 =	vld.idx.msk [tilespmem:v62+s2+$0x0], $0xffff  }
0x146: {  	v7 =	vld.idx.msk [tilespmem:v61+s2+$0x0], $0xffff;
	[tilespmem:s28+$0xFFFFFDC0] =	vst v0  }
0x147: {  	v0 =	vld.idx.msk [tilespmem:v63+s2+$0x0], $0xffff;
	[tilespmem:s28+$0xFFFFFE80] =	vst v1  }
0x148: {  	[tilespmem:s28+$0xFFFFFD90] =	vst v2;
	v1 =	vld.idx.msk [tilespmem:v4+s2+$0x0], $0xffff  }
0x149: {  	v2 =	vld.idx.msk [tilespmem:v60+s2+$0x0], $0xffff;
	[tilespmem:s28+$0xFFFFFDD0] =	vst v3  }
0x14a: {  	v4 =	vadd.s32 $0x5D18, v32;
	v3 =	vld.idx.msk [tilespmem:v23+s2+$0x0], $0xffff;
	[tilespmem:s28+$0xFFFFFDE0] =	vst v5  }
0x14b: {  	v5 =	vld.idx.msk [tilespmem:v24+s2+$0x0], $0xffff;
	[tilespmem:s28+$0xFFFFFDF0] =	vst v6  }
0x14c: {  	[tilespmem:s28+$0xFFFFFE20] =	vst v7;
	v6 =	vld.idx.msk [tilespmem:v16+s2+$0x0], $0xffff  }
0x14d: {  	[tilespmem:s28+$0xFFFFFE30] =	vst v0;
	v0 =	vld.idx.msk [tilespmem:v17+s2+$0x0], $0xffff  }
0x14e: {  	v7 =	vld.idx.msk [tilespmem:v25+s2+$0x0], $0xffff;
	[tilespmem:s28+$0xFFFFFF00] =	vst v1  }
0x14f: {  	[tilespmem:s28+$0xFFFFFE10] =	vst v2;
	v1 =	vld.idx.msk [tilespmem:v4+s2+$0x0], $0xffff  }
0x150: {  	v2 =	vld.idx.msk [tilespmem:v47+s2+$0x0], $0xffff;
	[tilespmem:s28+$0xFFFFFE40] =	vst v3  }
0x151: {  	v4 =	vadd.s32 $0x6C9C, v32;
	v3 =	vld.idx.msk [tilespmem:v51+s2+$0x0], $0xffff;
	[tilespmem:s28+$0xFFFFFE50] =	vst v5  }
0x152: {  	v5 =	vld.idx.msk [tilespmem:v49+s2+$0x0], $0xffff;
	[tilespmem:s28+$0xFFFFFE60] =	vst v6  }
0x153: {  	v6 =	vld.idx.msk [tilespmem:v50+s2+$0x0], $0xffff;
	[tilespmem:s28+$0xFFFFFE70] =	vst v0  }
0x154: {  	[tilespmem:s28+$0xFFFFFEA0] =	vst v7;
	v0 =	vld.idx.msk [tilespmem:v48+s2+$0x0], $0xffff  }
0x155: {  	v7 =	vld.idx.msk [tilespmem:v52+s2+$0x0], $0xffff;
	[tilespmem:s28+$0xFFFFFF80] =	vst v1  }
0x156: {  	[tilespmem:s28+$0xFFFFFE90] =	vst v2;
	v1 =	vld.idx.msk [tilespmem:v4+s2+$0x0], $0xffff  }
0x157: {  	v2 =	vld.idx.msk [tilespmem:v45+s2+$0x0], $0xffff;
	[tilespmem:s28+$0xFFFFFEB0] =	vst v3  }
0x158: {  	v3 =	vld.idx.msk [tilespmem:v42+s2+$0x0], $0xffff;
	[tilespmem:s28+$0xFFFFFEC0] =	vst v5  }
0x159: {  	v4 =	vld.idx.msk [tilespmem:v46+s2+$0x0], $0xffff;
	[tilespmem:s28+$0xFFFFFED0] =	vst v6  }
0x15a: {  	v5 =	vld.idx.msk [tilespmem:v43+s2+$0x0], $0xffff;
	[tilespmem:s28+$0xFFFFFEE0] =	vst v0  }
0x15b: {  	v0 =	vld.idx.msk [tilespmem:v40+s2+$0x0], $0xffff;
	[tilespmem:s28+$0xFFFFFEF0] =	vst v7  }
0x15c: {  	v6 =	vld.idx.msk [tilespmem:v44+s2+$0x0], $0xffff;
	[tilespmem:s28+$0x0] =	vst v1  }
0x15d: {  	[tilespmem:s28+$0xFFFFFF10] =	vst v2;
	v1 =	vld.idx.msk [tilespmem:v41+s2+$0x0], $0xffff  }
0x15e: {  	v2 =	vld.idx.msk [tilespmem:v36+s2+$0x0], $0xffff;
	[tilespmem:s28+$0xFFFFFF20] =	vst v3  }
0x15f: {  	v36 =	vld.idx.msk [tilespmem:v39+s2+$0x0], $0xffff;
	[tilespmem:s28+$0xFFFFFF30] =	vst v4  }
.Ltmp3:
0x160: {  	v37 =	vld.idx.msk [tilespmem:v37+s2+$0x0], $0xffff;
	[tilespmem:s28+$0xFFFFFF40] =	vst v5;
	(pc) =	sbr.rel @p2 .LBB2_5-.Ltmp3, $4  }
0x161: {  	v34 =	vld.idx.msk [tilespmem:v34+s2+$0x0], $0xffff;
	[tilespmem:s28+$0xFFFFFF50] =	vst v0  }
0x162: {  	v38 =	vld.idx.msk [tilespmem:v38+s2+$0x0], $0xffff;
	[tilespmem:s28+$0xFFFFFF60] =	vst v6  }
0x163: {  	v35 =	vld.idx.msk [tilespmem:v35+s2+$0x0], $0xffff;
	[tilespmem:s28+$0xFFFFFF70] =	vst v1  }
0x164: {  	s30 =	sadd.s32 $0x80, s30;
	[tilespmem:s28+$0xFFFFFF90] =	vst v2;
	v33 =	vld.idx.msk [tilespmem:v33+s2+$0x0], $0xffff  }
0x165: {  	[tilespmem:s28+$0xFFFFFFA0] =	vst v36  }
0x166: {  	[tilespmem:s28+$0xFFFFFFB0] =	vst v37  }
0x167: {  	[tilespmem:s28+$0xFFFFFFC0] =	vst v34  }
0x168: {  	[tilespmem:s28+$0xFFFFFFD0] =	vst v38  }
0x169: {  	[tilespmem:s28+$0xFFFFFFE0] =	vst v35  }
0x16a: {  	[tilespmem:s28+$0xFFFFFFF0] =	vst v33  }
0x16b: {  	v0 =	vld [tilespmem:$0x8490];
	_ =	sdelay $0x7  }
0x16c: {  	v3 =	vimm.s32 $0x4400;
	v1 =	vld.idx.msk [tilespmem:v0+s2+$0x0], $0xffff  }
0x16d: {  	v2 =	vadd.s32 $0xF84, v0;
	_ =	sdelay $0x3  }
0x16e: {  	[tilespmem:v3+s17+$0x0] =	vst.idx.msk $0x1, v1  }
0x16f: {  	v14 =	vimm.s32 $0x4480;
	v1 =	vld.idx.msk [tilespmem:v2+s2+$0x0], $0xffff  }
0x170: {  	v13 =	vadd.s32 $0x1F08, v0;
	_ =	sdelay $0x3  }
0x171: {  	[tilespmem:v14+s17+$0x0] =	vst.idx.msk $0x1, v1  }
0x172: {  	v16 =	vimm.s32 $0x4500;
	v1 =	vld.idx.msk [tilespmem:v13+s2+$0x0], $0xffff  }
0x173: {  	v15 =	vadd.s32 $0x2E8C, v0;
	_ =	sdelay $0x3  }
0x174: {  	[tilespmem:v16+s17+$0x0] =	vst.idx.msk $0x1, v1  }
0x175: {  	v18 =	vimm.s32 $0x4580;
	v1 =	vld.idx.msk [tilespmem:v15+s2+$0x0], $0xffff  }
0x176: {  	v17 =	vadd.s32 $0x3E10, v0;
	_ =	sdelay $0x3  }
0x177: {  	[tilespmem:v18+s17+$0x0] =	vst.idx.msk $0x1, v1  }
0x178: {  	v20 =	vimm.s32 $0x4600;
	v1 =	vld.idx.msk [tilespmem:v17+s2+$0x0], $0xffff  }
0x179: {  	v19 =	vadd.s32 $0x4D94, v0;
	_ =	sdelay $0x3  }
0x17a: {  	[tilespmem:v20+s17+$0x0] =	vst.idx.msk $0x1, v1  }
0x17b: {  	v22 =	vimm.s32 $0x4680;
	v1 =	vld.idx.msk [tilespmem:v19+s2+$0x0], $0xffff  }
0x17c: {  	v21 =	vadd.s32 $0x5D18, v0;
	_ =	sdelay $0x3  }
0x17d: {  	[tilespmem:v22+s17+$0x0] =	vst.idx.msk $0x1, v1  }
0x17e: {  	v23 =	vimm.s32 $0x4700;
	v1 =	vld.idx.msk [tilespmem:v21+s2+$0x0], $0xffff  }
0x17f: {  	v0 =	vadd.s32 $0x6C9C, v0;
	_ =	sdelay $0x3  }
0x180: {  	[tilespmem:v23+s17+$0x0] =	vst.idx.msk $0x1, v1  }
0x181: {  	v24 =	vimm.s32 $0x4780;
	v0 =	vld.idx.msk [tilespmem:v0+s2+$0x0], $0xffff;
	_ =	sdelay $0x4  }
0x182: {  	s28 =	simm.s32 $0x8510;
	[tilespmem:v24+s17+$0x0] =	vst.idx.msk $0x1, v0  }
0x183: {  	v39 =	vld [tilespmem:s28+$0x0]  }
0x184: {  	v37 =	vld [tilespmem:s28+$0xFFFFFFA0]  }
0x185: {  	v36 =	vld [tilespmem:s28+$0xFFFFFFB0]  }
0x186: {  	v35 =	vld [tilespmem:s28+$0xFFFFFFC0]  }
0x187: {  	v34 =	vld [tilespmem:s28+$0xFFFFFFD0]  }
0x188: {  	v33 =	vld [tilespmem:s28+$0xFFFFFFE0]  }
0x189: {  	v32 =	vld [tilespmem:s28+$0xFFFFFFF0]  }
0x18a: {  	v38 =	vld [tilespmem:s28+$0xFFFFFF90]  }
0x18b: {  	v0 =	vld.idx.msk [tilespmem:v39+s2+$0x0], $0xffff  }
0x18c: {  	v1 =	vld.idx.msk [tilespmem:v37+s2+$0x0], $0xffff  }
0x18d: {  	v2 =	vld.idx.msk [tilespmem:v36+s2+$0x0], $0xffff  }
0x18e: {  	v25 =	vadd.s32 $0xF84, v39;
	v4 =	vld.idx.msk [tilespmem:v35+s2+$0x0], $0xffff  }
0x18f: {  	v5 =	vadd.s32 $0xF84, v37;
	v6 =	vld.idx.msk [tilespmem:v34+s2+$0x0], $0xffff  }
0x190: {  	s28 =	simm.s32 $0xE580;
	v7 =	vadd.s32 $0xF84, v36;
	v8 =	vld.idx.msk [tilespmem:v33+s2+$0x0], $0xffff  }
0x191: {  	v9 =	vadd.s32 $0xF84, v35;
	v10 =	vld.idx.msk [tilespmem:v32+s2+$0x0], $0xffff;
	[tilespmem:s28+$0x70] =	vst v0  }
0x192: {  	v26 =	vadd.s32 $0xF84, v34;
	v11 =	vld.idx.msk [tilespmem:v38+s2+$0x0], $0xffff;
	[tilespmem:s28+$0x10] =	vst v1  }
0x193: {  	v41 =	vadd.s32 $0xF84, v33;
	[tilespmem:s28+$0x20] =	vst v2;
	v40 =	vld.idx.msk [tilespmem:v25+s2+$0x0], $0xffff  }
0x194: {  	v44 =	vadd.s32 $0xF84, v38;
	[tilespmem:s28+$0x30] =	vst v4;
	v42 =	vld.idx.msk [tilespmem:v5+s2+$0x0], $0xffff  }
0x195: {  	v45 =	vadd.s32 $0xF84, v32;
	[tilespmem:s28+$0x40] =	vst v6;
	v7 =	vld.idx.msk [tilespmem:v7+s2+$0x0], $0xffff  }
0x196: {  	v43 =	vadd.s32 $0x1F08, v39;
	[tilespmem:s28+$0x50] =	vst v8;
	v9 =	vld.idx.msk [tilespmem:v9+s2+$0x0], $0xffff  }
0x197: {  	v46 =	vadd.s32 $0x1F08, v37;
	[tilespmem:s28+$0x60] =	vst v10;
	v0 =	vld.idx.msk [tilespmem:v26+s2+$0x0], $0xffff  }
0x198: {  	v47 =	vadd.s32 $0x1F08, v36;
	[tilespmem:s28+$0x0] =	vst v11;
	v3 =	vld.idx.msk [tilespmem:v41+s2+$0x0], $0xffff  }
0x199: {  	v48 =	vadd.s32 $0x1F08, v35;
	v5 =	vld.idx.msk [tilespmem:v44+s2+$0x0], $0xffff;
	[tilespmem:s28+$0xF0] =	vst v40  }
0x19a: {  	v49 =	vadd.s32 $0x1F08, v34;
	v50 =	vld.idx.msk [tilespmem:v45+s2+$0x0], $0xffff;
	[tilespmem:s28+$0x90] =	vst v42  }
0x19b: {  	v52 =	vadd.s32 $0x1F08, v38;
	[tilespmem:s28+$0xA0] =	vst v7;
	v4 =	vld.idx.msk [tilespmem:v43+s2+$0x0], $0xffff  }
0x19c: {  	v53 =	vadd.s32 $0x1F08, v33;
	[tilespmem:s28+$0xB0] =	vst v9;
	v8 =	vld.idx.msk [tilespmem:v46+s2+$0x0], $0xffff  }
0x19d: {  	v54 =	vadd.s32 $0x1F08, v32;
	[tilespmem:s28+$0xC0] =	vst v0;
	v10 =	vld.idx.msk [tilespmem:v47+s2+$0x0], $0xffff  }
0x19e: {  	v51 =	vadd.s32 $0x2E8C, v39;
	[tilespmem:s28+$0xD0] =	vst v3;
	v1 =	vld.idx.msk [tilespmem:v48+s2+$0x0], $0xffff  }
0x19f: {  	v55 =	vadd.s32 $0x2E8C, v37;
	[tilespmem:s28+$0x80] =	vst v5;
	v11 =	vld.idx.msk [tilespmem:v49+s2+$0x0], $0xffff  }
0x1a0: {  	v56 =	vadd.s32 $0x2E8C, v36;
	[tilespmem:s28+$0xE0] =	vst v50;
	v7 =	vld.idx.msk [tilespmem:v52+s2+$0x0], $0xffff  }
0x1a1: {  	v58 =	vadd.s32 $0x2E8C, v35;
	v59 =	vld.idx.msk [tilespmem:v53+s2+$0x0], $0xffff;
	[tilespmem:s28+$0x170] =	vst v4  }
0x1a2: {  	v61 =	vadd.s32 $0x2E8C, v38;
	v0 =	vld.idx.msk [tilespmem:v54+s2+$0x0], $0xffff;
	[tilespmem:s28+$0x110] =	vst v8  }
0x1a3: {  	v62 =	vadd.s32 $0x2E8C, v34;
	[tilespmem:s28+$0x120] =	vst v10;
	v57 =	vld.idx.msk [tilespmem:v51+s2+$0x0], $0xffff  }
0x1a4: {  	v63 =	vadd.s32 $0x2E8C, v33;
	[tilespmem:s28+$0x130] =	vst v1;
	v3 =	vld.idx.msk [tilespmem:v55+s2+$0x0], $0xffff  }
0x1a5: {  	v12 =	vadd.s32 $0x2E8C, v32;
	[tilespmem:s28+$0x140] =	vst v11;
	v4 =	vld.idx.msk [tilespmem:v56+s2+$0x0], $0xffff  }
0x1a6: {  	v60 =	vadd.s32 $0x3E10, v39;
	[tilespmem:s28+$0x100] =	vst v7;
	v6 =	vld.idx.msk [tilespmem:v58+s2+$0x0], $0xffff  }
0x1a7: {  	v13 =	vadd.s32 $0x3E10, v37;
	[tilespmem:s28+$0x150] =	vst v59;
	v9 =	vld.idx.msk [tilespmem:v61+s2+$0x0], $0xffff  }
0x1a8: {  	v15 =	vadd.s32 $0x3E10, v36;
	[tilespmem:s28+$0x160] =	vst v0;
	v16 =	vld.idx.msk [tilespmem:v62+s2+$0x0], $0xffff  }
0x1a9: {  	v18 =	vadd.s32 $0x3E10, v38;
	v1 =	vld.idx.msk [tilespmem:v63+s2+$0x0], $0xffff;
	[tilespmem:s28+$0x1F0] =	vst v57  }
0x1aa: {  	v19 =	vadd.s32 $0x3E10, v35;
	v20 =	vld.idx.msk [tilespmem:v12+s2+$0x0], $0xffff;
	[tilespmem:s28+$0x190] =	vst v3  }
0x1ab: {  	v21 =	vadd.s32 $0x3E10, v34;
	[tilespmem:s28+$0x1A0] =	vst v4;
	v14 =	vld.idx.msk [tilespmem:v60+s2+$0x0], $0xffff  }
0x1ac: {  	v22 =	vadd.s32 $0x3E10, v33;
	[tilespmem:s28+$0x1B0] =	vst v6;
	v5 =	vld.idx.msk [tilespmem:v13+s2+$0x0], $0xffff  }
0x1ad: {  	v23 =	vadd.s32 $0x3E10, v32;
	[tilespmem:s28+$0x180] =	vst v9;
	v8 =	vld.idx.msk [tilespmem:v15+s2+$0x0], $0xffff  }
0x1ae: {  	v17 =	vadd.s32 $0x4D94, v39;
	[tilespmem:s28+$0x1C0] =	vst v16;
	v10 =	vld.idx.msk [tilespmem:v18+s2+$0x0], $0xffff  }
0x1af: {  	v24 =	vadd.s32 $0x4D94, v37;
	[tilespmem:s28+$0x1D0] =	vst v1;
	v25 =	vld.idx.msk [tilespmem:v19+s2+$0x0], $0xffff  }
0x1b0: {  	v40 =	vadd.s32 $0x4D94, v38;
	[tilespmem:s28+$0x1E0] =	vst v20;
	v11 =	vld.idx.msk [tilespmem:v21+s2+$0x0], $0xffff  }
0x1b1: {  	v41 =	vadd.s32 $0x4D94, v36;
	v42 =	vld.idx.msk [tilespmem:v22+s2+$0x0], $0xffff;
	[tilespmem:s28+$0x270] =	vst v14  }
0x1b2: {  	v43 =	vadd.s32 $0x4D94, v35;
	v7 =	vld.idx.msk [tilespmem:v23+s2+$0x0], $0xffff;
	[tilespmem:s28+$0x210] =	vst v5  }
0x1b3: {  	v44 =	vadd.s32 $0x4D94, v34;
	[tilespmem:s28+$0x220] =	vst v8;
	v0 =	vld.idx.msk [tilespmem:v17+s2+$0x0], $0xffff  }
0x1b4: {  	v46 =	vadd.s32 $0x4D94, v32;
	[tilespmem:s28+$0x200] =	vst v10;
	v9 =	vld.idx.msk [tilespmem:v24+s2+$0x0], $0xffff  }
0x1b5: {  	v45 =	vadd.s32 $0x4D94, v33;
	[tilespmem:s28+$0x230] =	vst v25;
	v3 =	vld.idx.msk [tilespmem:v40+s2+$0x0], $0xffff  }
0x1b6: {  	v26 =	vadd.s32 $0x5D18, v39;
	[tilespmem:s28+$0x240] =	vst v11;
	v47 =	vld.idx.msk [tilespmem:v41+s2+$0x0], $0xffff  }
0x1b7: {  	v49 =	vadd.s32 $0x5D18, v38;
	[tilespmem:s28+$0x250] =	vst v42;
	v6 =	vld.idx.msk [tilespmem:v43+s2+$0x0], $0xffff  }
0x1b8: {  	v50 =	vadd.s32 $0x5D18, v37;
	[tilespmem:s28+$0x260] =	vst v7;
	v8 =	vld.idx.msk [tilespmem:v44+s2+$0x0], $0xffff  }
0x1b9: {  	v51 =	vadd.s32 $0x5D18, v36;
	v10 =	vld.idx.msk [tilespmem:v46+s2+$0x0], $0xffff;
	[tilespmem:s28+$0x2F0] =	vst v0  }
0x1ba: {  	v52 =	vadd.s32 $0x5D18, v35;
	[tilespmem:s28+$0x290] =	vst v9;
	v0 =	vld.idx.msk [tilespmem:v45+s2+$0x0], $0xffff  }
0x1bb: {  	v56 =	vadd.s32 $0x5D18, v32;
	[tilespmem:s28+$0x280] =	vst v3;
	v1 =	vld.idx.msk [tilespmem:v26+s2+$0x0], $0xffff  }
0x1bc: {  	v53 =	vadd.s32 $0x5D18, v34;
	[tilespmem:s28+$0x2A0] =	vst v47;
	v11 =	vld.idx.msk [tilespmem:v49+s2+$0x0], $0xffff  }
0x1bd: {  	v55 =	vadd.s32 $0x5D18, v33;
	[tilespmem:s28+$0x2B0] =	vst v6;
	v5 =	vld.idx.msk [tilespmem:v50+s2+$0x0], $0xffff  }
0x1be: {  	v48 =	vadd.s32 $0x6C9C, v39;
	[tilespmem:s28+$0x2C0] =	vst v8;
	v7 =	vld.idx.msk [tilespmem:v51+s2+$0x0], $0xffff  }
0x1bf: {  	v57 =	vadd.s32 $0x6C9C, v38;
	[tilespmem:s28+$0x2E0] =	vst v10;
	v9 =	vld.idx.msk [tilespmem:v52+s2+$0x0], $0xffff  }
0x1c0: {  	v58 =	vadd.s32 $0x6C9C, v37;
	v2 =	vld.idx.msk [tilespmem:v56+s2+$0x0], $0xffff;
	[tilespmem:s28+$0x2D0] =	vst v0  }
0x1c1: {  	v59 =	vadd.s32 $0x6C9C, v36;
	[tilespmem:s28+$0x370] =	vst v1;
	v1 =	vld.idx.msk [tilespmem:v53+s2+$0x0], $0xffff  }
0x1c2: {  	v60 =	vadd.s32 $0x6C9C, v35;
	v4 =	vld.idx.msk [tilespmem:v55+s2+$0x0], $0xffff;
	[tilespmem:s28+$0x300] =	vst v11  }
0x1c3: {  	v63 =	vadd.s32 $0x6C9C, v32;
	[tilespmem:s28+$0x310] =	vst v5;
	v54 =	vld.idx.msk [tilespmem:v48+s2+$0x0], $0xffff  }
0x1c4: {  	v61 =	vadd.s32 $0x6C9C, v34;
	[tilespmem:s28+$0x320] =	vst v7;
	v6 =	vld.idx.msk [tilespmem:v57+s2+$0x0], $0xffff  }
0x1c5: {  	v62 =	vadd.s32 $0x6C9C, v33;
	[tilespmem:s28+$0x330] =	vst v9;
	v36 =	vld.idx.msk [tilespmem:v58+s2+$0x0], $0xffff  }
0x1c6: {  	[tilespmem:s28+$0x360] =	vst v2;
	v37 =	vld.idx.msk [tilespmem:v59+s2+$0x0], $0xffff  }
0x1c7: {  	v34 =	vld.idx.msk [tilespmem:v60+s2+$0x0], $0xffff;
	[tilespmem:s28+$0x340] =	vst v1  }
0x1c8: {  	v33 =	vld.idx.msk [tilespmem:v63+s2+$0x0], $0xffff;
	[tilespmem:s28+$0x350] =	vst v4  }
0x1c9: {  	[tilespmem:s28+$0x3F0] =	vst v54;
	v38 =	vld.idx.msk [tilespmem:v61+s2+$0x0], $0xffff  }
0x1ca: {  	s29 =	simm.s32 $0x0;
	s30 =	simm.s32 $0x8590;
	v35 =	vld.idx.msk [tilespmem:v62+s2+$0x0], $0xffff;
	[tilespmem:s28+$0x380] =	vst v6  }
.LBB2_7:
0x1cb: {  	v32 =	vld [tilespmem:s30+$0x0];
	s29 =	sadd.s32 $0x8, s29;
	[tilespmem:s28+$0x390] =	vst v36  }
0x1cc: {  	v0 =	vld [tilespmem:s30+$0xFFFFFFA0];
	p2 =	slt.u32 s29, $0x38;
	[tilespmem:s28+$0x3A0] =	vst v37  }
0x1cd: {  	v1 =	vld [tilespmem:s30+$0xFFFFFFB0];
	[tilespmem:s28+$0x3B0] =	vst v34  }
0x1ce: {  	v2 =	vld [tilespmem:s30+$0xFFFFFFC0];
	[tilespmem:s28+$0x3C0] =	vst v38  }
0x1cf: {  	v3 =	vld [tilespmem:s30+$0xFFFFFFD0];
	[tilespmem:s28+$0x3D0] =	vst v35  }
0x1d0: {  	v4 =	vld [tilespmem:s30+$0xFFFFFFE0];
	[tilespmem:s28+$0x3E0] =	vst v33  }
0x1d1: {  	v5 =	vadd.s32 $0xF84, v0;
	v6 =	vadd.s32 $0x1F08, v0;
	v7 =	vadd.s32 $0x2E8C, v0;
	v8 =	vld [tilespmem:s30+$0xFFFFFFF0]  }
0x1d2: {  	v9 =	vld [tilespmem:s30+$0xFFFFFF90];
	v10 =	vadd.s32 $0xF84, v1;
	v11 =	vadd.s32 $0x1F08, v1;
	v12 =	vadd.s32 $0x2E8C, v1  }
0x1d3: {  	v13 =	vadd.s32 $0xF84, v2;
	v14 =	vadd.s32 $0x1F08, v2;
	v15 =	vadd.s32 $0x2E8C, v2;
	v16 =	vld.idx.msk [tilespmem:v32+s2+$0x0], $0xffff  }
0x1d4: {  	v17 =	vld.idx.msk [tilespmem:v0+s2+$0x0], $0xffff;
	v18 =	vadd.s32 $0xF84, v3;
	v19 =	vadd.s32 $0x1F08, v3;
	v20 =	vadd.s32 $0x2E8C, v3  }
0x1d5: {  	v24 =	vadd.s32 $0xF84, v32;
	v21 =	vld.idx.msk [tilespmem:v1+s2+$0x0], $0xffff;
	v22 =	vadd.s32 $0xF84, v4;
	v23 =	vadd.s32 $0x1F08, v4  }
0x1d6: {  	v53 =	vadd.s32 $0x2E8C, v4;
	v25 =	vld.idx.msk [tilespmem:v2+s2+$0x0], $0xffff;
	v54 =	vadd.s32 $0xF84, v8;
	v55 =	vadd.s32 $0x1F08, v8  }
0x1d7: {  	v56 =	vadd.s32 $0xF84, v9;
	v57 =	vadd.s32 $0x1F08, v9;
	v58 =	vadd.s32 $0x2E8C, v9;
	v33 =	vld.idx.msk [tilespmem:v3+s2+$0x0], $0xffff  }
0x1d8: {  	s28 =	sadd.s32 $0x400, s28;
	v60 =	vadd.s32 $0x3E10, v0;
	v61 =	vadd.s32 $0x2E8C, v8;
	v59 =	vadd.s32 $0x3E10, v9;
	v34 =	vld.idx.msk [tilespmem:v4+s2+$0x0], $0xffff  }
0x1d9: {  	v62 =	vadd.s32 $0x3E10, v1;
	v63 =	vadd.s32 $0x3E10, v2;
	v26 =	vadd.s32 $0x3E10, v3;
	v35 =	vld.idx.msk [tilespmem:v8+s2+$0x0], $0xffff;
	[tilespmem:s28+$0x70] =	vst v16  }
0x1da: {  	v47 =	vadd.s32 $0x4D94, v9;
	v16 =	vadd.s32 $0x3E10, v4;
	[tilespmem:s28+$0x10] =	vst v17;
	v17 =	vadd.s32 $0x3E10, v8;
	v24 =	vld.idx.msk [tilespmem:v24+s2+$0x0], $0xffff  }
0x1db: {  	v27 =	vadd.s32 $0x4D94, v0;
	v51 =	vadd.s32 $0x4D94, v1;
	v49 =	vadd.s32 $0x4D94, v2;
	v38 =	vld.idx.msk [tilespmem:v9+s2+$0x0], $0xffff;
	[tilespmem:s28+$0x20] =	vst v21  }
0x1dc: {  	v50 =	vadd.s32 $0x4D94, v3;
	v48 =	vadd.s32 $0x4D94, v4;
	v21 =	vadd.s32 $0x1F08, v32;
	v5 =	vld.idx.msk [tilespmem:v5+s2+$0x0], $0xffff;
	[tilespmem:s28+$0x30] =	vst v25  }
0x1dd: {  	v42 =	vadd.s32 $0x5D18, v0;
	v52 =	vadd.s32 $0x4D94, v8;
	v45 =	vadd.s32 $0x5D18, v9;
	v10 =	vld.idx.msk [tilespmem:v10+s2+$0x0], $0xffff;
	[tilespmem:s28+$0x40] =	vst v33  }
0x1de: {  	v46 =	vadd.s32 $0x5D18, v1;
	v43 =	vadd.s32 $0x5D18, v2;
	v40 =	vadd.s32 $0x5D18, v3;
	v13 =	vld.idx.msk [tilespmem:v13+s2+$0x0], $0xffff;
	[tilespmem:s28+$0x50] =	vst v34  }
0x1df: {  	v44 =	vadd.s32 $0x5D18, v4;
	v41 =	vadd.s32 $0x5D18, v8;
	v36 =	vadd.s32 $0x6C9C, v9;
	v9 =	vld.idx.msk [tilespmem:v18+s2+$0x0], $0xffff;
	[tilespmem:s28+$0x60] =	vst v35  }
0x1e0: {  	v39 =	vadd.s32 $0x6C9C, v0;
	v37 =	vadd.s32 $0x6C9C, v1;
	v34 =	vadd.s32 $0x6C9C, v2;
	v0 =	vld.idx.msk [tilespmem:v22+s2+$0x0], $0xffff;
	[tilespmem:s28+$0xF0] =	vst v24  }
0x1e1: {  	v33 =	vadd.s32 $0x6C9C, v8;
	v35 =	vadd.s32 $0x6C9C, v4;
	[tilespmem:s28+$0x0] =	vst v38;
	v38 =	vadd.s32 $0x6C9C, v3;
	v1 =	vld.idx.msk [tilespmem:v21+s2+$0x0], $0xffff  }
0x1e2: {  	v2 =	vld.idx.msk [tilespmem:v56+s2+$0x0], $0xffff;
	[tilespmem:s28+$0x90] =	vst v5  }
0x1e3: {  	v4 =	vadd.s32 $0x2E8C, v32;
	[tilespmem:s28+$0xA0] =	vst v10;
	v3 =	vld.idx.msk [tilespmem:v54+s2+$0x0], $0xffff  }
0x1e4: {  	v5 =	vld.idx.msk [tilespmem:v6+s2+$0x0], $0xffff;
	[tilespmem:s28+$0xB0] =	vst v13  }
0x1e5: {  	v6 =	vld.idx.msk [tilespmem:v11+s2+$0x0], $0xffff;
	[tilespmem:s28+$0xC0] =	vst v9  }
0x1e6: {  	v8 =	vld.idx.msk [tilespmem:v14+s2+$0x0], $0xffff;
	[tilespmem:s28+$0xD0] =	vst v0  }
0x1e7: {  	v0 =	vld.idx.msk [tilespmem:v19+s2+$0x0], $0xffff;
	[tilespmem:s28+$0x170] =	vst v1  }
0x1e8: {  	[tilespmem:s28+$0x80] =	vst v2;
	v1 =	vld.idx.msk [tilespmem:v4+s2+$0x0], $0xffff  }
0x1e9: {  	v2 =	vld.idx.msk [tilespmem:v57+s2+$0x0], $0xffff;
	[tilespmem:s28+$0xE0] =	vst v3  }
0x1ea: {  	v4 =	vadd.s32 $0x3E10, v32;
	[tilespmem:s28+$0x110] =	vst v5;
	v3 =	vld.idx.msk [tilespmem:v23+s2+$0x0], $0xffff  }
0x1eb: {  	[tilespmem:s28+$0x120] =	vst v6;
	v5 =	vld.idx.msk [tilespmem:v55+s2+$0x0], $0xffff  }
0x1ec: {  	v6 =	vld.idx.msk [tilespmem:v7+s2+$0x0], $0xffff;
	[tilespmem:s28+$0x130] =	vst v8  }
0x1ed: {  	v7 =	vld.idx.msk [tilespmem:v12+s2+$0x0], $0xffff;
	[tilespmem:s28+$0x140] =	vst v0  }
0x1ee: {  	v0 =	vld.idx.msk [tilespmem:v15+s2+$0x0], $0xffff;
	[tilespmem:s28+$0x1F0] =	vst v1  }
0x1ef: {  	[tilespmem:s28+$0x100] =	vst v2;
	v1 =	vld.idx.msk [tilespmem:v4+s2+$0x0], $0xffff  }
0x1f0: {  	v2 =	vld.idx.msk [tilespmem:v58+s2+$0x0], $0xffff;
	[tilespmem:s28+$0x150] =	vst v3  }
0x1f1: {  	v4 =	vadd.s32 $0x4D94, v32;
	v3 =	vld.idx.msk [tilespmem:v20+s2+$0x0], $0xffff;
	[tilespmem:s28+$0x160] =	vst v5  }
0x1f2: {  	[tilespmem:s28+$0x190] =	vst v6;
	v5 =	vld.idx.msk [tilespmem:v53+s2+$0x0], $0xffff  }
0x1f3: {  	[tilespmem:s28+$0x1A0] =	vst v7;
	v6 =	vld.idx.msk [tilespmem:v61+s2+$0x0], $0xffff  }
0x1f4: {  	v7 =	vld.idx.msk [tilespmem:v60+s2+$0x0], $0xffff;
	[tilespmem:s28+$0x1B0] =	vst v0  }
0x1f5: {  	v0 =	vld.idx.msk [tilespmem:v62+s2+$0x0], $0xffff;
	[tilespmem:s28+$0x270] =	vst v1  }
0x1f6: {  	[tilespmem:s28+$0x180] =	vst v2;
	v1 =	vld.idx.msk [tilespmem:v4+s2+$0x0], $0xffff  }
0x1f7: {  	v2 =	vld.idx.msk [tilespmem:v59+s2+$0x0], $0xffff;
	[tilespmem:s28+$0x1C0] =	vst v3  }
0x1f8: {  	v4 =	vadd.s32 $0x5D18, v32;
	v3 =	vld.idx.msk [tilespmem:v63+s2+$0x0], $0xffff;
	[tilespmem:s28+$0x1D0] =	vst v5  }
0x1f9: {  	v5 =	vld.idx.msk [tilespmem:v26+s2+$0x0], $0xffff;
	[tilespmem:s28+$0x1E0] =	vst v6  }
0x1fa: {  	[tilespmem:s28+$0x210] =	vst v7;
	v6 =	vld.idx.msk [tilespmem:v16+s2+$0x0], $0xffff  }
0x1fb: {  	[tilespmem:s28+$0x220] =	vst v0;
	v0 =	vld.idx.msk [tilespmem:v17+s2+$0x0], $0xffff  }
0x1fc: {  	v7 =	vld.idx.msk [tilespmem:v27+s2+$0x0], $0xffff;
	[tilespmem:s28+$0x2F0] =	vst v1  }
0x1fd: {  	[tilespmem:s28+$0x200] =	vst v2;
	v1 =	vld.idx.msk [tilespmem:v4+s2+$0x0], $0xffff  }
0x1fe: {  	v2 =	vld.idx.msk [tilespmem:v47+s2+$0x0], $0xffff;
	[tilespmem:s28+$0x230] =	vst v3  }
0x1ff: {  	v4 =	vadd.s32 $0x6C9C, v32;
	v3 =	vld.idx.msk [tilespmem:v51+s2+$0x0], $0xffff;
	[tilespmem:s28+$0x240] =	vst v5  }
0x200: {  	v5 =	vld.idx.msk [tilespmem:v49+s2+$0x0], $0xffff;
	[tilespmem:s28+$0x250] =	vst v6  }
0x201: {  	v6 =	vld.idx.msk [tilespmem:v50+s2+$0x0], $0xffff;
	[tilespmem:s28+$0x260] =	vst v0  }
0x202: {  	[tilespmem:s28+$0x290] =	vst v7;
	v0 =	vld.idx.msk [tilespmem:v48+s2+$0x0], $0xffff  }
0x203: {  	v7 =	vld.idx.msk [tilespmem:v52+s2+$0x0], $0xffff;
	[tilespmem:s28+$0x370] =	vst v1  }
0x204: {  	[tilespmem:s28+$0x280] =	vst v2;
	v1 =	vld.idx.msk [tilespmem:v4+s2+$0x0], $0xffff  }
0x205: {  	v2 =	vld.idx.msk [tilespmem:v45+s2+$0x0], $0xffff;
	[tilespmem:s28+$0x2A0] =	vst v3  }
0x206: {  	v3 =	vld.idx.msk [tilespmem:v42+s2+$0x0], $0xffff;
	[tilespmem:s28+$0x2B0] =	vst v5  }
0x207: {  	v4 =	vld.idx.msk [tilespmem:v46+s2+$0x0], $0xffff;
	[tilespmem:s28+$0x2C0] =	vst v6  }
0x208: {  	v5 =	vld.idx.msk [tilespmem:v43+s2+$0x0], $0xffff;
	[tilespmem:s28+$0x2D0] =	vst v0  }
0x209: {  	v0 =	vld.idx.msk [tilespmem:v40+s2+$0x0], $0xffff;
	[tilespmem:s28+$0x2E0] =	vst v7  }
0x20a: {  	v6 =	vld.idx.msk [tilespmem:v44+s2+$0x0], $0xffff;
	[tilespmem:s28+$0x3F0] =	vst v1  }
0x20b: {  	[tilespmem:s28+$0x300] =	vst v2;
	v1 =	vld.idx.msk [tilespmem:v41+s2+$0x0], $0xffff  }
0x20c: {  	v2 =	vld.idx.msk [tilespmem:v36+s2+$0x0], $0xffff;
	[tilespmem:s28+$0x310] =	vst v3  }
0x20d: {  	v36 =	vld.idx.msk [tilespmem:v39+s2+$0x0], $0xffff;
	[tilespmem:s28+$0x320] =	vst v4  }
.Ltmp4:
0x20e: {  	v37 =	vld.idx.msk [tilespmem:v37+s2+$0x0], $0xffff;
	[tilespmem:s28+$0x330] =	vst v5;
	(pc) =	sbr.rel @p2 .LBB2_7-.Ltmp4, $4  }
0x20f: {  	v34 =	vld.idx.msk [tilespmem:v34+s2+$0x0], $0xffff;
	[tilespmem:s28+$0x340] =	vst v0  }
0x210: {  	v38 =	vld.idx.msk [tilespmem:v38+s2+$0x0], $0xffff;
	[tilespmem:s28+$0x350] =	vst v6  }
0x211: {  	v35 =	vld.idx.msk [tilespmem:v35+s2+$0x0], $0xffff;
	[tilespmem:s28+$0x360] =	vst v1  }
0x212: {  	s30 =	sadd.s32 $0x80, s30;
	[tilespmem:s28+$0x380] =	vst v2;
	v33 =	vld.idx.msk [tilespmem:v33+s2+$0x0], $0xffff  }
0x213: {  	[tilespmem:s28+$0x390] =	vst v36  }
0x214: {  	[tilespmem:s28+$0x3A0] =	vst v37  }
0x215: {  	[tilespmem:s28+$0x3B0] =	vst v34  }
0x216: {  	[tilespmem:s28+$0x3C0] =	vst v38  }
0x217: {  	[tilespmem:s28+$0x3D0] =	vst v35  }
0x218: {  	[tilespmem:s28+$0x3E0] =	vst v33  }
0x219: {  	v0 =	vld [tilespmem:$0x88A0];
	_ =	sdelay $0x7  }
0x21a: {  	v3 =	vimm.s32 $0x6800;
	v1 =	vld.idx.msk [tilespmem:v0+s2+$0x0], $0xffff  }
0x21b: {  	v2 =	vadd.s32 $0xF84, v0;
	_ =	sdelay $0x3  }
0x21c: {  	[tilespmem:v3+s17+$0x0] =	vst.idx.msk $0x1, v1  }
0x21d: {  	v14 =	vimm.s32 $0x6880;
	v1 =	vld.idx.msk [tilespmem:v2+s2+$0x0], $0xffff  }
0x21e: {  	v13 =	vadd.s32 $0x1F08, v0;
	_ =	sdelay $0x3  }
0x21f: {  	[tilespmem:v14+s17+$0x0] =	vst.idx.msk $0x1, v1  }
0x220: {  	v16 =	vimm.s32 $0x6900;
	v1 =	vld.idx.msk [tilespmem:v13+s2+$0x0], $0xffff  }
0x221: {  	v15 =	vadd.s32 $0x2E8C, v0;
	_ =	sdelay $0x3  }
0x222: {  	[tilespmem:v16+s17+$0x0] =	vst.idx.msk $0x1, v1  }
0x223: {  	v18 =	vimm.s32 $0x6980;
	v1 =	vld.idx.msk [tilespmem:v15+s2+$0x0], $0xffff  }
0x224: {  	v17 =	vadd.s32 $0x3E10, v0;
	_ =	sdelay $0x3  }
0x225: {  	[tilespmem:v18+s17+$0x0] =	vst.idx.msk $0x1, v1  }
0x226: {  	v20 =	vimm.s32 $0x6A00;
	v1 =	vld.idx.msk [tilespmem:v17+s2+$0x0], $0xffff  }
0x227: {  	v19 =	vadd.s32 $0x4D94, v0;
	_ =	sdelay $0x3  }
0x228: {  	[tilespmem:v20+s17+$0x0] =	vst.idx.msk $0x1, v1  }
0x229: {  	v22 =	vimm.s32 $0x6A80;
	v1 =	vld.idx.msk [tilespmem:v19+s2+$0x0], $0xffff  }
0x22a: {  	v21 =	vadd.s32 $0x5D18, v0;
	_ =	sdelay $0x3  }
0x22b: {  	[tilespmem:v22+s17+$0x0] =	vst.idx.msk $0x1, v1  }
0x22c: {  	v23 =	vimm.s32 $0x6B00;
	v1 =	vld.idx.msk [tilespmem:v21+s2+$0x0], $0xffff  }
0x22d: {  	v0 =	vadd.s32 $0x6C9C, v0;
	_ =	sdelay $0x3  }
0x22e: {  	[tilespmem:v23+s17+$0x0] =	vst.idx.msk $0x1, v1  }
0x22f: {  	v24 =	vimm.s32 $0x6B80;
	v0 =	vld.idx.msk [tilespmem:v0+s2+$0x0], $0xffff;
	_ =	sdelay $0x4  }
0x230: {  	s28 =	simm.s32 $0x8920;
	[tilespmem:v24+s17+$0x0] =	vst.idx.msk $0x1, v0  }
0x231: {  	v39 =	vld [tilespmem:s28+$0x0]  }
0x232: {  	v37 =	vld [tilespmem:s28+$0xFFFFFFA0]  }
0x233: {  	v36 =	vld [tilespmem:s28+$0xFFFFFFB0]  }
0x234: {  	v35 =	vld [tilespmem:s28+$0xFFFFFFC0]  }
0x235: {  	v34 =	vld [tilespmem:s28+$0xFFFFFFD0]  }
0x236: {  	v33 =	vld [tilespmem:s28+$0xFFFFFFE0]  }
0x237: {  	v32 =	vld [tilespmem:s28+$0xFFFFFFF0]  }
0x238: {  	v38 =	vld [tilespmem:s28+$0xFFFFFF90]  }
0x239: {  	v0 =	vld.idx.msk [tilespmem:v39+s2+$0x0], $0xffff  }
0x23a: {  	v1 =	vld.idx.msk [tilespmem:v37+s2+$0x0], $0xffff  }
0x23b: {  	v2 =	vld.idx.msk [tilespmem:v36+s2+$0x0], $0xffff  }
0x23c: {  	v25 =	vadd.s32 $0xF84, v39;
	v4 =	vld.idx.msk [tilespmem:v35+s2+$0x0], $0xffff  }
0x23d: {  	v5 =	vadd.s32 $0xF84, v37;
	v6 =	vld.idx.msk [tilespmem:v34+s2+$0x0], $0xffff  }
0x23e: {  	s28 =	simm.s32 $0x10980;
	v7 =	vadd.s32 $0xF84, v36;
	v8 =	vld.idx.msk [tilespmem:v33+s2+$0x0], $0xffff  }
0x23f: {  	v9 =	vadd.s32 $0xF84, v35;
	v10 =	vld.idx.msk [tilespmem:v32+s2+$0x0], $0xffff;
	[tilespmem:s28+$0x70] =	vst v0  }
0x240: {  	v26 =	vadd.s32 $0xF84, v34;
	v11 =	vld.idx.msk [tilespmem:v38+s2+$0x0], $0xffff;
	[tilespmem:s28+$0x10] =	vst v1  }
0x241: {  	v41 =	vadd.s32 $0xF84, v33;
	[tilespmem:s28+$0x20] =	vst v2;
	v40 =	vld.idx.msk [tilespmem:v25+s2+$0x0], $0xffff  }
0x242: {  	v44 =	vadd.s32 $0xF84, v38;
	[tilespmem:s28+$0x30] =	vst v4;
	v42 =	vld.idx.msk [tilespmem:v5+s2+$0x0], $0xffff  }
0x243: {  	v45 =	vadd.s32 $0xF84, v32;
	[tilespmem:s28+$0x40] =	vst v6;
	v7 =	vld.idx.msk [tilespmem:v7+s2+$0x0], $0xffff  }
0x244: {  	v43 =	vadd.s32 $0x1F08, v39;
	[tilespmem:s28+$0x50] =	vst v8;
	v9 =	vld.idx.msk [tilespmem:v9+s2+$0x0], $0xffff  }
0x245: {  	v46 =	vadd.s32 $0x1F08, v37;
	[tilespmem:s28+$0x60] =	vst v10;
	v0 =	vld.idx.msk [tilespmem:v26+s2+$0x0], $0xffff  }
0x246: {  	v47 =	vadd.s32 $0x1F08, v36;
	[tilespmem:s28+$0x0] =	vst v11;
	v3 =	vld.idx.msk [tilespmem:v41+s2+$0x0], $0xffff  }
0x247: {  	v48 =	vadd.s32 $0x1F08, v35;
	v5 =	vld.idx.msk [tilespmem:v44+s2+$0x0], $0xffff;
	[tilespmem:s28+$0xF0] =	vst v40  }
0x248: {  	v49 =	vadd.s32 $0x1F08, v34;
	v50 =	vld.idx.msk [tilespmem:v45+s2+$0x0], $0xffff;
	[tilespmem:s28+$0x90] =	vst v42  }
0x249: {  	v52 =	vadd.s32 $0x1F08, v38;
	[tilespmem:s28+$0xA0] =	vst v7;
	v4 =	vld.idx.msk [tilespmem:v43+s2+$0x0], $0xffff  }
0x24a: {  	v53 =	vadd.s32 $0x1F08, v33;
	[tilespmem:s28+$0xB0] =	vst v9;
	v8 =	vld.idx.msk [tilespmem:v46+s2+$0x0], $0xffff  }
0x24b: {  	v54 =	vadd.s32 $0x1F08, v32;
	[tilespmem:s28+$0xC0] =	vst v0;
	v10 =	vld.idx.msk [tilespmem:v47+s2+$0x0], $0xffff  }
0x24c: {  	v51 =	vadd.s32 $0x2E8C, v39;
	[tilespmem:s28+$0xD0] =	vst v3;
	v1 =	vld.idx.msk [tilespmem:v48+s2+$0x0], $0xffff  }
0x24d: {  	v55 =	vadd.s32 $0x2E8C, v37;
	[tilespmem:s28+$0x80] =	vst v5;
	v11 =	vld.idx.msk [tilespmem:v49+s2+$0x0], $0xffff  }
0x24e: {  	v56 =	vadd.s32 $0x2E8C, v36;
	[tilespmem:s28+$0xE0] =	vst v50;
	v7 =	vld.idx.msk [tilespmem:v52+s2+$0x0], $0xffff  }
0x24f: {  	v58 =	vadd.s32 $0x2E8C, v35;
	v59 =	vld.idx.msk [tilespmem:v53+s2+$0x0], $0xffff;
	[tilespmem:s28+$0x170] =	vst v4  }
0x250: {  	v61 =	vadd.s32 $0x2E8C, v38;
	v0 =	vld.idx.msk [tilespmem:v54+s2+$0x0], $0xffff;
	[tilespmem:s28+$0x110] =	vst v8  }
0x251: {  	v62 =	vadd.s32 $0x2E8C, v34;
	[tilespmem:s28+$0x120] =	vst v10;
	v57 =	vld.idx.msk [tilespmem:v51+s2+$0x0], $0xffff  }
0x252: {  	v63 =	vadd.s32 $0x2E8C, v33;
	[tilespmem:s28+$0x130] =	vst v1;
	v3 =	vld.idx.msk [tilespmem:v55+s2+$0x0], $0xffff  }
0x253: {  	v12 =	vadd.s32 $0x2E8C, v32;
	[tilespmem:s28+$0x140] =	vst v11;
	v4 =	vld.idx.msk [tilespmem:v56+s2+$0x0], $0xffff  }
0x254: {  	v60 =	vadd.s32 $0x3E10, v39;
	[tilespmem:s28+$0x100] =	vst v7;
	v6 =	vld.idx.msk [tilespmem:v58+s2+$0x0], $0xffff  }
0x255: {  	v13 =	vadd.s32 $0x3E10, v37;
	[tilespmem:s28+$0x150] =	vst v59;
	v9 =	vld.idx.msk [tilespmem:v61+s2+$0x0], $0xffff  }
0x256: {  	v15 =	vadd.s32 $0x3E10, v36;
	[tilespmem:s28+$0x160] =	vst v0;
	v16 =	vld.idx.msk [tilespmem:v62+s2+$0x0], $0xffff  }
0x257: {  	v18 =	vadd.s32 $0x3E10, v38;
	v1 =	vld.idx.msk [tilespmem:v63+s2+$0x0], $0xffff;
	[tilespmem:s28+$0x1F0] =	vst v57  }
0x258: {  	v19 =	vadd.s32 $0x3E10, v35;
	v20 =	vld.idx.msk [tilespmem:v12+s2+$0x0], $0xffff;
	[tilespmem:s28+$0x190] =	vst v3  }
0x259: {  	v21 =	vadd.s32 $0x3E10, v34;
	[tilespmem:s28+$0x1A0] =	vst v4;
	v14 =	vld.idx.msk [tilespmem:v60+s2+$0x0], $0xffff  }
0x25a: {  	v22 =	vadd.s32 $0x3E10, v33;
	[tilespmem:s28+$0x1B0] =	vst v6;
	v5 =	vld.idx.msk [tilespmem:v13+s2+$0x0], $0xffff  }
0x25b: {  	v23 =	vadd.s32 $0x3E10, v32;
	[tilespmem:s28+$0x180] =	vst v9;
	v8 =	vld.idx.msk [tilespmem:v15+s2+$0x0], $0xffff  }
0x25c: {  	v17 =	vadd.s32 $0x4D94, v39;
	[tilespmem:s28+$0x1C0] =	vst v16;
	v10 =	vld.idx.msk [tilespmem:v18+s2+$0x0], $0xffff  }
0x25d: {  	v24 =	vadd.s32 $0x4D94, v37;
	[tilespmem:s28+$0x1D0] =	vst v1;
	v25 =	vld.idx.msk [tilespmem:v19+s2+$0x0], $0xffff  }
0x25e: {  	v40 =	vadd.s32 $0x4D94, v38;
	[tilespmem:s28+$0x1E0] =	vst v20;
	v11 =	vld.idx.msk [tilespmem:v21+s2+$0x0], $0xffff  }
0x25f: {  	v41 =	vadd.s32 $0x4D94, v36;
	v42 =	vld.idx.msk [tilespmem:v22+s2+$0x0], $0xffff;
	[tilespmem:s28+$0x270] =	vst v14  }
0x260: {  	v43 =	vadd.s32 $0x4D94, v35;
	v7 =	vld.idx.msk [tilespmem:v23+s2+$0x0], $0xffff;
	[tilespmem:s28+$0x210] =	vst v5  }
0x261: {  	v44 =	vadd.s32 $0x4D94, v34;
	[tilespmem:s28+$0x220] =	vst v8;
	v0 =	vld.idx.msk [tilespmem:v17+s2+$0x0], $0xffff  }
0x262: {  	v46 =	vadd.s32 $0x4D94, v32;
	[tilespmem:s28+$0x200] =	vst v10;
	v9 =	vld.idx.msk [tilespmem:v24+s2+$0x0], $0xffff  }
0x263: {  	v45 =	vadd.s32 $0x4D94, v33;
	[tilespmem:s28+$0x230] =	vst v25;
	v3 =	vld.idx.msk [tilespmem:v40+s2+$0x0], $0xffff  }
0x264: {  	v26 =	vadd.s32 $0x5D18, v39;
	[tilespmem:s28+$0x240] =	vst v11;
	v47 =	vld.idx.msk [tilespmem:v41+s2+$0x0], $0xffff  }
0x265: {  	v49 =	vadd.s32 $0x5D18, v38;
	[tilespmem:s28+$0x250] =	vst v42;
	v6 =	vld.idx.msk [tilespmem:v43+s2+$0x0], $0xffff  }
0x266: {  	v50 =	vadd.s32 $0x5D18, v37;
	[tilespmem:s28+$0x260] =	vst v7;
	v8 =	vld.idx.msk [tilespmem:v44+s2+$0x0], $0xffff  }
0x267: {  	v51 =	vadd.s32 $0x5D18, v36;
	v10 =	vld.idx.msk [tilespmem:v46+s2+$0x0], $0xffff;
	[tilespmem:s28+$0x2F0] =	vst v0  }
0x268: {  	v52 =	vadd.s32 $0x5D18, v35;
	[tilespmem:s28+$0x290] =	vst v9;
	v0 =	vld.idx.msk [tilespmem:v45+s2+$0x0], $0xffff  }
0x269: {  	v56 =	vadd.s32 $0x5D18, v32;
	[tilespmem:s28+$0x280] =	vst v3;
	v1 =	vld.idx.msk [tilespmem:v26+s2+$0x0], $0xffff  }
0x26a: {  	v53 =	vadd.s32 $0x5D18, v34;
	[tilespmem:s28+$0x2A0] =	vst v47;
	v11 =	vld.idx.msk [tilespmem:v49+s2+$0x0], $0xffff  }
0x26b: {  	v55 =	vadd.s32 $0x5D18, v33;
	[tilespmem:s28+$0x2B0] =	vst v6;
	v5 =	vld.idx.msk [tilespmem:v50+s2+$0x0], $0xffff  }
0x26c: {  	v48 =	vadd.s32 $0x6C9C, v39;
	[tilespmem:s28+$0x2C0] =	vst v8;
	v7 =	vld.idx.msk [tilespmem:v51+s2+$0x0], $0xffff  }
0x26d: {  	v57 =	vadd.s32 $0x6C9C, v38;
	[tilespmem:s28+$0x2E0] =	vst v10;
	v9 =	vld.idx.msk [tilespmem:v52+s2+$0x0], $0xffff  }
0x26e: {  	v58 =	vadd.s32 $0x6C9C, v37;
	v2 =	vld.idx.msk [tilespmem:v56+s2+$0x0], $0xffff;
	[tilespmem:s28+$0x2D0] =	vst v0  }
0x26f: {  	v59 =	vadd.s32 $0x6C9C, v36;
	[tilespmem:s28+$0x370] =	vst v1;
	v1 =	vld.idx.msk [tilespmem:v53+s2+$0x0], $0xffff  }
0x270: {  	v60 =	vadd.s32 $0x6C9C, v35;
	v4 =	vld.idx.msk [tilespmem:v55+s2+$0x0], $0xffff;
	[tilespmem:s28+$0x300] =	vst v11  }
0x271: {  	v63 =	vadd.s32 $0x6C9C, v32;
	[tilespmem:s28+$0x310] =	vst v5;
	v54 =	vld.idx.msk [tilespmem:v48+s2+$0x0], $0xffff  }
0x272: {  	v61 =	vadd.s32 $0x6C9C, v34;
	[tilespmem:s28+$0x320] =	vst v7;
	v6 =	vld.idx.msk [tilespmem:v57+s2+$0x0], $0xffff  }
0x273: {  	v62 =	vadd.s32 $0x6C9C, v33;
	[tilespmem:s28+$0x330] =	vst v9;
	v36 =	vld.idx.msk [tilespmem:v58+s2+$0x0], $0xffff  }
0x274: {  	[tilespmem:s28+$0x360] =	vst v2;
	v37 =	vld.idx.msk [tilespmem:v59+s2+$0x0], $0xffff  }
0x275: {  	v34 =	vld.idx.msk [tilespmem:v60+s2+$0x0], $0xffff;
	[tilespmem:s28+$0x340] =	vst v1  }
0x276: {  	v33 =	vld.idx.msk [tilespmem:v63+s2+$0x0], $0xffff;
	[tilespmem:s28+$0x350] =	vst v4  }
0x277: {  	[tilespmem:s28+$0x3F0] =	vst v54;
	v38 =	vld.idx.msk [tilespmem:v61+s2+$0x0], $0xffff  }
0x278: {  	s29 =	simm.s32 $0x0;
	s30 =	simm.s32 $0x89A0;
	v35 =	vld.idx.msk [tilespmem:v62+s2+$0x0], $0xffff;
	[tilespmem:s28+$0x380] =	vst v6  }
.LBB2_9:
0x279: {  	v32 =	vld [tilespmem:s30+$0x0];
	s29 =	sadd.s32 $0x8, s29;
	[tilespmem:s28+$0x390] =	vst v36  }
0x27a: {  	v0 =	vld [tilespmem:s30+$0xFFFFFFA0];
	p2 =	slt.u32 s29, $0x38;
	[tilespmem:s28+$0x3A0] =	vst v37  }
0x27b: {  	v1 =	vld [tilespmem:s30+$0xFFFFFFB0];
	[tilespmem:s28+$0x3B0] =	vst v34  }
0x27c: {  	v2 =	vld [tilespmem:s30+$0xFFFFFFC0];
	[tilespmem:s28+$0x3C0] =	vst v38  }
0x27d: {  	v3 =	vld [tilespmem:s30+$0xFFFFFFD0];
	[tilespmem:s28+$0x3D0] =	vst v35  }
0x27e: {  	v4 =	vld [tilespmem:s30+$0xFFFFFFE0];
	[tilespmem:s28+$0x3E0] =	vst v33  }
0x27f: {  	v5 =	vadd.s32 $0xF84, v0;
	v6 =	vadd.s32 $0x1F08, v0;
	v7 =	vadd.s32 $0x2E8C, v0;
	v8 =	vld [tilespmem:s30+$0xFFFFFFF0]  }
0x280: {  	v9 =	vld [tilespmem:s30+$0xFFFFFF90];
	v10 =	vadd.s32 $0xF84, v1;
	v11 =	vadd.s32 $0x1F08, v1;
	v12 =	vadd.s32 $0x2E8C, v1  }
0x281: {  	v13 =	vadd.s32 $0xF84, v2;
	v14 =	vadd.s32 $0x1F08, v2;
	v15 =	vadd.s32 $0x2E8C, v2;
	v16 =	vld.idx.msk [tilespmem:v32+s2+$0x0], $0xffff  }
0x282: {  	v17 =	vld.idx.msk [tilespmem:v0+s2+$0x0], $0xffff;
	v18 =	vadd.s32 $0xF84, v3;
	v19 =	vadd.s32 $0x1F08, v3;
	v20 =	vadd.s32 $0x2E8C, v3  }
0x283: {  	v24 =	vadd.s32 $0xF84, v32;
	v21 =	vld.idx.msk [tilespmem:v1+s2+$0x0], $0xffff;
	v22 =	vadd.s32 $0xF84, v4;
	v23 =	vadd.s32 $0x1F08, v4  }
0x284: {  	v26 =	vadd.s32 $0x2E8C, v4;
	v25 =	vld.idx.msk [tilespmem:v2+s2+$0x0], $0xffff;
	v27 =	vadd.s32 $0xF84, v8;
	v53 =	vadd.s32 $0x1F08, v8  }
0x285: {  	v54 =	vadd.s32 $0xF84, v9;
	v55 =	vadd.s32 $0x1F08, v9;
	v56 =	vadd.s32 $0x2E8C, v9;
	v33 =	vld.idx.msk [tilespmem:v3+s2+$0x0], $0xffff  }
0x286: {  	s28 =	sadd.s32 $0x400, s28;
	v58 =	vadd.s32 $0x3E10, v0;
	v59 =	vadd.s32 $0x2E8C, v8;
	v57 =	vadd.s32 $0x3E10, v9;
	v34 =	vld.idx.msk [tilespmem:v4+s2+$0x0], $0xffff  }
0x287: {  	v60 =	vadd.s32 $0x3E10, v1;
	v61 =	vadd.s32 $0x3E10, v2;
	v62 =	vadd.s32 $0x3E10, v3;
	v35 =	vld.idx.msk [tilespmem:v8+s2+$0x0], $0xffff;
	[tilespmem:s28+$0x70] =	vst v16  }
0x288: {  	v47 =	vadd.s32 $0x4D94, v9;
	v16 =	vadd.s32 $0x3E10, v4;
	[tilespmem:s28+$0x10] =	vst v17;
	v17 =	vadd.s32 $0x3E10, v8;
	v24 =	vld.idx.msk [tilespmem:v24+s2+$0x0], $0xffff  }
0x289: {  	v63 =	vadd.s32 $0x4D94, v0;
	v51 =	vadd.s32 $0x4D94, v1;
	v49 =	vadd.s32 $0x4D94, v2;
	v38 =	vld.idx.msk [tilespmem:v9+s2+$0x0], $0xffff;
	[tilespmem:s28+$0x20] =	vst v21  }
0x28a: {  	v50 =	vadd.s32 $0x4D94, v3;
	v48 =	vadd.s32 $0x4D94, v4;
	v21 =	vadd.s32 $0x1F08, v32;
	v5 =	vld.idx.msk [tilespmem:v5+s2+$0x0], $0xffff;
	[tilespmem:s28+$0x30] =	vst v25  }
0x28b: {  	v42 =	vadd.s32 $0x5D18, v0;
	v52 =	vadd.s32 $0x4D94, v8;
	v45 =	vadd.s32 $0x5D18, v9;
	v10 =	vld.idx.msk [tilespmem:v10+s2+$0x0], $0xffff;
	[tilespmem:s28+$0x40] =	vst v33  }
0x28c: {  	v46 =	vadd.s32 $0x5D18, v1;
	v43 =	vadd.s32 $0x5D18, v2;
	v40 =	vadd.s32 $0x5D18, v3;
	v13 =	vld.idx.msk [tilespmem:v13+s2+$0x0], $0xffff;
	[tilespmem:s28+$0x50] =	vst v34  }
0x28d: {  	v44 =	vadd.s32 $0x5D18, v4;
	v41 =	vadd.s32 $0x5D18, v8;
	v36 =	vadd.s32 $0x6C9C, v9;
	v9 =	vld.idx.msk [tilespmem:v18+s2+$0x0], $0xffff;
	[tilespmem:s28+$0x60] =	vst v35  }
0x28e: {  	v39 =	vadd.s32 $0x6C9C, v0;
	v37 =	vadd.s32 $0x6C9C, v1;
	v34 =	vadd.s32 $0x6C9C, v2;
	v0 =	vld.idx.msk [tilespmem:v22+s2+$0x0], $0xffff;
	[tilespmem:s28+$0xF0] =	vst v24  }
0x28f: {  	v33 =	vadd.s32 $0x6C9C, v8;
	v35 =	vadd.s32 $0x6C9C, v4;
	[tilespmem:s28+$0x0] =	vst v38;
	v38 =	vadd.s32 $0x6C9C, v3;
	v1 =	vld.idx.msk [tilespmem:v21+s2+$0x0], $0xffff  }
0x290: {  	v2 =	vld.idx.msk [tilespmem:v54+s2+$0x0], $0xffff;
	[tilespmem:s28+$0x90] =	vst v5  }
0x291: {  	v4 =	vadd.s32 $0x2E8C, v32;
	[tilespmem:s28+$0xA0] =	vst v10;
	v3 =	vld.idx.msk [tilespmem:v27+s2+$0x0], $0xffff  }
0x292: {  	v5 =	vld.idx.msk [tilespmem:v6+s2+$0x0], $0xffff;
	[tilespmem:s28+$0xB0] =	vst v13  }
0x293: {  	v6 =	vld.idx.msk [tilespmem:v11+s2+$0x0], $0xffff;
	[tilespmem:s28+$0xC0] =	vst v9  }
0x294: {  	v8 =	vld.idx.msk [tilespmem:v14+s2+$0x0], $0xffff;
	[tilespmem:s28+$0xD0] =	vst v0  }
0x295: {  	v0 =	vld.idx.msk [tilespmem:v19+s2+$0x0], $0xffff;
	[tilespmem:s28+$0x170] =	vst v1  }
0x296: {  	[tilespmem:s28+$0x80] =	vst v2;
	v1 =	vld.idx.msk [tilespmem:v4+s2+$0x0], $0xffff  }
0x297: {  	v2 =	vld.idx.msk [tilespmem:v55+s2+$0x0], $0xffff;
	[tilespmem:s28+$0xE0] =	vst v3  }
0x298: {  	v4 =	vadd.s32 $0x3E10, v32;
	[tilespmem:s28+$0x110] =	vst v5;
	v3 =	vld.idx.msk [tilespmem:v23+s2+$0x0], $0xffff  }
0x299: {  	[tilespmem:s28+$0x120] =	vst v6;
	v5 =	vld.idx.msk [tilespmem:v53+s2+$0x0], $0xffff  }
0x29a: {  	v6 =	vld.idx.msk [tilespmem:v7+s2+$0x0], $0xffff;
	[tilespmem:s28+$0x130] =	vst v8  }
0x29b: {  	v7 =	vld.idx.msk [tilespmem:v12+s2+$0x0], $0xffff;
	[tilespmem:s28+$0x140] =	vst v0  }
0x29c: {  	v0 =	vld.idx.msk [tilespmem:v15+s2+$0x0], $0xffff;
	[tilespmem:s28+$0x1F0] =	vst v1  }
0x29d: {  	[tilespmem:s28+$0x100] =	vst v2;
	v1 =	vld.idx.msk [tilespmem:v4+s2+$0x0], $0xffff  }
0x29e: {  	v2 =	vld.idx.msk [tilespmem:v56+s2+$0x0], $0xffff;
	[tilespmem:s28+$0x150] =	vst v3  }
0x29f: {  	v4 =	vadd.s32 $0x4D94, v32;
	v3 =	vld.idx.msk [tilespmem:v20+s2+$0x0], $0xffff;
	[tilespmem:s28+$0x160] =	vst v5  }
0x2a0: {  	[tilespmem:s28+$0x190] =	vst v6;
	v5 =	vld.idx.msk [tilespmem:v26+s2+$0x0], $0xffff  }
0x2a1: {  	[tilespmem:s28+$0x1A0] =	vst v7;
	v6 =	vld.idx.msk [tilespmem:v59+s2+$0x0], $0xffff  }
0x2a2: {  	v7 =	vld.idx.msk [tilespmem:v58+s2+$0x0], $0xffff;
	[tilespmem:s28+$0x1B0] =	vst v0  }
0x2a3: {  	v0 =	vld.idx.msk [tilespmem:v60+s2+$0x0], $0xffff;
	[tilespmem:s28+$0x270] =	vst v1  }
0x2a4: {  	[tilespmem:s28+$0x180] =	vst v2;
	v1 =	vld.idx.msk [tilespmem:v4+s2+$0x0], $0xffff  }
0x2a5: {  	v2 =	vld.idx.msk [tilespmem:v57+s2+$0x0], $0xffff;
	[tilespmem:s28+$0x1C0] =	vst v3  }
0x2a6: {  	v4 =	vadd.s32 $0x5D18, v32;
	v3 =	vld.idx.msk [tilespmem:v61+s2+$0x0], $0xffff;
	[tilespmem:s28+$0x1D0] =	vst v5  }
0x2a7: {  	v5 =	vld.idx.msk [tilespmem:v62+s2+$0x0], $0xffff;
	[tilespmem:s28+$0x1E0] =	vst v6  }
0x2a8: {  	[tilespmem:s28+$0x210] =	vst v7;
	v6 =	vld.idx.msk [tilespmem:v16+s2+$0x0], $0xffff  }
0x2a9: {  	[tilespmem:s28+$0x220] =	vst v0;
	v0 =	vld.idx.msk [tilespmem:v17+s2+$0x0], $0xffff  }
0x2aa: {  	v7 =	vld.idx.msk [tilespmem:v63+s2+$0x0], $0xffff;
	[tilespmem:s28+$0x2F0] =	vst v1  }
0x2ab: {  	[tilespmem:s28+$0x200] =	vst v2;
	v1 =	vld.idx.msk [tilespmem:v4+s2+$0x0], $0xffff  }
0x2ac: {  	v2 =	vld.idx.msk [tilespmem:v47+s2+$0x0], $0xffff;
	[tilespmem:s28+$0x230] =	vst v3  }
0x2ad: {  	v4 =	vadd.s32 $0x6C9C, v32;
	v3 =	vld.idx.msk [tilespmem:v51+s2+$0x0], $0xffff;
	[tilespmem:s28+$0x240] =	vst v5  }
0x2ae: {  	v5 =	vld.idx.msk [tilespmem:v49+s2+$0x0], $0xffff;
	[tilespmem:s28+$0x250] =	vst v6  }
0x2af: {  	v6 =	vld.idx.msk [tilespmem:v50+s2+$0x0], $0xffff;
	[tilespmem:s28+$0x260] =	vst v0  }
0x2b0: {  	[tilespmem:s28+$0x290] =	vst v7;
	v0 =	vld.idx.msk [tilespmem:v48+s2+$0x0], $0xffff  }
0x2b1: {  	v7 =	vld.idx.msk [tilespmem:v52+s2+$0x0], $0xffff;
	[tilespmem:s28+$0x370] =	vst v1  }
0x2b2: {  	[tilespmem:s28+$0x280] =	vst v2;
	v1 =	vld.idx.msk [tilespmem:v4+s2+$0x0], $0xffff  }
0x2b3: {  	v2 =	vld.idx.msk [tilespmem:v45+s2+$0x0], $0xffff;
	[tilespmem:s28+$0x2A0] =	vst v3  }
0x2b4: {  	v3 =	vld.idx.msk [tilespmem:v42+s2+$0x0], $0xffff;
	[tilespmem:s28+$0x2B0] =	vst v5  }
0x2b5: {  	v4 =	vld.idx.msk [tilespmem:v46+s2+$0x0], $0xffff;
	[tilespmem:s28+$0x2C0] =	vst v6  }
0x2b6: {  	v5 =	vld.idx.msk [tilespmem:v43+s2+$0x0], $0xffff;
	[tilespmem:s28+$0x2D0] =	vst v0  }
0x2b7: {  	v0 =	vld.idx.msk [tilespmem:v40+s2+$0x0], $0xffff;
	[tilespmem:s28+$0x2E0] =	vst v7  }
0x2b8: {  	v6 =	vld.idx.msk [tilespmem:v44+s2+$0x0], $0xffff;
	[tilespmem:s28+$0x3F0] =	vst v1  }
0x2b9: {  	[tilespmem:s28+$0x300] =	vst v2;
	v1 =	vld.idx.msk [tilespmem:v41+s2+$0x0], $0xffff  }
0x2ba: {  	v2 =	vld.idx.msk [tilespmem:v36+s2+$0x0], $0xffff;
	[tilespmem:s28+$0x310] =	vst v3  }
0x2bb: {  	v36 =	vld.idx.msk [tilespmem:v39+s2+$0x0], $0xffff;
	[tilespmem:s28+$0x320] =	vst v4  }
.Ltmp5:
0x2bc: {  	v37 =	vld.idx.msk [tilespmem:v37+s2+$0x0], $0xffff;
	[tilespmem:s28+$0x330] =	vst v5;
	(pc) =	sbr.rel @p2 .LBB2_9-.Ltmp5, $4  }
0x2bd: {  	v34 =	vld.idx.msk [tilespmem:v34+s2+$0x0], $0xffff;
	[tilespmem:s28+$0x340] =	vst v0  }
0x2be: {  	v38 =	vld.idx.msk [tilespmem:v38+s2+$0x0], $0xffff;
	[tilespmem:s28+$0x350] =	vst v6  }
0x2bf: {  	v35 =	vld.idx.msk [tilespmem:v35+s2+$0x0], $0xffff;
	[tilespmem:s28+$0x360] =	vst v1  }
0x2c0: {  	s30 =	sadd.s32 $0x80, s30;
	[tilespmem:s28+$0x380] =	vst v2;
	v33 =	vld.idx.msk [tilespmem:v33+s2+$0x0], $0xffff  }
0x2c1: {  	[tilespmem:s28+$0x390] =	vst v36  }
0x2c2: {  	[tilespmem:s28+$0x3A0] =	vst v37  }
0x2c3: {  	[tilespmem:s28+$0x3B0] =	vst v34  }
0x2c4: {  	[tilespmem:s28+$0x3C0] =	vst v38  }
0x2c5: {  	[tilespmem:s28+$0x3D0] =	vst v35  }
0x2c6: {  	[tilespmem:s28+$0x3E0] =	vst v33  }
0x2c7: {  	v0 =	vld [tilespmem:$0x8CB0];
	_ =	sdelay $0x7  }
0x2c8: {  	v3 =	vimm.s32 $0x8C00;
	v1 =	vld.idx.msk [tilespmem:v0+s2+$0x0], $0xffff  }
0x2c9: {  	v2 =	vadd.s32 $0xF84, v0;
	_ =	sdelay $0x3  }
0x2ca: {  	[tilespmem:v3+s17+$0x0] =	vst.idx.msk $0x1, v1  }
0x2cb: {  	v57 =	vimm.s32 $0x8C80;
	v1 =	vld.idx.msk [tilespmem:v2+s2+$0x0], $0xffff  }
0x2cc: {  	v56 =	vadd.s32 $0x1F08, v0;
	_ =	sdelay $0x3  }
0x2cd: {  	[tilespmem:v57+s17+$0x0] =	vst.idx.msk $0x1, v1  }
0x2ce: {  	v59 =	vimm.s32 $0x8D00;
	v1 =	vld.idx.msk [tilespmem:v56+s2+$0x0], $0xffff  }
0x2cf: {  	v58 =	vadd.s32 $0x2E8C, v0;
	_ =	sdelay $0x3  }
0x2d0: {  	[tilespmem:v59+s17+$0x0] =	vst.idx.msk $0x1, v1  }
0x2d1: {  	v61 =	vimm.s32 $0x8D80;
	v1 =	vld.idx.msk [tilespmem:v58+s2+$0x0], $0xffff  }
0x2d2: {  	v60 =	vadd.s32 $0x3E10, v0;
	_ =	sdelay $0x3  }
0x2d3: {  	[tilespmem:v61+s17+$0x0] =	vst.idx.msk $0x1, v1  }
0x2d4: {  	v1 =	vld.idx.msk [tilespmem:v60+s2+$0x0], $0xffff  }
0x2d5: {  	v62 =	vadd.s32 $0x4D94, v0;
	_ =	sdelay $0x3  }
0x2d6: {  	[tilespmem:v28+s17+$0x0] =	vst.idx.msk $0x1, v1  }
0x2d7: {  	v1 =	vld.idx.msk [tilespmem:v62+s2+$0x0], $0xffff  }
0x2d8: {  	v63 =	vadd.s32 $0x5D18, v0;
	_ =	sdelay $0x3  }
0x2d9: {  	[tilespmem:v29+s17+$0x0] =	vst.idx.msk $0x1, v1  }
0x2da: {  	v1 =	vld.idx.msk [tilespmem:v63+s2+$0x0], $0xffff  }
0x2db: {  	v0 =	vadd.s32 $0x6C9C, v0;
	_ =	sdelay $0x3  }
0x2dc: {  	s31 =	sshll.u32 s25, $0x7;
	[tilespmem:v30+s17+$0x0] =	vst.idx.msk $0x1, v1  }
0x2dd: {  	s28 =	sadd.s32 s9, s31;
	v0 =	vld.idx.msk [tilespmem:v0+s2+$0x0], $0xffff  }
0x2de: {  	p2 =	sne.s32 s25, $0x7;
	s28 =	smul.u32 $0x4800, s28  }
.Ltmp6:
0x2df: {  	_ = 	snop;
	(pc) =	sbr.rel @p2 .LBB2_12-.Ltmp6, $4  }
0x2e0: {  	s28 =	sadd.s32 s8, s28  }
0x2e1: {  	s28 =	sshrl.u32 s28, $0x3  }
0x2e2: {  	s28 =	sadd.s32 s1, s28;
	[tilespmem:v31+s17+$0x0] =	vst.idx.msk $0x1, v0  }
0x2e3: {  	[hbm4b:s28+s18] =	stream.strided.scatter [tilespmem:s17], [sflag:$0x3], $0x9000, s19, s18, $0x38;
	[tilespmem:$0x1BD80] =	vst v63  }
.Ltmp7:
0x2e4: {  	(pc) =	sbr.rel .LBB2_13-.Ltmp7, $4  }
0x2e5: {  	_ = 	snop  }
0x2e6: {  	_ =	swait.ge [sflag:s20], $0x1040  }
0x2e7: {  	[sflag:s20] =	ssyncset.done $0x0  }
0x2e8: {  	[sflag:s20] =	ssyncadd.s32 $0xFFFFEFC0  }
.LBB2_12:
0x2e9: {  	s28 =	sshll.u32 s25, $0x5  }
0x2ea: {  	s28 =	sadd.s32 s28, s10  }
0x2eb: {  	s28 =	smul.u32 $0x208, s28;
	_ =	sdelay $0x1  }
.Ltmp8:
0x2ec: {  	s28 =	sadd.s32 s4, s28;
	(pc) =	sbr.rel @p1 .LBB2_14-.Ltmp8, $4  }
0x2ed: {  	[tilespmem:s15], [sflag:$0x1] =	stream.linear.gather [hbm4b:s28+s2], $0x1040, $0x38;
	[tilespmem:$0x1BD80] =	vst v63  }
0x2ee: {  	_ =	swait.ge [sflag:s20], $0x1040  }
0x2ef: {  	[sflag:s20] =	ssyncset.done $0x0  }
0x2f0: {  	[sflag:s20] =	ssyncadd.s32 $0xFFFFEFC0  }
.LBB2_13:
0x2f1: {  	_ =	swait.ge [sflag:s21], $0x9000  }
0x2f2: {  	[sflag:s21] =	ssyncset.done $0x0  }
0x2f3: {  	[sflag:s21] =	ssyncadd.s32 $0xFFFF7000  }
.LBB2_14:
0x2f4: {  	s28 =	simm.s32 $0x8D40  }
0x2f5: {  	v39 =	vld [tilespmem:s28+$0x30]  }
0x2f6: {  	v37 =	vld [tilespmem:s28+$0xFFFFFFD0]  }
0x2f7: {  	v36 =	vld [tilespmem:s28+$0xFFFFFFE0]  }
0x2f8: {  	v35 =	vld [tilespmem:s28+$0xFFFFFFF0]  }
0x2f9: {  	v34 =	vld [tilespmem:s28+$0x0]  }
0x2fa: {  	v33 =	vld [tilespmem:s28+$0x10]  }
0x2fb: {  	v32 =	vld [tilespmem:s28+$0x20]  }
0x2fc: {  	v38 =	vld [tilespmem:s28+$0xFFFFFFC0]  }
0x2fd: {  	v0 =	vld.idx.msk [tilespmem:v39+s2+$0x0], $0xffff  }
0x2fe: {  	v1 =	vld.idx.msk [tilespmem:v37+s2+$0x0], $0xffff  }
0x2ff: {  	v2 =	vld.idx.msk [tilespmem:v36+s2+$0x0], $0xffff  }
0x300: {  	v3 =	vadd.s32 $0xF84, v39;
	v4 =	vld.idx.msk [tilespmem:v35+s2+$0x0], $0xffff  }
0x301: {  	v5 =	vadd.s32 $0xF84, v37;
	v6 =	vld.idx.msk [tilespmem:v34+s2+$0x0], $0xffff  }
0x302: {  	s28 =	simm.s32 $0x12F80;
	v7 =	vadd.s32 $0xF84, v36;
	v8 =	vld.idx.msk [tilespmem:v33+s2+$0x0], $0xffff  }
0x303: {  	v9 =	vadd.s32 $0xF84, v35;
	v10 =	vld.idx.msk [tilespmem:v32+s2+$0x0], $0xffff;
	[tilespmem:s28+$0xFFFFFE70] =	vst v0  }
0x304: {  	v26 =	vadd.s32 $0xF84, v34;
	v11 =	vld.idx.msk [tilespmem:v38+s2+$0x0], $0xffff;
	[tilespmem:s28+$0xFFFFFE10] =	vst v1  }
0x305: {  	v41 =	vadd.s32 $0xF84, v33;
	[tilespmem:s28+$0xFFFFFE20] =	vst v2;
	v40 =	vld.idx.msk [tilespmem:v3+s2+$0x0], $0xffff  }
0x306: {  	v44 =	vadd.s32 $0xF84, v38;
	[tilespmem:s28+$0xFFFFFE30] =	vst v4;
	v42 =	vld.idx.msk [tilespmem:v5+s2+$0x0], $0xffff  }
0x307: {  	v45 =	vadd.s32 $0xF84, v32;
	[tilespmem:s28+$0xFFFFFE40] =	vst v6;
	v7 =	vld.idx.msk [tilespmem:v7+s2+$0x0], $0xffff  }
0x308: {  	v43 =	vadd.s32 $0x1F08, v39;
	[tilespmem:s28+$0xFFFFFE50] =	vst v8;
	v9 =	vld.idx.msk [tilespmem:v9+s2+$0x0], $0xffff  }
0x309: {  	v46 =	vadd.s32 $0x1F08, v37;
	[tilespmem:s28+$0xFFFFFE60] =	vst v10;
	v0 =	vld.idx.msk [tilespmem:v26+s2+$0x0], $0xffff  }
0x30a: {  	v47 =	vadd.s32 $0x1F08, v36;
	[tilespmem:s28+$0xFFFFFE00] =	vst v11;
	v3 =	vld.idx.msk [tilespmem:v41+s2+$0x0], $0xffff  }
0x30b: {  	v48 =	vadd.s32 $0x1F08, v35;
	v5 =	vld.idx.msk [tilespmem:v44+s2+$0x0], $0xffff;
	[tilespmem:s28+$0xFFFFFEF0] =	vst v40  }
0x30c: {  	v49 =	vadd.s32 $0x1F08, v34;
	v50 =	vld.idx.msk [tilespmem:v45+s2+$0x0], $0xffff;
	[tilespmem:s28+$0xFFFFFE90] =	vst v42  }
0x30d: {  	v52 =	vadd.s32 $0x1F08, v38;
	[tilespmem:s28+$0xFFFFFEA0] =	vst v7;
	v4 =	vld.idx.msk [tilespmem:v43+s2+$0x0], $0xffff  }
0x30e: {  	v53 =	vadd.s32 $0x1F08, v33;
	[tilespmem:s28+$0xFFFFFEB0] =	vst v9;
	v8 =	vld.idx.msk [tilespmem:v46+s2+$0x0], $0xffff  }
0x30f: {  	v54 =	vadd.s32 $0x1F08, v32;
	[tilespmem:s28+$0xFFFFFEC0] =	vst v0;
	v10 =	vld.idx.msk [tilespmem:v47+s2+$0x0], $0xffff  }
0x310: {  	v51 =	vadd.s32 $0x2E8C, v39;
	[tilespmem:s28+$0xFFFFFED0] =	vst v3;
	v1 =	vld.idx.msk [tilespmem:v48+s2+$0x0], $0xffff  }
0x311: {  	v55 =	vadd.s32 $0x2E8C, v37;
	[tilespmem:s28+$0xFFFFFE80] =	vst v5;
	v11 =	vld.idx.msk [tilespmem:v49+s2+$0x0], $0xffff  }
0x312: {  	v56 =	vadd.s32 $0x2E8C, v36;
	[tilespmem:s28+$0xFFFFFEE0] =	vst v50;
	v7 =	vld.idx.msk [tilespmem:v52+s2+$0x0], $0xffff  }
0x313: {  	v58 =	vadd.s32 $0x2E8C, v35;
	v59 =	vld.idx.msk [tilespmem:v53+s2+$0x0], $0xffff;
	[tilespmem:s28+$0xFFFFFF70] =	vst v4  }
0x314: {  	v61 =	vadd.s32 $0x2E8C, v38;
	v0 =	vld.idx.msk [tilespmem:v54+s2+$0x0], $0xffff;
	[tilespmem:s28+$0xFFFFFF10] =	vst v8  }
0x315: {  	v62 =	vadd.s32 $0x2E8C, v34;
	[tilespmem:s28+$0xFFFFFF20] =	vst v10;
	v57 =	vld.idx.msk [tilespmem:v51+s2+$0x0], $0xffff  }
0x316: {  	v63 =	vadd.s32 $0x2E8C, v33;
	[tilespmem:s28+$0xFFFFFF30] =	vst v1;
	v3 =	vld.idx.msk [tilespmem:v55+s2+$0x0], $0xffff  }
0x317: {  	v12 =	vadd.s32 $0x2E8C, v32;
	[tilespmem:s28+$0xFFFFFF40] =	vst v11;
	v4 =	vld.idx.msk [tilespmem:v56+s2+$0x0], $0xffff  }
0x318: {  	v60 =	vadd.s32 $0x3E10, v39;
	[tilespmem:s28+$0xFFFFFF00] =	vst v7;
	v6 =	vld.idx.msk [tilespmem:v58+s2+$0x0], $0xffff  }
0x319: {  	v13 =	vadd.s32 $0x3E10, v37;
	[tilespmem:s28+$0xFFFFFF50] =	vst v59;
	v9 =	vld.idx.msk [tilespmem:v61+s2+$0x0], $0xffff  }
0x31a: {  	v15 =	vadd.s32 $0x3E10, v36;
	[tilespmem:s28+$0xFFFFFF60] =	vst v0;
	v16 =	vld.idx.msk [tilespmem:v62+s2+$0x0], $0xffff  }
0x31b: {  	v18 =	vadd.s32 $0x3E10, v38;
	v1 =	vld.idx.msk [tilespmem:v63+s2+$0x0], $0xffff;
	[tilespmem:s28+$0xFFFFFFF0] =	vst v57  }
0x31c: {  	v19 =	vadd.s32 $0x3E10, v35;
	v20 =	vld.idx.msk [tilespmem:v12+s2+$0x0], $0xffff;
	[tilespmem:s28+$0xFFFFFF90] =	vst v3  }
0x31d: {  	v21 =	vadd.s32 $0x3E10, v34;
	[tilespmem:s28+$0xFFFFFFA0] =	vst v4;
	v14 =	vld.idx.msk [tilespmem:v60+s2+$0x0], $0xffff  }
0x31e: {  	v22 =	vadd.s32 $0x3E10, v33;
	[tilespmem:s28+$0xFFFFFFB0] =	vst v6;
	v5 =	vld.idx.msk [tilespmem:v13+s2+$0x0], $0xffff  }
0x31f: {  	v23 =	vadd.s32 $0x3E10, v32;
	[tilespmem:s28+$0xFFFFFF80] =	vst v9;
	v8 =	vld.idx.msk [tilespmem:v15+s2+$0x0], $0xffff  }
0x320: {  	v17 =	vadd.s32 $0x4D94, v39;
	[tilespmem:s28+$0xFFFFFFC0] =	vst v16;
	v10 =	vld.idx.msk [tilespmem:v18+s2+$0x0], $0xffff  }
0x321: {  	v24 =	vadd.s32 $0x4D94, v37;
	[tilespmem:s28+$0xFFFFFFD0] =	vst v1;
	v25 =	vld.idx.msk [tilespmem:v19+s2+$0x0], $0xffff  }
0x322: {  	v40 =	vadd.s32 $0x4D94, v38;
	[tilespmem:s28+$0xFFFFFFE0] =	vst v20;
	v11 =	vld.idx.msk [tilespmem:v21+s2+$0x0], $0xffff  }
0x323: {  	v41 =	vadd.s32 $0x4D94, v36;
	v42 =	vld.idx.msk [tilespmem:v22+s2+$0x0], $0xffff;
	[tilespmem:s28+$0x70] =	vst v14  }
0x324: {  	v43 =	vadd.s32 $0x4D94, v35;
	v7 =	vld.idx.msk [tilespmem:v23+s2+$0x0], $0xffff;
	[tilespmem:s28+$0x10] =	vst v5  }
0x325: {  	v44 =	vadd.s32 $0x4D94, v34;
	[tilespmem:s28+$0x20] =	vst v8;
	v0 =	vld.idx.msk [tilespmem:v17+s2+$0x0], $0xffff  }
0x326: {  	v46 =	vadd.s32 $0x4D94, v32;
	[tilespmem:s28+$0x0] =	vst v10;
	v9 =	vld.idx.msk [tilespmem:v24+s2+$0x0], $0xffff  }
0x327: {  	v45 =	vadd.s32 $0x4D94, v33;
	[tilespmem:s28+$0x30] =	vst v25;
	v3 =	vld.idx.msk [tilespmem:v40+s2+$0x0], $0xffff  }
0x328: {  	v26 =	vadd.s32 $0x5D18, v39;
	[tilespmem:s28+$0x40] =	vst v11;
	v47 =	vld.idx.msk [tilespmem:v41+s2+$0x0], $0xffff  }
0x329: {  	v49 =	vadd.s32 $0x5D18, v38;
	[tilespmem:s28+$0x50] =	vst v42;
	v6 =	vld.idx.msk [tilespmem:v43+s2+$0x0], $0xffff  }
0x32a: {  	v50 =	vadd.s32 $0x5D18, v37;
	[tilespmem:s28+$0x60] =	vst v7;
	v8 =	vld.idx.msk [tilespmem:v44+s2+$0x0], $0xffff  }
0x32b: {  	v51 =	vadd.s32 $0x5D18, v36;
	v10 =	vld.idx.msk [tilespmem:v46+s2+$0x0], $0xffff;
	[tilespmem:s28+$0xF0] =	vst v0  }
0x32c: {  	v52 =	vadd.s32 $0x5D18, v35;
	[tilespmem:s28+$0x90] =	vst v9;
	v0 =	vld.idx.msk [tilespmem:v45+s2+$0x0], $0xffff  }
0x32d: {  	v56 =	vadd.s32 $0x5D18, v32;
	[tilespmem:s28+$0x80] =	vst v3;
	v1 =	vld.idx.msk [tilespmem:v26+s2+$0x0], $0xffff  }
0x32e: {  	v53 =	vadd.s32 $0x5D18, v34;
	[tilespmem:s28+$0xA0] =	vst v47;
	v11 =	vld.idx.msk [tilespmem:v49+s2+$0x0], $0xffff  }
0x32f: {  	v55 =	vadd.s32 $0x5D18, v33;
	[tilespmem:s28+$0xB0] =	vst v6;
	v5 =	vld.idx.msk [tilespmem:v50+s2+$0x0], $0xffff  }
0x330: {  	v48 =	vadd.s32 $0x6C9C, v39;
	[tilespmem:s28+$0xC0] =	vst v8;
	v7 =	vld.idx.msk [tilespmem:v51+s2+$0x0], $0xffff  }
0x331: {  	v57 =	vadd.s32 $0x6C9C, v38;
	[tilespmem:s28+$0xE0] =	vst v10;
	v9 =	vld.idx.msk [tilespmem:v52+s2+$0x0], $0xffff  }
0x332: {  	v58 =	vadd.s32 $0x6C9C, v37;
	v2 =	vld.idx.msk [tilespmem:v56+s2+$0x0], $0xffff;
	[tilespmem:s28+$0xD0] =	vst v0  }
0x333: {  	v59 =	vadd.s32 $0x6C9C, v36;
	[tilespmem:s28+$0x170] =	vst v1;
	v1 =	vld.idx.msk [tilespmem:v53+s2+$0x0], $0xffff  }
0x334: {  	v60 =	vadd.s32 $0x6C9C, v35;
	v4 =	vld.idx.msk [tilespmem:v55+s2+$0x0], $0xffff;
	[tilespmem:s28+$0x100] =	vst v11  }
0x335: {  	v63 =	vadd.s32 $0x6C9C, v32;
	[tilespmem:s28+$0x110] =	vst v5;
	v54 =	vld.idx.msk [tilespmem:v48+s2+$0x0], $0xffff  }
0x336: {  	v61 =	vadd.s32 $0x6C9C, v34;
	[tilespmem:s28+$0x120] =	vst v7;
	v6 =	vld.idx.msk [tilespmem:v57+s2+$0x0], $0xffff  }
0x337: {  	v62 =	vadd.s32 $0x6C9C, v33;
	[tilespmem:s28+$0x130] =	vst v9;
	v36 =	vld.idx.msk [tilespmem:v58+s2+$0x0], $0xffff  }
0x338: {  	[tilespmem:s28+$0x160] =	vst v2;
	v37 =	vld.idx.msk [tilespmem:v59+s2+$0x0], $0xffff  }
0x339: {  	v34 =	vld.idx.msk [tilespmem:v60+s2+$0x0], $0xffff;
	[tilespmem:s28+$0x140] =	vst v1  }
0x33a: {  	v33 =	vld.idx.msk [tilespmem:v63+s2+$0x0], $0xffff;
	[tilespmem:s28+$0x150] =	vst v4  }
0x33b: {  	[tilespmem:s28+$0x1F0] =	vst v54;
	v38 =	vld.idx.msk [tilespmem:v61+s2+$0x0], $0xffff  }
0x33c: {  	s29 =	simm.s32 $0x0;
	s30 =	simm.s32 $0x8DC0;
	v35 =	vld.idx.msk [tilespmem:v62+s2+$0x0], $0xffff;
	[tilespmem:s28+$0x180] =	vst v6  }
.LBB2_15:
0x33d: {  	v32 =	vld [tilespmem:s30+$0x30];
	s29 =	sadd.s32 $0x8, s29;
	[tilespmem:s28+$0x190] =	vst v36  }
0x33e: {  	v0 =	vld [tilespmem:s30+$0xFFFFFFD0];
	p1 =	slt.u32 s29, $0x38;
	[tilespmem:s28+$0x1A0] =	vst v37  }
0x33f: {  	v1 =	vld [tilespmem:s30+$0xFFFFFFE0];
	[tilespmem:s28+$0x1B0] =	vst v34  }
0x340: {  	v2 =	vld [tilespmem:s30+$0xFFFFFFF0];
	[tilespmem:s28+$0x1C0] =	vst v38  }
0x341: {  	v3 =	vld [tilespmem:s30+$0x0];
	[tilespmem:s28+$0x1D0] =	vst v35  }
0x342: {  	v4 =	vld [tilespmem:s30+$0x10];
	[tilespmem:s28+$0x1E0] =	vst v33  }
0x343: {  	v5 =	vadd.s32 $0xF84, v0;
	v6 =	vadd.s32 $0x1F08, v0;
	v7 =	vadd.s32 $0x2E8C, v0;
	v8 =	vld [tilespmem:s30+$0x20]  }
0x344: {  	v9 =	vld [tilespmem:s30+$0xFFFFFFC0];
	v10 =	vadd.s32 $0xF84, v1;
	v11 =	vadd.s32 $0x1F08, v1;
	v12 =	vadd.s32 $0x2E8C, v1  }
0x345: {  	v13 =	vadd.s32 $0xF84, v2;
	v14 =	vadd.s32 $0x1F08, v2;
	v15 =	vadd.s32 $0x2E8C, v2;
	v16 =	vld.idx.msk [tilespmem:v32+s2+$0x0], $0xffff  }
0x346: {  	v17 =	vld.idx.msk [tilespmem:v0+s2+$0x0], $0xffff;
	v18 =	vadd.s32 $0xF84, v3;
	v19 =	vadd.s32 $0x1F08, v3;
	v20 =	vadd.s32 $0x2E8C, v3  }
0x347: {  	v24 =	vadd.s32 $0xF84, v32;
	v21 =	vld.idx.msk [tilespmem:v1+s2+$0x0], $0xffff;
	v22 =	vadd.s32 $0xF84, v4;
	v23 =	vadd.s32 $0x1F08, v4  }
0x348: {  	v26 =	vadd.s32 $0x2E8C, v4;
	v25 =	vld.idx.msk [tilespmem:v2+s2+$0x0], $0xffff;
	v27 =	vadd.s32 $0xF84, v8;
	v53 =	vadd.s32 $0x1F08, v8  }
0x349: {  	v54 =	vadd.s32 $0xF84, v9;
	v55 =	vadd.s32 $0x1F08, v9;
	v56 =	vadd.s32 $0x2E8C, v9;
	v33 =	vld.idx.msk [tilespmem:v3+s2+$0x0], $0xffff  }
0x34a: {  	s28 =	sadd.s32 $0x400, s28;
	v58 =	vadd.s32 $0x3E10, v0;
	v59 =	vadd.s32 $0x2E8C, v8;
	v57 =	vadd.s32 $0x3E10, v9;
	v34 =	vld.idx.msk [tilespmem:v4+s2+$0x0], $0xffff  }
0x34b: {  	v60 =	vadd.s32 $0x3E10, v1;
	v61 =	vadd.s32 $0x3E10, v2;
	v62 =	vadd.s32 $0x3E10, v3;
	v35 =	vld.idx.msk [tilespmem:v8+s2+$0x0], $0xffff;
	[tilespmem:s28+$0xFFFFFE70] =	vst v16  }
0x34c: {  	v47 =	vadd.s32 $0x4D94, v9;
	v16 =	vadd.s32 $0x3E10, v4;
	[tilespmem:s28+$0xFFFFFE10] =	vst v17;
	v17 =	vadd.s32 $0x3E10, v8;
	v24 =	vld.idx.msk [tilespmem:v24+s2+$0x0], $0xffff  }
0x34d: {  	v63 =	vadd.s32 $0x4D94, v0;
	v51 =	vadd.s32 $0x4D94, v1;
	v49 =	vadd.s32 $0x4D94, v2;
	v38 =	vld.idx.msk [tilespmem:v9+s2+$0x0], $0xffff;
	[tilespmem:s28+$0xFFFFFE20] =	vst v21  }
0x34e: {  	v50 =	vadd.s32 $0x4D94, v3;
	v48 =	vadd.s32 $0x4D94, v4;
	v21 =	vadd.s32 $0x1F08, v32;
	v5 =	vld.idx.msk [tilespmem:v5+s2+$0x0], $0xffff;
	[tilespmem:s28+$0xFFFFFE30] =	vst v25  }
0x34f: {  	v42 =	vadd.s32 $0x5D18, v0;
	v52 =	vadd.s32 $0x4D94, v8;
	v45 =	vadd.s32 $0x5D18, v9;
	v10 =	vld.idx.msk [tilespmem:v10+s2+$0x0], $0xffff;
	[tilespmem:s28+$0xFFFFFE40] =	vst v33  }
0x350: {  	v46 =	vadd.s32 $0x5D18, v1;
	v43 =	vadd.s32 $0x5D18, v2;
	v40 =	vadd.s32 $0x5D18, v3;
	v13 =	vld.idx.msk [tilespmem:v13+s2+$0x0], $0xffff;
	[tilespmem:s28+$0xFFFFFE50] =	vst v34  }
0x351: {  	v44 =	vadd.s32 $0x5D18, v4;
	v41 =	vadd.s32 $0x5D18, v8;
	v36 =	vadd.s32 $0x6C9C, v9;
	v9 =	vld.idx.msk [tilespmem:v18+s2+$0x0], $0xffff;
	[tilespmem:s28+$0xFFFFFE60] =	vst v35  }
0x352: {  	v39 =	vadd.s32 $0x6C9C, v0;
	v37 =	vadd.s32 $0x6C9C, v1;
	v34 =	vadd.s32 $0x6C9C, v2;
	v0 =	vld.idx.msk [tilespmem:v22+s2+$0x0], $0xffff;
	[tilespmem:s28+$0xFFFFFEF0] =	vst v24  }
0x353: {  	v33 =	vadd.s32 $0x6C9C, v8;
	v35 =	vadd.s32 $0x6C9C, v4;
	[tilespmem:s28+$0xFFFFFE00] =	vst v38;
	v38 =	vadd.s32 $0x6C9C, v3;
	v1 =	vld.idx.msk [tilespmem:v21+s2+$0x0], $0xffff  }
0x354: {  	v2 =	vld.idx.msk [tilespmem:v54+s2+$0x0], $0xffff;
	[tilespmem:s28+$0xFFFFFE90] =	vst v5  }
0x355: {  	v4 =	vadd.s32 $0x2E8C, v32;
	[tilespmem:s28+$0xFFFFFEA0] =	vst v10;
	v3 =	vld.idx.msk [tilespmem:v27+s2+$0x0], $0xffff  }
0x356: {  	v5 =	vld.idx.msk [tilespmem:v6+s2+$0x0], $0xffff;
	[tilespmem:s28+$0xFFFFFEB0] =	vst v13  }
0x357: {  	v6 =	vld.idx.msk [tilespmem:v11+s2+$0x0], $0xffff;
	[tilespmem:s28+$0xFFFFFEC0] =	vst v9  }
0x358: {  	v8 =	vld.idx.msk [tilespmem:v14+s2+$0x0], $0xffff;
	[tilespmem:s28+$0xFFFFFED0] =	vst v0  }
0x359: {  	v0 =	vld.idx.msk [tilespmem:v19+s2+$0x0], $0xffff;
	[tilespmem:s28+$0xFFFFFF70] =	vst v1  }
0x35a: {  	[tilespmem:s28+$0xFFFFFE80] =	vst v2;
	v1 =	vld.idx.msk [tilespmem:v4+s2+$0x0], $0xffff  }
0x35b: {  	v2 =	vld.idx.msk [tilespmem:v55+s2+$0x0], $0xffff;
	[tilespmem:s28+$0xFFFFFEE0] =	vst v3  }
0x35c: {  	v4 =	vadd.s32 $0x3E10, v32;
	[tilespmem:s28+$0xFFFFFF10] =	vst v5;
	v3 =	vld.idx.msk [tilespmem:v23+s2+$0x0], $0xffff  }
0x35d: {  	[tilespmem:s28+$0xFFFFFF20] =	vst v6;
	v5 =	vld.idx.msk [tilespmem:v53+s2+$0x0], $0xffff  }
0x35e: {  	v6 =	vld.idx.msk [tilespmem:v7+s2+$0x0], $0xffff;
	[tilespmem:s28+$0xFFFFFF30] =	vst v8  }
0x35f: {  	v7 =	vld.idx.msk [tilespmem:v12+s2+$0x0], $0xffff;
	[tilespmem:s28+$0xFFFFFF40] =	vst v0  }
0x360: {  	v0 =	vld.idx.msk [tilespmem:v15+s2+$0x0], $0xffff;
	[tilespmem:s28+$0xFFFFFFF0] =	vst v1  }
0x361: {  	[tilespmem:s28+$0xFFFFFF00] =	vst v2;
	v1 =	vld.idx.msk [tilespmem:v4+s2+$0x0], $0xffff  }
0x362: {  	v2 =	vld.idx.msk [tilespmem:v56+s2+$0x0], $0xffff;
	[tilespmem:s28+$0xFFFFFF50] =	vst v3  }
0x363: {  	v4 =	vadd.s32 $0x4D94, v32;
	v3 =	vld.idx.msk [tilespmem:v20+s2+$0x0], $0xffff;
	[tilespmem:s28+$0xFFFFFF60] =	vst v5  }
0x364: {  	[tilespmem:s28+$0xFFFFFF90] =	vst v6;
	v5 =	vld.idx.msk [tilespmem:v26+s2+$0x0], $0xffff  }
0x365: {  	[tilespmem:s28+$0xFFFFFFA0] =	vst v7;
	v6 =	vld.idx.msk [tilespmem:v59+s2+$0x0], $0xffff  }
0x366: {  	v7 =	vld.idx.msk [tilespmem:v58+s2+$0x0], $0xffff;
	[tilespmem:s28+$0xFFFFFFB0] =	vst v0  }
0x367: {  	v0 =	vld.idx.msk [tilespmem:v60+s2+$0x0], $0xffff;
	[tilespmem:s28+$0x70] =	vst v1  }
0x368: {  	[tilespmem:s28+$0xFFFFFF80] =	vst v2;
	v1 =	vld.idx.msk [tilespmem:v4+s2+$0x0], $0xffff  }
0x369: {  	v2 =	vld.idx.msk [tilespmem:v57+s2+$0x0], $0xffff;
	[tilespmem:s28+$0xFFFFFFC0] =	vst v3  }
0x36a: {  	v4 =	vadd.s32 $0x5D18, v32;
	v3 =	vld.idx.msk [tilespmem:v61+s2+$0x0], $0xffff;
	[tilespmem:s28+$0xFFFFFFD0] =	vst v5  }
0x36b: {  	v5 =	vld.idx.msk [tilespmem:v62+s2+$0x0], $0xffff;
	[tilespmem:s28+$0xFFFFFFE0] =	vst v6  }
0x36c: {  	[tilespmem:s28+$0x10] =	vst v7;
	v6 =	vld.idx.msk [tilespmem:v16+s2+$0x0], $0xffff  }
0x36d: {  	[tilespmem:s28+$0x20] =	vst v0;
	v0 =	vld.idx.msk [tilespmem:v17+s2+$0x0], $0xffff  }
0x36e: {  	v7 =	vld.idx.msk [tilespmem:v63+s2+$0x0], $0xffff;
	[tilespmem:s28+$0xF0] =	vst v1  }
0x36f: {  	[tilespmem:s28+$0x0] =	vst v2;
	v1 =	vld.idx.msk [tilespmem:v4+s2+$0x0], $0xffff  }
0x370: {  	v2 =	vld.idx.msk [tilespmem:v47+s2+$0x0], $0xffff;
	[tilespmem:s28+$0x30] =	vst v3  }
0x371: {  	v4 =	vadd.s32 $0x6C9C, v32;
	v3 =	vld.idx.msk [tilespmem:v51+s2+$0x0], $0xffff;
	[tilespmem:s28+$0x40] =	vst v5  }
0x372: {  	v5 =	vld.idx.msk [tilespmem:v49+s2+$0x0], $0xffff;
	[tilespmem:s28+$0x50] =	vst v6  }
0x373: {  	v6 =	vld.idx.msk [tilespmem:v50+s2+$0x0], $0xffff;
	[tilespmem:s28+$0x60] =	vst v0  }
0x374: {  	[tilespmem:s28+$0x90] =	vst v7;
	v0 =	vld.idx.msk [tilespmem:v48+s2+$0x0], $0xffff  }
0x375: {  	v7 =	vld.idx.msk [tilespmem:v52+s2+$0x0], $0xffff;
	[tilespmem:s28+$0x170] =	vst v1  }
0x376: {  	[tilespmem:s28+$0x80] =	vst v2;
	v1 =	vld.idx.msk [tilespmem:v4+s2+$0x0], $0xffff  }
0x377: {  	v2 =	vld.idx.msk [tilespmem:v45+s2+$0x0], $0xffff;
	[tilespmem:s28+$0xA0] =	vst v3  }
0x378: {  	v3 =	vld.idx.msk [tilespmem:v42+s2+$0x0], $0xffff;
	[tilespmem:s28+$0xB0] =	vst v5  }
0x379: {  	v4 =	vld.idx.msk [tilespmem:v46+s2+$0x0], $0xffff;
	[tilespmem:s28+$0xC0] =	vst v6  }
0x37a: {  	v5 =	vld.idx.msk [tilespmem:v43+s2+$0x0], $0xffff;
	[tilespmem:s28+$0xD0] =	vst v0  }
0x37b: {  	v0 =	vld.idx.msk [tilespmem:v40+s2+$0x0], $0xffff;
	[tilespmem:s28+$0xE0] =	vst v7  }
0x37c: {  	v6 =	vld.idx.msk [tilespmem:v44+s2+$0x0], $0xffff;
	[tilespmem:s28+$0x1F0] =	vst v1  }
0x37d: {  	[tilespmem:s28+$0x100] =	vst v2;
	v1 =	vld.idx.msk [tilespmem:v41+s2+$0x0], $0xffff  }
0x37e: {  	v2 =	vld.idx.msk [tilespmem:v36+s2+$0x0], $0xffff;
	[tilespmem:s28+$0x110] =	vst v3  }
0x37f: {  	v36 =	vld.idx.msk [tilespmem:v39+s2+$0x0], $0xffff;
	[tilespmem:s28+$0x120] =	vst v4  }
.Ltmp9:
0x380: {  	v37 =	vld.idx.msk [tilespmem:v37+s2+$0x0], $0xffff;
	[tilespmem:s28+$0x130] =	vst v5;
	(pc) =	sbr.rel @p1 .LBB2_15-.Ltmp9, $4  }
0x381: {  	v34 =	vld.idx.msk [tilespmem:v34+s2+$0x0], $0xffff;
	[tilespmem:s28+$0x140] =	vst v0  }
0x382: {  	v38 =	vld.idx.msk [tilespmem:v38+s2+$0x0], $0xffff;
	[tilespmem:s28+$0x150] =	vst v6  }
0x383: {  	v35 =	vld.idx.msk [tilespmem:v35+s2+$0x0], $0xffff;
	[tilespmem:s28+$0x160] =	vst v1  }
0x384: {  	s30 =	sadd.s32 $0x80, s30;
	[tilespmem:s28+$0x180] =	vst v2;
	v33 =	vld.idx.msk [tilespmem:v33+s2+$0x0], $0xffff  }
0x385: {  	[tilespmem:s28+$0x190] =	vst v36  }
0x386: {  	[tilespmem:s28+$0x1A0] =	vst v37  }
0x387: {  	[tilespmem:s28+$0x1B0] =	vst v34  }
0x388: {  	[tilespmem:s28+$0x1C0] =	vst v38  }
0x389: {  	[tilespmem:s28+$0x1D0] =	vst v35  }
0x38a: {  	[tilespmem:s28+$0x1E0] =	vst v33  }
0x38b: {  	v0 =	vld [tilespmem:$0x9100];
	_ =	sdelay $0x7  }
0x38c: {  	v3 =	vimm.s32 $0x2000;
	v1 =	vld.idx.msk [tilespmem:v0+s2+$0x0], $0xffff  }
0x38d: {  	v2 =	vadd.s32 $0xF84, v0;
	_ =	sdelay $0x3  }
0x38e: {  	[tilespmem:v3+s22+$0x0] =	vst.idx.msk $0x1, v1  }
0x38f: {  	v14 =	vimm.s32 $0x2080;
	v1 =	vld.idx.msk [tilespmem:v2+s2+$0x0], $0xffff  }
0x390: {  	v13 =	vadd.s32 $0x1F08, v0;
	_ =	sdelay $0x3  }
0x391: {  	[tilespmem:v14+s22+$0x0] =	vst.idx.msk $0x1, v1  }
0x392: {  	v16 =	vimm.s32 $0x2100;
	v1 =	vld.idx.msk [tilespmem:v13+s2+$0x0], $0xffff  }
0x393: {  	v15 =	vadd.s32 $0x2E8C, v0;
	_ =	sdelay $0x3  }
0x394: {  	[tilespmem:v16+s22+$0x0] =	vst.idx.msk $0x1, v1  }
0x395: {  	v18 =	vimm.s32 $0x2180;
	v1 =	vld.idx.msk [tilespmem:v15+s2+$0x0], $0xffff  }
0x396: {  	v17 =	vadd.s32 $0x3E10, v0;
	_ =	sdelay $0x3  }
0x397: {  	[tilespmem:v18+s22+$0x0] =	vst.idx.msk $0x1, v1  }
0x398: {  	v20 =	vimm.s32 $0x2200;
	v1 =	vld.idx.msk [tilespmem:v17+s2+$0x0], $0xffff  }
0x399: {  	v19 =	vadd.s32 $0x4D94, v0;
	_ =	sdelay $0x3  }
0x39a: {  	[tilespmem:v20+s22+$0x0] =	vst.idx.msk $0x1, v1  }
0x39b: {  	v22 =	vimm.s32 $0x2280;
	v1 =	vld.idx.msk [tilespmem:v19+s2+$0x0], $0xffff  }
0x39c: {  	v21 =	vadd.s32 $0x5D18, v0;
	_ =	sdelay $0x3  }
0x39d: {  	[tilespmem:v22+s22+$0x0] =	vst.idx.msk $0x1, v1  }
0x39e: {  	v23 =	vimm.s32 $0x2300;
	v1 =	vld.idx.msk [tilespmem:v21+s2+$0x0], $0xffff  }
0x39f: {  	v0 =	vadd.s32 $0x6C9C, v0;
	_ =	sdelay $0x3  }
0x3a0: {  	[tilespmem:v23+s22+$0x0] =	vst.idx.msk $0x1, v1  }
0x3a1: {  	v24 =	vimm.s32 $0x2380;
	v0 =	vld.idx.msk [tilespmem:v0+s2+$0x0], $0xffff;
	_ =	sdelay $0x4  }
0x3a2: {  	s28 =	simm.s32 $0x9180;
	[tilespmem:v24+s22+$0x0] =	vst.idx.msk $0x1, v0  }
0x3a3: {  	v39 =	vld [tilespmem:s28+$0x0]  }
0x3a4: {  	v37 =	vld [tilespmem:s28+$0xFFFFFFA0]  }
0x3a5: {  	v36 =	vld [tilespmem:s28+$0xFFFFFFB0]  }
0x3a6: {  	v35 =	vld [tilespmem:s28+$0xFFFFFFC0]  }
0x3a7: {  	v34 =	vld [tilespmem:s28+$0xFFFFFFD0]  }
0x3a8: {  	v33 =	vld [tilespmem:s28+$0xFFFFFFE0]  }
0x3a9: {  	v32 =	vld [tilespmem:s28+$0xFFFFFFF0]  }
0x3aa: {  	v38 =	vld [tilespmem:s28+$0xFFFFFF90]  }
0x3ab: {  	v0 =	vld.idx.msk [tilespmem:v39+s2+$0x0], $0xffff  }
0x3ac: {  	v1 =	vld.idx.msk [tilespmem:v37+s2+$0x0], $0xffff  }
0x3ad: {  	v2 =	vld.idx.msk [tilespmem:v36+s2+$0x0], $0xffff  }
0x3ae: {  	v25 =	vadd.s32 $0xF84, v39;
	v4 =	vld.idx.msk [tilespmem:v35+s2+$0x0], $0xffff  }
0x3af: {  	v5 =	vadd.s32 $0xF84, v37;
	v6 =	vld.idx.msk [tilespmem:v34+s2+$0x0], $0xffff  }
0x3b0: {  	s28 =	simm.s32 $0x15570;
	v7 =	vadd.s32 $0xF84, v36;
	v8 =	vld.idx.msk [tilespmem:v33+s2+$0x0], $0xffff  }
0x3b1: {  	v9 =	vadd.s32 $0xF84, v35;
	v10 =	vld.idx.msk [tilespmem:v32+s2+$0x0], $0xffff;
	[tilespmem:s28+$0xFFFFFC80] =	vst v0  }
0x3b2: {  	v26 =	vadd.s32 $0xF84, v34;
	v11 =	vld.idx.msk [tilespmem:v38+s2+$0x0], $0xffff;
	[tilespmem:s28+$0xFFFFFC20] =	vst v1  }
0x3b3: {  	v41 =	vadd.s32 $0xF84, v33;
	[tilespmem:s28+$0xFFFFFC30] =	vst v2;
	v40 =	vld.idx.msk [tilespmem:v25+s2+$0x0], $0xffff  }
0x3b4: {  	v44 =	vadd.s32 $0xF84, v38;
	[tilespmem:s28+$0xFFFFFC40] =	vst v4;
	v42 =	vld.idx.msk [tilespmem:v5+s2+$0x0], $0xffff  }
0x3b5: {  	v45 =	vadd.s32 $0xF84, v32;
	[tilespmem:s28+$0xFFFFFC50] =	vst v6;
	v7 =	vld.idx.msk [tilespmem:v7+s2+$0x0], $0xffff  }
0x3b6: {  	v43 =	vadd.s32 $0x1F08, v39;
	[tilespmem:s28+$0xFFFFFC60] =	vst v8;
	v9 =	vld.idx.msk [tilespmem:v9+s2+$0x0], $0xffff  }
0x3b7: {  	v46 =	vadd.s32 $0x1F08, v37;
	[tilespmem:s28+$0xFFFFFC70] =	vst v10;
	v0 =	vld.idx.msk [tilespmem:v26+s2+$0x0], $0xffff  }
0x3b8: {  	v47 =	vadd.s32 $0x1F08, v36;
	[tilespmem:s28+$0xFFFFFC10] =	vst v11;
	v3 =	vld.idx.msk [tilespmem:v41+s2+$0x0], $0xffff  }
0x3b9: {  	v48 =	vadd.s32 $0x1F08, v35;
	v5 =	vld.idx.msk [tilespmem:v44+s2+$0x0], $0xffff;
	[tilespmem:s28+$0xFFFFFD00] =	vst v40  }
0x3ba: {  	v49 =	vadd.s32 $0x1F08, v34;
	v50 =	vld.idx.msk [tilespmem:v45+s2+$0x0], $0xffff;
	[tilespmem:s28+$0xFFFFFCA0] =	vst v42  }
0x3bb: {  	v52 =	vadd.s32 $0x1F08, v38;
	[tilespmem:s28+$0xFFFFFCB0] =	vst v7;
	v4 =	vld.idx.msk [tilespmem:v43+s2+$0x0], $0xffff  }
0x3bc: {  	v53 =	vadd.s32 $0x1F08, v33;
	[tilespmem:s28+$0xFFFFFCC0] =	vst v9;
	v8 =	vld.idx.msk [tilespmem:v46+s2+$0x0], $0xffff  }
0x3bd: {  	v54 =	vadd.s32 $0x1F08, v32;
	[tilespmem:s28+$0xFFFFFCD0] =	vst v0;
	v10 =	vld.idx.msk [tilespmem:v47+s2+$0x0], $0xffff  }
0x3be: {  	v51 =	vadd.s32 $0x2E8C, v39;
	[tilespmem:s28+$0xFFFFFCE0] =	vst v3;
	v1 =	vld.idx.msk [tilespmem:v48+s2+$0x0], $0xffff  }
0x3bf: {  	v55 =	vadd.s32 $0x2E8C, v37;
	[tilespmem:s28+$0xFFFFFC90] =	vst v5;
	v11 =	vld.idx.msk [tilespmem:v49+s2+$0x0], $0xffff  }
0x3c0: {  	v56 =	vadd.s32 $0x2E8C, v36;
	[tilespmem:s28+$0xFFFFFCF0] =	vst v50;
	v7 =	vld.idx.msk [tilespmem:v52+s2+$0x0], $0xffff  }
0x3c1: {  	v58 =	vadd.s32 $0x2E8C, v35;
	v59 =	vld.idx.msk [tilespmem:v53+s2+$0x0], $0xffff;
	[tilespmem:s28+$0xFFFFFD80] =	vst v4  }
0x3c2: {  	v61 =	vadd.s32 $0x2E8C, v38;
	v0 =	vld.idx.msk [tilespmem:v54+s2+$0x0], $0xffff;
	[tilespmem:s28+$0xFFFFFD20] =	vst v8  }
0x3c3: {  	v62 =	vadd.s32 $0x2E8C, v34;
	[tilespmem:s28+$0xFFFFFD30] =	vst v10;
	v57 =	vld.idx.msk [tilespmem:v51+s2+$0x0], $0xffff  }
0x3c4: {  	v63 =	vadd.s32 $0x2E8C, v33;
	[tilespmem:s28+$0xFFFFFD40] =	vst v1;
	v3 =	vld.idx.msk [tilespmem:v55+s2+$0x0], $0xffff  }
0x3c5: {  	v12 =	vadd.s32 $0x2E8C, v32;
	[tilespmem:s28+$0xFFFFFD50] =	vst v11;
	v4 =	vld.idx.msk [tilespmem:v56+s2+$0x0], $0xffff  }
0x3c6: {  	v60 =	vadd.s32 $0x3E10, v39;
	[tilespmem:s28+$0xFFFFFD10] =	vst v7;
	v6 =	vld.idx.msk [tilespmem:v58+s2+$0x0], $0xffff  }
0x3c7: {  	v13 =	vadd.s32 $0x3E10, v37;
	[tilespmem:s28+$0xFFFFFD60] =	vst v59;
	v9 =	vld.idx.msk [tilespmem:v61+s2+$0x0], $0xffff  }
0x3c8: {  	v15 =	vadd.s32 $0x3E10, v36;
	[tilespmem:s28+$0xFFFFFD70] =	vst v0;
	v16 =	vld.idx.msk [tilespmem:v62+s2+$0x0], $0xffff  }
0x3c9: {  	v18 =	vadd.s32 $0x3E10, v38;
	v1 =	vld.idx.msk [tilespmem:v63+s2+$0x0], $0xffff;
	[tilespmem:s28+$0xFFFFFE00] =	vst v57  }
0x3ca: {  	v19 =	vadd.s32 $0x3E10, v35;
	v20 =	vld.idx.msk [tilespmem:v12+s2+$0x0], $0xffff;
	[tilespmem:s28+$0xFFFFFDA0] =	vst v3  }
0x3cb: {  	v21 =	vadd.s32 $0x3E10, v34;
	[tilespmem:s28+$0xFFFFFDB0] =	vst v4;
	v14 =	vld.idx.msk [tilespmem:v60+s2+$0x0], $0xffff  }
0x3cc: {  	v22 =	vadd.s32 $0x3E10, v33;
	[tilespmem:s28+$0xFFFFFDC0] =	vst v6;
	v5 =	vld.idx.msk [tilespmem:v13+s2+$0x0], $0xffff  }
0x3cd: {  	v23 =	vadd.s32 $0x3E10, v32;
	[tilespmem:s28+$0xFFFFFD90] =	vst v9;
	v8 =	vld.idx.msk [tilespmem:v15+s2+$0x0], $0xffff  }
0x3ce: {  	v17 =	vadd.s32 $0x4D94, v39;
	[tilespmem:s28+$0xFFFFFDD0] =	vst v16;
	v10 =	vld.idx.msk [tilespmem:v18+s2+$0x0], $0xffff  }
0x3cf: {  	v24 =	vadd.s32 $0x4D94, v37;
	[tilespmem:s28+$0xFFFFFDE0] =	vst v1;
	v25 =	vld.idx.msk [tilespmem:v19+s2+$0x0], $0xffff  }
0x3d0: {  	v40 =	vadd.s32 $0x4D94, v38;
	[tilespmem:s28+$0xFFFFFDF0] =	vst v20;
	v11 =	vld.idx.msk [tilespmem:v21+s2+$0x0], $0xffff  }
0x3d1: {  	v41 =	vadd.s32 $0x4D94, v36;
	v42 =	vld.idx.msk [tilespmem:v22+s2+$0x0], $0xffff;
	[tilespmem:s28+$0xFFFFFE80] =	vst v14  }
0x3d2: {  	v43 =	vadd.s32 $0x4D94, v35;
	v7 =	vld.idx.msk [tilespmem:v23+s2+$0x0], $0xffff;
	[tilespmem:s28+$0xFFFFFE20] =	vst v5  }
0x3d3: {  	v44 =	vadd.s32 $0x4D94, v34;
	[tilespmem:s28+$0xFFFFFE30] =	vst v8;
	v0 =	vld.idx.msk [tilespmem:v17+s2+$0x0], $0xffff  }
0x3d4: {  	v46 =	vadd.s32 $0x4D94, v32;
	[tilespmem:s28+$0xFFFFFE10] =	vst v10;
	v9 =	vld.idx.msk [tilespmem:v24+s2+$0x0], $0xffff  }
0x3d5: {  	v45 =	vadd.s32 $0x4D94, v33;
	[tilespmem:s28+$0xFFFFFE40] =	vst v25;
	v3 =	vld.idx.msk [tilespmem:v40+s2+$0x0], $0xffff  }
0x3d6: {  	v26 =	vadd.s32 $0x5D18, v39;
	[tilespmem:s28+$0xFFFFFE50] =	vst v11;
	v47 =	vld.idx.msk [tilespmem:v41+s2+$0x0], $0xffff  }
0x3d7: {  	v49 =	vadd.s32 $0x5D18, v38;
	[tilespmem:s28+$0xFFFFFE60] =	vst v42;
	v6 =	vld.idx.msk [tilespmem:v43+s2+$0x0], $0xffff  }
0x3d8: {  	v50 =	vadd.s32 $0x5D18, v37;
	[tilespmem:s28+$0xFFFFFE70] =	vst v7;
	v8 =	vld.idx.msk [tilespmem:v44+s2+$0x0], $0xffff  }
0x3d9: {  	v51 =	vadd.s32 $0x5D18, v36;
	v10 =	vld.idx.msk [tilespmem:v46+s2+$0x0], $0xffff;
	[tilespmem:s28+$0xFFFFFF00] =	vst v0  }
0x3da: {  	v52 =	vadd.s32 $0x5D18, v35;
	[tilespmem:s28+$0xFFFFFEA0] =	vst v9;
	v0 =	vld.idx.msk [tilespmem:v45+s2+$0x0], $0xffff  }
0x3db: {  	v56 =	vadd.s32 $0x5D18, v32;
	[tilespmem:s28+$0xFFFFFE90] =	vst v3;
	v1 =	vld.idx.msk [tilespmem:v26+s2+$0x0], $0xffff  }
0x3dc: {  	v53 =	vadd.s32 $0x5D18, v34;
	[tilespmem:s28+$0xFFFFFEB0] =	vst v47;
	v11 =	vld.idx.msk [tilespmem:v49+s2+$0x0], $0xffff  }
0x3dd: {  	v55 =	vadd.s32 $0x5D18, v33;
	[tilespmem:s28+$0xFFFFFEC0] =	vst v6;
	v5 =	vld.idx.msk [tilespmem:v50+s2+$0x0], $0xffff  }
0x3de: {  	v48 =	vadd.s32 $0x6C9C, v39;
	[tilespmem:s28+$0xFFFFFED0] =	vst v8;
	v7 =	vld.idx.msk [tilespmem:v51+s2+$0x0], $0xffff  }
0x3df: {  	v57 =	vadd.s32 $0x6C9C, v38;
	[tilespmem:s28+$0xFFFFFEF0] =	vst v10;
	v9 =	vld.idx.msk [tilespmem:v52+s2+$0x0], $0xffff  }
0x3e0: {  	v58 =	vadd.s32 $0x6C9C, v37;
	v2 =	vld.idx.msk [tilespmem:v56+s2+$0x0], $0xffff;
	[tilespmem:s28+$0xFFFFFEE0] =	vst v0  }
0x3e1: {  	v59 =	vadd.s32 $0x6C9C, v36;
	[tilespmem:s28+$0xFFFFFF80] =	vst v1;
	v1 =	vld.idx.msk [tilespmem:v53+s2+$0x0], $0xffff  }
0x3e2: {  	v60 =	vadd.s32 $0x6C9C, v35;
	v4 =	vld.idx.msk [tilespmem:v55+s2+$0x0], $0xffff;
	[tilespmem:s28+$0xFFFFFF10] =	vst v11  }
0x3e3: {  	v63 =	vadd.s32 $0x6C9C, v32;
	[tilespmem:s28+$0xFFFFFF20] =	vst v5;
	v54 =	vld.idx.msk [tilespmem:v48+s2+$0x0], $0xffff  }
0x3e4: {  	v61 =	vadd.s32 $0x6C9C, v34;
	[tilespmem:s28+$0xFFFFFF30] =	vst v7;
	v6 =	vld.idx.msk [tilespmem:v57+s2+$0x0], $0xffff  }
0x3e5: {  	v62 =	vadd.s32 $0x6C9C, v33;
	[tilespmem:s28+$0xFFFFFF40] =	vst v9;
	v36 =	vld.idx.msk [tilespmem:v58+s2+$0x0], $0xffff  }
0x3e6: {  	[tilespmem:s28+$0xFFFFFF70] =	vst v2;
	v37 =	vld.idx.msk [tilespmem:v59+s2+$0x0], $0xffff  }
0x3e7: {  	v34 =	vld.idx.msk [tilespmem:v60+s2+$0x0], $0xffff;
	[tilespmem:s28+$0xFFFFFF50] =	vst v1  }
0x3e8: {  	v33 =	vld.idx.msk [tilespmem:v63+s2+$0x0], $0xffff;
	[tilespmem:s28+$0xFFFFFF60] =	vst v4  }
0x3e9: {  	[tilespmem:s28+$0x0] =	vst v54;
	v38 =	vld.idx.msk [tilespmem:v61+s2+$0x0], $0xffff  }
0x3ea: {  	s29 =	simm.s32 $0x0;
	s30 =	simm.s32 $0x9200;
	v35 =	vld.idx.msk [tilespmem:v62+s2+$0x0], $0xffff;
	[tilespmem:s28+$0xFFFFFF90] =	vst v6  }
.LBB2_17:
0x3eb: {  	v32 =	vld [tilespmem:s30+$0x0];
	s29 =	sadd.s32 $0x8, s29;
	[tilespmem:s28+$0xFFFFFFA0] =	vst v36  }
0x3ec: {  	v0 =	vld [tilespmem:s30+$0xFFFFFFA0];
	p1 =	slt.u32 s29, $0x38;
	[tilespmem:s28+$0xFFFFFFB0] =	vst v37  }
0x3ed: {  	v1 =	vld [tilespmem:s30+$0xFFFFFFB0];
	[tilespmem:s28+$0xFFFFFFC0] =	vst v34  }
0x3ee: {  	v2 =	vld [tilespmem:s30+$0xFFFFFFC0];
	[tilespmem:s28+$0xFFFFFFD0] =	vst v38  }
0x3ef: {  	v3 =	vld [tilespmem:s30+$0xFFFFFFD0];
	[tilespmem:s28+$0xFFFFFFE0] =	vst v35  }
0x3f0: {  	v4 =	vld [tilespmem:s30+$0xFFFFFFE0];
	[tilespmem:s28+$0xFFFFFFF0] =	vst v33  }
0x3f1: {  	v5 =	vadd.s32 $0xF84, v0;
	v6 =	vadd.s32 $0x1F08, v0;
	v7 =	vadd.s32 $0x2E8C, v0;
	v8 =	vld [tilespmem:s30+$0xFFFFFFF0]  }
0x3f2: {  	v9 =	vld [tilespmem:s30+$0xFFFFFF90];
	v10 =	vadd.s32 $0xF84, v1;
	v11 =	vadd.s32 $0x1F08, v1;
	v12 =	vadd.s32 $0x2E8C, v1  }
0x3f3: {  	v13 =	vadd.s32 $0xF84, v2;
	v14 =	vadd.s32 $0x1F08, v2;
	v15 =	vadd.s32 $0x2E8C, v2;
	v16 =	vld.idx.msk [tilespmem:v32+s2+$0x0], $0xffff  }
0x3f4: {  	v17 =	vld.idx.msk [tilespmem:v0+s2+$0x0], $0xffff;
	v18 =	vadd.s32 $0xF84, v3;
	v19 =	vadd.s32 $0x1F08, v3;
	v20 =	vadd.s32 $0x2E8C, v3  }
0x3f5: {  	v24 =	vadd.s32 $0xF84, v32;
	v21 =	vld.idx.msk [tilespmem:v1+s2+$0x0], $0xffff;
	v22 =	vadd.s32 $0xF84, v4;
	v23 =	vadd.s32 $0x1F08, v4  }
0x3f6: {  	v26 =	vadd.s32 $0x2E8C, v4;
	v25 =	vld.idx.msk [tilespmem:v2+s2+$0x0], $0xffff;
	v27 =	vadd.s32 $0xF84, v8;
	v53 =	vadd.s32 $0x1F08, v8  }
0x3f7: {  	v54 =	vadd.s32 $0xF84, v9;
	v55 =	vadd.s32 $0x1F08, v9;
	v56 =	vadd.s32 $0x2E8C, v9;
	v33 =	vld.idx.msk [tilespmem:v3+s2+$0x0], $0xffff  }
0x3f8: {  	s28 =	sadd.s32 $0x400, s28;
	v58 =	vadd.s32 $0x3E10, v0;
	v59 =	vadd.s32 $0x2E8C, v8;
	v57 =	vadd.s32 $0x3E10, v9;
	v34 =	vld.idx.msk [tilespmem:v4+s2+$0x0], $0xffff  }
0x3f9: {  	v60 =	vadd.s32 $0x3E10, v1;
	v61 =	vadd.s32 $0x3E10, v2;
	v62 =	vadd.s32 $0x3E10, v3;
	v35 =	vld.idx.msk [tilespmem:v8+s2+$0x0], $0xffff;
	[tilespmem:s28+$0xFFFFFC80] =	vst v16  }
0x3fa: {  	v47 =	vadd.s32 $0x4D94, v9;
	v16 =	vadd.s32 $0x3E10, v4;
	[tilespmem:s28+$0xFFFFFC20] =	vst v17;
	v17 =	vadd.s32 $0x3E10, v8;
	v24 =	vld.idx.msk [tilespmem:v24+s2+$0x0], $0xffff  }
0x3fb: {  	v63 =	vadd.s32 $0x4D94, v0;
	v51 =	vadd.s32 $0x4D94, v1;
	v49 =	vadd.s32 $0x4D94, v2;
	v38 =	vld.idx.msk [tilespmem:v9+s2+$0x0], $0xffff;
	[tilespmem:s28+$0xFFFFFC30] =	vst v21  }
0x3fc: {  	v50 =	vadd.s32 $0x4D94, v3;
	v48 =	vadd.s32 $0x4D94, v4;
	v21 =	vadd.s32 $0x1F08, v32;
	v5 =	vld.idx.msk [tilespmem:v5+s2+$0x0], $0xffff;
	[tilespmem:s28+$0xFFFFFC40] =	vst v25  }
0x3fd: {  	v42 =	vadd.s32 $0x5D18, v0;
	v52 =	vadd.s32 $0x4D94, v8;
	v45 =	vadd.s32 $0x5D18, v9;
	v10 =	vld.idx.msk [tilespmem:v10+s2+$0x0], $0xffff;
	[tilespmem:s28+$0xFFFFFC50] =	vst v33  }
0x3fe: {  	v46 =	vadd.s32 $0x5D18, v1;
	v43 =	vadd.s32 $0x5D18, v2;
	v40 =	vadd.s32 $0x5D18, v3;
	v13 =	vld.idx.msk [tilespmem:v13+s2+$0x0], $0xffff;
	[tilespmem:s28+$0xFFFFFC60] =	vst v34  }
0x3ff: {  	v44 =	vadd.s32 $0x5D18, v4;
	v41 =	vadd.s32 $0x5D18, v8;
	v36 =	vadd.s32 $0x6C9C, v9;
	v9 =	vld.idx.msk [tilespmem:v18+s2+$0x0], $0xffff;
	[tilespmem:s28+$0xFFFFFC70] =	vst v35  }
0x400: {  	v39 =	vadd.s32 $0x6C9C, v0;
	v37 =	vadd.s32 $0x6C9C, v1;
	v34 =	vadd.s32 $0x6C9C, v2;
	v0 =	vld.idx.msk [tilespmem:v22+s2+$0x0], $0xffff;
	[tilespmem:s28+$0xFFFFFD00] =	vst v24  }
0x401: {  	v33 =	vadd.s32 $0x6C9C, v8;
	v35 =	vadd.s32 $0x6C9C, v4;
	[tilespmem:s28+$0xFFFFFC10] =	vst v38;
	v38 =	vadd.s32 $0x6C9C, v3;
	v1 =	vld.idx.msk [tilespmem:v21+s2+$0x0], $0xffff  }
0x402: {  	v2 =	vld.idx.msk [tilespmem:v54+s2+$0x0], $0xffff;
	[tilespmem:s28+$0xFFFFFCA0] =	vst v5  }
0x403: {  	v4 =	vadd.s32 $0x2E8C, v32;
	[tilespmem:s28+$0xFFFFFCB0] =	vst v10;
	v3 =	vld.idx.msk [tilespmem:v27+s2+$0x0], $0xffff  }
0x404: {  	v5 =	vld.idx.msk [tilespmem:v6+s2+$0x0], $0xffff;
	[tilespmem:s28+$0xFFFFFCC0] =	vst v13  }
0x405: {  	v6 =	vld.idx.msk [tilespmem:v11+s2+$0x0], $0xffff;
	[tilespmem:s28+$0xFFFFFCD0] =	vst v9  }
0x406: {  	v8 =	vld.idx.msk [tilespmem:v14+s2+$0x0], $0xffff;
	[tilespmem:s28+$0xFFFFFCE0] =	vst v0  }
0x407: {  	v0 =	vld.idx.msk [tilespmem:v19+s2+$0x0], $0xffff;
	[tilespmem:s28+$0xFFFFFD80] =	vst v1  }
0x408: {  	[tilespmem:s28+$0xFFFFFC90] =	vst v2;
	v1 =	vld.idx.msk [tilespmem:v4+s2+$0x0], $0xffff  }
0x409: {  	v2 =	vld.idx.msk [tilespmem:v55+s2+$0x0], $0xffff;
	[tilespmem:s28+$0xFFFFFCF0] =	vst v3  }
0x40a: {  	v4 =	vadd.s32 $0x3E10, v32;
	[tilespmem:s28+$0xFFFFFD20] =	vst v5;
	v3 =	vld.idx.msk [tilespmem:v23+s2+$0x0], $0xffff  }
0x40b: {  	[tilespmem:s28+$0xFFFFFD30] =	vst v6;
	v5 =	vld.idx.msk [tilespmem:v53+s2+$0x0], $0xffff  }
0x40c: {  	v6 =	vld.idx.msk [tilespmem:v7+s2+$0x0], $0xffff;
	[tilespmem:s28+$0xFFFFFD40] =	vst v8  }
0x40d: {  	v7 =	vld.idx.msk [tilespmem:v12+s2+$0x0], $0xffff;
	[tilespmem:s28+$0xFFFFFD50] =	vst v0  }
0x40e: {  	v0 =	vld.idx.msk [tilespmem:v15+s2+$0x0], $0xffff;
	[tilespmem:s28+$0xFFFFFE00] =	vst v1  }
0x40f: {  	[tilespmem:s28+$0xFFFFFD10] =	vst v2;
	v1 =	vld.idx.msk [tilespmem:v4+s2+$0x0], $0xffff  }
0x410: {  	v2 =	vld.idx.msk [tilespmem:v56+s2+$0x0], $0xffff;
	[tilespmem:s28+$0xFFFFFD60] =	vst v3  }
0x411: {  	v4 =	vadd.s32 $0x4D94, v32;
	v3 =	vld.idx.msk [tilespmem:v20+s2+$0x0], $0xffff;
	[tilespmem:s28+$0xFFFFFD70] =	vst v5  }
0x412: {  	[tilespmem:s28+$0xFFFFFDA0] =	vst v6;
	v5 =	vld.idx.msk [tilespmem:v26+s2+$0x0], $0xffff  }
0x413: {  	[tilespmem:s28+$0xFFFFFDB0] =	vst v7;
	v6 =	vld.idx.msk [tilespmem:v59+s2+$0x0], $0xffff  }
0x414: {  	v7 =	vld.idx.msk [tilespmem:v58+s2+$0x0], $0xffff;
	[tilespmem:s28+$0xFFFFFDC0] =	vst v0  }
0x415: {  	v0 =	vld.idx.msk [tilespmem:v60+s2+$0x0], $0xffff;
	[tilespmem:s28+$0xFFFFFE80] =	vst v1  }
0x416: {  	[tilespmem:s28+$0xFFFFFD90] =	vst v2;
	v1 =	vld.idx.msk [tilespmem:v4+s2+$0x0], $0xffff  }
0x417: {  	v2 =	vld.idx.msk [tilespmem:v57+s2+$0x0], $0xffff;
	[tilespmem:s28+$0xFFFFFDD0] =	vst v3  }
0x418: {  	v4 =	vadd.s32 $0x5D18, v32;
	v3 =	vld.idx.msk [tilespmem:v61+s2+$0x0], $0xffff;
	[tilespmem:s28+$0xFFFFFDE0] =	vst v5  }
0x419: {  	v5 =	vld.idx.msk [tilespmem:v62+s2+$0x0], $0xffff;
	[tilespmem:s28+$0xFFFFFDF0] =	vst v6  }
0x41a: {  	[tilespmem:s28+$0xFFFFFE20] =	vst v7;
	v6 =	vld.idx.msk [tilespmem:v16+s2+$0x0], $0xffff  }
0x41b: {  	[tilespmem:s28+$0xFFFFFE30] =	vst v0;
	v0 =	vld.idx.msk [tilespmem:v17+s2+$0x0], $0xffff  }
0x41c: {  	v7 =	vld.idx.msk [tilespmem:v63+s2+$0x0], $0xffff;
	[tilespmem:s28+$0xFFFFFF00] =	vst v1  }
0x41d: {  	[tilespmem:s28+$0xFFFFFE10] =	vst v2;
	v1 =	vld.idx.msk [tilespmem:v4+s2+$0x0], $0xffff  }
0x41e: {  	v2 =	vld.idx.msk [tilespmem:v47+s2+$0x0], $0xffff;
	[tilespmem:s28+$0xFFFFFE40] =	vst v3  }
0x41f: {  	v4 =	vadd.s32 $0x6C9C, v32;
	v3 =	vld.idx.msk [tilespmem:v51+s2+$0x0], $0xffff;
	[tilespmem:s28+$0xFFFFFE50] =	vst v5  }
0x420: {  	v5 =	vld.idx.msk [tilespmem:v49+s2+$0x0], $0xffff;
	[tilespmem:s28+$0xFFFFFE60] =	vst v6  }
0x421: {  	v6 =	vld.idx.msk [tilespmem:v50+s2+$0x0], $0xffff;
	[tilespmem:s28+$0xFFFFFE70] =	vst v0  }
0x422: {  	[tilespmem:s28+$0xFFFFFEA0] =	vst v7;
	v0 =	vld.idx.msk [tilespmem:v48+s2+$0x0], $0xffff  }
0x423: {  	v7 =	vld.idx.msk [tilespmem:v52+s2+$0x0], $0xffff;
	[tilespmem:s28+$0xFFFFFF80] =	vst v1  }
0x424: {  	[tilespmem:s28+$0xFFFFFE90] =	vst v2;
	v1 =	vld.idx.msk [tilespmem:v4+s2+$0x0], $0xffff  }
0x425: {  	v2 =	vld.idx.msk [tilespmem:v45+s2+$0x0], $0xffff;
	[tilespmem:s28+$0xFFFFFEB0] =	vst v3  }
0x426: {  	v3 =	vld.idx.msk [tilespmem:v42+s2+$0x0], $0xffff;
	[tilespmem:s28+$0xFFFFFEC0] =	vst v5  }
0x427: {  	v4 =	vld.idx.msk [tilespmem:v46+s2+$0x0], $0xffff;
	[tilespmem:s28+$0xFFFFFED0] =	vst v6  }
0x428: {  	v5 =	vld.idx.msk [tilespmem:v43+s2+$0x0], $0xffff;
	[tilespmem:s28+$0xFFFFFEE0] =	vst v0  }
0x429: {  	v0 =	vld.idx.msk [tilespmem:v40+s2+$0x0], $0xffff;
	[tilespmem:s28+$0xFFFFFEF0] =	vst v7  }
0x42a: {  	v6 =	vld.idx.msk [tilespmem:v44+s2+$0x0], $0xffff;
	[tilespmem:s28+$0x0] =	vst v1  }
0x42b: {  	[tilespmem:s28+$0xFFFFFF10] =	vst v2;
	v1 =	vld.idx.msk [tilespmem:v41+s2+$0x0], $0xffff  }
0x42c: {  	v2 =	vld.idx.msk [tilespmem:v36+s2+$0x0], $0xffff;
	[tilespmem:s28+$0xFFFFFF20] =	vst v3  }
0x42d: {  	v36 =	vld.idx.msk [tilespmem:v39+s2+$0x0], $0xffff;
	[tilespmem:s28+$0xFFFFFF30] =	vst v4  }
.Ltmp10:
0x42e: {  	v37 =	vld.idx.msk [tilespmem:v37+s2+$0x0], $0xffff;
	[tilespmem:s28+$0xFFFFFF40] =	vst v5;
	(pc) =	sbr.rel @p1 .LBB2_17-.Ltmp10, $4  }
0x42f: {  	v34 =	vld.idx.msk [tilespmem:v34+s2+$0x0], $0xffff;
	[tilespmem:s28+$0xFFFFFF50] =	vst v0  }
0x430: {  	v38 =	vld.idx.msk [tilespmem:v38+s2+$0x0], $0xffff;
	[tilespmem:s28+$0xFFFFFF60] =	vst v6  }
0x431: {  	v35 =	vld.idx.msk [tilespmem:v35+s2+$0x0], $0xffff;
	[tilespmem:s28+$0xFFFFFF70] =	vst v1  }
0x432: {  	s30 =	sadd.s32 $0x80, s30;
	[tilespmem:s28+$0xFFFFFF90] =	vst v2;
	v33 =	vld.idx.msk [tilespmem:v33+s2+$0x0], $0xffff  }
0x433: {  	[tilespmem:s28+$0xFFFFFFA0] =	vst v36  }
0x434: {  	[tilespmem:s28+$0xFFFFFFB0] =	vst v37  }
0x435: {  	[tilespmem:s28+$0xFFFFFFC0] =	vst v34  }
0x436: {  	[tilespmem:s28+$0xFFFFFFD0] =	vst v38  }
0x437: {  	[tilespmem:s28+$0xFFFFFFE0] =	vst v35  }
0x438: {  	[tilespmem:s28+$0xFFFFFFF0] =	vst v33  }
0x439: {  	v0 =	vld [tilespmem:$0x9510];
	_ =	sdelay $0x7  }
0x43a: {  	v3 =	vimm.s32 $0x4400;
	v1 =	vld.idx.msk [tilespmem:v0+s2+$0x0], $0xffff  }
0x43b: {  	v2 =	vadd.s32 $0xF84, v0;
	_ =	sdelay $0x3  }
0x43c: {  	[tilespmem:v3+s22+$0x0] =	vst.idx.msk $0x1, v1  }
0x43d: {  	v14 =	vimm.s32 $0x4480;
	v1 =	vld.idx.msk [tilespmem:v2+s2+$0x0], $0xffff  }
0x43e: {  	v13 =	vadd.s32 $0x1F08, v0;
	_ =	sdelay $0x3  }
0x43f: {  	[tilespmem:v14+s22+$0x0] =	vst.idx.msk $0x1, v1  }
0x440: {  	v16 =	vimm.s32 $0x4500;
	v1 =	vld.idx.msk [tilespmem:v13+s2+$0x0], $0xffff  }
0x441: {  	v15 =	vadd.s32 $0x2E8C, v0;
	_ =	sdelay $0x3  }
0x442: {  	[tilespmem:v16+s22+$0x0] =	vst.idx.msk $0x1, v1  }
0x443: {  	v18 =	vimm.s32 $0x4580;
	v1 =	vld.idx.msk [tilespmem:v15+s2+$0x0], $0xffff  }
0x444: {  	v17 =	vadd.s32 $0x3E10, v0;
	_ =	sdelay $0x3  }
0x445: {  	[tilespmem:v18+s22+$0x0] =	vst.idx.msk $0x1, v1  }
0x446: {  	v20 =	vimm.s32 $0x4600;
	v1 =	vld.idx.msk [tilespmem:v17+s2+$0x0], $0xffff  }
0x447: {  	v19 =	vadd.s32 $0x4D94, v0;
	_ =	sdelay $0x3  }
0x448: {  	[tilespmem:v20+s22+$0x0] =	vst.idx.msk $0x1, v1  }
0x449: {  	v22 =	vimm.s32 $0x4680;
	v1 =	vld.idx.msk [tilespmem:v19+s2+$0x0], $0xffff  }
0x44a: {  	v21 =	vadd.s32 $0x5D18, v0;
	_ =	sdelay $0x3  }
0x44b: {  	[tilespmem:v22+s22+$0x0] =	vst.idx.msk $0x1, v1  }
0x44c: {  	v23 =	vimm.s32 $0x4700;
	v1 =	vld.idx.msk [tilespmem:v21+s2+$0x0], $0xffff  }
0x44d: {  	v0 =	vadd.s32 $0x6C9C, v0;
	_ =	sdelay $0x3  }
0x44e: {  	[tilespmem:v23+s22+$0x0] =	vst.idx.msk $0x1, v1  }
0x44f: {  	v24 =	vimm.s32 $0x4780;
	v0 =	vld.idx.msk [tilespmem:v0+s2+$0x0], $0xffff;
	_ =	sdelay $0x4  }
0x450: {  	s28 =	simm.s32 $0x9590;
	[tilespmem:v24+s22+$0x0] =	vst.idx.msk $0x1, v0  }
0x451: {  	v39 =	vld [tilespmem:s28+$0x0]  }
0x452: {  	v37 =	vld [tilespmem:s28+$0xFFFFFFA0]  }
0x453: {  	v36 =	vld [tilespmem:s28+$0xFFFFFFB0]  }
0x454: {  	v35 =	vld [tilespmem:s28+$0xFFFFFFC0]  }
0x455: {  	v34 =	vld [tilespmem:s28+$0xFFFFFFD0]  }
0x456: {  	v33 =	vld [tilespmem:s28+$0xFFFFFFE0]  }
0x457: {  	v32 =	vld [tilespmem:s28+$0xFFFFFFF0]  }
0x458: {  	v38 =	vld [tilespmem:s28+$0xFFFFFF90]  }
0x459: {  	v0 =	vld.idx.msk [tilespmem:v39+s2+$0x0], $0xffff  }
0x45a: {  	v1 =	vld.idx.msk [tilespmem:v37+s2+$0x0], $0xffff  }
0x45b: {  	v2 =	vld.idx.msk [tilespmem:v36+s2+$0x0], $0xffff  }
0x45c: {  	v25 =	vadd.s32 $0xF84, v39;
	v4 =	vld.idx.msk [tilespmem:v35+s2+$0x0], $0xffff  }
0x45d: {  	v5 =	vadd.s32 $0xF84, v37;
	v6 =	vld.idx.msk [tilespmem:v34+s2+$0x0], $0xffff  }
0x45e: {  	s28 =	simm.s32 $0x17580;
	v7 =	vadd.s32 $0xF84, v36;
	v8 =	vld.idx.msk [tilespmem:v33+s2+$0x0], $0xffff  }
0x45f: {  	v9 =	vadd.s32 $0xF84, v35;
	v10 =	vld.idx.msk [tilespmem:v32+s2+$0x0], $0xffff;
	[tilespmem:s28+$0x70] =	vst v0  }
0x460: {  	v26 =	vadd.s32 $0xF84, v34;
	v11 =	vld.idx.msk [tilespmem:v38+s2+$0x0], $0xffff;
	[tilespmem:s28+$0x10] =	vst v1  }
0x461: {  	v41 =	vadd.s32 $0xF84, v33;
	[tilespmem:s28+$0x20] =	vst v2;
	v40 =	vld.idx.msk [tilespmem:v25+s2+$0x0], $0xffff  }
0x462: {  	v44 =	vadd.s32 $0xF84, v38;
	[tilespmem:s28+$0x30] =	vst v4;
	v42 =	vld.idx.msk [tilespmem:v5+s2+$0x0], $0xffff  }
0x463: {  	v45 =	vadd.s32 $0xF84, v32;
	[tilespmem:s28+$0x40] =	vst v6;
	v7 =	vld.idx.msk [tilespmem:v7+s2+$0x0], $0xffff  }
0x464: {  	v43 =	vadd.s32 $0x1F08, v39;
	[tilespmem:s28+$0x50] =	vst v8;
	v9 =	vld.idx.msk [tilespmem:v9+s2+$0x0], $0xffff  }
0x465: {  	v46 =	vadd.s32 $0x1F08, v37;
	[tilespmem:s28+$0x60] =	vst v10;
	v0 =	vld.idx.msk [tilespmem:v26+s2+$0x0], $0xffff  }
0x466: {  	v47 =	vadd.s32 $0x1F08, v36;
	[tilespmem:s28+$0x0] =	vst v11;
	v3 =	vld.idx.msk [tilespmem:v41+s2+$0x0], $0xffff  }
0x467: {  	v48 =	vadd.s32 $0x1F08, v35;
	v5 =	vld.idx.msk [tilespmem:v44+s2+$0x0], $0xffff;
	[tilespmem:s28+$0xF0] =	vst v40  }
0x468: {  	v49 =	vadd.s32 $0x1F08, v34;
	v50 =	vld.idx.msk [tilespmem:v45+s2+$0x0], $0xffff;
	[tilespmem:s28+$0x90] =	vst v42  }
0x469: {  	v52 =	vadd.s32 $0x1F08, v38;
	[tilespmem:s28+$0xA0] =	vst v7;
	v4 =	vld.idx.msk [tilespmem:v43+s2+$0x0], $0xffff  }
0x46a: {  	v53 =	vadd.s32 $0x1F08, v33;
	[tilespmem:s28+$0xB0] =	vst v9;
	v8 =	vld.idx.msk [tilespmem:v46+s2+$0x0], $0xffff  }
0x46b: {  	v54 =	vadd.s32 $0x1F08, v32;
	[tilespmem:s28+$0xC0] =	vst v0;
	v10 =	vld.idx.msk [tilespmem:v47+s2+$0x0], $0xffff  }
0x46c: {  	v51 =	vadd.s32 $0x2E8C, v39;
	[tilespmem:s28+$0xD0] =	vst v3;
	v1 =	vld.idx.msk [tilespmem:v48+s2+$0x0], $0xffff  }
0x46d: {  	v55 =	vadd.s32 $0x2E8C, v37;
	[tilespmem:s28+$0x80] =	vst v5;
	v11 =	vld.idx.msk [tilespmem:v49+s2+$0x0], $0xffff  }
0x46e: {  	v56 =	vadd.s32 $0x2E8C, v36;
	[tilespmem:s28+$0xE0] =	vst v50;
	v7 =	vld.idx.msk [tilespmem:v52+s2+$0x0], $0xffff  }
0x46f: {  	v58 =	vadd.s32 $0x2E8C, v35;
	v59 =	vld.idx.msk [tilespmem:v53+s2+$0x0], $0xffff;
	[tilespmem:s28+$0x170] =	vst v4  }
0x470: {  	v61 =	vadd.s32 $0x2E8C, v38;
	v0 =	vld.idx.msk [tilespmem:v54+s2+$0x0], $0xffff;
	[tilespmem:s28+$0x110] =	vst v8  }
0x471: {  	v62 =	vadd.s32 $0x2E8C, v34;
	[tilespmem:s28+$0x120] =	vst v10;
	v57 =	vld.idx.msk [tilespmem:v51+s2+$0x0], $0xffff  }
0x472: {  	v63 =	vadd.s32 $0x2E8C, v33;
	[tilespmem:s28+$0x130] =	vst v1;
	v3 =	vld.idx.msk [tilespmem:v55+s2+$0x0], $0xffff  }
0x473: {  	v12 =	vadd.s32 $0x2E8C, v32;
	[tilespmem:s28+$0x140] =	vst v11;
	v4 =	vld.idx.msk [tilespmem:v56+s2+$0x0], $0xffff  }
0x474: {  	v60 =	vadd.s32 $0x3E10, v39;
	[tilespmem:s28+$0x100] =	vst v7;
	v6 =	vld.idx.msk [tilespmem:v58+s2+$0x0], $0xffff  }
0x475: {  	v13 =	vadd.s32 $0x3E10, v37;
	[tilespmem:s28+$0x150] =	vst v59;
	v9 =	vld.idx.msk [tilespmem:v61+s2+$0x0], $0xffff  }
0x476: {  	v15 =	vadd.s32 $0x3E10, v36;
	[tilespmem:s28+$0x160] =	vst v0;
	v16 =	vld.idx.msk [tilespmem:v62+s2+$0x0], $0xffff  }
0x477: {  	v18 =	vadd.s32 $0x3E10, v38;
	v1 =	vld.idx.msk [tilespmem:v63+s2+$0x0], $0xffff;
	[tilespmem:s28+$0x1F0] =	vst v57  }
0x478: {  	v19 =	vadd.s32 $0x3E10, v35;
	v20 =	vld.idx.msk [tilespmem:v12+s2+$0x0], $0xffff;
	[tilespmem:s28+$0x190] =	vst v3  }
0x479: {  	v21 =	vadd.s32 $0x3E10, v34;
	[tilespmem:s28+$0x1A0] =	vst v4;
	v14 =	vld.idx.msk [tilespmem:v60+s2+$0x0], $0xffff  }
0x47a: {  	v22 =	vadd.s32 $0x3E10, v33;
	[tilespmem:s28+$0x1B0] =	vst v6;
	v5 =	vld.idx.msk [tilespmem:v13+s2+$0x0], $0xffff  }
0x47b: {  	v23 =	vadd.s32 $0x3E10, v32;
	[tilespmem:s28+$0x180] =	vst v9;
	v8 =	vld.idx.msk [tilespmem:v15+s2+$0x0], $0xffff  }
0x47c: {  	v17 =	vadd.s32 $0x4D94, v39;
	[tilespmem:s28+$0x1C0] =	vst v16;
	v10 =	vld.idx.msk [tilespmem:v18+s2+$0x0], $0xffff  }
0x47d: {  	v24 =	vadd.s32 $0x4D94, v37;
	[tilespmem:s28+$0x1D0] =	vst v1;
	v25 =	vld.idx.msk [tilespmem:v19+s2+$0x0], $0xffff  }
0x47e: {  	v40 =	vadd.s32 $0x4D94, v38;
	[tilespmem:s28+$0x1E0] =	vst v20;
	v11 =	vld.idx.msk [tilespmem:v21+s2+$0x0], $0xffff  }
0x47f: {  	v41 =	vadd.s32 $0x4D94, v36;
	v42 =	vld.idx.msk [tilespmem:v22+s2+$0x0], $0xffff;
	[tilespmem:s28+$0x270] =	vst v14  }
0x480: {  	v43 =	vadd.s32 $0x4D94, v35;
	v7 =	vld.idx.msk [tilespmem:v23+s2+$0x0], $0xffff;
	[tilespmem:s28+$0x210] =	vst v5  }
0x481: {  	v44 =	vadd.s32 $0x4D94, v34;
	[tilespmem:s28+$0x220] =	vst v8;
	v0 =	vld.idx.msk [tilespmem:v17+s2+$0x0], $0xffff  }
0x482: {  	v46 =	vadd.s32 $0x4D94, v32;
	[tilespmem:s28+$0x200] =	vst v10;
	v9 =	vld.idx.msk [tilespmem:v24+s2+$0x0], $0xffff  }
0x483: {  	v45 =	vadd.s32 $0x4D94, v33;
	[tilespmem:s28+$0x230] =	vst v25;
	v3 =	vld.idx.msk [tilespmem:v40+s2+$0x0], $0xffff  }
0x484: {  	v26 =	vadd.s32 $0x5D18, v39;
	[tilespmem:s28+$0x240] =	vst v11;
	v47 =	vld.idx.msk [tilespmem:v41+s2+$0x0], $0xffff  }
0x485: {  	v49 =	vadd.s32 $0x5D18, v38;
	[tilespmem:s28+$0x250] =	vst v42;
	v6 =	vld.idx.msk [tilespmem:v43+s2+$0x0], $0xffff  }
0x486: {  	v50 =	vadd.s32 $0x5D18, v37;
	[tilespmem:s28+$0x260] =	vst v7;
	v8 =	vld.idx.msk [tilespmem:v44+s2+$0x0], $0xffff  }
0x487: {  	v51 =	vadd.s32 $0x5D18, v36;
	v10 =	vld.idx.msk [tilespmem:v46+s2+$0x0], $0xffff;
	[tilespmem:s28+$0x2F0] =	vst v0  }
0x488: {  	v52 =	vadd.s32 $0x5D18, v35;
	[tilespmem:s28+$0x290] =	vst v9;
	v0 =	vld.idx.msk [tilespmem:v45+s2+$0x0], $0xffff  }
0x489: {  	v56 =	vadd.s32 $0x5D18, v32;
	[tilespmem:s28+$0x280] =	vst v3;
	v1 =	vld.idx.msk [tilespmem:v26+s2+$0x0], $0xffff  }
0x48a: {  	v53 =	vadd.s32 $0x5D18, v34;
	[tilespmem:s28+$0x2A0] =	vst v47;
	v11 =	vld.idx.msk [tilespmem:v49+s2+$0x0], $0xffff  }
0x48b: {  	v55 =	vadd.s32 $0x5D18, v33;
	[tilespmem:s28+$0x2B0] =	vst v6;
	v5 =	vld.idx.msk [tilespmem:v50+s2+$0x0], $0xffff  }
0x48c: {  	v48 =	vadd.s32 $0x6C9C, v39;
	[tilespmem:s28+$0x2C0] =	vst v8;
	v7 =	vld.idx.msk [tilespmem:v51+s2+$0x0], $0xffff  }
0x48d: {  	v57 =	vadd.s32 $0x6C9C, v38;
	[tilespmem:s28+$0x2E0] =	vst v10;
	v9 =	vld.idx.msk [tilespmem:v52+s2+$0x0], $0xffff  }
0x48e: {  	v58 =	vadd.s32 $0x6C9C, v37;
	v2 =	vld.idx.msk [tilespmem:v56+s2+$0x0], $0xffff;
	[tilespmem:s28+$0x2D0] =	vst v0  }
0x48f: {  	v59 =	vadd.s32 $0x6C9C, v36;
	[tilespmem:s28+$0x370] =	vst v1;
	v1 =	vld.idx.msk [tilespmem:v53+s2+$0x0], $0xffff  }
0x490: {  	v60 =	vadd.s32 $0x6C9C, v35;
	v4 =	vld.idx.msk [tilespmem:v55+s2+$0x0], $0xffff;
	[tilespmem:s28+$0x300] =	vst v11  }
0x491: {  	v63 =	vadd.s32 $0x6C9C, v32;
	[tilespmem:s28+$0x310] =	vst v5;
	v54 =	vld.idx.msk [tilespmem:v48+s2+$0x0], $0xffff  }
0x492: {  	v61 =	vadd.s32 $0x6C9C, v34;
	[tilespmem:s28+$0x320] =	vst v7;
	v6 =	vld.idx.msk [tilespmem:v57+s2+$0x0], $0xffff  }
0x493: {  	v62 =	vadd.s32 $0x6C9C, v33;
	[tilespmem:s28+$0x330] =	vst v9;
	v36 =	vld.idx.msk [tilespmem:v58+s2+$0x0], $0xffff  }
0x494: {  	[tilespmem:s28+$0x360] =	vst v2;
	v37 =	vld.idx.msk [tilespmem:v59+s2+$0x0], $0xffff  }
0x495: {  	v34 =	vld.idx.msk [tilespmem:v60+s2+$0x0], $0xffff;
	[tilespmem:s28+$0x340] =	vst v1  }
0x496: {  	v33 =	vld.idx.msk [tilespmem:v63+s2+$0x0], $0xffff;
	[tilespmem:s28+$0x350] =	vst v4  }
0x497: {  	[tilespmem:s28+$0x3F0] =	vst v54;
	v38 =	vld.idx.msk [tilespmem:v61+s2+$0x0], $0xffff  }
0x498: {  	s29 =	simm.s32 $0x0;
	s30 =	simm.s32 $0x9610;
	v35 =	vld.idx.msk [tilespmem:v62+s2+$0x0], $0xffff;
	[tilespmem:s28+$0x380] =	vst v6  }
.LBB2_19:
0x499: {  	v32 =	vld [tilespmem:s30+$0x0];
	s29 =	sadd.s32 $0x8, s29;
	[tilespmem:s28+$0x390] =	vst v36  }
0x49a: {  	v0 =	vld [tilespmem:s30+$0xFFFFFFA0];
	p1 =	slt.u32 s29, $0x38;
	[tilespmem:s28+$0x3A0] =	vst v37  }
0x49b: {  	v1 =	vld [tilespmem:s30+$0xFFFFFFB0];
	[tilespmem:s28+$0x3B0] =	vst v34  }
0x49c: {  	v2 =	vld [tilespmem:s30+$0xFFFFFFC0];
	[tilespmem:s28+$0x3C0] =	vst v38  }
0x49d: {  	v3 =	vld [tilespmem:s30+$0xFFFFFFD0];
	[tilespmem:s28+$0x3D0] =	vst v35  }
0x49e: {  	v4 =	vld [tilespmem:s30+$0xFFFFFFE0];
	[tilespmem:s28+$0x3E0] =	vst v33  }
0x49f: {  	v5 =	vadd.s32 $0xF84, v0;
	v6 =	vadd.s32 $0x1F08, v0;
	v7 =	vadd.s32 $0x2E8C, v0;
	v8 =	vld [tilespmem:s30+$0xFFFFFFF0]  }
0x4a0: {  	v9 =	vld [tilespmem:s30+$0xFFFFFF90];
	v10 =	vadd.s32 $0xF84, v1;
	v11 =	vadd.s32 $0x1F08, v1;
	v12 =	vadd.s32 $0x2E8C, v1  }
0x4a1: {  	v13 =	vadd.s32 $0xF84, v2;
	v14 =	vadd.s32 $0x1F08, v2;
	v15 =	vadd.s32 $0x2E8C, v2;
	v16 =	vld.idx.msk [tilespmem:v32+s2+$0x0], $0xffff  }
0x4a2: {  	v17 =	vld.idx.msk [tilespmem:v0+s2+$0x0], $0xffff;
	v18 =	vadd.s32 $0xF84, v3;
	v19 =	vadd.s32 $0x1F08, v3;
	v20 =	vadd.s32 $0x2E8C, v3  }
0x4a3: {  	v24 =	vadd.s32 $0xF84, v32;
	v21 =	vld.idx.msk [tilespmem:v1+s2+$0x0], $0xffff;
	v22 =	vadd.s32 $0xF84, v4;
	v23 =	vadd.s32 $0x1F08, v4  }
0x4a4: {  	v26 =	vadd.s32 $0x2E8C, v4;
	v25 =	vld.idx.msk [tilespmem:v2+s2+$0x0], $0xffff;
	v27 =	vadd.s32 $0xF84, v8;
	v53 =	vadd.s32 $0x1F08, v8  }
0x4a5: {  	v54 =	vadd.s32 $0xF84, v9;
	v55 =	vadd.s32 $0x1F08, v9;
	v56 =	vadd.s32 $0x2E8C, v9;
	v33 =	vld.idx.msk [tilespmem:v3+s2+$0x0], $0xffff  }
0x4a6: {  	s28 =	sadd.s32 $0x400, s28;
	v58 =	vadd.s32 $0x3E10, v0;
	v59 =	vadd.s32 $0x2E8C, v8;
	v57 =	vadd.s32 $0x3E10, v9;
	v34 =	vld.idx.msk [tilespmem:v4+s2+$0x0], $0xffff  }
0x4a7: {  	v60 =	vadd.s32 $0x3E10, v1;
	v61 =	vadd.s32 $0x3E10, v2;
	v62 =	vadd.s32 $0x3E10, v3;
	v35 =	vld.idx.msk [tilespmem:v8+s2+$0x0], $0xffff;
	[tilespmem:s28+$0x70] =	vst v16  }
0x4a8: {  	v47 =	vadd.s32 $0x4D94, v9;
	v16 =	vadd.s32 $0x3E10, v4;
	[tilespmem:s28+$0x10] =	vst v17;
	v17 =	vadd.s32 $0x3E10, v8;
	v24 =	vld.idx.msk [tilespmem:v24+s2+$0x0], $0xffff  }
0x4a9: {  	v63 =	vadd.s32 $0x4D94, v0;
	v51 =	vadd.s32 $0x4D94, v1;
	v49 =	vadd.s32 $0x4D94, v2;
	v38 =	vld.idx.msk [tilespmem:v9+s2+$0x0], $0xffff;
	[tilespmem:s28+$0x20] =	vst v21  }
0x4aa: {  	v50 =	vadd.s32 $0x4D94, v3;
	v48 =	vadd.s32 $0x4D94, v4;
	v21 =	vadd.s32 $0x1F08, v32;
	v5 =	vld.idx.msk [tilespmem:v5+s2+$0x0], $0xffff;
	[tilespmem:s28+$0x30] =	vst v25  }
0x4ab: {  	v42 =	vadd.s32 $0x5D18, v0;
	v52 =	vadd.s32 $0x4D94, v8;
	v45 =	vadd.s32 $0x5D18, v9;
	v10 =	vld.idx.msk [tilespmem:v10+s2+$0x0], $0xffff;
	[tilespmem:s28+$0x40] =	vst v33  }
0x4ac: {  	v46 =	vadd.s32 $0x5D18, v1;
	v43 =	vadd.s32 $0x5D18, v2;
	v40 =	vadd.s32 $0x5D18, v3;
	v13 =	vld.idx.msk [tilespmem:v13+s2+$0x0], $0xffff;
	[tilespmem:s28+$0x50] =	vst v34  }
0x4ad: {  	v44 =	vadd.s32 $0x5D18, v4;
	v41 =	vadd.s32 $0x5D18, v8;
	v36 =	vadd.s32 $0x6C9C, v9;
	v9 =	vld.idx.msk [tilespmem:v18+s2+$0x0], $0xffff;
	[tilespmem:s28+$0x60] =	vst v35  }
0x4ae: {  	v39 =	vadd.s32 $0x6C9C, v0;
	v37 =	vadd.s32 $0x6C9C, v1;
	v34 =	vadd.s32 $0x6C9C, v2;
	v0 =	vld.idx.msk [tilespmem:v22+s2+$0x0], $0xffff;
	[tilespmem:s28+$0xF0] =	vst v24  }
0x4af: {  	v33 =	vadd.s32 $0x6C9C, v8;
	v35 =	vadd.s32 $0x6C9C, v4;
	[tilespmem:s28+$0x0] =	vst v38;
	v38 =	vadd.s32 $0x6C9C, v3;
	v1 =	vld.idx.msk [tilespmem:v21+s2+$0x0], $0xffff  }
0x4b0: {  	v2 =	vld.idx.msk [tilespmem:v54+s2+$0x0], $0xffff;
	[tilespmem:s28+$0x90] =	vst v5  }
0x4b1: {  	v4 =	vadd.s32 $0x2E8C, v32;
	[tilespmem:s28+$0xA0] =	vst v10;
	v3 =	vld.idx.msk [tilespmem:v27+s2+$0x0], $0xffff  }
0x4b2: {  	v5 =	vld.idx.msk [tilespmem:v6+s2+$0x0], $0xffff;
	[tilespmem:s28+$0xB0] =	vst v13  }
0x4b3: {  	v6 =	vld.idx.msk [tilespmem:v11+s2+$0x0], $0xffff;
	[tilespmem:s28+$0xC0] =	vst v9  }
0x4b4: {  	v8 =	vld.idx.msk [tilespmem:v14+s2+$0x0], $0xffff;
	[tilespmem:s28+$0xD0] =	vst v0  }
0x4b5: {  	v0 =	vld.idx.msk [tilespmem:v19+s2+$0x0], $0xffff;
	[tilespmem:s28+$0x170] =	vst v1  }
0x4b6: {  	[tilespmem:s28+$0x80] =	vst v2;
	v1 =	vld.idx.msk [tilespmem:v4+s2+$0x0], $0xffff  }
0x4b7: {  	v2 =	vld.idx.msk [tilespmem:v55+s2+$0x0], $0xffff;
	[tilespmem:s28+$0xE0] =	vst v3  }
0x4b8: {  	v4 =	vadd.s32 $0x3E10, v32;
	[tilespmem:s28+$0x110] =	vst v5;
	v3 =	vld.idx.msk [tilespmem:v23+s2+$0x0], $0xffff  }
0x4b9: {  	[tilespmem:s28+$0x120] =	vst v6;
	v5 =	vld.idx.msk [tilespmem:v53+s2+$0x0], $0xffff  }
0x4ba: {  	v6 =	vld.idx.msk [tilespmem:v7+s2+$0x0], $0xffff;
	[tilespmem:s28+$0x130] =	vst v8  }
0x4bb: {  	v7 =	vld.idx.msk [tilespmem:v12+s2+$0x0], $0xffff;
	[tilespmem:s28+$0x140] =	vst v0  }
0x4bc: {  	v0 =	vld.idx.msk [tilespmem:v15+s2+$0x0], $0xffff;
	[tilespmem:s28+$0x1F0] =	vst v1  }
0x4bd: {  	[tilespmem:s28+$0x100] =	vst v2;
	v1 =	vld.idx.msk [tilespmem:v4+s2+$0x0], $0xffff  }
0x4be: {  	v2 =	vld.idx.msk [tilespmem:v56+s2+$0x0], $0xffff;
	[tilespmem:s28+$0x150] =	vst v3  }
0x4bf: {  	v4 =	vadd.s32 $0x4D94, v32;
	v3 =	vld.idx.msk [tilespmem:v20+s2+$0x0], $0xffff;
	[tilespmem:s28+$0x160] =	vst v5  }
0x4c0: {  	[tilespmem:s28+$0x190] =	vst v6;
	v5 =	vld.idx.msk [tilespmem:v26+s2+$0x0], $0xffff  }
0x4c1: {  	[tilespmem:s28+$0x1A0] =	vst v7;
	v6 =	vld.idx.msk [tilespmem:v59+s2+$0x0], $0xffff  }
0x4c2: {  	v7 =	vld.idx.msk [tilespmem:v58+s2+$0x0], $0xffff;
	[tilespmem:s28+$0x1B0] =	vst v0  }
0x4c3: {  	v0 =	vld.idx.msk [tilespmem:v60+s2+$0x0], $0xffff;
	[tilespmem:s28+$0x270] =	vst v1  }
0x4c4: {  	[tilespmem:s28+$0x180] =	vst v2;
	v1 =	vld.idx.msk [tilespmem:v4+s2+$0x0], $0xffff  }
0x4c5: {  	v2 =	vld.idx.msk [tilespmem:v57+s2+$0x0], $0xffff;
	[tilespmem:s28+$0x1C0] =	vst v3  }
0x4c6: {  	v4 =	vadd.s32 $0x5D18, v32;
	v3 =	vld.idx.msk [tilespmem:v61+s2+$0x0], $0xffff;
	[tilespmem:s28+$0x1D0] =	vst v5  }
0x4c7: {  	v5 =	vld.idx.msk [tilespmem:v62+s2+$0x0], $0xffff;
	[tilespmem:s28+$0x1E0] =	vst v6  }
0x4c8: {  	[tilespmem:s28+$0x210] =	vst v7;
	v6 =	vld.idx.msk [tilespmem:v16+s2+$0x0], $0xffff  }
0x4c9: {  	[tilespmem:s28+$0x220] =	vst v0;
	v0 =	vld.idx.msk [tilespmem:v17+s2+$0x0], $0xffff  }
0x4ca: {  	v7 =	vld.idx.msk [tilespmem:v63+s2+$0x0], $0xffff;
	[tilespmem:s28+$0x2F0] =	vst v1  }
0x4cb: {  	[tilespmem:s28+$0x200] =	vst v2;
	v1 =	vld.idx.msk [tilespmem:v4+s2+$0x0], $0xffff  }
0x4cc: {  	v2 =	vld.idx.msk [tilespmem:v47+s2+$0x0], $0xffff;
	[tilespmem:s28+$0x230] =	vst v3  }
0x4cd: {  	v4 =	vadd.s32 $0x6C9C, v32;
	v3 =	vld.idx.msk [tilespmem:v51+s2+$0x0], $0xffff;
	[tilespmem:s28+$0x240] =	vst v5  }
0x4ce: {  	v5 =	vld.idx.msk [tilespmem:v49+s2+$0x0], $0xffff;
	[tilespmem:s28+$0x250] =	vst v6  }
0x4cf: {  	v6 =	vld.idx.msk [tilespmem:v50+s2+$0x0], $0xffff;
	[tilespmem:s28+$0x260] =	vst v0  }
0x4d0: {  	[tilespmem:s28+$0x290] =	vst v7;
	v0 =	vld.idx.msk [tilespmem:v48+s2+$0x0], $0xffff  }
0x4d1: {  	v7 =	vld.idx.msk [tilespmem:v52+s2+$0x0], $0xffff;
	[tilespmem:s28+$0x370] =	vst v1  }
0x4d2: {  	[tilespmem:s28+$0x280] =	vst v2;
	v1 =	vld.idx.msk [tilespmem:v4+s2+$0x0], $0xffff  }
0x4d3: {  	v2 =	vld.idx.msk [tilespmem:v45+s2+$0x0], $0xffff;
	[tilespmem:s28+$0x2A0] =	vst v3  }
0x4d4: {  	v3 =	vld.idx.msk [tilespmem:v42+s2+$0x0], $0xffff;
	[tilespmem:s28+$0x2B0] =	vst v5  }
0x4d5: {  	v4 =	vld.idx.msk [tilespmem:v46+s2+$0x0], $0xffff;
	[tilespmem:s28+$0x2C0] =	vst v6  }
0x4d6: {  	v5 =	vld.idx.msk [tilespmem:v43+s2+$0x0], $0xffff;
	[tilespmem:s28+$0x2D0] =	vst v0  }
0x4d7: {  	v0 =	vld.idx.msk [tilespmem:v40+s2+$0x0], $0xffff;
	[tilespmem:s28+$0x2E0] =	vst v7  }
0x4d8: {  	v6 =	vld.idx.msk [tilespmem:v44+s2+$0x0], $0xffff;
	[tilespmem:s28+$0x3F0] =	vst v1  }
0x4d9: {  	[tilespmem:s28+$0x300] =	vst v2;
	v1 =	vld.idx.msk [tilespmem:v41+s2+$0x0], $0xffff  }
0x4da: {  	v2 =	vld.idx.msk [tilespmem:v36+s2+$0x0], $0xffff;
	[tilespmem:s28+$0x310] =	vst v3  }
0x4db: {  	v36 =	vld.idx.msk [tilespmem:v39+s2+$0x0], $0xffff;
	[tilespmem:s28+$0x320] =	vst v4  }
.Ltmp11:
0x4dc: {  	v37 =	vld.idx.msk [tilespmem:v37+s2+$0x0], $0xffff;
	[tilespmem:s28+$0x330] =	vst v5;
	(pc) =	sbr.rel @p1 .LBB2_19-.Ltmp11, $4  }
0x4dd: {  	v34 =	vld.idx.msk [tilespmem:v34+s2+$0x0], $0xffff;
	[tilespmem:s28+$0x340] =	vst v0  }
0x4de: {  	v38 =	vld.idx.msk [tilespmem:v38+s2+$0x0], $0xffff;
	[tilespmem:s28+$0x350] =	vst v6  }
0x4df: {  	v35 =	vld.idx.msk [tilespmem:v35+s2+$0x0], $0xffff;
	[tilespmem:s28+$0x360] =	vst v1  }
0x4e0: {  	s30 =	sadd.s32 $0x80, s30;
	[tilespmem:s28+$0x380] =	vst v2;
	v33 =	vld.idx.msk [tilespmem:v33+s2+$0x0], $0xffff  }
0x4e1: {  	[tilespmem:s28+$0x390] =	vst v36  }
0x4e2: {  	[tilespmem:s28+$0x3A0] =	vst v37  }
0x4e3: {  	[tilespmem:s28+$0x3B0] =	vst v34  }
0x4e4: {  	[tilespmem:s28+$0x3C0] =	vst v38  }
0x4e5: {  	[tilespmem:s28+$0x3D0] =	vst v35  }
0x4e6: {  	[tilespmem:s28+$0x3E0] =	vst v33  }
0x4e7: {  	v0 =	vld [tilespmem:$0x9920];
	_ =	sdelay $0x7  }
0x4e8: {  	v3 =	vimm.s32 $0x6800;
	v1 =	vld.idx.msk [tilespmem:v0+s2+$0x0], $0xffff  }
0x4e9: {  	v2 =	vadd.s32 $0xF84, v0;
	_ =	sdelay $0x3  }
0x4ea: {  	[tilespmem:v3+s22+$0x0] =	vst.idx.msk $0x1, v1  }
0x4eb: {  	v14 =	vimm.s32 $0x6880;
	v1 =	vld.idx.msk [tilespmem:v2+s2+$0x0], $0xffff  }
0x4ec: {  	v13 =	vadd.s32 $0x1F08, v0;
	_ =	sdelay $0x3  }
0x4ed: {  	[tilespmem:v14+s22+$0x0] =	vst.idx.msk $0x1, v1  }
0x4ee: {  	v16 =	vimm.s32 $0x6900;
	v1 =	vld.idx.msk [tilespmem:v13+s2+$0x0], $0xffff  }
0x4ef: {  	v15 =	vadd.s32 $0x2E8C, v0;
	_ =	sdelay $0x3  }
0x4f0: {  	[tilespmem:v16+s22+$0x0] =	vst.idx.msk $0x1, v1  }
0x4f1: {  	v18 =	vimm.s32 $0x6980;
	v1 =	vld.idx.msk [tilespmem:v15+s2+$0x0], $0xffff  }
0x4f2: {  	v17 =	vadd.s32 $0x3E10, v0;
	_ =	sdelay $0x3  }
0x4f3: {  	[tilespmem:v18+s22+$0x0] =	vst.idx.msk $0x1, v1  }
0x4f4: {  	v20 =	vimm.s32 $0x6A00;
	v1 =	vld.idx.msk [tilespmem:v17+s2+$0x0], $0xffff  }
0x4f5: {  	v19 =	vadd.s32 $0x4D94, v0;
	_ =	sdelay $0x3  }
0x4f6: {  	[tilespmem:v20+s22+$0x0] =	vst.idx.msk $0x1, v1  }
0x4f7: {  	v22 =	vimm.s32 $0x6A80;
	v1 =	vld.idx.msk [tilespmem:v19+s2+$0x0], $0xffff  }
0x4f8: {  	v21 =	vadd.s32 $0x5D18, v0;
	_ =	sdelay $0x3  }
0x4f9: {  	[tilespmem:v22+s22+$0x0] =	vst.idx.msk $0x1, v1  }
0x4fa: {  	v23 =	vimm.s32 $0x6B00;
	v1 =	vld.idx.msk [tilespmem:v21+s2+$0x0], $0xffff  }
0x4fb: {  	v0 =	vadd.s32 $0x6C9C, v0;
	_ =	sdelay $0x3  }
0x4fc: {  	[tilespmem:v23+s22+$0x0] =	vst.idx.msk $0x1, v1  }
0x4fd: {  	v24 =	vimm.s32 $0x6B80;
	v0 =	vld.idx.msk [tilespmem:v0+s2+$0x0], $0xffff;
	_ =	sdelay $0x4  }
0x4fe: {  	s28 =	simm.s32 $0x99A0;
	[tilespmem:v24+s22+$0x0] =	vst.idx.msk $0x1, v0  }
0x4ff: {  	v39 =	vld [tilespmem:s28+$0x0]  }
0x500: {  	v37 =	vld [tilespmem:s28+$0xFFFFFFA0]  }
0x501: {  	v36 =	vld [tilespmem:s28+$0xFFFFFFB0]  }
0x502: {  	v35 =	vld [tilespmem:s28+$0xFFFFFFC0]  }
0x503: {  	v34 =	vld [tilespmem:s28+$0xFFFFFFD0]  }
0x504: {  	v33 =	vld [tilespmem:s28+$0xFFFFFFE0]  }
0x505: {  	v32 =	vld [tilespmem:s28+$0xFFFFFFF0]  }
0x506: {  	v38 =	vld [tilespmem:s28+$0xFFFFFF90]  }
0x507: {  	v0 =	vld.idx.msk [tilespmem:v39+s2+$0x0], $0xffff  }
0x508: {  	v1 =	vld.idx.msk [tilespmem:v37+s2+$0x0], $0xffff  }
0x509: {  	v2 =	vld.idx.msk [tilespmem:v36+s2+$0x0], $0xffff  }
0x50a: {  	v25 =	vadd.s32 $0xF84, v39;
	v4 =	vld.idx.msk [tilespmem:v35+s2+$0x0], $0xffff  }
0x50b: {  	v5 =	vadd.s32 $0xF84, v37;
	v6 =	vld.idx.msk [tilespmem:v34+s2+$0x0], $0xffff  }
0x50c: {  	s28 =	simm.s32 $0x19980;
	v7 =	vadd.s32 $0xF84, v36;
	v8 =	vld.idx.msk [tilespmem:v33+s2+$0x0], $0xffff  }
0x50d: {  	v9 =	vadd.s32 $0xF84, v35;
	v10 =	vld.idx.msk [tilespmem:v32+s2+$0x0], $0xffff;
	[tilespmem:s28+$0x70] =	vst v0  }
0x50e: {  	v26 =	vadd.s32 $0xF84, v34;
	v11 =	vld.idx.msk [tilespmem:v38+s2+$0x0], $0xffff;
	[tilespmem:s28+$0x10] =	vst v1  }
0x50f: {  	v41 =	vadd.s32 $0xF84, v33;
	[tilespmem:s28+$0x20] =	vst v2;
	v40 =	vld.idx.msk [tilespmem:v25+s2+$0x0], $0xffff  }
0x510: {  	v44 =	vadd.s32 $0xF84, v38;
	[tilespmem:s28+$0x30] =	vst v4;
	v42 =	vld.idx.msk [tilespmem:v5+s2+$0x0], $0xffff  }
0x511: {  	v45 =	vadd.s32 $0xF84, v32;
	[tilespmem:s28+$0x40] =	vst v6;
	v7 =	vld.idx.msk [tilespmem:v7+s2+$0x0], $0xffff  }
0x512: {  	v43 =	vadd.s32 $0x1F08, v39;
	[tilespmem:s28+$0x50] =	vst v8;
	v9 =	vld.idx.msk [tilespmem:v9+s2+$0x0], $0xffff  }
0x513: {  	v46 =	vadd.s32 $0x1F08, v37;
	[tilespmem:s28+$0x60] =	vst v10;
	v0 =	vld.idx.msk [tilespmem:v26+s2+$0x0], $0xffff  }
0x514: {  	v47 =	vadd.s32 $0x1F08, v36;
	[tilespmem:s28+$0x0] =	vst v11;
	v3 =	vld.idx.msk [tilespmem:v41+s2+$0x0], $0xffff  }
0x515: {  	v48 =	vadd.s32 $0x1F08, v35;
	v5 =	vld.idx.msk [tilespmem:v44+s2+$0x0], $0xffff;
	[tilespmem:s28+$0xF0] =	vst v40  }
0x516: {  	v49 =	vadd.s32 $0x1F08, v34;
	v50 =	vld.idx.msk [tilespmem:v45+s2+$0x0], $0xffff;
	[tilespmem:s28+$0x90] =	vst v42  }
0x517: {  	v52 =	vadd.s32 $0x1F08, v38;
	[tilespmem:s28+$0xA0] =	vst v7;
	v4 =	vld.idx.msk [tilespmem:v43+s2+$0x0], $0xffff  }
0x518: {  	v53 =	vadd.s32 $0x1F08, v33;
	[tilespmem:s28+$0xB0] =	vst v9;
	v8 =	vld.idx.msk [tilespmem:v46+s2+$0x0], $0xffff  }
0x519: {  	v54 =	vadd.s32 $0x1F08, v32;
	[tilespmem:s28+$0xC0] =	vst v0;
	v10 =	vld.idx.msk [tilespmem:v47+s2+$0x0], $0xffff  }
0x51a: {  	v51 =	vadd.s32 $0x2E8C, v39;
	[tilespmem:s28+$0xD0] =	vst v3;
	v1 =	vld.idx.msk [tilespmem:v48+s2+$0x0], $0xffff  }
0x51b: {  	v55 =	vadd.s32 $0x2E8C, v37;
	[tilespmem:s28+$0x80] =	vst v5;
	v11 =	vld.idx.msk [tilespmem:v49+s2+$0x0], $0xffff  }
0x51c: {  	v56 =	vadd.s32 $0x2E8C, v36;
	[tilespmem:s28+$0xE0] =	vst v50;
	v7 =	vld.idx.msk [tilespmem:v52+s2+$0x0], $0xffff  }
0x51d: {  	v58 =	vadd.s32 $0x2E8C, v35;
	v59 =	vld.idx.msk [tilespmem:v53+s2+$0x0], $0xffff;
	[tilespmem:s28+$0x170] =	vst v4  }
0x51e: {  	v61 =	vadd.s32 $0x2E8C, v38;
	v0 =	vld.idx.msk [tilespmem:v54+s2+$0x0], $0xffff;
	[tilespmem:s28+$0x110] =	vst v8  }
0x51f: {  	v62 =	vadd.s32 $0x2E8C, v34;
	[tilespmem:s28+$0x120] =	vst v10;
	v57 =	vld.idx.msk [tilespmem:v51+s2+$0x0], $0xffff  }
0x520: {  	v63 =	vadd.s32 $0x2E8C, v33;
	[tilespmem:s28+$0x130] =	vst v1;
	v3 =	vld.idx.msk [tilespmem:v55+s2+$0x0], $0xffff  }
0x521: {  	v12 =	vadd.s32 $0x2E8C, v32;
	[tilespmem:s28+$0x140] =	vst v11;
	v4 =	vld.idx.msk [tilespmem:v56+s2+$0x0], $0xffff  }
0x522: {  	v60 =	vadd.s32 $0x3E10, v39;
	[tilespmem:s28+$0x100] =	vst v7;
	v6 =	vld.idx.msk [tilespmem:v58+s2+$0x0], $0xffff  }
0x523: {  	v13 =	vadd.s32 $0x3E10, v37;
	[tilespmem:s28+$0x150] =	vst v59;
	v9 =	vld.idx.msk [tilespmem:v61+s2+$0x0], $0xffff  }
0x524: {  	v15 =	vadd.s32 $0x3E10, v36;
	[tilespmem:s28+$0x160] =	vst v0;
	v16 =	vld.idx.msk [tilespmem:v62+s2+$0x0], $0xffff  }
0x525: {  	v18 =	vadd.s32 $0x3E10, v38;
	v1 =	vld.idx.msk [tilespmem:v63+s2+$0x0], $0xffff;
	[tilespmem:s28+$0x1F0] =	vst v57  }
0x526: {  	v19 =	vadd.s32 $0x3E10, v35;
	v20 =	vld.idx.msk [tilespmem:v12+s2+$0x0], $0xffff;
	[tilespmem:s28+$0x190] =	vst v3  }
0x527: {  	v21 =	vadd.s32 $0x3E10, v34;
	[tilespmem:s28+$0x1A0] =	vst v4;
	v14 =	vld.idx.msk [tilespmem:v60+s2+$0x0], $0xffff  }
0x528: {  	v22 =	vadd.s32 $0x3E10, v33;
	[tilespmem:s28+$0x1B0] =	vst v6;
	v5 =	vld.idx.msk [tilespmem:v13+s2+$0x0], $0xffff  }
0x529: {  	v23 =	vadd.s32 $0x3E10, v32;
	[tilespmem:s28+$0x180] =	vst v9;
	v8 =	vld.idx.msk [tilespmem:v15+s2+$0x0], $0xffff  }
0x52a: {  	v17 =	vadd.s32 $0x4D94, v39;
	[tilespmem:s28+$0x1C0] =	vst v16;
	v10 =	vld.idx.msk [tilespmem:v18+s2+$0x0], $0xffff  }
0x52b: {  	v24 =	vadd.s32 $0x4D94, v37;
	[tilespmem:s28+$0x1D0] =	vst v1;
	v25 =	vld.idx.msk [tilespmem:v19+s2+$0x0], $0xffff  }
0x52c: {  	v40 =	vadd.s32 $0x4D94, v38;
	[tilespmem:s28+$0x1E0] =	vst v20;
	v11 =	vld.idx.msk [tilespmem:v21+s2+$0x0], $0xffff  }
0x52d: {  	v41 =	vadd.s32 $0x4D94, v36;
	v42 =	vld.idx.msk [tilespmem:v22+s2+$0x0], $0xffff;
	[tilespmem:s28+$0x270] =	vst v14  }
0x52e: {  	v43 =	vadd.s32 $0x4D94, v35;
	v7 =	vld.idx.msk [tilespmem:v23+s2+$0x0], $0xffff;
	[tilespmem:s28+$0x210] =	vst v5  }
0x52f: {  	v44 =	vadd.s32 $0x4D94, v34;
	[tilespmem:s28+$0x220] =	vst v8;
	v0 =	vld.idx.msk [tilespmem:v17+s2+$0x0], $0xffff  }
0x530: {  	v46 =	vadd.s32 $0x4D94, v32;
	[tilespmem:s28+$0x200] =	vst v10;
	v9 =	vld.idx.msk [tilespmem:v24+s2+$0x0], $0xffff  }
0x531: {  	v45 =	vadd.s32 $0x4D94, v33;
	[tilespmem:s28+$0x230] =	vst v25;
	v3 =	vld.idx.msk [tilespmem:v40+s2+$0x0], $0xffff  }
0x532: {  	v26 =	vadd.s32 $0x5D18, v39;
	[tilespmem:s28+$0x240] =	vst v11;
	v47 =	vld.idx.msk [tilespmem:v41+s2+$0x0], $0xffff  }
0x533: {  	v49 =	vadd.s32 $0x5D18, v38;
	[tilespmem:s28+$0x250] =	vst v42;
	v6 =	vld.idx.msk [tilespmem:v43+s2+$0x0], $0xffff  }
0x534: {  	v50 =	vadd.s32 $0x5D18, v37;
	[tilespmem:s28+$0x260] =	vst v7;
	v8 =	vld.idx.msk [tilespmem:v44+s2+$0x0], $0xffff  }
0x535: {  	v51 =	vadd.s32 $0x5D18, v36;
	v10 =	vld.idx.msk [tilespmem:v46+s2+$0x0], $0xffff;
	[tilespmem:s28+$0x2F0] =	vst v0  }
0x536: {  	v52 =	vadd.s32 $0x5D18, v35;
	[tilespmem:s28+$0x290] =	vst v9;
	v0 =	vld.idx.msk [tilespmem:v45+s2+$0x0], $0xffff  }
0x537: {  	v56 =	vadd.s32 $0x5D18, v32;
	[tilespmem:s28+$0x280] =	vst v3;
	v1 =	vld.idx.msk [tilespmem:v26+s2+$0x0], $0xffff  }
0x538: {  	v53 =	vadd.s32 $0x5D18, v34;
	[tilespmem:s28+$0x2A0] =	vst v47;
	v11 =	vld.idx.msk [tilespmem:v49+s2+$0x0], $0xffff  }
0x539: {  	v55 =	vadd.s32 $0x5D18, v33;
	[tilespmem:s28+$0x2B0] =	vst v6;
	v5 =	vld.idx.msk [tilespmem:v50+s2+$0x0], $0xffff  }
0x53a: {  	v48 =	vadd.s32 $0x6C9C, v39;
	[tilespmem:s28+$0x2C0] =	vst v8;
	v7 =	vld.idx.msk [tilespmem:v51+s2+$0x0], $0xffff  }
0x53b: {  	v57 =	vadd.s32 $0x6C9C, v38;
	[tilespmem:s28+$0x2E0] =	vst v10;
	v9 =	vld.idx.msk [tilespmem:v52+s2+$0x0], $0xffff  }
0x53c: {  	v58 =	vadd.s32 $0x6C9C, v37;
	v2 =	vld.idx.msk [tilespmem:v56+s2+$0x0], $0xffff;
	[tilespmem:s28+$0x2D0] =	vst v0  }
0x53d: {  	v59 =	vadd.s32 $0x6C9C, v36;
	[tilespmem:s28+$0x370] =	vst v1;
	v1 =	vld.idx.msk [tilespmem:v53+s2+$0x0], $0xffff  }
0x53e: {  	v60 =	vadd.s32 $0x6C9C, v35;
	v4 =	vld.idx.msk [tilespmem:v55+s2+$0x0], $0xffff;
	[tilespmem:s28+$0x300] =	vst v11  }
0x53f: {  	v63 =	vadd.s32 $0x6C9C, v32;
	[tilespmem:s28+$0x310] =	vst v5;
	v54 =	vld.idx.msk [tilespmem:v48+s2+$0x0], $0xffff  }
0x540: {  	v61 =	vadd.s32 $0x6C9C, v34;
	[tilespmem:s28+$0x320] =	vst v7;
	v6 =	vld.idx.msk [tilespmem:v57+s2+$0x0], $0xffff  }
0x541: {  	v62 =	vadd.s32 $0x6C9C, v33;
	[tilespmem:s28+$0x330] =	vst v9;
	v36 =	vld.idx.msk [tilespmem:v58+s2+$0x0], $0xffff  }
0x542: {  	[tilespmem:s28+$0x360] =	vst v2;
	v37 =	vld.idx.msk [tilespmem:v59+s2+$0x0], $0xffff  }
0x543: {  	v34 =	vld.idx.msk [tilespmem:v60+s2+$0x0], $0xffff;
	[tilespmem:s28+$0x340] =	vst v1  }
0x544: {  	v33 =	vld.idx.msk [tilespmem:v63+s2+$0x0], $0xffff;
	[tilespmem:s28+$0x350] =	vst v4  }
0x545: {  	[tilespmem:s28+$0x3F0] =	vst v54;
	v38 =	vld.idx.msk [tilespmem:v61+s2+$0x0], $0xffff  }
0x546: {  	s29 =	simm.s32 $0x0;
	s30 =	simm.s32 $0x9A20;
	v35 =	vld.idx.msk [tilespmem:v62+s2+$0x0], $0xffff;
	[tilespmem:s28+$0x380] =	vst v6  }
.LBB2_21:
0x547: {  	v32 =	vld [tilespmem:s30+$0x0];
	s29 =	sadd.s32 $0x8, s29;
	[tilespmem:s28+$0x390] =	vst v36  }
0x548: {  	v0 =	vld [tilespmem:s30+$0xFFFFFFA0];
	p1 =	slt.u32 s29, $0x38;
	[tilespmem:s28+$0x3A0] =	vst v37  }
0x549: {  	v1 =	vld [tilespmem:s30+$0xFFFFFFB0];
	[tilespmem:s28+$0x3B0] =	vst v34  }
0x54a: {  	v2 =	vld [tilespmem:s30+$0xFFFFFFC0];
	[tilespmem:s28+$0x3C0] =	vst v38  }
0x54b: {  	v3 =	vld [tilespmem:s30+$0xFFFFFFD0];
	[tilespmem:s28+$0x3D0] =	vst v35  }
0x54c: {  	v4 =	vld [tilespmem:s30+$0xFFFFFFE0];
	[tilespmem:s28+$0x3E0] =	vst v33  }
0x54d: {  	v5 =	vadd.s32 $0xF84, v0;
	v6 =	vadd.s32 $0x1F08, v0;
	v7 =	vadd.s32 $0x2E8C, v0;
	v8 =	vld [tilespmem:s30+$0xFFFFFFF0]  }
0x54e: {  	v9 =	vld [tilespmem:s30+$0xFFFFFF90];
	v10 =	vadd.s32 $0xF84, v1;
	v11 =	vadd.s32 $0x1F08, v1;
	v12 =	vadd.s32 $0x2E8C, v1  }
0x54f: {  	v13 =	vadd.s32 $0xF84, v2;
	v14 =	vadd.s32 $0x1F08, v2;
	v15 =	vadd.s32 $0x2E8C, v2;
	v16 =	vld.idx.msk [tilespmem:v32+s2+$0x0], $0xffff  }
0x550: {  	v17 =	vld.idx.msk [tilespmem:v0+s2+$0x0], $0xffff;
	v18 =	vadd.s32 $0xF84, v3;
	v19 =	vadd.s32 $0x1F08, v3;
	v20 =	vadd.s32 $0x2E8C, v3  }
0x551: {  	v24 =	vadd.s32 $0xF84, v32;
	v21 =	vld.idx.msk [tilespmem:v1+s2+$0x0], $0xffff;
	v22 =	vadd.s32 $0xF84, v4;
	v23 =	vadd.s32 $0x1F08, v4  }
0x552: {  	v26 =	vadd.s32 $0x2E8C, v4;
	v25 =	vld.idx.msk [tilespmem:v2+s2+$0x0], $0xffff;
	v27 =	vadd.s32 $0xF84, v8;
	v53 =	vadd.s32 $0x1F08, v8  }
0x553: {  	v54 =	vadd.s32 $0xF84, v9;
	v55 =	vadd.s32 $0x1F08, v9;
	v56 =	vadd.s32 $0x2E8C, v9;
	v33 =	vld.idx.msk [tilespmem:v3+s2+$0x0], $0xffff  }
0x554: {  	s28 =	sadd.s32 $0x400, s28;
	v58 =	vadd.s32 $0x3E10, v0;
	v59 =	vadd.s32 $0x2E8C, v8;
	v57 =	vadd.s32 $0x3E10, v9;
	v34 =	vld.idx.msk [tilespmem:v4+s2+$0x0], $0xffff  }
0x555: {  	v60 =	vadd.s32 $0x3E10, v1;
	v61 =	vadd.s32 $0x3E10, v2;
	v62 =	vadd.s32 $0x3E10, v3;
	v35 =	vld.idx.msk [tilespmem:v8+s2+$0x0], $0xffff;
	[tilespmem:s28+$0x70] =	vst v16  }
0x556: {  	v47 =	vadd.s32 $0x4D94, v9;
	v16 =	vadd.s32 $0x3E10, v4;
	[tilespmem:s28+$0x10] =	vst v17;
	v17 =	vadd.s32 $0x3E10, v8;
	v24 =	vld.idx.msk [tilespmem:v24+s2+$0x0], $0xffff  }
0x557: {  	v63 =	vadd.s32 $0x4D94, v0;
	v51 =	vadd.s32 $0x4D94, v1;
	v49 =	vadd.s32 $0x4D94, v2;
	v38 =	vld.idx.msk [tilespmem:v9+s2+$0x0], $0xffff;
	[tilespmem:s28+$0x20] =	vst v21  }
0x558: {  	v50 =	vadd.s32 $0x4D94, v3;
	v48 =	vadd.s32 $0x4D94, v4;
	v21 =	vadd.s32 $0x1F08, v32;
	v5 =	vld.idx.msk [tilespmem:v5+s2+$0x0], $0xffff;
	[tilespmem:s28+$0x30] =	vst v25  }
0x559: {  	v42 =	vadd.s32 $0x5D18, v0;
	v52 =	vadd.s32 $0x4D94, v8;
	v45 =	vadd.s32 $0x5D18, v9;
	v10 =	vld.idx.msk [tilespmem:v10+s2+$0x0], $0xffff;
	[tilespmem:s28+$0x40] =	vst v33  }
0x55a: {  	v46 =	vadd.s32 $0x5D18, v1;
	v43 =	vadd.s32 $0x5D18, v2;
	v40 =	vadd.s32 $0x5D18, v3;
	v13 =	vld.idx.msk [tilespmem:v13+s2+$0x0], $0xffff;
	[tilespmem:s28+$0x50] =	vst v34  }
0x55b: {  	v44 =	vadd.s32 $0x5D18, v4;
	v41 =	vadd.s32 $0x5D18, v8;
	v36 =	vadd.s32 $0x6C9C, v9;
	v9 =	vld.idx.msk [tilespmem:v18+s2+$0x0], $0xffff;
	[tilespmem:s28+$0x60] =	vst v35  }
0x55c: {  	v39 =	vadd.s32 $0x6C9C, v0;
	v37 =	vadd.s32 $0x6C9C, v1;
	v34 =	vadd.s32 $0x6C9C, v2;
	v0 =	vld.idx.msk [tilespmem:v22+s2+$0x0], $0xffff;
	[tilespmem:s28+$0xF0] =	vst v24  }
0x55d: {  	v33 =	vadd.s32 $0x6C9C, v8;
	v35 =	vadd.s32 $0x6C9C, v4;
	[tilespmem:s28+$0x0] =	vst v38;
	v38 =	vadd.s32 $0x6C9C, v3;
	v1 =	vld.idx.msk [tilespmem:v21+s2+$0x0], $0xffff  }
0x55e: {  	v2 =	vld.idx.msk [tilespmem:v54+s2+$0x0], $0xffff;
	[tilespmem:s28+$0x90] =	vst v5  }
0x55f: {  	v4 =	vadd.s32 $0x2E8C, v32;
	[tilespmem:s28+$0xA0] =	vst v10;
	v3 =	vld.idx.msk [tilespmem:v27+s2+$0x0], $0xffff  }
0x560: {  	v5 =	vld.idx.msk [tilespmem:v6+s2+$0x0], $0xffff;
	[tilespmem:s28+$0xB0] =	vst v13  }
0x561: {  	v6 =	vld.idx.msk [tilespmem:v11+s2+$0x0], $0xffff;
	[tilespmem:s28+$0xC0] =	vst v9  }
0x562: {  	v8 =	vld.idx.msk [tilespmem:v14+s2+$0x0], $0xffff;
	[tilespmem:s28+$0xD0] =	vst v0  }
0x563: {  	v0 =	vld.idx.msk [tilespmem:v19+s2+$0x0], $0xffff;
	[tilespmem:s28+$0x170] =	vst v1  }
0x564: {  	[tilespmem:s28+$0x80] =	vst v2;
	v1 =	vld.idx.msk [tilespmem:v4+s2+$0x0], $0xffff  }
0x565: {  	v2 =	vld.idx.msk [tilespmem:v55+s2+$0x0], $0xffff;
	[tilespmem:s28+$0xE0] =	vst v3  }
0x566: {  	v4 =	vadd.s32 $0x3E10, v32;
	[tilespmem:s28+$0x110] =	vst v5;
	v3 =	vld.idx.msk [tilespmem:v23+s2+$0x0], $0xffff  }
0x567: {  	[tilespmem:s28+$0x120] =	vst v6;
	v5 =	vld.idx.msk [tilespmem:v53+s2+$0x0], $0xffff  }
0x568: {  	v6 =	vld.idx.msk [tilespmem:v7+s2+$0x0], $0xffff;
	[tilespmem:s28+$0x130] =	vst v8  }
0x569: {  	v7 =	vld.idx.msk [tilespmem:v12+s2+$0x0], $0xffff;
	[tilespmem:s28+$0x140] =	vst v0  }
0x56a: {  	v0 =	vld.idx.msk [tilespmem:v15+s2+$0x0], $0xffff;
	[tilespmem:s28+$0x1F0] =	vst v1  }
0x56b: {  	[tilespmem:s28+$0x100] =	vst v2;
	v1 =	vld.idx.msk [tilespmem:v4+s2+$0x0], $0xffff  }
0x56c: {  	v2 =	vld.idx.msk [tilespmem:v56+s2+$0x0], $0xffff;
	[tilespmem:s28+$0x150] =	vst v3  }
0x56d: {  	v4 =	vadd.s32 $0x4D94, v32;
	v3 =	vld.idx.msk [tilespmem:v20+s2+$0x0], $0xffff;
	[tilespmem:s28+$0x160] =	vst v5  }
0x56e: {  	[tilespmem:s28+$0x190] =	vst v6;
	v5 =	vld.idx.msk [tilespmem:v26+s2+$0x0], $0xffff  }
0x56f: {  	[tilespmem:s28+$0x1A0] =	vst v7;
	v6 =	vld.idx.msk [tilespmem:v59+s2+$0x0], $0xffff  }
0x570: {  	v7 =	vld.idx.msk [tilespmem:v58+s2+$0x0], $0xffff;
	[tilespmem:s28+$0x1B0] =	vst v0  }
0x571: {  	v0 =	vld.idx.msk [tilespmem:v60+s2+$0x0], $0xffff;
	[tilespmem:s28+$0x270] =	vst v1  }
0x572: {  	[tilespmem:s28+$0x180] =	vst v2;
	v1 =	vld.idx.msk [tilespmem:v4+s2+$0x0], $0xffff  }
0x573: {  	v2 =	vld.idx.msk [tilespmem:v57+s2+$0x0], $0xffff;
	[tilespmem:s28+$0x1C0] =	vst v3  }
0x574: {  	v4 =	vadd.s32 $0x5D18, v32;
	v3 =	vld.idx.msk [tilespmem:v61+s2+$0x0], $0xffff;
	[tilespmem:s28+$0x1D0] =	vst v5  }
0x575: {  	v5 =	vld.idx.msk [tilespmem:v62+s2+$0x0], $0xffff;
	[tilespmem:s28+$0x1E0] =	vst v6  }
0x576: {  	[tilespmem:s28+$0x210] =	vst v7;
	v6 =	vld.idx.msk [tilespmem:v16+s2+$0x0], $0xffff  }
0x577: {  	[tilespmem:s28+$0x220] =	vst v0;
	v0 =	vld.idx.msk [tilespmem:v17+s2+$0x0], $0xffff  }
0x578: {  	v7 =	vld.idx.msk [tilespmem:v63+s2+$0x0], $0xffff;
	[tilespmem:s28+$0x2F0] =	vst v1  }
0x579: {  	[tilespmem:s28+$0x200] =	vst v2;
	v1 =	vld.idx.msk [tilespmem:v4+s2+$0x0], $0xffff  }
0x57a: {  	v2 =	vld.idx.msk [tilespmem:v47+s2+$0x0], $0xffff;
	[tilespmem:s28+$0x230] =	vst v3  }
0x57b: {  	v4 =	vadd.s32 $0x6C9C, v32;
	v3 =	vld.idx.msk [tilespmem:v51+s2+$0x0], $0xffff;
	[tilespmem:s28+$0x240] =	vst v5  }
0x57c: {  	v5 =	vld.idx.msk [tilespmem:v49+s2+$0x0], $0xffff;
	[tilespmem:s28+$0x250] =	vst v6  }
0x57d: {  	v6 =	vld.idx.msk [tilespmem:v50+s2+$0x0], $0xffff;
	[tilespmem:s28+$0x260] =	vst v0  }
0x57e: {  	[tilespmem:s28+$0x290] =	vst v7;
	v0 =	vld.idx.msk [tilespmem:v48+s2+$0x0], $0xffff  }
0x57f: {  	v7 =	vld.idx.msk [tilespmem:v52+s2+$0x0], $0xffff;
	[tilespmem:s28+$0x370] =	vst v1  }
0x580: {  	[tilespmem:s28+$0x280] =	vst v2;
	v1 =	vld.idx.msk [tilespmem:v4+s2+$0x0], $0xffff  }
0x581: {  	v2 =	vld.idx.msk [tilespmem:v45+s2+$0x0], $0xffff;
	[tilespmem:s28+$0x2A0] =	vst v3  }
0x582: {  	v3 =	vld.idx.msk [tilespmem:v42+s2+$0x0], $0xffff;
	[tilespmem:s28+$0x2B0] =	vst v5  }
0x583: {  	v4 =	vld.idx.msk [tilespmem:v46+s2+$0x0], $0xffff;
	[tilespmem:s28+$0x2C0] =	vst v6  }
0x584: {  	v5 =	vld.idx.msk [tilespmem:v43+s2+$0x0], $0xffff;
	[tilespmem:s28+$0x2D0] =	vst v0  }
0x585: {  	v0 =	vld.idx.msk [tilespmem:v40+s2+$0x0], $0xffff;
	[tilespmem:s28+$0x2E0] =	vst v7  }
0x586: {  	v6 =	vld.idx.msk [tilespmem:v44+s2+$0x0], $0xffff;
	[tilespmem:s28+$0x3F0] =	vst v1  }
0x587: {  	[tilespmem:s28+$0x300] =	vst v2;
	v1 =	vld.idx.msk [tilespmem:v41+s2+$0x0], $0xffff  }
0x588: {  	v2 =	vld.idx.msk [tilespmem:v36+s2+$0x0], $0xffff;
	[tilespmem:s28+$0x310] =	vst v3  }
0x589: {  	v36 =	vld.idx.msk [tilespmem:v39+s2+$0x0], $0xffff;
	[tilespmem:s28+$0x320] =	vst v4  }
.Ltmp12:
0x58a: {  	v37 =	vld.idx.msk [tilespmem:v37+s2+$0x0], $0xffff;
	[tilespmem:s28+$0x330] =	vst v5;
	(pc) =	sbr.rel @p1 .LBB2_21-.Ltmp12, $4  }
0x58b: {  	v34 =	vld.idx.msk [tilespmem:v34+s2+$0x0], $0xffff;
	[tilespmem:s28+$0x340] =	vst v0  }
0x58c: {  	v38 =	vld.idx.msk [tilespmem:v38+s2+$0x0], $0xffff;
	[tilespmem:s28+$0x350] =	vst v6  }
0x58d: {  	v35 =	vld.idx.msk [tilespmem:v35+s2+$0x0], $0xffff;
	[tilespmem:s28+$0x360] =	vst v1  }
0x58e: {  	s30 =	sadd.s32 $0x80, s30;
	[tilespmem:s28+$0x380] =	vst v2;
	v33 =	vld.idx.msk [tilespmem:v33+s2+$0x0], $0xffff  }
0x58f: {  	[tilespmem:s28+$0x390] =	vst v36  }
0x590: {  	[tilespmem:s28+$0x3A0] =	vst v37  }
0x591: {  	[tilespmem:s28+$0x3B0] =	vst v34  }
0x592: {  	[tilespmem:s28+$0x3C0] =	vst v38  }
0x593: {  	[tilespmem:s28+$0x3D0] =	vst v35  }
0x594: {  	[tilespmem:s28+$0x3E0] =	vst v33  }
0x595: {  	v0 =	vld [tilespmem:$0x9D30];
	_ =	sdelay $0x7  }
0x596: {  	v3 =	vimm.s32 $0x8C00;
	v1 =	vld.idx.msk [tilespmem:v0+s2+$0x0], $0xffff  }
0x597: {  	v2 =	vadd.s32 $0xF84, v0;
	_ =	sdelay $0x3  }
0x598: {  	[tilespmem:v3+s22+$0x0] =	vst.idx.msk $0x1, v1  }
0x599: {  	v57 =	vimm.s32 $0x8C80;
	v1 =	vld.idx.msk [tilespmem:v2+s2+$0x0], $0xffff  }
0x59a: {  	v56 =	vadd.s32 $0x1F08, v0;
	_ =	sdelay $0x3  }
0x59b: {  	[tilespmem:v57+s22+$0x0] =	vst.idx.msk $0x1, v1  }
0x59c: {  	v59 =	vimm.s32 $0x8D00;
	v1 =	vld.idx.msk [tilespmem:v56+s2+$0x0], $0xffff  }
0x59d: {  	v58 =	vadd.s32 $0x2E8C, v0;
	_ =	sdelay $0x3  }
0x59e: {  	[tilespmem:v59+s22+$0x0] =	vst.idx.msk $0x1, v1  }
0x59f: {  	v61 =	vimm.s32 $0x8D80;
	v1 =	vld.idx.msk [tilespmem:v58+s2+$0x0], $0xffff  }
0x5a0: {  	v60 =	vadd.s32 $0x3E10, v0;
	_ =	sdelay $0x3  }
0x5a1: {  	[tilespmem:v61+s22+$0x0] =	vst.idx.msk $0x1, v1  }
0x5a2: {  	v1 =	vld.idx.msk [tilespmem:v60+s2+$0x0], $0xffff  }
0x5a3: {  	v62 =	vadd.s32 $0x4D94, v0;
	_ =	sdelay $0x3  }
0x5a4: {  	[tilespmem:v28+s22+$0x0] =	vst.idx.msk $0x1, v1  }
0x5a5: {  	v1 =	vld.idx.msk [tilespmem:v62+s2+$0x0], $0xffff  }
0x5a6: {  	v63 =	vadd.s32 $0x5D18, v0;
	_ =	sdelay $0x3  }
0x5a7: {  	[tilespmem:v29+s22+$0x0] =	vst.idx.msk $0x1, v1  }
0x5a8: {  	v1 =	vld.idx.msk [tilespmem:v63+s2+$0x0], $0xffff  }
0x5a9: {  	v0 =	vadd.s32 $0x6C9C, v0;
	_ =	sdelay $0x3  }
0x5aa: {  	s26 =	sshll.u32 s26, $0x6;
	[tilespmem:v30+s22+$0x0] =	vst.idx.msk $0x1, v1  }
0x5ab: {  	s25 =	sadd.s32 $0x1, s25;
	s26 =	sadd.s32 s9, s26;
	v0 =	vld.idx.msk [tilespmem:v0+s2+$0x0], $0xffff  }
0x5ac: {  	p1 =	sne.s32 s25, $0x8;
	s26 =	smul.u32 $0x4800, s26  }
.Ltmp13:
0x5ad: {  	_ = 	snop;
	(pc) =	sbr.rel @p1 .LBB2_2-.Ltmp13, $4  }
0x5ae: {  	s26 =	sadd.s32 s8, s26  }
0x5af: {  	s26 =	sshrl.u32 s26, $0x3  }
0x5b0: {  	s26 =	sadd.s32 s1, s26;
	[tilespmem:v31+s22+$0x0] =	vst.idx.msk $0x1, v0  }
0x5b1: {  	[hbm4b:s26+s18] =	stream.strided.scatter [tilespmem:s22], [sflag:$0x4], $0x9000, s19, s18, $0x38;
	[tilespmem:$0x1BD80] =	vst v63  }
0x5b2: {  	_ =	swait.ge [sflag:s23], $0x9000  }
.Ltmp14:
0x5b3: {  	[sflag:s23] =	ssyncset.done $0x0;
	(pc) =	sbr.rel @p0 .LBB2_27-.Ltmp14, $4  }
0x5b4: {  	[sflag:s23] =	ssyncadd.s32 $0xFFFF7000  }
0x5b5: {  	_ =	swait.ge [sflag:s21], $0x9000  }
0x5b6: {  	[sflag:s21] =	ssyncset.done $0x0  }
0x5b7: {  	[sflag:s21] =	ssyncadd.s32 $0xFFFF7000  }
0x5b8: {  	[tilespmem:s15], [sflag:$0x5] =	stream.linear.gather [hbm4b:s11+s2], $0x410, $0x38;
	[tilespmem:$0x1BD80] =	vst v63  }
0x5b9: {  	_ =	swait.ge [sflag:s14], $0x410  }
0x5ba: {  	[sflag:s14] =	ssyncset.done $0x0  }
0x5bb: {  	s25 =	simm.s32 $0x7CC0;
	[sflag:s14] =	ssyncadd.s32 $0xFFFFFBF0  }
0x5bc: {  	v39 =	vld [tilespmem:s25+$0x30]  }
0x5bd: {  	v37 =	vld [tilespmem:s25+$0xFFFFFFD0]  }
0x5be: {  	v36 =	vld [tilespmem:s25+$0xFFFFFFE0]  }
0x5bf: {  	v35 =	vld [tilespmem:s25+$0xFFFFFFF0]  }
0x5c0: {  	v34 =	vld [tilespmem:s25+$0x0]  }
0x5c1: {  	v33 =	vld [tilespmem:s25+$0x10]  }
0x5c2: {  	v32 =	vld [tilespmem:s25+$0x20]  }
0x5c3: {  	v38 =	vld [tilespmem:s25+$0xFFFFFFC0]  }
0x5c4: {  	v0 =	vld.idx.msk [tilespmem:v39+s2+$0x0], $0xffff  }
0x5c5: {  	v1 =	vld.idx.msk [tilespmem:v37+s2+$0x0], $0xffff  }
0x5c6: {  	v2 =	vld.idx.msk [tilespmem:v36+s2+$0x0], $0xffff  }
0x5c7: {  	v3 =	vadd.s32 $0xF84, v39;
	v4 =	vld.idx.msk [tilespmem:v35+s2+$0x0], $0xffff  }
0x5c8: {  	v5 =	vadd.s32 $0xF84, v37;
	v6 =	vld.idx.msk [tilespmem:v34+s2+$0x0], $0xffff  }
0x5c9: {  	s25 =	simm.s32 $0x9F80;
	v7 =	vadd.s32 $0xF84, v36;
	v8 =	vld.idx.msk [tilespmem:v33+s2+$0x0], $0xffff  }
0x5ca: {  	v9 =	vadd.s32 $0xF84, v35;
	v10 =	vld.idx.msk [tilespmem:v32+s2+$0x0], $0xffff;
	[tilespmem:s25+$0xFFFFFE70] =	vst v0  }
0x5cb: {  	v26 =	vadd.s32 $0xF84, v34;
	v11 =	vld.idx.msk [tilespmem:v38+s2+$0x0], $0xffff;
	[tilespmem:s25+$0xFFFFFE10] =	vst v1  }
0x5cc: {  	v41 =	vadd.s32 $0xF84, v33;
	[tilespmem:s25+$0xFFFFFE20] =	vst v2;
	v40 =	vld.idx.msk [tilespmem:v3+s2+$0x0], $0xffff  }
0x5cd: {  	v44 =	vadd.s32 $0xF84, v38;
	[tilespmem:s25+$0xFFFFFE30] =	vst v4;
	v42 =	vld.idx.msk [tilespmem:v5+s2+$0x0], $0xffff  }
0x5ce: {  	v45 =	vadd.s32 $0xF84, v32;
	[tilespmem:s25+$0xFFFFFE40] =	vst v6;
	v7 =	vld.idx.msk [tilespmem:v7+s2+$0x0], $0xffff  }
0x5cf: {  	v43 =	vadd.s32 $0x1F08, v39;
	[tilespmem:s25+$0xFFFFFE50] =	vst v8;
	v9 =	vld.idx.msk [tilespmem:v9+s2+$0x0], $0xffff  }
0x5d0: {  	v46 =	vadd.s32 $0x1F08, v37;
	[tilespmem:s25+$0xFFFFFE60] =	vst v10;
	v0 =	vld.idx.msk [tilespmem:v26+s2+$0x0], $0xffff  }
0x5d1: {  	v47 =	vadd.s32 $0x1F08, v36;
	[tilespmem:s25+$0xFFFFFE00] =	vst v11;
	v3 =	vld.idx.msk [tilespmem:v41+s2+$0x0], $0xffff  }
0x5d2: {  	v48 =	vadd.s32 $0x1F08, v35;
	v5 =	vld.idx.msk [tilespmem:v44+s2+$0x0], $0xffff;
	[tilespmem:s25+$0xFFFFFEF0] =	vst v40  }
0x5d3: {  	v49 =	vadd.s32 $0x1F08, v34;
	v50 =	vld.idx.msk [tilespmem:v45+s2+$0x0], $0xffff;
	[tilespmem:s25+$0xFFFFFE90] =	vst v42  }
0x5d4: {  	v52 =	vadd.s32 $0x1F08, v38;
	[tilespmem:s25+$0xFFFFFEA0] =	vst v7;
	v4 =	vld.idx.msk [tilespmem:v43+s2+$0x0], $0xffff  }
0x5d5: {  	v53 =	vadd.s32 $0x1F08, v33;
	[tilespmem:s25+$0xFFFFFEB0] =	vst v9;
	v8 =	vld.idx.msk [tilespmem:v46+s2+$0x0], $0xffff  }
0x5d6: {  	v54 =	vadd.s32 $0x1F08, v32;
	[tilespmem:s25+$0xFFFFFEC0] =	vst v0;
	v10 =	vld.idx.msk [tilespmem:v47+s2+$0x0], $0xffff  }
0x5d7: {  	v51 =	vadd.s32 $0x2E8C, v39;
	[tilespmem:s25+$0xFFFFFED0] =	vst v3;
	v1 =	vld.idx.msk [tilespmem:v48+s2+$0x0], $0xffff  }
0x5d8: {  	v55 =	vadd.s32 $0x2E8C, v37;
	[tilespmem:s25+$0xFFFFFE80] =	vst v5;
	v11 =	vld.idx.msk [tilespmem:v49+s2+$0x0], $0xffff  }
0x5d9: {  	v56 =	vadd.s32 $0x2E8C, v36;
	[tilespmem:s25+$0xFFFFFEE0] =	vst v50;
	v7 =	vld.idx.msk [tilespmem:v52+s2+$0x0], $0xffff  }
0x5da: {  	v58 =	vadd.s32 $0x2E8C, v35;
	v59 =	vld.idx.msk [tilespmem:v53+s2+$0x0], $0xffff;
	[tilespmem:s25+$0xFFFFFF70] =	vst v4  }
0x5db: {  	v61 =	vadd.s32 $0x2E8C, v38;
	v0 =	vld.idx.msk [tilespmem:v54+s2+$0x0], $0xffff;
	[tilespmem:s25+$0xFFFFFF10] =	vst v8  }
0x5dc: {  	v62 =	vadd.s32 $0x2E8C, v34;
	[tilespmem:s25+$0xFFFFFF20] =	vst v10;
	v57 =	vld.idx.msk [tilespmem:v51+s2+$0x0], $0xffff  }
0x5dd: {  	v63 =	vadd.s32 $0x2E8C, v33;
	[tilespmem:s25+$0xFFFFFF30] =	vst v1;
	v3 =	vld.idx.msk [tilespmem:v55+s2+$0x0], $0xffff  }
0x5de: {  	v12 =	vadd.s32 $0x2E8C, v32;
	[tilespmem:s25+$0xFFFFFF40] =	vst v11;
	v4 =	vld.idx.msk [tilespmem:v56+s2+$0x0], $0xffff  }
0x5df: {  	v60 =	vadd.s32 $0x3E10, v39;
	[tilespmem:s25+$0xFFFFFF00] =	vst v7;
	v6 =	vld.idx.msk [tilespmem:v58+s2+$0x0], $0xffff  }
0x5e0: {  	v13 =	vadd.s32 $0x3E10, v37;
	[tilespmem:s25+$0xFFFFFF50] =	vst v59;
	v9 =	vld.idx.msk [tilespmem:v61+s2+$0x0], $0xffff  }
0x5e1: {  	v15 =	vadd.s32 $0x3E10, v36;
	[tilespmem:s25+$0xFFFFFF60] =	vst v0;
	v16 =	vld.idx.msk [tilespmem:v62+s2+$0x0], $0xffff  }
0x5e2: {  	v18 =	vadd.s32 $0x3E10, v38;
	v1 =	vld.idx.msk [tilespmem:v63+s2+$0x0], $0xffff;
	[tilespmem:s25+$0xFFFFFFF0] =	vst v57  }
0x5e3: {  	v19 =	vadd.s32 $0x3E10, v35;
	v20 =	vld.idx.msk [tilespmem:v12+s2+$0x0], $0xffff;
	[tilespmem:s25+$0xFFFFFF90] =	vst v3  }
0x5e4: {  	v21 =	vadd.s32 $0x3E10, v34;
	[tilespmem:s25+$0xFFFFFFA0] =	vst v4;
	v14 =	vld.idx.msk [tilespmem:v60+s2+$0x0], $0xffff  }
0x5e5: {  	v22 =	vadd.s32 $0x3E10, v33;
	[tilespmem:s25+$0xFFFFFFB0] =	vst v6;
	v5 =	vld.idx.msk [tilespmem:v13+s2+$0x0], $0xffff  }
0x5e6: {  	v23 =	vadd.s32 $0x3E10, v32;
	[tilespmem:s25+$0xFFFFFF80] =	vst v9;
	v8 =	vld.idx.msk [tilespmem:v15+s2+$0x0], $0xffff  }
0x5e7: {  	v17 =	vadd.s32 $0x4D94, v39;
	[tilespmem:s25+$0xFFFFFFC0] =	vst v16;
	v10 =	vld.idx.msk [tilespmem:v18+s2+$0x0], $0xffff  }
0x5e8: {  	v24 =	vadd.s32 $0x4D94, v37;
	[tilespmem:s25+$0xFFFFFFD0] =	vst v1;
	v25 =	vld.idx.msk [tilespmem:v19+s2+$0x0], $0xffff  }
0x5e9: {  	v40 =	vadd.s32 $0x4D94, v38;
	[tilespmem:s25+$0xFFFFFFE0] =	vst v20;
	v11 =	vld.idx.msk [tilespmem:v21+s2+$0x0], $0xffff  }
0x5ea: {  	v41 =	vadd.s32 $0x4D94, v36;
	v42 =	vld.idx.msk [tilespmem:v22+s2+$0x0], $0xffff;
	[tilespmem:s25+$0x70] =	vst v14  }
0x5eb: {  	v43 =	vadd.s32 $0x4D94, v35;
	v7 =	vld.idx.msk [tilespmem:v23+s2+$0x0], $0xffff;
	[tilespmem:s25+$0x10] =	vst v5  }
0x5ec: {  	v44 =	vadd.s32 $0x4D94, v34;
	[tilespmem:s25+$0x20] =	vst v8;
	v0 =	vld.idx.msk [tilespmem:v17+s2+$0x0], $0xffff  }
0x5ed: {  	v46 =	vadd.s32 $0x4D94, v32;
	[tilespmem:s25+$0x0] =	vst v10;
	v9 =	vld.idx.msk [tilespmem:v24+s2+$0x0], $0xffff  }
0x5ee: {  	v45 =	vadd.s32 $0x4D94, v33;
	[tilespmem:s25+$0x30] =	vst v25;
	v3 =	vld.idx.msk [tilespmem:v40+s2+$0x0], $0xffff  }
0x5ef: {  	v26 =	vadd.s32 $0x5D18, v39;
	[tilespmem:s25+$0x40] =	vst v11;
	v47 =	vld.idx.msk [tilespmem:v41+s2+$0x0], $0xffff  }
0x5f0: {  	v49 =	vadd.s32 $0x5D18, v38;
	[tilespmem:s25+$0x50] =	vst v42;
	v6 =	vld.idx.msk [tilespmem:v43+s2+$0x0], $0xffff  }
0x5f1: {  	v50 =	vadd.s32 $0x5D18, v37;
	[tilespmem:s25+$0x60] =	vst v7;
	v8 =	vld.idx.msk [tilespmem:v44+s2+$0x0], $0xffff  }
0x5f2: {  	v51 =	vadd.s32 $0x5D18, v36;
	v10 =	vld.idx.msk [tilespmem:v46+s2+$0x0], $0xffff;
	[tilespmem:s25+$0xF0] =	vst v0  }
0x5f3: {  	v52 =	vadd.s32 $0x5D18, v35;
	[tilespmem:s25+$0x90] =	vst v9;
	v0 =	vld.idx.msk [tilespmem:v45+s2+$0x0], $0xffff  }
0x5f4: {  	v56 =	vadd.s32 $0x5D18, v32;
	[tilespmem:s25+$0x80] =	vst v3;
	v1 =	vld.idx.msk [tilespmem:v26+s2+$0x0], $0xffff  }
0x5f5: {  	v53 =	vadd.s32 $0x5D18, v34;
	[tilespmem:s25+$0xA0] =	vst v47;
	v11 =	vld.idx.msk [tilespmem:v49+s2+$0x0], $0xffff  }
0x5f6: {  	v55 =	vadd.s32 $0x5D18, v33;
	[tilespmem:s25+$0xB0] =	vst v6;
	v5 =	vld.idx.msk [tilespmem:v50+s2+$0x0], $0xffff  }
0x5f7: {  	v48 =	vadd.s32 $0x6C9C, v39;
	[tilespmem:s25+$0xC0] =	vst v8;
	v7 =	vld.idx.msk [tilespmem:v51+s2+$0x0], $0xffff  }
0x5f8: {  	v57 =	vadd.s32 $0x6C9C, v38;
	[tilespmem:s25+$0xE0] =	vst v10;
	v9 =	vld.idx.msk [tilespmem:v52+s2+$0x0], $0xffff  }
0x5f9: {  	v58 =	vadd.s32 $0x6C9C, v37;
	v2 =	vld.idx.msk [tilespmem:v56+s2+$0x0], $0xffff;
	[tilespmem:s25+$0xD0] =	vst v0  }
0x5fa: {  	v59 =	vadd.s32 $0x6C9C, v36;
	[tilespmem:s25+$0x170] =	vst v1;
	v1 =	vld.idx.msk [tilespmem:v53+s2+$0x0], $0xffff  }
0x5fb: {  	v60 =	vadd.s32 $0x6C9C, v35;
	v4 =	vld.idx.msk [tilespmem:v55+s2+$0x0], $0xffff;
	[tilespmem:s25+$0x100] =	vst v11  }
0x5fc: {  	v63 =	vadd.s32 $0x6C9C, v32;
	[tilespmem:s25+$0x110] =	vst v5;
	v54 =	vld.idx.msk [tilespmem:v48+s2+$0x0], $0xffff  }
0x5fd: {  	v61 =	vadd.s32 $0x6C9C, v34;
	[tilespmem:s25+$0x120] =	vst v7;
	v6 =	vld.idx.msk [tilespmem:v57+s2+$0x0], $0xffff  }
0x5fe: {  	v62 =	vadd.s32 $0x6C9C, v33;
	[tilespmem:s25+$0x130] =	vst v9;
	v36 =	vld.idx.msk [tilespmem:v58+s2+$0x0], $0xffff  }
0x5ff: {  	[tilespmem:s25+$0x160] =	vst v2;
	v37 =	vld.idx.msk [tilespmem:v59+s2+$0x0], $0xffff  }
0x600: {  	v34 =	vld.idx.msk [tilespmem:v60+s2+$0x0], $0xffff;
	[tilespmem:s25+$0x140] =	vst v1  }
0x601: {  	v33 =	vld.idx.msk [tilespmem:v63+s2+$0x0], $0xffff;
	[tilespmem:s25+$0x150] =	vst v4  }
0x602: {  	[tilespmem:s25+$0x1F0] =	vst v54;
	v38 =	vld.idx.msk [tilespmem:v61+s2+$0x0], $0xffff  }
0x603: {  	s26 =	simm.s32 $0x0;
	s28 =	simm.s32 $0x7D40;
	v35 =	vld.idx.msk [tilespmem:v62+s2+$0x0], $0xffff;
	[tilespmem:s25+$0x180] =	vst v6  }
.LBB2_25:
0x604: {  	v32 =	vld [tilespmem:s28+$0x30];
	s26 =	sadd.s32 $0x8, s26;
	[tilespmem:s25+$0x190] =	vst v36  }
0x605: {  	v0 =	vld [tilespmem:s28+$0xFFFFFFD0];
	p1 =	slt.u32 s26, $0x38;
	[tilespmem:s25+$0x1A0] =	vst v37  }
0x606: {  	v1 =	vld [tilespmem:s28+$0xFFFFFFE0];
	[tilespmem:s25+$0x1B0] =	vst v34  }
0x607: {  	v2 =	vld [tilespmem:s28+$0xFFFFFFF0];
	[tilespmem:s25+$0x1C0] =	vst v38  }
0x608: {  	v3 =	vld [tilespmem:s28+$0x0];
	[tilespmem:s25+$0x1D0] =	vst v35  }
0x609: {  	v4 =	vld [tilespmem:s28+$0x10];
	[tilespmem:s25+$0x1E0] =	vst v33  }
0x60a: {  	v5 =	vadd.s32 $0xF84, v0;
	v6 =	vadd.s32 $0x1F08, v0;
	v7 =	vadd.s32 $0x2E8C, v0;
	v8 =	vld [tilespmem:s28+$0x20]  }
0x60b: {  	v9 =	vld [tilespmem:s28+$0xFFFFFFC0];
	v10 =	vadd.s32 $0xF84, v1;
	v11 =	vadd.s32 $0x1F08, v1;
	v12 =	vadd.s32 $0x2E8C, v1  }
0x60c: {  	v13 =	vadd.s32 $0xF84, v2;
	v14 =	vadd.s32 $0x1F08, v2;
	v15 =	vadd.s32 $0x2E8C, v2;
	v16 =	vld.idx.msk [tilespmem:v32+s2+$0x0], $0xffff  }
0x60d: {  	v17 =	vld.idx.msk [tilespmem:v0+s2+$0x0], $0xffff;
	v18 =	vadd.s32 $0xF84, v3;
	v19 =	vadd.s32 $0x1F08, v3;
	v20 =	vadd.s32 $0x2E8C, v3  }
0x60e: {  	v24 =	vadd.s32 $0xF84, v32;
	v21 =	vld.idx.msk [tilespmem:v1+s2+$0x0], $0xffff;
	v22 =	vadd.s32 $0xF84, v4;
	v23 =	vadd.s32 $0x1F08, v4  }
0x60f: {  	v26 =	vadd.s32 $0x2E8C, v4;
	v25 =	vld.idx.msk [tilespmem:v2+s2+$0x0], $0xffff;
	v27 =	vadd.s32 $0xF84, v8;
	v53 =	vadd.s32 $0x1F08, v8  }
0x610: {  	v54 =	vadd.s32 $0xF84, v9;
	v55 =	vadd.s32 $0x1F08, v9;
	v56 =	vadd.s32 $0x2E8C, v9;
	v33 =	vld.idx.msk [tilespmem:v3+s2+$0x0], $0xffff  }
0x611: {  	s25 =	sadd.s32 $0x400, s25;
	v58 =	vadd.s32 $0x3E10, v0;
	v59 =	vadd.s32 $0x2E8C, v8;
	v57 =	vadd.s32 $0x3E10, v9;
	v34 =	vld.idx.msk [tilespmem:v4+s2+$0x0], $0xffff  }
0x612: {  	v60 =	vadd.s32 $0x3E10, v1;
	v61 =	vadd.s32 $0x3E10, v2;
	v62 =	vadd.s32 $0x3E10, v3;
	v35 =	vld.idx.msk [tilespmem:v8+s2+$0x0], $0xffff;
	[tilespmem:s25+$0xFFFFFE70] =	vst v16  }
0x613: {  	v47 =	vadd.s32 $0x4D94, v9;
	v16 =	vadd.s32 $0x3E10, v4;
	[tilespmem:s25+$0xFFFFFE10] =	vst v17;
	v17 =	vadd.s32 $0x3E10, v8;
	v24 =	vld.idx.msk [tilespmem:v24+s2+$0x0], $0xffff  }
0x614: {  	v63 =	vadd.s32 $0x4D94, v0;
	v51 =	vadd.s32 $0x4D94, v1;
	v49 =	vadd.s32 $0x4D94, v2;
	v38 =	vld.idx.msk [tilespmem:v9+s2+$0x0], $0xffff;
	[tilespmem:s25+$0xFFFFFE20] =	vst v21  }
0x615: {  	v50 =	vadd.s32 $0x4D94, v3;
	v48 =	vadd.s32 $0x4D94, v4;
	v21 =	vadd.s32 $0x1F08, v32;
	v5 =	vld.idx.msk [tilespmem:v5+s2+$0x0], $0xffff;
	[tilespmem:s25+$0xFFFFFE30] =	vst v25  }
0x616: {  	v42 =	vadd.s32 $0x5D18, v0;
	v52 =	vadd.s32 $0x4D94, v8;
	v45 =	vadd.s32 $0x5D18, v9;
	v10 =	vld.idx.msk [tilespmem:v10+s2+$0x0], $0xffff;
	[tilespmem:s25+$0xFFFFFE40] =	vst v33  }
0x617: {  	v46 =	vadd.s32 $0x5D18, v1;
	v43 =	vadd.s32 $0x5D18, v2;
	v40 =	vadd.s32 $0x5D18, v3;
	v13 =	vld.idx.msk [tilespmem:v13+s2+$0x0], $0xffff;
	[tilespmem:s25+$0xFFFFFE50] =	vst v34  }
0x618: {  	v44 =	vadd.s32 $0x5D18, v4;
	v41 =	vadd.s32 $0x5D18, v8;
	v36 =	vadd.s32 $0x6C9C, v9;
	v9 =	vld.idx.msk [tilespmem:v18+s2+$0x0], $0xffff;
	[tilespmem:s25+$0xFFFFFE60] =	vst v35  }
0x619: {  	v39 =	vadd.s32 $0x6C9C, v0;
	v37 =	vadd.s32 $0x6C9C, v1;
	v34 =	vadd.s32 $0x6C9C, v2;
	v0 =	vld.idx.msk [tilespmem:v22+s2+$0x0], $0xffff;
	[tilespmem:s25+$0xFFFFFEF0] =	vst v24  }
0x61a: {  	v33 =	vadd.s32 $0x6C9C, v8;
	v35 =	vadd.s32 $0x6C9C, v4;
	[tilespmem:s25+$0xFFFFFE00] =	vst v38;
	v38 =	vadd.s32 $0x6C9C, v3;
	v1 =	vld.idx.msk [tilespmem:v21+s2+$0x0], $0xffff  }
0x61b: {  	v2 =	vld.idx.msk [tilespmem:v54+s2+$0x0], $0xffff;
	[tilespmem:s25+$0xFFFFFE90] =	vst v5  }
0x61c: {  	v4 =	vadd.s32 $0x2E8C, v32;
	[tilespmem:s25+$0xFFFFFEA0] =	vst v10;
	v3 =	vld.idx.msk [tilespmem:v27+s2+$0x0], $0xffff  }
0x61d: {  	v5 =	vld.idx.msk [tilespmem:v6+s2+$0x0], $0xffff;
	[tilespmem:s25+$0xFFFFFEB0] =	vst v13  }
0x61e: {  	v6 =	vld.idx.msk [tilespmem:v11+s2+$0x0], $0xffff;
	[tilespmem:s25+$0xFFFFFEC0] =	vst v9  }
0x61f: {  	v8 =	vld.idx.msk [tilespmem:v14+s2+$0x0], $0xffff;
	[tilespmem:s25+$0xFFFFFED0] =	vst v0  }
0x620: {  	v0 =	vld.idx.msk [tilespmem:v19+s2+$0x0], $0xffff;
	[tilespmem:s25+$0xFFFFFF70] =	vst v1  }
0x621: {  	[tilespmem:s25+$0xFFFFFE80] =	vst v2;
	v1 =	vld.idx.msk [tilespmem:v4+s2+$0x0], $0xffff  }
0x622: {  	v2 =	vld.idx.msk [tilespmem:v55+s2+$0x0], $0xffff;
	[tilespmem:s25+$0xFFFFFEE0] =	vst v3  }
0x623: {  	v4 =	vadd.s32 $0x3E10, v32;
	[tilespmem:s25+$0xFFFFFF10] =	vst v5;
	v3 =	vld.idx.msk [tilespmem:v23+s2+$0x0], $0xffff  }
0x624: {  	[tilespmem:s25+$0xFFFFFF20] =	vst v6;
	v5 =	vld.idx.msk [tilespmem:v53+s2+$0x0], $0xffff  }
0x625: {  	v6 =	vld.idx.msk [tilespmem:v7+s2+$0x0], $0xffff;
	[tilespmem:s25+$0xFFFFFF30] =	vst v8  }
0x626: {  	v7 =	vld.idx.msk [tilespmem:v12+s2+$0x0], $0xffff;
	[tilespmem:s25+$0xFFFFFF40] =	vst v0  }
0x627: {  	v0 =	vld.idx.msk [tilespmem:v15+s2+$0x0], $0xffff;
	[tilespmem:s25+$0xFFFFFFF0] =	vst v1  }
0x628: {  	[tilespmem:s25+$0xFFFFFF00] =	vst v2;
	v1 =	vld.idx.msk [tilespmem:v4+s2+$0x0], $0xffff  }
0x629: {  	v2 =	vld.idx.msk [tilespmem:v56+s2+$0x0], $0xffff;
	[tilespmem:s25+$0xFFFFFF50] =	vst v3  }
0x62a: {  	v4 =	vadd.s32 $0x4D94, v32;
	v3 =	vld.idx.msk [tilespmem:v20+s2+$0x0], $0xffff;
	[tilespmem:s25+$0xFFFFFF60] =	vst v5  }
0x62b: {  	[tilespmem:s25+$0xFFFFFF90] =	vst v6;
	v5 =	vld.idx.msk [tilespmem:v26+s2+$0x0], $0xffff  }
0x62c: {  	[tilespmem:s25+$0xFFFFFFA0] =	vst v7;
	v6 =	vld.idx.msk [tilespmem:v59+s2+$0x0], $0xffff  }
0x62d: {  	v7 =	vld.idx.msk [tilespmem:v58+s2+$0x0], $0xffff;
	[tilespmem:s25+$0xFFFFFFB0] =	vst v0  }
0x62e: {  	v0 =	vld.idx.msk [tilespmem:v60+s2+$0x0], $0xffff;
	[tilespmem:s25+$0x70] =	vst v1  }
0x62f: {  	[tilespmem:s25+$0xFFFFFF80] =	vst v2;
	v1 =	vld.idx.msk [tilespmem:v4+s2+$0x0], $0xffff  }
0x630: {  	v2 =	vld.idx.msk [tilespmem:v57+s2+$0x0], $0xffff;
	[tilespmem:s25+$0xFFFFFFC0] =	vst v3  }
0x631: {  	v4 =	vadd.s32 $0x5D18, v32;
	v3 =	vld.idx.msk [tilespmem:v61+s2+$0x0], $0xffff;
	[tilespmem:s25+$0xFFFFFFD0] =	vst v5  }
0x632: {  	v5 =	vld.idx.msk [tilespmem:v62+s2+$0x0], $0xffff;
	[tilespmem:s25+$0xFFFFFFE0] =	vst v6  }
0x633: {  	[tilespmem:s25+$0x10] =	vst v7;
	v6 =	vld.idx.msk [tilespmem:v16+s2+$0x0], $0xffff  }
0x634: {  	[tilespmem:s25+$0x20] =	vst v0;
	v0 =	vld.idx.msk [tilespmem:v17+s2+$0x0], $0xffff  }
0x635: {  	v7 =	vld.idx.msk [tilespmem:v63+s2+$0x0], $0xffff;
	[tilespmem:s25+$0xF0] =	vst v1  }
0x636: {  	[tilespmem:s25+$0x0] =	vst v2;
	v1 =	vld.idx.msk [tilespmem:v4+s2+$0x0], $0xffff  }
0x637: {  	v2 =	vld.idx.msk [tilespmem:v47+s2+$0x0], $0xffff;
	[tilespmem:s25+$0x30] =	vst v3  }
0x638: {  	v4 =	vadd.s32 $0x6C9C, v32;
	v3 =	vld.idx.msk [tilespmem:v51+s2+$0x0], $0xffff;
	[tilespmem:s25+$0x40] =	vst v5  }
0x639: {  	v5 =	vld.idx.msk [tilespmem:v49+s2+$0x0], $0xffff;
	[tilespmem:s25+$0x50] =	vst v6  }
0x63a: {  	v6 =	vld.idx.msk [tilespmem:v50+s2+$0x0], $0xffff;
	[tilespmem:s25+$0x60] =	vst v0  }
0x63b: {  	[tilespmem:s25+$0x90] =	vst v7;
	v0 =	vld.idx.msk [tilespmem:v48+s2+$0x0], $0xffff  }
0x63c: {  	v7 =	vld.idx.msk [tilespmem:v52+s2+$0x0], $0xffff;
	[tilespmem:s25+$0x170] =	vst v1  }
0x63d: {  	[tilespmem:s25+$0x80] =	vst v2;
	v1 =	vld.idx.msk [tilespmem:v4+s2+$0x0], $0xffff  }
0x63e: {  	v2 =	vld.idx.msk [tilespmem:v45+s2+$0x0], $0xffff;
	[tilespmem:s25+$0xA0] =	vst v3  }
0x63f: {  	v3 =	vld.idx.msk [tilespmem:v42+s2+$0x0], $0xffff;
	[tilespmem:s25+$0xB0] =	vst v5  }
0x640: {  	v4 =	vld.idx.msk [tilespmem:v46+s2+$0x0], $0xffff;
	[tilespmem:s25+$0xC0] =	vst v6  }
0x641: {  	v5 =	vld.idx.msk [tilespmem:v43+s2+$0x0], $0xffff;
	[tilespmem:s25+$0xD0] =	vst v0  }
0x642: {  	v0 =	vld.idx.msk [tilespmem:v40+s2+$0x0], $0xffff;
	[tilespmem:s25+$0xE0] =	vst v7  }
0x643: {  	v6 =	vld.idx.msk [tilespmem:v44+s2+$0x0], $0xffff;
	[tilespmem:s25+$0x1F0] =	vst v1  }
0x644: {  	[tilespmem:s25+$0x100] =	vst v2;
	v1 =	vld.idx.msk [tilespmem:v41+s2+$0x0], $0xffff  }
0x645: {  	v2 =	vld.idx.msk [tilespmem:v36+s2+$0x0], $0xffff;
	[tilespmem:s25+$0x110] =	vst v3  }
0x646: {  	v36 =	vld.idx.msk [tilespmem:v39+s2+$0x0], $0xffff;
	[tilespmem:s25+$0x120] =	vst v4  }
.Ltmp15:
0x647: {  	v37 =	vld.idx.msk [tilespmem:v37+s2+$0x0], $0xffff;
	[tilespmem:s25+$0x130] =	vst v5;
	(pc) =	sbr.rel @p1 .LBB2_25-.Ltmp15, $4  }
0x648: {  	v34 =	vld.idx.msk [tilespmem:v34+s2+$0x0], $0xffff;
	[tilespmem:s25+$0x140] =	vst v0  }
0x649: {  	v38 =	vld.idx.msk [tilespmem:v38+s2+$0x0], $0xffff;
	[tilespmem:s25+$0x150] =	vst v6  }
0x64a: {  	v35 =	vld.idx.msk [tilespmem:v35+s2+$0x0], $0xffff;
	[tilespmem:s25+$0x160] =	vst v1  }
0x64b: {  	s28 =	sadd.s32 $0x80, s28;
	[tilespmem:s25+$0x180] =	vst v2;
	v33 =	vld.idx.msk [tilespmem:v33+s2+$0x0], $0xffff  }
0x64c: {  	[tilespmem:s25+$0x190] =	vst v36  }
0x64d: {  	[tilespmem:s25+$0x1A0] =	vst v37  }
0x64e: {  	[tilespmem:s25+$0x1B0] =	vst v34  }
0x64f: {  	[tilespmem:s25+$0x1C0] =	vst v38  }
0x650: {  	[tilespmem:s25+$0x1D0] =	vst v35  }
0x651: {  	[tilespmem:s25+$0x1E0] =	vst v33  }
0x652: {  	v0 =	vld [tilespmem:$0x8080];
	_ =	sdelay $0x7  }
0x653: {  	v3 =	vimm.s32 $0x2000;
	v1 =	vld.idx.msk [tilespmem:v0+s2+$0x0], $0xffff  }
0x654: {  	v2 =	vadd.s32 $0xF84, v0;
	_ =	sdelay $0x3  }
0x655: {  	[tilespmem:v3+s17+$0x0] =	vst.idx.msk $0x1, v1  }
0x656: {  	v53 =	vimm.s32 $0x2080;
	v1 =	vld.idx.msk [tilespmem:v2+s2+$0x0], $0xffff  }
0x657: {  	v52 =	vadd.s32 $0x1F08, v0;
	_ =	sdelay $0x3  }
0x658: {  	[tilespmem:v53+s17+$0x0] =	vst.idx.msk $0x1, v1  }
0x659: {  	v55 =	vimm.s32 $0x2100;
	v1 =	vld.idx.msk [tilespmem:v52+s2+$0x0], $0xffff  }
0x65a: {  	v54 =	vadd.s32 $0x2E8C, v0;
	_ =	sdelay $0x3  }
0x65b: {  	[tilespmem:v55+s17+$0x0] =	vst.idx.msk $0x1, v1  }
0x65c: {  	v57 =	vimm.s32 $0x2180;
	v1 =	vld.idx.msk [tilespmem:v54+s2+$0x0], $0xffff  }
0x65d: {  	v56 =	vadd.s32 $0x3E10, v0;
	_ =	sdelay $0x3  }
0x65e: {  	[tilespmem:v57+s17+$0x0] =	vst.idx.msk $0x1, v1  }
0x65f: {  	v59 =	vimm.s32 $0x2200;
	v1 =	vld.idx.msk [tilespmem:v56+s2+$0x0], $0xffff  }
0x660: {  	v58 =	vadd.s32 $0x4D94, v0;
	_ =	sdelay $0x3  }
0x661: {  	[tilespmem:v59+s17+$0x0] =	vst.idx.msk $0x1, v1  }
0x662: {  	v61 =	vimm.s32 $0x2280;
	v1 =	vld.idx.msk [tilespmem:v58+s2+$0x0], $0xffff  }
0x663: {  	v60 =	vadd.s32 $0x5D18, v0;
	_ =	sdelay $0x3  }
0x664: {  	[tilespmem:v61+s17+$0x0] =	vst.idx.msk $0x1, v1  }
0x665: {  	v62 =	vimm.s32 $0x2300;
	v1 =	vld.idx.msk [tilespmem:v60+s2+$0x0], $0xffff  }
0x666: {  	v0 =	vadd.s32 $0x6C9C, v0;
	_ =	sdelay $0x3  }
0x667: {  	[tilespmem:v62+s17+$0x0] =	vst.idx.msk $0x1, v1  }
0x668: {  	v63 =	vimm.s32 $0x2380;
	v0 =	vld.idx.msk [tilespmem:v0+s2+$0x0], $0xffff;
	_ =	sdelay $0x4  }
.Ltmp16:
0x669: {  	[tilespmem:v63+s17+$0x0] =	vst.idx.msk $0x1, v0;
	(pc) =	sbr.rel .LBB2_27-.Ltmp16, $4  }
0x66a: {  	[hbm4b:s12+s2] =	stream.linear.scatter [tilespmem:s17], [sflag:$0x5], $0x2400, $0x38;
	[tilespmem:$0x1BD80] =	vst v63  }
0x66b: {  	_ =	swait.ge [sflag:s14], $0x2400  }
0x66c: {  	[sflag:s14] =	ssyncset.done $0x0  }
0x66d: {  	[sflag:s14] =	ssyncadd.s32 $0xFFFFDC00  }
.LBB2_28:
0x66e: {  	_ =	sfence.sel $0x180000  }
0x66f: {  	[bflag:$0x0] =	sbarrier.arrive $0xFFFF  }
0x670: {  	_ =	strace $0x90000047  }
0x671: {  	s0 =	sadd.s32 @!p0 $0x100000, s0;
	[bflag:$0x2] =	sbarrier.arrive $0xFFFF  }
0x672: {  	[sflag:s0] =	ssyncadd.tile.s32 @!p0 $0x1;
	_ =	shalt  }
.Lfunc_end2:
_tile_overlayer_lowered:
.L_overlay_start_2:
0x673: {  	(tag) =	ssettag $0x2  }
0x674: {  	s0 =	rddreg [dreg:$0x0];
	s2 =	stileid.u32  }
0x675: {  	s1 =	rddreg [dreg:$0x1];
	p0 =	sne.s32 s2, $0x0  }
0x676: {  	s3 =	rddreg [dreg:$0x2];
	[bflag:$0x3] =	sbarrier.arrive $0xFFFF;
	s2 =	simm.s32 @!p0 $0x1C05  }
0x677: {  	[timem:s3], [sflag:s2] =	dma.local @!p0 [hbm:s0], s1  }
0x678: {  	s0 =	simm.s32 @!p0 $0x5  }
0x679: {  	_ =	swait.ge @!p0 [sflag:s0], s1  }
0x67a: {  	s1 =	ssub.s32 @!p0 $0x0, s1;
	[sflag:s0] =	ssyncset.done @!p0 $0x0  }
0x67b: {  	[sflag:s0] =	ssyncadd.s32 @!p0 s1  }
0x67c: {  	[bflag:$0x3] =	sbarrier.arrive $0xFFFF  }
0x67d: {  	_ =	shalt  }

</sc_bundles>
